<compile_context>
chip_gen: v7x
topology: tpu7x:2x2x1
jax: 0.10.2.dev20260603
libtpu: 0.0.44.dev20260713+nightly
codegen_flags: <defaults>
</compile_context>

<pallas_src>
import functools

import jax
import jax.numpy as jnp
from jax import lax
from jax.experimental import pallas as pl
from jax.experimental.pallas import tpu as pltpu
from jax.experimental.pallas import tpu_sc as plsc

D = 64
N = 100000
B = 16384
BH = B // 2
NC = 2
NS = 16
NW = NC * NS
PER_W = B // NW
CH = 128
_SUP = 2 * CH
_NSUP = PER_W // _SUP

_MESH = plsc.VectorSubcoreMesh(
    core_axis_name="c", subcore_axis_name="s", num_cores=NC, num_subcores=NS
)

_G_ET = (
    (0, ((0, 0),)),
    (1, ((1, 0),)),
    (2, ((2, 0),)),
    (3, ((3, 0),)),
    (4, ((4, 1),)),
    (5, ((5, 1),)),
)
_G_BC = (
    (0, ((0, 0), (1, 1))),
    (1, ((2, 0), (3, 1))),
)
_G_HR = (
    (0, ((0, 0),)),
    (1, ((1, 0),)),
    (2, ((2, 1),)),
    (3, ((3, 1),)),
)



_EC = 8192
_NEB = (N + _EC - 1) // _EC
_PAIR = jax.ShapeDtypeStruct((N, 2 * D), jnp.float32)
_STAT = jax.ShapeDtypeStruct((N,), jnp.float32)
_IN_SPEC = pl.BlockSpec((D, _EC), lambda i: (0, i))
_PAIR_SPEC = pl.BlockSpec((_EC, 2 * D), lambda i: (i, 0))
_STAT_SPEC = pl.BlockSpec((_EC,), lambda i: (i,))
_ARB = pltpu.CompilerParams(dimension_semantics=("arbitrary",))


def _repack_et_body(aT, bT, p, se):
    a = aT[...]
    p[:, :D] = a.T
    p[:, D:] = bT[...].T
    t = jnp.sum(a * a, axis=0) - jnp.float32(1.0)
    se[...] = t * t


def _repack_bc_body(aT, bT, p, sa, sc):
    one = jnp.float32(1.0)
    a = aT[...]
    b = bT[...]
    p[:, :D] = a.T
    p[:, D:] = b.T
    ta = a * (one - a)
    tb = b * (one - b)
    sa[...] = jnp.sum(ta * ta, axis=0) + jnp.sum(tb * tb, axis=0)
    sc[...] = (jnp.maximum(one - jnp.sum(jnp.abs(a), axis=0), 0.0)
               + jnp.maximum(one - jnp.sum(jnp.abs(b), axis=0), 0.0))


def _repack_hr_body(aT, bT, p):
    p[:, :D] = aT[...].T
    p[:, D:] = bT[...].T


def _repack_et(aT, bT):
    return pl.pallas_call(
        _repack_et_body, grid=(_NEB,), in_specs=[_IN_SPEC] * 2,
        out_specs=[_PAIR_SPEC, _STAT_SPEC], out_shape=[_PAIR, _STAT],
        compiler_params=_ARB)(aT, bT)


def _repack_bc(aT, bT):
    return pl.pallas_call(
        _repack_bc_body, grid=(_NEB,), in_specs=[_IN_SPEC] * 2,
        out_specs=[_PAIR_SPEC, _STAT_SPEC, _STAT_SPEC],
        out_shape=[_PAIR, _STAT, _STAT],
        compiler_params=_ARB)(aT, bT)


def _repack_hr(aT, bT):
    return pl.pallas_call(
        _repack_hr_body, grid=(_NEB,), in_specs=[_IN_SPEC] * 2,
        out_specs=_PAIR_SPEC, out_shape=_PAIR,
        compiler_params=_ARB)(aT, bT)




def _make_sc_gather(gathers, n_idx, n_out, stat_specs):
    n_stats = len(stat_specs)
    out_types = [jax.ShapeDtypeStruct((n_out, BH, 2 * D), jnp.float32)]
    out_types += [jax.ShapeDtypeStruct((B,), jnp.float32)] * n_stats

    @functools.partial(
        pl.kernel,
        out_type=tuple(out_types),
        mesh=_MESH,
        scratch_types=[
            pltpu.VMEM((n_idx, _NSUP, _SUP), jnp.int32),
            pltpu.VMEM((3, _SUP, 2 * D), jnp.float32),
            pltpu.VMEM((_SUP,), jnp.float32),
            pltpu.SemaphoreType.DMA,
            pltpu.SemaphoreType.DMA,
            pltpu.SemaphoreType.DMA,
            pltpu.SemaphoreType.DMA,
            pltpu.SemaphoreType.DMA,
            pltpu.SemaphoreType.DMA,
            pltpu.SemaphoreType.DMA,
        ],
        compiler_params=pltpu.CompilerParams(use_tc_tiling_on_sc=False),
    )
    def sc_gather(*args):
        tbl = args[0]
        stats = args[1:1 + n_stats]
        idx_hbm = args[1 + n_stats]
        out = args[2 + n_stats]
        souts = args[3 + n_stats:3 + 2 * n_stats]
        idx_v, rows, sbuf, sem_i, sg0, sg1, sg2, so0, so1, so2 = \
            args[3 + 2 * n_stats:]
        wid = lax.axis_index("s") * NC + lax.axis_index("c")
        base = wid * PER_W
        half = base // BH
        row0 = base - half * BH
        sg = (sg0, sg1, sg2)
        so = (so0, so1, so2)
        pltpu.async_copy(idx_hbm.at[:, wid], idx_v, sem_i).wait()

        items = [(ii, outs, s) for ii, outs in gathers
                 for s in range(_NSUP)]
        K = len(items)
        g_cp = [None] * K
        o_cp = [None] * K

        def start_gather(k):
            ii, _, s = items[k]
            b = k % 3
            g_cp[k] = pltpu.async_copy(
                tbl.at[idx_v.at[ii, s]], rows.at[b], sg[b])

        def start_copyouts(k):
            ii, outs, s = items[k]
            b = k % 3
            cs = []
            for g, h in outs:
                cs.append(pltpu.async_copy(
                    rows.at[b, :, pl.ds(h * D, D)],
                    out.at[g, pl.ds(row0 + s * _SUP, _SUP),
                           pl.ds(half * D, D)],
                    so[b]))
            o_cp[k] = cs

        start_gather(0)
        start_gather(1)
        for k in range(K):
            if k + 2 < K:
                if k >= 1:
                    for c in o_cp[k - 1]:
                        c.wait()
                start_gather(k + 2)
            g_cp[k].wait()
            start_copyouts(k)
        for k in range(max(0, K - 3), K):
            for c in o_cp[k]:
                c.wait()

        for (ii, sp), sout in zip(stat_specs, souts):
            for s in range(_NSUP):
                pltpu.sync_copy(stats[sp].at[idx_v.at[ii, s]], sbuf)
                pltpu.sync_copy(sbuf,
                                sout.at[pl.ds(base + s * _SUP, _SUP)])

    return sc_gather


_sc_et = _make_sc_gather(_G_ET, 7, 6, ((6, 0),))
_sc_bc = _make_sc_gather(_G_BC, 3, 4, ((2, 0), (2, 1)))
_sc_hr = _make_sc_gather(_G_HR, 4, 4, ())



_RH = 512


def _half_mask():
    row = lax.broadcasted_iota(jnp.int32, (2, 2 * D), 0)
    lane = lax.broadcasted_iota(jnp.int32, (2, 2 * D), 1)
    return jnp.where((lane < D) == (row == 0), jnp.float32(1), jnp.float32(0))


def _halfsum(v, mask):
    return lax.dot_general(
        mask, v, (((1,), (1,)), ((), ())),
        preferred_element_type=jnp.float32,
        precision=lax.Precision.HIGHEST)


def _tc_batch_body(m_ref, et_ref, bc_ref, hr_ref, o1, o2, o6):
    m = m_ref[0, 0]
    one = jnp.float32(1.0)
    et = et_ref[...]
    bc = bc_ref[...]
    hr = hr_ref[...]
    aBHEE, aBTEE, nABHEE, nABTEE = et[0], et[1], et[2], et[3]
    aTailE, nTailE = et[4], et[5]
    aBCHE, aBCTE, nABCHE, nABCTE = bc[0], bc[1], bc[2], bc[3]
    aHeadE, nHeadE, aRelE, nRelE = hr[0], hr[1], hr[2], hr[3]

    msk = _half_mask()
    tmpBE2CH = (one - aBCHE) * aBHEE
    tmpBE2CT = (one - aBCTE) * aBTEE
    tE = _halfsum(jnp.abs(aHeadE + aRelE - aTailE), msk)
    s1 = _halfsum(tmpBE2CH * tmpBE2CH + tmpBE2CT * tmpBE2CT, msk)
    tmpNBE2CH = (one - nABCHE) * nABHEE
    tmpNBE2CT = (one - nABCTE) * nABTEE
    ntE = _halfsum(jnp.abs(nHeadE + nRelE - nTailE), msk)
    s2 = _halfsum(tmpNBE2CH * tmpNBE2CH + tmpNBE2CT * tmpNBE2CT, msk)
    o1[...] = s1 + tE
    o2[...] = jnp.maximum(m - (s2 + ntE), 0.0)
    o6[...] = jnp.maximum(m + tE - ntE, 0.0)


def _tc_batch(margin2d, et, bc, hr):
    blk = lambda n: pl.BlockSpec((n, _RH, 2 * D), lambda i: (0, i, 0))
    return pl.pallas_call(
        _tc_batch_body,
        grid=(BH // _RH,),
        in_specs=[pl.BlockSpec((1, 1), lambda i: (0, 0)),
                  blk(6), blk(4), blk(4)],
        out_specs=[pl.BlockSpec((2, _RH), lambda i: (0, i))] * 3,
        out_shape=[jax.ShapeDtypeStruct((2, BH), jnp.float32)] * 3,
        compiler_params=_ARB,
    )(margin2d, et, bc, hr)


def kernel(aBHE, aBTE, aBC, aHead, aTail, aRelation, nABHE, nABTE, nABC,
           nHead, nTail, nRelation, uniqE, uniqBC, lossMargin, device,
           entityEmbed, bConceptHEmbed, bConceptTEmbed, headEmbed,
           tailEmbed, relationEmbed):
    i32 = lambda a: a.astype(jnp.int32)
    shp = lambda x: x.reshape(x.shape[0], NW, _NSUP, _SUP)
    idx_et = shp(jnp.stack([i32(aBHE), i32(aBTE), i32(nABHE), i32(nABTE),
                            i32(aTail), i32(nTail), i32(uniqE)]))
    idx_bc = shp(jnp.stack([i32(aBC), i32(nABC), i32(uniqBC)]))
    idx_hr = shp(jnp.stack([i32(aHead), i32(nHead), i32(aRelation),
                            i32(nRelation)]))
    sw = lambda t: jnp.swapaxes(t, 0, 1)
    p_et, statE = _repack_et(sw(entityEmbed), sw(tailEmbed))
    g_et, o3 = _sc_et(p_et, statE, idx_et)
    p_bc, statA, statC = _repack_bc(sw(bConceptHEmbed), sw(bConceptTEmbed))
    g_bc, o4, o5 = _sc_bc(p_bc, statA, statC, idx_bc)
    p_hr = _repack_hr(sw(headEmbed), sw(relationEmbed))
    (g_hr,) = _sc_hr(p_hr, idx_hr)
    margin2d = jnp.asarray(lossMargin, jnp.float32).reshape(1, 1)
    o1, o2, o6 = _tc_batch(margin2d, g_et, g_bc, g_hr)
    join = lambda t: jnp.concatenate([t[0], t[1]])
    return (join(o1), join(o2), o3, o4, o5, join(o6))

# --- scband reference (transcript-rebuilt; emitter-appended) ---
"""Pipeline reference for scband-reason-emodel-35476429865959 (READ-ONLY COPY).

The authoritative reference and input builder live on the scoring server;
editing this copy changes nothing except your own understanding.
"""

import jax, jax.numpy as jnp
import numpy as np

ENTITY = 100000
BCON = 100000
D = 64
B = 16384
U = 16384

def _xavier_norm(key, n, d):
    lim = float(np.sqrt(6.0 / (n + d)))
    w = jax.random.uniform(key, (n, d), minval=-lim, maxval=lim, dtype=jnp.float32)
    return w / jnp.linalg.norm(w, axis=1, keepdims=True)

def setup_inputs(seed: int = 0):
    key = jax.random.key(seed)
    ks = jax.random.split(key, 20)
    ri = lambda k, n, hi: jax.random.randint(k, (n,), 0, hi)
    return {
        'aBHE': ri(ks[0], B, ENTITY), 'aBTE': ri(ks[1], B, ENTITY),
        'aBC': ri(ks[2], B, BCON), 'aHead': ri(ks[3], B, ENTITY),
        'aTail': ri(ks[4], B, ENTITY), 'aRelation': ri(ks[5], B, BCON),
        'nABHE': ri(ks[6], B, ENTITY), 'nABTE': ri(ks[7], B, ENTITY),
        'nABC': ri(ks[8], B, BCON), 'nHead': ri(ks[9], B, ENTITY),
        'nTail': ri(ks[10], B, ENTITY), 'nRelation': ri(ks[11], B, BCON),
        'uniqE': ri(ks[12], U, ENTITY), 'uniqBC': ri(ks[13], U, BCON),
        'lossMargin': 1, 'device': 0,
        'entityEmbed': _xavier_norm(ks[14], ENTITY, D),
        'bConceptHEmbed': _xavier_norm(ks[15], BCON, D),
        'bConceptTEmbed': _xavier_norm(ks[16], BCON, D),
        'headEmbed': _xavier_norm(ks[17], ENTITY, D),
        'tailEmbed': _xavier_norm(ks[18], ENTITY, D),
        'relationEmbed': _xavier_norm(ks[19], BCON, D),
    }

def reference(aBHE, aBTE, aBC, aHead, aTail, aRelation, nABHE, nABTE, nABC, nHead, nTail, nRelation, uniqE, uniqBC, lossMargin, device, entityEmbed, bConceptHEmbed, bConceptTEmbed, headEmbed, tailEmbed, relationEmbed):
    one = 1.0
    margin = jnp.asarray(lossMargin, dtype=jnp.float32)
    aBHEE = jnp.take(entityEmbed, aBHE, axis=0)
    aBTEE = jnp.take(entityEmbed, aBTE, axis=0)
    aBCHE = jnp.take(bConceptHEmbed, aBC, axis=0)
    aBCTE = jnp.take(bConceptTEmbed, aBC, axis=0)
    aHeadE = jnp.take(headEmbed, aHead, axis=0)
    aTailE = jnp.take(tailEmbed, aTail, axis=0)
    aRelationE = jnp.take(relationEmbed, aRelation, axis=0)
    nABHEE = jnp.take(entityEmbed, nABHE, axis=0)
    nABTEE = jnp.take(entityEmbed, nABTE, axis=0)
    nABCHE = jnp.take(bConceptHEmbed, nABC, axis=0)
    nABCTE = jnp.take(bConceptTEmbed, nABC, axis=0)
    nHeadE = jnp.take(headEmbed, nHead, axis=0)
    nTailE = jnp.take(tailEmbed, nTail, axis=0)
    nRelationE = jnp.take(relationEmbed, nRelation, axis=0)
    uniqEE = jnp.take(entityEmbed, uniqE, axis=0)
    uniqBCHE = jnp.take(bConceptHEmbed, uniqBC, axis=0)
    uniqBCTE = jnp.take(bConceptTEmbed, uniqBC, axis=0)
    tmpBE2CH = (one - aBCHE) * aBHEE
    tmpBE2CT = (one - aBCTE) * aBTEE
    tmpTransE = jnp.sum(jnp.abs(aHeadE + aRelationE - aTailE), axis=1)
    bE2CMemberL = jnp.sum(tmpBE2CH * tmpBE2CH, axis=1) + jnp.sum(tmpBE2CT * tmpBE2CT, axis=1) + tmpTransE
    tmpNBE2CH = (one - nABCHE) * nABHEE
    tmpNBE2CT = (one - nABCTE) * nABTEE
    tmpNTransE = jnp.sum(jnp.abs(nHeadE + nRelationE - nTailE), axis=1)
    tmpNBL = jnp.sum(tmpNBE2CH * tmpNBE2CH, axis=1) + jnp.sum(tmpNBE2CT * tmpNBE2CT, axis=1) + tmpNTransE
    bE2CDiscMemberL = jnp.maximum(margin - tmpNBL, 0.0)
    tmpE = jnp.sum(uniqEE * uniqEE, axis=1) - one
    uniqENormL = tmpE * tmpE
    tmpBCH = uniqBCHE * (one - uniqBCHE)
    tmpBCT = uniqBCTE * (one - uniqBCTE)
    uniqBCBasisAlignL = jnp.sum(tmpBCH * tmpBCH, axis=1) + jnp.sum(tmpBCT * tmpBCT, axis=1)
    tmpBCHDim = jnp.sum(jnp.abs(uniqBCHE), axis=1)
    tmpBCHL = jnp.maximum(one - tmpBCHDim, 0.0)
    tmpBCTDim = jnp.sum(jnp.abs(uniqBCTE), axis=1)
    tmpBCTL = jnp.maximum(one - tmpBCTDim, 0.0)
    uniqBCBasisCountL = tmpBCHL + tmpBCTL
    atmpTransE = jnp.sum(jnp.abs(aHeadE + aRelationE - aTailE), axis=1)
    ntmpTransE = jnp.sum(jnp.abs(nHeadE + nRelationE - nTailE), axis=1)
    TransEL = jnp.maximum(margin + atmpTransE - ntmpTransE, 0.0)
    return (bE2CMemberL, bE2CDiscMemberL, uniqENormL, uniqBCBasisAlignL, uniqBCBasisCountL, TransEL)

if __name__ == "__main__":
    import jax
    _d = setup_inputs()
    print(jax.jit(kernel)(*tuple(_d.values())))

</pallas_src>

<mosaic_0001>
#map = affine_map<(d0, d1) -> (0, 0)>
#map1 = affine_map<(d0, d1) -> (0)>
#map2 = affine_map<(d0, d1) -> (0, 0, 0, 0)>
#map3 = affine_map<(d0, d1) -> (0, 0, 0)>
module attributes {stable_mosaic.version = 14 : i64} {
  func.func @sc_gather(%arg0: i32, %arg1: i32, %arg2: memref<100000x128xf32, #tpu.memory_space<hbm>>, %arg3: memref<100000xf32, #tpu.memory_space<hbm>>, %arg4: memref<7x32x2x256xi32, #tpu.memory_space<hbm>>, %arg5: memref<6x8192x128xf32, #tpu.memory_space<hbm>>, %arg6: memref<16384xf32, #tpu.memory_space<hbm>>, %arg7: memref<7x2x256xi32, #tpu.memory_space<vmem>>, %arg8: memref<3x256x128xf32, #tpu.memory_space<vmem>>, %arg9: memref<256xf32, #tpu.memory_space<vmem>>, %arg10: memref<!tpu.dma_semaphore, #tpu.memory_space<semaphore_mem>>, %arg11: memref<!tpu.dma_semaphore, #tpu.memory_space<semaphore_mem>>, %arg12: memref<!tpu.dma_semaphore, #tpu.memory_space<semaphore_mem>>, %arg13: memref<!tpu.dma_semaphore, #tpu.memory_space<semaphore_mem>>, %arg14: memref<!tpu.dma_semaphore, #tpu.memory_space<semaphore_mem>>, %arg15: memref<!tpu.dma_semaphore, #tpu.memory_space<semaphore_mem>>, %arg16: memref<!tpu.dma_semaphore, #tpu.memory_space<semaphore_mem>>) attributes {dimension_semantics = [#tpu.dimension_semantics<core_parallel>, #tpu.dimension_semantics<subcore_parallel>], iteration_bounds = array<i64: 2, 16>, scalar_prefetch = 0 : i64, scratch_operands = 10 : i64, tpu.core_type = #tpu.core_type<sc_vector_subcore>, window_params = [{transform_indices = #map}, {transform_indices = #map1}, {transform_indices = #map2}, {transform_indices = #map3}, {transform_indices = #map1}]} {
    %mul3A = arith.constant 2 : i32
    %mul3A_0 = arith.muli %arg1, %mul3A : i32
    %add3A = arith.addi %mul3A_0, %arg0 : i32
    %mul3A_1 = arith.constant 512 : i32
    %mul3A_2 = arith.muli %add3A, %mul3A_1 : i32
    %jit3A = arith.constant 8192 : i32
    %div3A = arith.divsi %mul3A_2, %jit3A : i32
    %sign3A = arith.constant 0 : i32
    %sign3A_3 = arith.cmpi sgt, %mul3A_2, %sign3A : i32
    %sign3A_4 = arith.extui %sign3A_3 : i1 to i32
    %sign3A_5 = arith.constant 0 : i32
    %sign3A_6 = arith.cmpi slt, %mul3A_2, %sign3A_5 : i32
    %sign3A_7 = arith.extui %sign3A_6 : i1 to i32
    %sign3A_8 = arith.subi %sign3A_4, %sign3A_7 : i32
    %sign3A_9 = arith.constant 0 : i32
    %sign3A_10 = arith.cmpi sgt, %jit3A, %sign3A_9 : i32
    %sign3A_11 = arith.extui %sign3A_10 : i1 to i32
    %sign3A_12 = arith.constant 0 : i32
    %sign3A_13 = arith.cmpi slt, %jit3A, %sign3A_12 : i32
    %sign3A_14 = arith.extui %sign3A_13 : i1 to i32
    %sign3A_15 = arith.subi %sign3A_11, %sign3A_14 : i32
    %ne3A = arith.cmpi ne, %sign3A_8, %sign3A_15 : i32
    %rem3A = arith.remsi %mul3A_2, %jit3A : i32
    %ne3A_16 = arith.constant 0 : i32
    %ne3A_17 = arith.cmpi ne, %rem3A, %ne3A_16 : i32
    %and3A = arith.andi %ne3A, %ne3A_17 : i1
    %sub3A = arith.constant 1 : i32
    %sub3A_18 = arith.subi %div3A, %sub3A : i32
    %select_n3A = arith.select %and3A, %sub3A_18, %div3A : i32
    %mul3A_19 = arith.constant 8192 : i32
    %mul3A_20 = arith.muli %select_n3A, %mul3A_19 : i32
    %sub3A_21 = arith.subi %mul3A_2, %mul3A_20 : i32
    %dma_start3A = arith.constant 0 : i32
    %dma_start3A_22 = arith.constant 0 : i32
    %dma_start3A_23 = arith.constant 0 : i32
    %dma_start3A_24 = tpu.memref_slice %arg4[%dma_start3A, %add3A, %dma_start3A_22, %dma_start3A_23] : memref<7x32x2x256xi32, #tpu.memory_space<hbm>> -> memref<7x1x2x256xi32, #tpu.memory_space<hbm>>
    %dma_start3A_25 = tpu.memref_squeeze %dma_start3A_24 : memref<7x1x2x256xi32, #tpu.memory_space<hbm>> -> memref<7x2x256xi32, #tpu.memory_space<hbm>>
    %dma_start3A_26 = arith.constant 0 : i32
    %dma_start3A_27 = arith.constant 0 : i32
    %dma_start3A_28 = arith.constant 0 : i32
    %dma_start3A_29 = tpu.memref_slice %arg4[%dma_start3A_26, %add3A, %dma_start3A_27, %dma_start3A_28] : memref<7x32x2x256xi32, #tpu.memory_space<hbm>> -> memref<7x1x2x256xi32, #tpu.memory_space<hbm>>
    %dma_start3A_30 = tpu.memref_squeeze %dma_start3A_29 : memref<7x1x2x256xi32, #tpu.memory_space<hbm>> -> memref<7x2x256xi32, #tpu.memory_space<hbm>>
    tpu.enqueue_dma source(%dma_start3A_30 : memref<7x2x256xi32, #tpu.memory_space<hbm>>) target(%arg7 : memref<7x2x256xi32, #tpu.memory_space<vmem>>) target_semaphore(%arg10 : memref<!tpu.dma_semaphore, #tpu.memory_space<semaphore_mem>>)
    %dma_wait3A = arith.constant 0 : i32
    %dma_wait3A_31 = arith.constant 0 : i32
    %dma_wait3A_32 = arith.constant 0 : i32
    %dma_wait3A_33 = tpu.memref_slice %arg4[%dma_wait3A, %add3A, %dma_wait3A_31, %dma_wait3A_32] : memref<7x32x2x256xi32, #tpu.memory_space<hbm>> -> memref<7x1x2x256xi32, #tpu.memory_space<hbm>>
    %dma_wait3A_34 = tpu.memref_squeeze %dma_wait3A_33 : memref<7x1x2x256xi32, #tpu.memory_space<hbm>> -> memref<7x2x256xi32, #tpu.memory_space<hbm>>
    %dma_wait3A_35 = arith.constant 0 : i32
    %dma_wait3A_36 = arith.constant 0 : i32
    %dma_wait3A_37 = arith.constant 0 : i32
    %dma_wait3A_38 = tpu.memref_slice %arg4[%dma_wait3A_35, %add3A, %dma_wait3A_36, %dma_wait3A_37] : memref<7x32x2x256xi32, #tpu.memory_space<hbm>> -> memref<7x1x2x256xi32, #tpu.memory_space<hbm>>
    %dma_wait3A_39 = tpu.memref_squeeze %dma_wait3A_38 : memref<7x1x2x256xi32, #tpu.memory_space<hbm>> -> memref<7x2x256xi32, #tpu.memory_space<hbm>>
    tpu.wait_dma2 semaphore(%arg10 : memref<!tpu.dma_semaphore, #tpu.memory_space<semaphore_mem>>) src(%dma_wait3A_39 : memref<7x2x256xi32, #tpu.memory_space<hbm>>) dst(%arg7 : memref<7x2x256xi32, #tpu.memory_space<vmem>>)
    %dma_start3A_40 = arith.constant 0 : i32
    %dma_start3A_41 = arith.constant 0 : i32
    %dma_start3A_42 = arith.constant 0 : i32
    %dma_start3A_43 = arith.constant 0 : i32
    %dma_start3A_44 = arith.constant 0 : i32
    %dma_start3A_45 = tpu.memref_slice %arg8[%dma_start3A_42, %dma_start3A_43, %dma_start3A_44] : memref<3x256x128xf32, #tpu.memory_space<vmem>> -> memref<1x256x128xf32, #tpu.memory_space<vmem>>
    %dma_start3A_46 = tpu.memref_squeeze %dma_start3A_45 : memref<1x256x128xf32, #tpu.memory_space<vmem>> -> memref<256x128xf32, #tpu.memory_space<vmem>>
    %dma_start3A_47 = arith.constant 0 : i32
    %dma_start3A_48 = tpu.memref_slice %arg7[%dma_start3A_40, %dma_start3A_41, %dma_start3A_47] : memref<7x2x256xi32, #tpu.memory_space<vmem>> -> memref<1x1x256xi32, #tpu.memory_space<vmem>>
    %dma_start3A_49 = tpu.memref_squeeze %dma_start3A_48 : memref<1x1x256xi32, #tpu.memory_space<vmem>> -> memref<256xi32, #tpu.memory_space<vmem>>
    %dma_start3A_50 = arith.constant 0 : i32
    %dma_start3A_51 = arith.constant 0 : i32
    %dma_start3A_52 = tpu.memref_slice %arg2[%dma_start3A_50, %dma_start3A_51] : memref<100000x128xf32, #tpu.memory_space<hbm>> -> memref<100000x128xf32, #tpu.memory_space<hbm>>
    tpu.enqueue_indirect_dma source(%dma_start3A_52 : memref<100000x128xf32, #tpu.memory_space<hbm>>) target(%dma_start3A_46 : memref<256x128xf32, #tpu.memory_space<vmem>>) offsets(%dma_start3A_49 : memref<256xi32, #tpu.memory_space<vmem>>) semaphore(%arg11 : memref<!tpu.dma_semaphore, #tpu.memory_space<semaphore_mem>>)
    %dma_start3A_53 = arith.constant 0 : i32
    %dma_start3A_54 = arith.constant 1 : i32
    %dma_start3A_55 = arith.constant 1 : i32
    %dma_start3A_56 = arith.constant 0 : i32
    %dma_start3A_57 = arith.constant 0 : i32
    %dma_start3A_58 = tpu.memref_slice %arg8[%dma_start3A_55, %dma_start3A_56, %dma_start3A_57] : memref<3x256x128xf32, #tpu.memory_space<vmem>> -> memref<1x256x128xf32, #tpu.memory_space<vmem>>
    %dma_start3A_59 = tpu.memref_squeeze %dma_start3A_58 : memref<1x256x128xf32, #tpu.memory_space<vmem>> -> memref<256x128xf32, #tpu.memory_space<vmem>>
    %dma_start3A_60 = arith.constant 0 : i32
    %dma_start3A_61 = tpu.memref_slice %arg7[%dma_start3A_53, %dma_start3A_54, %dma_start3A_60] : memref<7x2x256xi32, #tpu.memory_space<vmem>> -> memref<1x1x256xi32, #tpu.memory_space<vmem>>
    %dma_start3A_62 = tpu.memref_squeeze %dma_start3A_61 : memref<1x1x256xi32, #tpu.memory_space<vmem>> -> memref<256xi32, #tpu.memory_space<vmem>>
    %dma_start3A_63 = arith.constant 0 : i32
    %dma_start3A_64 = arith.constant 0 : i32
    %dma_start3A_65 = tpu.memref_slice %arg2[%dma_start3A_63, %dma_start3A_64] : memref<100000x128xf32, #tpu.memory_space<hbm>> -> memref<100000x128xf32, #tpu.memory_space<hbm>>
    tpu.enqueue_indirect_dma source(%dma_start3A_65 : memref<100000x128xf32, #tpu.memory_space<hbm>>) target(%dma_start3A_59 : memref<256x128xf32, #tpu.memory_space<vmem>>) offsets(%dma_start3A_62 : memref<256xi32, #tpu.memory_space<vmem>>) semaphore(%arg12 : memref<!tpu.dma_semaphore, #tpu.memory_space<semaphore_mem>>)
    %dma_start3A_66 = arith.constant 1 : i32
    %dma_start3A_67 = arith.constant 0 : i32
    %dma_start3A_68 = arith.constant 2 : i32
    %dma_start3A_69 = arith.constant 0 : i32
    %dma_start3A_70 = arith.constant 0 : i32
    %dma_start3A_71 = tpu.memref_slice %arg8[%dma_start3A_68, %dma_start3A_69, %dma_start3A_70] : memref<3x256x128xf32, #tpu.memory_space<vmem>> -> memref<1x256x128xf32, #tpu.memory_space<vmem>>
    %dma_start3A_72 = tpu.memref_squeeze %dma_start3A_71 : memref<1x256x128xf32, #tpu.memory_space<vmem>> -> memref<256x128xf32, #tpu.memory_space<vmem>>
    %dma_start3A_73 = arith.constant 0 : i32
    %dma_start3A_74 = tpu.memref_slice %arg7[%dma_start3A_66, %dma_start3A_67, %dma_start3A_73] : memref<7x2x256xi32, #tpu.memory_space<vmem>> -> memref<1x1x256xi32, #tpu.memory_space<vmem>>
    %dma_start3A_75 = tpu.memref_squeeze %dma_start3A_74 : memref<1x1x256xi32, #tpu.memory_space<vmem>> -> memref<256xi32, #tpu.memory_space<vmem>>
    %dma_start3A_76 = arith.constant 0 : i32
    %dma_start3A_77 = arith.constant 0 : i32
    %dma_start3A_78 = tpu.memref_slice %arg2[%dma_start3A_76, %dma_start3A_77] : memref<100000x128xf32, #tpu.memory_space<hbm>> -> memref<100000x128xf32, #tpu.memory_space<hbm>>
    tpu.enqueue_indirect_dma source(%dma_start3A_78 : memref<100000x128xf32, #tpu.memory_space<hbm>>) target(%dma_start3A_72 : memref<256x128xf32, #tpu.memory_space<vmem>>) offsets(%dma_start3A_75 : memref<256xi32, #tpu.memory_space<vmem>>) semaphore(%arg13 : memref<!tpu.dma_semaphore, #tpu.memory_space<semaphore_mem>>)
    %dma_wait3A_79 = arith.constant 0 : i32
    %dma_wait3A_80 = arith.constant 0 : i32
    %dma_wait3A_81 = arith.constant 0 : i32
    %dma_wait3A_82 = arith.constant 0 : i32
    %dma_wait3A_83 = arith.constant 0 : i32
    %dma_wait3A_84 = tpu.memref_slice %arg8[%dma_wait3A_81, %dma_wait3A_82, %dma_wait3A_83] : memref<3x256x128xf32, #tpu.memory_space<vmem>> -> memref<1x256x128xf32, #tpu.memory_space<vmem>>
    %dma_wait3A_85 = tpu.memref_squeeze %dma_wait3A_84 : memref<1x256x128xf32, #tpu.memory_space<vmem>> -> memref<256x128xf32, #tpu.memory_space<vmem>>
    %dma_wait3A_86 = arith.constant 0 : i32
    %dma_wait3A_87 = tpu.memref_slice %arg7[%dma_wait3A_79, %dma_wait3A_80, %dma_wait3A_86] : memref<7x2x256xi32, #tpu.memory_space<vmem>> -> memref<1x1x256xi32, #tpu.memory_space<vmem>>
    %dma_wait3A_88 = tpu.memref_squeeze %dma_wait3A_87 : memref<1x1x256xi32, #tpu.memory_space<vmem>> -> memref<256xi32, #tpu.memory_space<vmem>>
    %dma_wait3A_89 = arith.constant 0 : i32
    %dma_wait3A_90 = arith.constant 0 : i32
    %dma_wait3A_91 = tpu.memref_slice %arg2[%dma_wait3A_89, %dma_wait3A_90] : memref<100000x128xf32, #tpu.memory_space<hbm>> -> memref<100000x128xf32, #tpu.memory_space<hbm>>
    tpu.wait_indirect_dma semaphore(%arg11 : memref<!tpu.dma_semaphore, #tpu.memory_space<semaphore_mem>>) src(%dma_wait3A_91 : memref<100000x128xf32, #tpu.memory_space<hbm>>) dst(%dma_wait3A_85 : memref<256x128xf32, #tpu.memory_space<vmem>>)
    %add3A_92 = arith.constant 0 : i32
    %add3A_93 = arith.addi %sub3A_21, %add3A_92 : i32
    %mul3A_94 = arith.constant 64 : i32
    %mul3A_95 = arith.muli %select_n3A, %mul3A_94 : i32
    %dma_start3A_96 = arith.constant 0 : i32
    %dma_start3A_97 = arith.constant 0 : i32
    %dma_start3A_98 = arith.constant 0 : i32
    %dma_start3A_99 = arith.constant 0 : i32
    %dma_start3A_100 = tpu.memref_slice %arg8[%dma_start3A_96, %dma_start3A_98, %dma_start3A_99] : memref<3x256x128xf32, #tpu.memory_space<vmem>> -> memref<1x256x64xf32, #tpu.memory_space<vmem>>
    %dma_start3A_101 = tpu.memref_squeeze %dma_start3A_100 : memref<1x256x64xf32, #tpu.memory_space<vmem>> -> memref<256x64xf32, #tpu.memory_space<vmem>>
    %dma_start3A_102 = tpu.memref_slice %arg5[%dma_start3A_97, %add3A_93, %mul3A_95] : memref<6x8192x128xf32, #tpu.memory_space<hbm>> -> memref<1x256x64xf32, #tpu.memory_space<hbm>>
    %dma_start3A_103 = tpu.memref_squeeze %dma_start3A_102 : memref<1x256x64xf32, #tpu.memory_space<hbm>> -> memref<256x64xf32, #tpu.memory_space<hbm>>
    %dma_start3A_104 = tpu.memref_slice %arg5[%dma_start3A_97, %add3A_93, %mul3A_95] : memref<6x8192x128xf32, #tpu.memory_space<hbm>> -> memref<1x256x64xf32, #tpu.memory_space<hbm>>
    %dma_start3A_105 = tpu.memref_squeeze %dma_start3A_104 : memref<1x256x64xf32, #tpu.memory_space<hbm>> -> memref<256x64xf32, #tpu.memory_space<hbm>>
    %dma_start3A_106 = arith.constant 0 : i32
    %dma_start3A_107 = arith.constant 0 : i32
    %dma_start3A_108 = tpu.memref_slice %arg8[%dma_start3A_96, %dma_start3A_106, %dma_start3A_107] : memref<3x256x128xf32, #tpu.memory_space<vmem>> -> memref<1x256x64xf32, #tpu.memory_space<vmem>>
    %dma_start3A_109 = tpu.memref_squeeze %dma_start3A_108 : memref<1x256x64xf32, #tpu.memory_space<vmem>> -> memref<256x64xf32, #tpu.memory_space<vmem>>
    tpu.enqueue_dma source(%dma_start3A_109 : memref<256x64xf32, #tpu.memory_space<vmem>>) target(%dma_start3A_105 : memref<256x64xf32, #tpu.memory_space<hbm>>) target_semaphore(%arg14 : memref<!tpu.dma_semaphore, #tpu.memory_space<semaphore_mem>>)
    %dma_wait3A_110 = arith.constant 0 : i32
    %dma_wait3A_111 = arith.constant 0 : i32
    %dma_wait3A_112 = arith.constant 0 : i32
    %dma_wait3A_113 = arith.constant 0 : i32
    %dma_wait3A_114 = tpu.memref_slice %arg8[%dma_wait3A_110, %dma_wait3A_112, %dma_wait3A_113] : memref<3x256x128xf32, #tpu.memory_space<vmem>> -> memref<1x256x64xf32, #tpu.memory_space<vmem>>
    %dma_wait3A_115 = tpu.memref_squeeze %dma_wait3A_114 : memref<1x256x64xf32, #tpu.memory_space<vmem>> -> memref<256x64xf32, #tpu.memory_space<vmem>>
    %dma_wait3A_116 = tpu.memref_slice %arg5[%dma_wait3A_111, %add3A_93, %mul3A_95] : memref<6x8192x128xf32, #tpu.memory_space<hbm>> -> memref<1x256x64xf32, #tpu.memory_space<hbm>>
    %dma_wait3A_117 = tpu.memref_squeeze %dma_wait3A_116 : memref<1x256x64xf32, #tpu.memory_space<hbm>> -> memref<256x64xf32, #tpu.memory_space<hbm>>
    %dma_wait3A_118 = tpu.memref_slice %arg5[%dma_wait3A_111, %add3A_93, %mul3A_95] : memref<6x8192x128xf32, #tpu.memory_space<hbm>> -> memref<1x256x64xf32, #tpu.memory_space<hbm>>
    %dma_wait3A_119 = tpu.memref_squeeze %dma_wait3A_118 : memref<1x256x64xf32, #tpu.memory_space<hbm>> -> memref<256x64xf32, #tpu.memory_space<hbm>>
    %dma_wait3A_120 = arith.constant 0 : i32
    %dma_wait3A_121 = arith.constant 0 : i32
    %dma_wait3A_122 = tpu.memref_slice %arg8[%dma_wait3A_110, %dma_wait3A_120, %dma_wait3A_121] : memref<3x256x128xf32, #tpu.memory_space<vmem>> -> memref<1x256x64xf32, #tpu.memory_space<vmem>>
    %dma_wait3A_123 = tpu.memref_squeeze %dma_wait3A_122 : memref<1x256x64xf32, #tpu.memory_space<vmem>> -> memref<256x64xf32, #tpu.memory_space<vmem>>
    tpu.wait_dma2 semaphore(%arg14 : memref<!tpu.dma_semaphore, #tpu.memory_space<semaphore_mem>>) src(%dma_wait3A_123 : memref<256x64xf32, #tpu.memory_space<vmem>>) dst(%dma_wait3A_119 : memref<256x64xf32, #tpu.memory_space<hbm>>)
    %dma_start3A_124 = arith.constant 1 : i32
    %dma_start3A_125 = arith.constant 1 : i32
    %dma_start3A_126 = arith.constant 0 : i32
    %dma_start3A_127 = arith.constant 0 : i32
    %dma_start3A_128 = arith.constant 0 : i32
    %dma_start3A_129 = tpu.memref_slice %arg8[%dma_start3A_126, %dma_start3A_127, %dma_start3A_128] : memref<3x256x128xf32, #tpu.memory_space<vmem>> -> memref<1x256x128xf32, #tpu.memory_space<vmem>>
    %dma_start3A_130 = tpu.memref_squeeze %dma_start3A_129 : memref<1x256x128xf32, #tpu.memory_space<vmem>> -> memref<256x128xf32, #tpu.memory_space<vmem>>
    %dma_start3A_131 = arith.constant 0 : i32
    %dma_start3A_132 = tpu.memref_slice %arg7[%dma_start3A_124, %dma_start3A_125, %dma_start3A_131] : memref<7x2x256xi32, #tpu.memory_space<vmem>> -> memref<1x1x256xi32, #tpu.memory_space<vmem>>
    %dma_start3A_133 = tpu.memref_squeeze %dma_start3A_132 : memref<1x1x256xi32, #tpu.memory_space<vmem>> -> memref<256xi32, #tpu.memory_space<vmem>>
    %dma_start3A_134 = arith.constant 0 : i32
    %dma_start3A_135 = arith.constant 0 : i32
    %dma_start3A_136 = tpu.memref_slice %arg2[%dma_start3A_134, %dma_start3A_135] : memref<100000x128xf32, #tpu.memory_space<hbm>> -> memref<100000x128xf32, #tpu.memory_space<hbm>>
    tpu.enqueue_indirect_dma source(%dma_start3A_136 : memref<100000x128xf32, #tpu.memory_space<hbm>>) target(%dma_start3A_130 : memref<256x128xf32, #tpu.memory_space<vmem>>) offsets(%dma_start3A_133 : memref<256xi32, #tpu.memory_space<vmem>>) semaphore(%arg11 : memref<!tpu.dma_semaphore, #tpu.memory_space<semaphore_mem>>)
    %dma_wait3A_137 = arith.constant 0 : i32
    %dma_wait3A_138 = arith.constant 1 : i32
    %dma_wait3A_139 = arith.constant 1 : i32
    %dma_wait3A_140 = arith.constant 0 : i32
    %dma_wait3A_141 = arith.constant 0 : i32
    %dma_wait3A_142 = tpu.memref_slice %arg8[%dma_wait3A_139, %dma_wait3A_140, %dma_wait3A_141] : memref<3x256x128xf32, #tpu.memory_space<vmem>> -> memref<1x256x128xf32, #tpu.memory_space<vmem>>
    %dma_wait3A_143 = tpu.memref_squeeze %dma_wait3A_142 : memref<1x256x128xf32, #tpu.memory_space<vmem>> -> memref<256x128xf32, #tpu.memory_space<vmem>>
    %dma_wait3A_144 = arith.constant 0 : i32
    %dma_wait3A_145 = tpu.memref_slice %arg7[%dma_wait3A_137, %dma_wait3A_138, %dma_wait3A_144] : memref<7x2x256xi32, #tpu.memory_space<vmem>> -> memref<1x1x256xi32, #tpu.memory_space<vmem>>
    %dma_wait3A_146 = tpu.memref_squeeze %dma_wait3A_145 : memref<1x1x256xi32, #tpu.memory_space<vmem>> -> memref<256xi32, #tpu.memory_space<vmem>>
    %dma_wait3A_147 = arith.constant 0 : i32
    %dma_wait3A_148 = arith.constant 0 : i32
    %dma_wait3A_149 = tpu.memref_slice %arg2[%dma_wait3A_147, %dma_wait3A_148] : memref<100000x128xf32, #tpu.memory_space<hbm>> -> memref<100000x128xf32, #tpu.memory_space<hbm>>
    tpu.wait_indirect_dma semaphore(%arg12 : memref<!tpu.dma_semaphore, #tpu.memory_space<semaphore_mem>>) src(%dma_wait3A_149 : memref<100000x128xf32, #tpu.memory_space<hbm>>) dst(%dma_wait3A_143 : memref<256x128xf32, #tpu.memory_space<vmem>>)
    %add3A_150 = arith.constant 256 : i32
    %add3A_151 = arith.addi %sub3A_21, %add3A_150 : i32
    %mul3A_152 = arith.constant 64 : i32
    %mul3A_153 = arith.muli %select_n3A, %mul3A_152 : i32
    %dma_start3A_154 = arith.constant 1 : i32
    %dma_start3A_155 = arith.constant 0 : i32
    %dma_start3A_156 = arith.constant 0 : i32
    %dma_start3A_157 = arith.constant 0 : i32
    %dma_start3A_158 = tpu.memref_slice %arg8[%dma_start3A_154, %dma_start3A_156, %dma_start3A_157] : memref<3x256x128xf32, #tpu.memory_space<vmem>> -> memref<1x256x64xf32, #tpu.memory_space<vmem>>
    %dma_start3A_159 = tpu.memref_squeeze %dma_start3A_158 : memref<1x256x64xf32, #tpu.memory_space<vmem>> -> memref<256x64xf32, #tpu.memory_space<vmem>>
    %dma_start3A_160 = tpu.memref_slice %arg5[%dma_start3A_155, %add3A_151, %mul3A_153] : memref<6x8192x128xf32, #tpu.memory_space<hbm>> -> memref<1x256x64xf32, #tpu.memory_space<hbm>>
    %dma_start3A_161 = tpu.memref_squeeze %dma_start3A_160 : memref<1x256x64xf32, #tpu.memory_space<hbm>> -> memref<256x64xf32, #tpu.memory_space<hbm>>
    %dma_start3A_162 = tpu.memref_slice %arg5[%dma_start3A_155, %add3A_151, %mul3A_153] : memref<6x8192x128xf32, #tpu.memory_space<hbm>> -> memref<1x256x64xf32, #tpu.memory_space<hbm>>
    %dma_start3A_163 = tpu.memref_squeeze %dma_start3A_162 : memref<1x256x64xf32, #tpu.memory_space<hbm>> -> memref<256x64xf32, #tpu.memory_space<hbm>>
    %dma_start3A_164 = arith.constant 0 : i32
    %dma_start3A_165 = arith.constant 0 : i32
    %dma_start3A_166 = tpu.memref_slice %arg8[%dma_start3A_154, %dma_start3A_164, %dma_start3A_165] : memref<3x256x128xf32, #tpu.memory_space<vmem>> -> memref<1x256x64xf32, #tpu.memory_space<vmem>>
    %dma_start3A_167 = tpu.memref_squeeze %dma_start3A_166 : memref<1x256x64xf32, #tpu.memory_space<vmem>> -> memref<256x64xf32, #tpu.memory_space<vmem>>
    tpu.enqueue_dma source(%dma_start3A_167 : memref<256x64xf32, #tpu.memory_space<vmem>>) target(%dma_start3A_163 : memref<256x64xf32, #tpu.memory_space<hbm>>) target_semaphore(%arg15 : memref<!tpu.dma_semaphore, #tpu.memory_space<semaphore_mem>>)
    %dma_wait3A_168 = arith.constant 1 : i32
    %dma_wait3A_169 = arith.constant 0 : i32
    %dma_wait3A_170 = arith.constant 0 : i32
    %dma_wait3A_171 = arith.constant 0 : i32
    %dma_wait3A_172 = tpu.memref_slice %arg8[%dma_wait3A_168, %dma_wait3A_170, %dma_wait3A_171] : memref<3x256x128xf32, #tpu.memory_space<vmem>> -> memref<1x256x64xf32, #tpu.memory_space<vmem>>
    %dma_wait3A_173 = tpu.memref_squeeze %dma_wait3A_172 : memref<1x256x64xf32, #tpu.memory_space<vmem>> -> memref<256x64xf32, #tpu.memory_space<vmem>>
    %dma_wait3A_174 = tpu.memref_slice %arg5[%dma_wait3A_169, %add3A_151, %mul3A_153] : memref<6x8192x128xf32, #tpu.memory_space<hbm>> -> memref<1x256x64xf32, #tpu.memory_space<hbm>>
    %dma_wait3A_175 = tpu.memref_squeeze %dma_wait3A_174 : memref<1x256x64xf32, #tpu.memory_space<hbm>> -> memref<256x64xf32, #tpu.memory_space<hbm>>
    %dma_wait3A_176 = tpu.memref_slice %arg5[%dma_wait3A_169, %add3A_151, %mul3A_153] : memref<6x8192x128xf32, #tpu.memory_space<hbm>> -> memref<1x256x64xf32, #tpu.memory_space<hbm>>
    %dma_wait3A_177 = tpu.memref_squeeze %dma_wait3A_176 : memref<1x256x64xf32, #tpu.memory_space<hbm>> -> memref<256x64xf32, #tpu.memory_space<hbm>>
    %dma_wait3A_178 = arith.constant 0 : i32
    %dma_wait3A_179 = arith.constant 0 : i32
    %dma_wait3A_180 = tpu.memref_slice %arg8[%dma_wait3A_168, %dma_wait3A_178, %dma_wait3A_179] : memref<3x256x128xf32, #tpu.memory_space<vmem>> -> memref<1x256x64xf32, #tpu.memory_space<vmem>>
    %dma_wait3A_181 = tpu.memref_squeeze %dma_wait3A_180 : memref<1x256x64xf32, #tpu.memory_space<vmem>> -> memref<256x64xf32, #tpu.memory_space<vmem>>
    tpu.wait_dma2 semaphore(%arg15 : memref<!tpu.dma_semaphore, #tpu.memory_space<semaphore_mem>>) src(%dma_wait3A_181 : memref<256x64xf32, #tpu.memory_space<vmem>>) dst(%dma_wait3A_177 : memref<256x64xf32, #tpu.memory_space<hbm>>)
    %dma_start3A_182 = arith.constant 2 : i32
    %dma_start3A_183 = arith.constant 0 : i32
    %dma_start3A_184 = arith.constant 1 : i32
    %dma_start3A_185 = arith.constant 0 : i32
    %dma_start3A_186 = arith.constant 0 : i32
    %dma_start3A_187 = tpu.memref_slice %arg8[%dma_start3A_184, %dma_start3A_185, %dma_start3A_186] : memref<3x256x128xf32, #tpu.memory_space<vmem>> -> memref<1x256x128xf32, #tpu.memory_space<vmem>>
    %dma_start3A_188 = tpu.memref_squeeze %dma_start3A_187 : memref<1x256x128xf32, #tpu.memory_space<vmem>> -> memref<256x128xf32, #tpu.memory_space<vmem>>
    %dma_start3A_189 = arith.constant 0 : i32
    %dma_start3A_190 = tpu.memref_slice %arg7[%dma_start3A_182, %dma_start3A_183, %dma_start3A_189] : memref<7x2x256xi32, #tpu.memory_space<vmem>> -> memref<1x1x256xi32, #tpu.memory_space<vmem>>
    %dma_start3A_191 = tpu.memref_squeeze %dma_start3A_190 : memref<1x1x256xi32, #tpu.memory_space<vmem>> -> memref<256xi32, #tpu.memory_space<vmem>>
    %dma_start3A_192 = arith.constant 0 : i32
    %dma_start3A_193 = arith.constant 0 : i32
    %dma_start3A_194 = tpu.memref_slice %arg2[%dma_start3A_192, %dma_start3A_193] : memref<100000x128xf32, #tpu.memory_space<hbm>> -> memref<100000x128xf32, #tpu.memory_space<hbm>>
    tpu.enqueue_indirect_dma source(%dma_start3A_194 : memref<100000x128xf32, #tpu.memory_space<hbm>>) target(%dma_start3A_188 : memref<256x128xf32, #tpu.memory_space<vmem>>) offsets(%dma_start3A_191 : memref<256xi32, #tpu.memory_space<vmem>>) semaphore(%arg12 : memref<!tpu.dma_semaphore, #tpu.memory_space<semaphore_mem>>)
    %dma_wait3A_195 = arith.constant 1 : i32
    %dma_wait3A_196 = arith.constant 0 : i32
    %dma_wait3A_197 = arith.constant 2 : i32
    %dma_wait3A_198 = arith.constant 0 : i32
    %dma_wait3A_199 = arith.constant 0 : i32
    %dma_wait3A_200 = tpu.memref_slice %arg8[%dma_wait3A_197, %dma_wait3A_198, %dma_wait3A_199] : memref<3x256x128xf32, #tpu.memory_space<vmem>> -> memref<1x256x128xf32, #tpu.memory_space<vmem>>
    %dma_wait3A_201 = tpu.memref_squeeze %dma_wait3A_200 : memref<1x256x128xf32, #tpu.memory_space<vmem>> -> memref<256x128xf32, #tpu.memory_space<vmem>>
    %dma_wait3A_202 = arith.constant 0 : i32
    %dma_wait3A_203 = tpu.memref_slice %arg7[%dma_wait3A_195, %dma_wait3A_196, %dma_wait3A_202] : memref<7x2x256xi32, #tpu.memory_space<vmem>> -> memref<1x1x256xi32, #tpu.memory_space<vmem>>
    %dma_wait3A_204 = tpu.memref_squeeze %dma_wait3A_203 : memref<1x1x256xi32, #tpu.memory_space<vmem>> -> memref<256xi32, #tpu.memory_space<vmem>>
    %dma_wait3A_205 = arith.constant 0 : i32
    %dma_wait3A_206 = arith.constant 0 : i32
    %dma_wait3A_207 = tpu.memref_slice %arg2[%dma_wait3A_205, %dma_wait3A_206] : memref<100000x128xf32, #tpu.memory_space<hbm>> -> memref<100000x128xf32, #tpu.memory_space<hbm>>
    tpu.wait_indirect_dma semaphore(%arg13 : memref<!tpu.dma_semaphore, #tpu.memory_space<semaphore_mem>>) src(%dma_wait3A_207 : memref<100000x128xf32, #tpu.memory_space<hbm>>) dst(%dma_wait3A_201 : memref<256x128xf32, #tpu.memory_space<vmem>>)
    %add3A_208 = arith.constant 0 : i32
    %add3A_209 = arith.addi %sub3A_21, %add3A_208 : i32
    %mul3A_210 = arith.constant 64 : i32
    %mul3A_211 = arith.muli %select_n3A, %mul3A_210 : i32
    %dma_start3A_212 = arith.constant 2 : i32
    %dma_start3A_213 = arith.constant 1 : i32
    %dma_start3A_214 = arith.constant 0 : i32
    %dma_start3A_215 = arith.constant 0 : i32
    %dma_start3A_216 = tpu.memref_slice %arg8[%dma_start3A_212, %dma_start3A_214, %dma_start3A_215] : memref<3x256x128xf32, #tpu.memory_space<vmem>> -> memref<1x256x64xf32, #tpu.memory_space<vmem>>
    %dma_start3A_217 = tpu.memref_squeeze %dma_start3A_216 : memref<1x256x64xf32, #tpu.memory_space<vmem>> -> memref<256x64xf32, #tpu.memory_space<vmem>>
    %dma_start3A_218 = tpu.memref_slice %arg5[%dma_start3A_213, %add3A_209, %mul3A_211] : memref<6x8192x128xf32, #tpu.memory_space<hbm>> -> memref<1x256x64xf32, #tpu.memory_space<hbm>>
    %dma_start3A_219 = tpu.memref_squeeze %dma_start3A_218 : memref<1x256x64xf32, #tpu.memory_space<hbm>> -> memref<256x64xf32, #tpu.memory_space<hbm>>
    %dma_start3A_220 = tpu.memref_slice %arg5[%dma_start3A_213, %add3A_209, %mul3A_211] : memref<6x8192x128xf32, #tpu.memory_space<hbm>> -> memref<1x256x64xf32, #tpu.memory_space<hbm>>
    %dma_start3A_221 = tpu.memref_squeeze %dma_start3A_220 : memref<1x256x64xf32, #tpu.memory_space<hbm>> -> memref<256x64xf32, #tpu.memory_space<hbm>>
    %dma_start3A_222 = arith.constant 0 : i32
    %dma_start3A_223 = arith.constant 0 : i32
    %dma_start3A_224 = tpu.memref_slice %arg8[%dma_start3A_212, %dma_start3A_222, %dma_start3A_223] : memref<3x256x128xf32, #tpu.memory_space<vmem>> -> memref<1x256x64xf32, #tpu.memory_space<vmem>>
    %dma_start3A_225 = tpu.memref_squeeze %dma_start3A_224 : memref<1x256x64xf32, #tpu.memory_space<vmem>> -> memref<256x64xf32, #tpu.memory_space<vmem>>
    tpu.enqueue_dma source(%dma_start3A_225 : memref<256x64xf32, #tpu.memory_space<vmem>>) target(%dma_start3A_221 : memref<256x64xf32, #tpu.memory_space<hbm>>) target_semaphore(%arg16 : memref<!tpu.dma_semaphore, #tpu.memory_space<semaphore_mem>>)
    %dma_wait3A_226 = arith.constant 2 : i32
    %dma_wait3A_227 = arith.constant 1 : i32
    %dma_wait3A_228 = arith.constant 0 : i32
    %dma_wait3A_229 = arith.constant 0 : i32
    %dma_wait3A_230 = tpu.memref_slice %arg8[%dma_wait3A_226, %dma_wait3A_228, %dma_wait3A_229] : memref<3x256x128xf32, #tpu.memory_space<vmem>> -> memref<1x256x64xf32, #tpu.memory_space<vmem>>
    %dma_wait3A_231 = tpu.memref_squeeze %dma_wait3A_230 : memref<1x256x64xf32, #tpu.memory_space<vmem>> -> memref<256x64xf32, #tpu.memory_space<vmem>>
    %dma_wait3A_232 = tpu.memref_slice %arg5[%dma_wait3A_227, %add3A_209, %mul3A_211] : memref<6x8192x128xf32, #tpu.memory_space<hbm>> -> memref<1x256x64xf32, #tpu.memory_space<hbm>>
    %dma_wait3A_233 = tpu.memref_squeeze %dma_wait3A_232 : memref<1x256x64xf32, #tpu.memory_space<hbm>> -> memref<256x64xf32, #tpu.memory_space<hbm>>
    %dma_wait3A_234 = tpu.memref_slice %arg5[%dma_wait3A_227, %add3A_209, %mul3A_211] : memref<6x8192x128xf32, #tpu.memory_space<hbm>> -> memref<1x256x64xf32, #tpu.memory_space<hbm>>
    %dma_wait3A_235 = tpu.memref_squeeze %dma_wait3A_234 : memref<1x256x64xf32, #tpu.memory_space<hbm>> -> memref<256x64xf32, #tpu.memory_space<hbm>>
    %dma_wait3A_236 = arith.constant 0 : i32
    %dma_wait3A_237 = arith.constant 0 : i32
    %dma_wait3A_238 = tpu.memref_slice %arg8[%dma_wait3A_226, %dma_wait3A_236, %dma_wait3A_237] : memref<3x256x128xf32, #tpu.memory_space<vmem>> -> memref<1x256x64xf32, #tpu.memory_space<vmem>>
    %dma_wait3A_239 = tpu.memref_squeeze %dma_wait3A_238 : memref<1x256x64xf32, #tpu.memory_space<vmem>> -> memref<256x64xf32, #tpu.memory_space<vmem>>
    tpu.wait_dma2 semaphore(%arg16 : memref<!tpu.dma_semaphore, #tpu.memory_space<semaphore_mem>>) src(%dma_wait3A_239 : memref<256x64xf32, #tpu.memory_space<vmem>>) dst(%dma_wait3A_235 : memref<256x64xf32, #tpu.memory_space<hbm>>)
    %dma_start3A_240 = arith.constant 2 : i32
    %dma_start3A_241 = arith.constant 1 : i32
    %dma_start3A_242 = arith.constant 2 : i32
    %dma_start3A_243 = arith.constant 0 : i32
    %dma_start3A_244 = arith.constant 0 : i32
    %dma_start3A_245 = tpu.memref_slice %arg8[%dma_start3A_242, %dma_start3A_243, %dma_start3A_244] : memref<3x256x128xf32, #tpu.memory_space<vmem>> -> memref<1x256x128xf32, #tpu.memory_space<vmem>>
    %dma_start3A_246 = tpu.memref_squeeze %dma_start3A_245 : memref<1x256x128xf32, #tpu.memory_space<vmem>> -> memref<256x128xf32, #tpu.memory_space<vmem>>
    %dma_start3A_247 = arith.constant 0 : i32
    %dma_start3A_248 = tpu.memref_slice %arg7[%dma_start3A_240, %dma_start3A_241, %dma_start3A_247] : memref<7x2x256xi32, #tpu.memory_space<vmem>> -> memref<1x1x256xi32, #tpu.memory_space<vmem>>
    %dma_start3A_249 = tpu.memref_squeeze %dma_start3A_248 : memref<1x1x256xi32, #tpu.memory_space<vmem>> -> memref<256xi32, #tpu.memory_space<vmem>>
    %dma_start3A_250 = arith.constant 0 : i32
    %dma_start3A_251 = arith.constant 0 : i32
    %dma_start3A_252 = tpu.memref_slice %arg2[%dma_start3A_250, %dma_start3A_251] : memref<100000x128xf32, #tpu.memory_space<hbm>> -> memref<100000x128xf32, #tpu.memory_space<hbm>>
    tpu.enqueue_indirect_dma source(%dma_start3A_252 : memref<100000x128xf32, #tpu.memory_space<hbm>>) target(%dma_start3A_246 : memref<256x128xf32, #tpu.memory_space<vmem>>) offsets(%dma_start3A_249 : memref<256xi32, #tpu.memory_space<vmem>>) semaphore(%arg13 : memref<!tpu.dma_semaphore, #tpu.memory_space<semaphore_mem>>)
    %dma_wait3A_253 = arith.constant 1 : i32
    %dma_wait3A_254 = arith.constant 1 : i32
    %dma_wait3A_255 = arith.constant 0 : i32
    %dma_wait3A_256 = arith.constant 0 : i32
    %dma_wait3A_257 = arith.constant 0 : i32
    %dma_wait3A_258 = tpu.memref_slice %arg8[%dma_wait3A_255, %dma_wait3A_256, %dma_wait3A_257] : memref<3x256x128xf32, #tpu.memory_space<vmem>> -> memref<1x256x128xf32, #tpu.memory_space<vmem>>
    %dma_wait3A_259 = tpu.memref_squeeze %dma_wait3A_258 : memref<1x256x128xf32, #tpu.memory_space<vmem>> -> memref<256x128xf32, #tpu.memory_space<vmem>>
    %dma_wait3A_260 = arith.constant 0 : i32
    %dma_wait3A_261 = tpu.memref_slice %arg7[%dma_wait3A_253, %dma_wait3A_254, %dma_wait3A_260] : memref<7x2x256xi32, #tpu.memory_space<vmem>> -> memref<1x1x256xi32, #tpu.memory_space<vmem>>
    %dma_wait3A_262 = tpu.memref_squeeze %dma_wait3A_261 : memref<1x1x256xi32, #tpu.memory_space<vmem>> -> memref<256xi32, #tpu.memory_space<vmem>>
    %dma_wait3A_263 = arith.constant 0 : i32
    %dma_wait3A_264 = arith.constant 0 : i32
    %dma_wait3A_265 = tpu.memref_slice %arg2[%dma_wait3A_263, %dma_wait3A_264] : memref<100000x128xf32, #tpu.memory_space<hbm>> -> memref<100000x128xf32, #tpu.memory_space<hbm>>
    tpu.wait_indirect_dma semaphore(%arg11 : memref<!tpu.dma_semaphore, #tpu.memory_space<semaphore_mem>>) src(%dma_wait3A_265 : memref<100000x128xf32, #tpu.memory_space<hbm>>) dst(%dma_wait3A_259 : memref<256x128xf32, #tpu.memory_space<vmem>>)
    %add3A_266 = arith.constant 256 : i32
    %add3A_267 = arith.addi %sub3A_21, %add3A_266 : i32
    %mul3A_268 = arith.constant 64 : i32
    %mul3A_269 = arith.muli %select_n3A, %mul3A_268 : i32
    %dma_start3A_270 = arith.constant 0 : i32
    %dma_start3A_271 = arith.constant 1 : i32
    %dma_start3A_272 = arith.constant 0 : i32
    %dma_start3A_273 = arith.constant 0 : i32
    %dma_start3A_274 = tpu.memref_slice %arg8[%dma_start3A_270, %dma_start3A_272, %dma_start3A_273] : memref<3x256x128xf32, #tpu.memory_space<vmem>> -> memref<1x256x64xf32, #tpu.memory_space<vmem>>
    %dma_start3A_275 = tpu.memref_squeeze %dma_start3A_274 : memref<1x256x64xf32, #tpu.memory_space<vmem>> -> memref<256x64xf32, #tpu.memory_space<vmem>>
    %dma_start3A_276 = tpu.memref_slice %arg5[%dma_start3A_271, %add3A_267, %mul3A_269] : memref<6x8192x128xf32, #tpu.memory_space<hbm>> -> memref<1x256x64xf32, #tpu.memory_space<hbm>>
    %dma_start3A_277 = tpu.memref_squeeze %dma_start3A_276 : memref<1x256x64xf32, #tpu.memory_space<hbm>> -> memref<256x64xf32, #tpu.memory_space<hbm>>
    %dma_start3A_278 = tpu.memref_slice %arg5[%dma_start3A_271, %add3A_267, %mul3A_269] : memref<6x8192x128xf32, #tpu.memory_space<hbm>> -> memref<1x256x64xf32, #tpu.memory_space<hbm>>
    %dma_start3A_279 = tpu.memref_squeeze %dma_start3A_278 : memref<1x256x64xf32, #tpu.memory_space<hbm>> -> memref<256x64xf32, #tpu.memory_space<hbm>>
    %dma_start3A_280 = arith.constant 0 : i32
    %dma_start3A_281 = arith.constant 0 : i32
    %dma_start3A_282 = tpu.memref_slice %arg8[%dma_start3A_270, %dma_start3A_280, %dma_start3A_281] : memref<3x256x128xf32, #tpu.memory_space<vmem>> -> memref<1x256x64xf32, #tpu.memory_space<vmem>>
    %dma_start3A_283 = tpu.memref_squeeze %dma_start3A_282 : memref<1x256x64xf32, #tpu.memory_space<vmem>> -> memref<256x64xf32, #tpu.memory_space<vmem>>
    tpu.enqueue_dma source(%dma_start3A_283 : memref<256x64xf32, #tpu.memory_space<vmem>>) target(%dma_start3A_279 : memref<256x64xf32, #tpu.memory_space<hbm>>) target_semaphore(%arg14 : memref<!tpu.dma_semaphore, #tpu.memory_space<semaphore_mem>>)
    %dma_wait3A_284 = arith.constant 0 : i32
    %dma_wait3A_285 = arith.constant 1 : i32
    %dma_wait3A_286 = arith.constant 0 : i32
    %dma_wait3A_287 = arith.constant 0 : i32
    %dma_wait3A_288 = tpu.memref_slice %arg8[%dma_wait3A_284, %dma_wait3A_286, %dma_wait3A_287] : memref<3x256x128xf32, #tpu.memory_space<vmem>> -> memref<1x256x64xf32, #tpu.memory_space<vmem>>
    %dma_wait3A_289 = tpu.memref_squeeze %dma_wait3A_288 : memref<1x256x64xf32, #tpu.memory_space<vmem>> -> memref<256x64xf32, #tpu.memory_space<vmem>>
    %dma_wait3A_290 = tpu.memref_slice %arg5[%dma_wait3A_285, %add3A_267, %mul3A_269] : memref<6x8192x128xf32, #tpu.memory_space<hbm>> -> memref<1x256x64xf32, #tpu.memory_space<hbm>>
    %dma_wait3A_291 = tpu.memref_squeeze %dma_wait3A_290 : memref<1x256x64xf32, #tpu.memory_space<hbm>> -> memref<256x64xf32, #tpu.memory_space<hbm>>
    %dma_wait3A_292 = tpu.memref_slice %arg5[%dma_wait3A_285, %add3A_267, %mul3A_269] : memref<6x8192x128xf32, #tpu.memory_space<hbm>> -> memref<1x256x64xf32, #tpu.memory_space<hbm>>
    %dma_wait3A_293 = tpu.memref_squeeze %dma_wait3A_292 : memref<1x256x64xf32, #tpu.memory_space<hbm>> -> memref<256x64xf32, #tpu.memory_space<hbm>>
    %dma_wait3A_294 = arith.constant 0 : i32
    %dma_wait3A_295 = arith.constant 0 : i32
    %dma_wait3A_296 = tpu.memref_slice %arg8[%dma_wait3A_284, %dma_wait3A_294, %dma_wait3A_295] : memref<3x256x128xf32, #tpu.memory_space<vmem>> -> memref<1x256x64xf32, #tpu.memory_space<vmem>>
    %dma_wait3A_297 = tpu.memref_squeeze %dma_wait3A_296 : memref<1x256x64xf32, #tpu.memory_space<vmem>> -> memref<256x64xf32, #tpu.memory_space<vmem>>
    tpu.wait_dma2 semaphore(%arg14 : memref<!tpu.dma_semaphore, #tpu.memory_space<semaphore_mem>>) src(%dma_wait3A_297 : memref<256x64xf32, #tpu.memory_space<vmem>>) dst(%dma_wait3A_293 : memref<256x64xf32, #tpu.memory_space<hbm>>)
    %dma_start3A_298 = arith.constant 3 : i32
    %dma_start3A_299 = arith.constant 0 : i32
    %dma_start3A_300 = arith.constant 0 : i32
    %dma_start3A_301 = arith.constant 0 : i32
    %dma_start3A_302 = arith.constant 0 : i32
    %dma_start3A_303 = tpu.memref_slice %arg8[%dma_start3A_300, %dma_start3A_301, %dma_start3A_302] : memref<3x256x128xf32, #tpu.memory_space<vmem>> -> memref<1x256x128xf32, #tpu.memory_space<vmem>>
    %dma_start3A_304 = tpu.memref_squeeze %dma_start3A_303 : memref<1x256x128xf32, #tpu.memory_space<vmem>> -> memref<256x128xf32, #tpu.memory_space<vmem>>
    %dma_start3A_305 = arith.constant 0 : i32
    %dma_start3A_306 = tpu.memref_slice %arg7[%dma_start3A_298, %dma_start3A_299, %dma_start3A_305] : memref<7x2x256xi32, #tpu.memory_space<vmem>> -> memref<1x1x256xi32, #tpu.memory_space<vmem>>
    %dma_start3A_307 = tpu.memref_squeeze %dma_start3A_306 : memref<1x1x256xi32, #tpu.memory_space<vmem>> -> memref<256xi32, #tpu.memory_space<vmem>>
    %dma_start3A_308 = arith.constant 0 : i32
    %dma_start3A_309 = arith.constant 0 : i32
    %dma_start3A_310 = tpu.memref_slice %arg2[%dma_start3A_308, %dma_start3A_309] : memref<100000x128xf32, #tpu.memory_space<hbm>> -> memref<100000x128xf32, #tpu.memory_space<hbm>>
    tpu.enqueue_indirect_dma source(%dma_start3A_310 : memref<100000x128xf32, #tpu.memory_space<hbm>>) target(%dma_start3A_304 : memref<256x128xf32, #tpu.memory_space<vmem>>) offsets(%dma_start3A_307 : memref<256xi32, #tpu.memory_space<vmem>>) semaphore(%arg11 : memref<!tpu.dma_semaphore, #tpu.memory_space<semaphore_mem>>)
    %dma_wait3A_311 = arith.constant 2 : i32
    %dma_wait3A_312 = arith.constant 0 : i32
    %dma_wait3A_313 = arith.constant 1 : i32
    %dma_wait3A_314 = arith.constant 0 : i32
    %dma_wait3A_315 = arith.constant 0 : i32
    %dma_wait3A_316 = tpu.memref_slice %arg8[%dma_wait3A_313, %dma_wait3A_314, %dma_wait3A_315] : memref<3x256x128xf32, #tpu.memory_space<vmem>> -> memref<1x256x128xf32, #tpu.memory_space<vmem>>
    %dma_wait3A_317 = tpu.memref_squeeze %dma_wait3A_316 : memref<1x256x128xf32, #tpu.memory_space<vmem>> -> memref<256x128xf32, #tpu.memory_space<vmem>>
    %dma_wait3A_318 = arith.constant 0 : i32
    %dma_wait3A_319 = tpu.memref_slice %arg7[%dma_wait3A_311, %dma_wait3A_312, %dma_wait3A_318] : memref<7x2x256xi32, #tpu.memory_space<vmem>> -> memref<1x1x256xi32, #tpu.memory_space<vmem>>
    %dma_wait3A_320 = tpu.memref_squeeze %dma_wait3A_319 : memref<1x1x256xi32, #tpu.memory_space<vmem>> -> memref<256xi32, #tpu.memory_space<vmem>>
    %dma_wait3A_321 = arith.constant 0 : i32
    %dma_wait3A_322 = arith.constant 0 : i32
    %dma_wait3A_323 = tpu.memref_slice %arg2[%dma_wait3A_321, %dma_wait3A_322] : memref<100000x128xf32, #tpu.memory_space<hbm>> -> memref<100000x128xf32, #tpu.memory_space<hbm>>
    tpu.wait_indirect_dma semaphore(%arg12 : memref<!tpu.dma_semaphore, #tpu.memory_space<semaphore_mem>>) src(%dma_wait3A_323 : memref<100000x128xf32, #tpu.memory_space<hbm>>) dst(%dma_wait3A_317 : memref<256x128xf32, #tpu.memory_space<vmem>>)
    %add3A_324 = arith.constant 0 : i32
    %add3A_325 = arith.addi %sub3A_21, %add3A_324 : i32
    %mul3A_326 = arith.constant 64 : i32
    %mul3A_327 = arith.muli %select_n3A, %mul3A_326 : i32
    %dma_start3A_328 = arith.constant 1 : i32
    %dma_start3A_329 = arith.constant 2 : i32
    %dma_start3A_330 = arith.constant 0 : i32
    %dma_start3A_331 = arith.constant 0 : i32
    %dma_start3A_332 = tpu.memref_slice %arg8[%dma_start3A_328, %dma_start3A_330, %dma_start3A_331] : memref<3x256x128xf32, #tpu.memory_space<vmem>> -> memref<1x256x64xf32, #tpu.memory_space<vmem>>
    %dma_start3A_333 = tpu.memref_squeeze %dma_start3A_332 : memref<1x256x64xf32, #tpu.memory_space<vmem>> -> memref<256x64xf32, #tpu.memory_space<vmem>>
    %dma_start3A_334 = tpu.memref_slice %arg5[%dma_start3A_329, %add3A_325, %mul3A_327] : memref<6x8192x128xf32, #tpu.memory_space<hbm>> -> memref<1x256x64xf32, #tpu.memory_space<hbm>>
    %dma_start3A_335 = tpu.memref_squeeze %dma_start3A_334 : memref<1x256x64xf32, #tpu.memory_space<hbm>> -> memref<256x64xf32, #tpu.memory_space<hbm>>
    %dma_start3A_336 = tpu.memref_slice %arg5[%dma_start3A_329, %add3A_325, %mul3A_327] : memref<6x8192x128xf32, #tpu.memory_space<hbm>> -> memref<1x256x64xf32, #tpu.memory_space<hbm>>
    %dma_start3A_337 = tpu.memref_squeeze %dma_start3A_336 : memref<1x256x64xf32, #tpu.memory_space<hbm>> -> memref<256x64xf32, #tpu.memory_space<hbm>>
    %dma_start3A_338 = arith.constant 0 : i32
    %dma_start3A_339 = arith.constant 0 : i32
    %dma_start3A_340 = tpu.memref_slice %arg8[%dma_start3A_328, %dma_start3A_338, %dma_start3A_339] : memref<3x256x128xf32, #tpu.memory_space<vmem>> -> memref<1x256x64xf32, #tpu.memory_space<vmem>>
    %dma_start3A_341 = tpu.memref_squeeze %dma_start3A_340 : memref<1x256x64xf32, #tpu.memory_space<vmem>> -> memref<256x64xf32, #tpu.memory_space<vmem>>
    tpu.enqueue_dma source(%dma_start3A_341 : memref<256x64xf32, #tpu.memory_space<vmem>>) target(%dma_start3A_337 : memref<256x64xf32, #tpu.memory_space<hbm>>) target_semaphore(%arg15 : memref<!tpu.dma_semaphore, #tpu.memory_space<semaphore_mem>>)
    %dma_wait3A_342 = arith.constant 1 : i32
    %dma_wait3A_343 = arith.constant 2 : i32
    %dma_wait3A_344 = arith.constant 0 : i32
    %dma_wait3A_345 = arith.constant 0 : i32
    %dma_wait3A_346 = tpu.memref_slice %arg8[%dma_wait3A_342, %dma_wait3A_344, %dma_wait3A_345] : memref<3x256x128xf32, #tpu.memory_space<vmem>> -> memref<1x256x64xf32, #tpu.memory_space<vmem>>
    %dma_wait3A_347 = tpu.memref_squeeze %dma_wait3A_346 : memref<1x256x64xf32, #tpu.memory_space<vmem>> -> memref<256x64xf32, #tpu.memory_space<vmem>>
    %dma_wait3A_348 = tpu.memref_slice %arg5[%dma_wait3A_343, %add3A_325, %mul3A_327] : memref<6x8192x128xf32, #tpu.memory_space<hbm>> -> memref<1x256x64xf32, #tpu.memory_space<hbm>>
    %dma_wait3A_349 = tpu.memref_squeeze %dma_wait3A_348 : memref<1x256x64xf32, #tpu.memory_space<hbm>> -> memref<256x64xf32, #tpu.memory_space<hbm>>
    %dma_wait3A_350 = tpu.memref_slice %arg5[%dma_wait3A_343, %add3A_325, %mul3A_327] : memref<6x8192x128xf32, #tpu.memory_space<hbm>> -> memref<1x256x64xf32, #tpu.memory_space<hbm>>
    %dma_wait3A_351 = tpu.memref_squeeze %dma_wait3A_350 : memref<1x256x64xf32, #tpu.memory_space<hbm>> -> memref<256x64xf32, #tpu.memory_space<hbm>>
    %dma_wait3A_352 = arith.constant 0 : i32
    %dma_wait3A_353 = arith.constant 0 : i32
    %dma_wait3A_354 = tpu.memref_slice %arg8[%dma_wait3A_342, %dma_wait3A_352, %dma_wait3A_353] : memref<3x256x128xf32, #tpu.memory_space<vmem>> -> memref<1x256x64xf32, #tpu.memory_space<vmem>>
    %dma_wait3A_355 = tpu.memref_squeeze %dma_wait3A_354 : memref<1x256x64xf32, #tpu.memory_space<vmem>> -> memref<256x64xf32, #tpu.memory_space<vmem>>
    tpu.wait_dma2 semaphore(%arg15 : memref<!tpu.dma_semaphore, #tpu.memory_space<semaphore_mem>>) src(%dma_wait3A_355 : memref<256x64xf32, #tpu.memory_space<vmem>>) dst(%dma_wait3A_351 : memref<256x64xf32, #tpu.memory_space<hbm>>)
    %dma_start3A_356 = arith.constant 3 : i32
    %dma_start3A_357 = arith.constant 1 : i32
    %dma_start3A_358 = arith.constant 1 : i32
    %dma_start3A_359 = arith.constant 0 : i32
    %dma_start3A_360 = arith.constant 0 : i32
    %dma_start3A_361 = tpu.memref_slice %arg8[%dma_start3A_358, %dma_start3A_359, %dma_start3A_360] : memref<3x256x128xf32, #tpu.memory_space<vmem>> -> memref<1x256x128xf32, #tpu.memory_space<vmem>>
    %dma_start3A_362 = tpu.memref_squeeze %dma_start3A_361 : memref<1x256x128xf32, #tpu.memory_space<vmem>> -> memref<256x128xf32, #tpu.memory_space<vmem>>
    %dma_start3A_363 = arith.constant 0 : i32
    %dma_start3A_364 = tpu.memref_slice %arg7[%dma_start3A_356, %dma_start3A_357, %dma_start3A_363] : memref<7x2x256xi32, #tpu.memory_space<vmem>> -> memref<1x1x256xi32, #tpu.memory_space<vmem>>
    %dma_start3A_365 = tpu.memref_squeeze %dma_start3A_364 : memref<1x1x256xi32, #tpu.memory_space<vmem>> -> memref<256xi32, #tpu.memory_space<vmem>>
    %dma_start3A_366 = arith.constant 0 : i32
    %dma_start3A_367 = arith.constant 0 : i32
    %dma_start3A_368 = tpu.memref_slice %arg2[%dma_start3A_366, %dma_start3A_367] : memref<100000x128xf32, #tpu.memory_space<hbm>> -> memref<100000x128xf32, #tpu.memory_space<hbm>>
    tpu.enqueue_indirect_dma source(%dma_start3A_368 : memref<100000x128xf32, #tpu.memory_space<hbm>>) target(%dma_start3A_362 : memref<256x128xf32, #tpu.memory_space<vmem>>) offsets(%dma_start3A_365 : memref<256xi32, #tpu.memory_space<vmem>>) semaphore(%arg12 : memref<!tpu.dma_semaphore, #tpu.memory_space<semaphore_mem>>)
    %dma_wait3A_369 = arith.constant 2 : i32
    %dma_wait3A_370 = arith.constant 1 : i32
    %dma_wait3A_371 = arith.constant 2 : i32
    %dma_wait3A_372 = arith.constant 0 : i32
    %dma_wait3A_373 = arith.constant 0 : i32
    %dma_wait3A_374 = tpu.memref_slice %arg8[%dma_wait3A_371, %dma_wait3A_372, %dma_wait3A_373] : memref<3x256x128xf32, #tpu.memory_space<vmem>> -> memref<1x256x128xf32, #tpu.memory_space<vmem>>
    %dma_wait3A_375 = tpu.memref_squeeze %dma_wait3A_374 : memref<1x256x128xf32, #tpu.memory_space<vmem>> -> memref<256x128xf32, #tpu.memory_space<vmem>>
    %dma_wait3A_376 = arith.constant 0 : i32
    %dma_wait3A_377 = tpu.memref_slice %arg7[%dma_wait3A_369, %dma_wait3A_370, %dma_wait3A_376] : memref<7x2x256xi32, #tpu.memory_space<vmem>> -> memref<1x1x256xi32, #tpu.memory_space<vmem>>
    %dma_wait3A_378 = tpu.memref_squeeze %dma_wait3A_377 : memref<1x1x256xi32, #tpu.memory_space<vmem>> -> memref<256xi32, #tpu.memory_space<vmem>>
    %dma_wait3A_379 = arith.constant 0 : i32
    %dma_wait3A_380 = arith.constant 0 : i32
    %dma_wait3A_381 = tpu.memref_slice %arg2[%dma_wait3A_379, %dma_wait3A_380] : memref<100000x128xf32, #tpu.memory_space<hbm>> -> memref<100000x128xf32, #tpu.memory_space<hbm>>
    tpu.wait_indirect_dma semaphore(%arg13 : memref<!tpu.dma_semaphore, #tpu.memory_space<semaphore_mem>>) src(%dma_wait3A_381 : memref<100000x128xf32, #tpu.memory_space<hbm>>) dst(%dma_wait3A_375 : memref<256x128xf32, #tpu.memory_space<vmem>>)
    %add3A_382 = arith.constant 256 : i32
    %add3A_383 = arith.addi %sub3A_21, %add3A_382 : i32
    %mul3A_384 = arith.constant 64 : i32
    %mul3A_385 = arith.muli %select_n3A, %mul3A_384 : i32
    %dma_start3A_386 = arith.constant 2 : i32
    %dma_start3A_387 = arith.constant 2 : i32
    %dma_start3A_388 = arith.constant 0 : i32
    %dma_start3A_389 = arith.constant 0 : i32
    %dma_start3A_390 = tpu.memref_slice %arg8[%dma_start3A_386, %dma_start3A_388, %dma_start3A_389] : memref<3x256x128xf32, #tpu.memory_space<vmem>> -> memref<1x256x64xf32, #tpu.memory_space<vmem>>
    %dma_start3A_391 = tpu.memref_squeeze %dma_start3A_390 : memref<1x256x64xf32, #tpu.memory_space<vmem>> -> memref<256x64xf32, #tpu.memory_space<vmem>>
    %dma_start3A_392 = tpu.memref_slice %arg5[%dma_start3A_387, %add3A_383, %mul3A_385] : memref<6x8192x128xf32, #tpu.memory_space<hbm>> -> memref<1x256x64xf32, #tpu.memory_space<hbm>>
    %dma_start3A_393 = tpu.memref_squeeze %dma_start3A_392 : memref<1x256x64xf32, #tpu.memory_space<hbm>> -> memref<256x64xf32, #tpu.memory_space<hbm>>
    %dma_start3A_394 = tpu.memref_slice %arg5[%dma_start3A_387, %add3A_383, %mul3A_385] : memref<6x8192x128xf32, #tpu.memory_space<hbm>> -> memref<1x256x64xf32, #tpu.memory_space<hbm>>
    %dma_start3A_395 = tpu.memref_squeeze %dma_start3A_394 : memref<1x256x64xf32, #tpu.memory_space<hbm>> -> memref<256x64xf32, #tpu.memory_space<hbm>>
    %dma_start3A_396 = arith.constant 0 : i32
    %dma_start3A_397 = arith.constant 0 : i32
    %dma_start3A_398 = tpu.memref_slice %arg8[%dma_start3A_386, %dma_start3A_396, %dma_start3A_397] : memref<3x256x128xf32, #tpu.memory_space<vmem>> -> memref<1x256x64xf32, #tpu.memory_space<vmem>>
    %dma_start3A_399 = tpu.memref_squeeze %dma_start3A_398 : memref<1x256x64xf32, #tpu.memory_space<vmem>> -> memref<256x64xf32, #tpu.memory_space<vmem>>
    tpu.enqueue_dma source(%dma_start3A_399 : memref<256x64xf32, #tpu.memory_space<vmem>>) target(%dma_start3A_395 : memref<256x64xf32, #tpu.memory_space<hbm>>) target_semaphore(%arg16 : memref<!tpu.dma_semaphore, #tpu.memory_space<semaphore_mem>>)
    %dma_wait3A_400 = arith.constant 2 : i32
    %dma_wait3A_401 = arith.constant 2 : i32
    %dma_wait3A_402 = arith.constant 0 : i32
    %dma_wait3A_403 = arith.constant 0 : i32
    %dma_wait3A_404 = tpu.memref_slice %arg8[%dma_wait3A_400, %dma_wait3A_402, %dma_wait3A_403] : memref<3x256x128xf32, #tpu.memory_space<vmem>> -> memref<1x256x64xf32, #tpu.memory_space<vmem>>
    %dma_wait3A_405 = tpu.memref_squeeze %dma_wait3A_404 : memref<1x256x64xf32, #tpu.memory_space<vmem>> -> memref<256x64xf32, #tpu.memory_space<vmem>>
    %dma_wait3A_406 = tpu.memref_slice %arg5[%dma_wait3A_401, %add3A_383, %mul3A_385] : memref<6x8192x128xf32, #tpu.memory_space<hbm>> -> memref<1x256x64xf32, #tpu.memory_space<hbm>>
    %dma_wait3A_407 = tpu.memref_squeeze %dma_wait3A_406 : memref<1x256x64xf32, #tpu.memory_space<hbm>> -> memref<256x64xf32, #tpu.memory_space<hbm>>
    %dma_wait3A_408 = tpu.memref_slice %arg5[%dma_wait3A_401, %add3A_383, %mul3A_385] : memref<6x8192x128xf32, #tpu.memory_space<hbm>> -> memref<1x256x64xf32, #tpu.memory_space<hbm>>
    %dma_wait3A_409 = tpu.memref_squeeze %dma_wait3A_408 : memref<1x256x64xf32, #tpu.memory_space<hbm>> -> memref<256x64xf32, #tpu.memory_space<hbm>>
    %dma_wait3A_410 = arith.constant 0 : i32
    %dma_wait3A_411 = arith.constant 0 : i32
    %dma_wait3A_412 = tpu.memref_slice %arg8[%dma_wait3A_400, %dma_wait3A_410, %dma_wait3A_411] : memref<3x256x128xf32, #tpu.memory_space<vmem>> -> memref<1x256x64xf32, #tpu.memory_space<vmem>>
    %dma_wait3A_413 = tpu.memref_squeeze %dma_wait3A_412 : memref<1x256x64xf32, #tpu.memory_space<vmem>> -> memref<256x64xf32, #tpu.memory_space<vmem>>
    tpu.wait_dma2 semaphore(%arg16 : memref<!tpu.dma_semaphore, #tpu.memory_space<semaphore_mem>>) src(%dma_wait3A_413 : memref<256x64xf32, #tpu.memory_space<vmem>>) dst(%dma_wait3A_409 : memref<256x64xf32, #tpu.memory_space<hbm>>)
    %dma_start3A_414 = arith.constant 4 : i32
    %dma_start3A_415 = arith.constant 0 : i32
    %dma_start3A_416 = arith.constant 2 : i32
    %dma_start3A_417 = arith.constant 0 : i32
    %dma_start3A_418 = arith.constant 0 : i32
    %dma_start3A_419 = tpu.memref_slice %arg8[%dma_start3A_416, %dma_start3A_417, %dma_start3A_418] : memref<3x256x128xf32, #tpu.memory_space<vmem>> -> memref<1x256x128xf32, #tpu.memory_space<vmem>>
    %dma_start3A_420 = tpu.memref_squeeze %dma_start3A_419 : memref<1x256x128xf32, #tpu.memory_space<vmem>> -> memref<256x128xf32, #tpu.memory_space<vmem>>
    %dma_start3A_421 = arith.constant 0 : i32
    %dma_start3A_422 = tpu.memref_slice %arg7[%dma_start3A_414, %dma_start3A_415, %dma_start3A_421] : memref<7x2x256xi32, #tpu.memory_space<vmem>> -> memref<1x1x256xi32, #tpu.memory_space<vmem>>
    %dma_start3A_423 = tpu.memref_squeeze %dma_start3A_422 : memref<1x1x256xi32, #tpu.memory_space<vmem>> -> memref<256xi32, #tpu.memory_space<vmem>>
    %dma_start3A_424 = arith.constant 0 : i32
    %dma_start3A_425 = arith.constant 0 : i32
    %dma_start3A_426 = tpu.memref_slice %arg2[%dma_start3A_424, %dma_start3A_425] : memref<100000x128xf32, #tpu.memory_space<hbm>> -> memref<100000x128xf32, #tpu.memory_space<hbm>>
    tpu.enqueue_indirect_dma source(%dma_start3A_426 : memref<100000x128xf32, #tpu.memory_space<hbm>>) target(%dma_start3A_420 : memref<256x128xf32, #tpu.memory_space<vmem>>) offsets(%dma_start3A_423 : memref<256xi32, #tpu.memory_space<vmem>>) semaphore(%arg13 : memref<!tpu.dma_semaphore, #tpu.memory_space<semaphore_mem>>)
    %dma_wait3A_427 = arith.constant 3 : i32
    %dma_wait3A_428 = arith.constant 0 : i32
    %dma_wait3A_429 = arith.constant 0 : i32
    %dma_wait3A_430 = arith.constant 0 : i32
    %dma_wait3A_431 = arith.constant 0 : i32
    %dma_wait3A_432 = tpu.memref_slice %arg8[%dma_wait3A_429, %dma_wait3A_430, %dma_wait3A_431] : memref<3x256x128xf32, #tpu.memory_space<vmem>> -> memref<1x256x128xf32, #tpu.memory_space<vmem>>
    %dma_wait3A_433 = tpu.memref_squeeze %dma_wait3A_432 : memref<1x256x128xf32, #tpu.memory_space<vmem>> -> memref<256x128xf32, #tpu.memory_space<vmem>>
    %dma_wait3A_434 = arith.constant 0 : i32
    %dma_wait3A_435 = tpu.memref_slice %arg7[%dma_wait3A_427, %dma_wait3A_428, %dma_wait3A_434] : memref<7x2x256xi32, #tpu.memory_space<vmem>> -> memref<1x1x256xi32, #tpu.memory_space<vmem>>
    %dma_wait3A_436 = tpu.memref_squeeze %dma_wait3A_435 : memref<1x1x256xi32, #tpu.memory_space<vmem>> -> memref<256xi32, #tpu.memory_space<vmem>>
    %dma_wait3A_437 = arith.constant 0 : i32
    %dma_wait3A_438 = arith.constant 0 : i32
    %dma_wait3A_439 = tpu.memref_slice %arg2[%dma_wait3A_437, %dma_wait3A_438] : memref<100000x128xf32, #tpu.memory_space<hbm>> -> memref<100000x128xf32, #tpu.memory_space<hbm>>
    tpu.wait_indirect_dma semaphore(%arg11 : memref<!tpu.dma_semaphore, #tpu.memory_space<semaphore_mem>>) src(%dma_wait3A_439 : memref<100000x128xf32, #tpu.memory_space<hbm>>) dst(%dma_wait3A_433 : memref<256x128xf32, #tpu.memory_space<vmem>>)
    %add3A_440 = arith.constant 0 : i32
    %add3A_441 = arith.addi %sub3A_21, %add3A_440 : i32
    %mul3A_442 = arith.constant 64 : i32
    %mul3A_443 = arith.muli %select_n3A, %mul3A_442 : i32
    %dma_start3A_444 = arith.constant 0 : i32
    %dma_start3A_445 = arith.constant 3 : i32
    %dma_start3A_446 = arith.constant 0 : i32
    %dma_start3A_447 = arith.constant 0 : i32
    %dma_start3A_448 = tpu.memref_slice %arg8[%dma_start3A_444, %dma_start3A_446, %dma_start3A_447] : memref<3x256x128xf32, #tpu.memory_space<vmem>> -> memref<1x256x64xf32, #tpu.memory_space<vmem>>
    %dma_start3A_449 = tpu.memref_squeeze %dma_start3A_448 : memref<1x256x64xf32, #tpu.memory_space<vmem>> -> memref<256x64xf32, #tpu.memory_space<vmem>>
    %dma_start3A_450 = tpu.memref_slice %arg5[%dma_start3A_445, %add3A_441, %mul3A_443] : memref<6x8192x128xf32, #tpu.memory_space<hbm>> -> memref<1x256x64xf32, #tpu.memory_space<hbm>>
    %dma_start3A_451 = tpu.memref_squeeze %dma_start3A_450 : memref<1x256x64xf32, #tpu.memory_space<hbm>> -> memref<256x64xf32, #tpu.memory_space<hbm>>
    %dma_start3A_452 = tpu.memref_slice %arg5[%dma_start3A_445, %add3A_441, %mul3A_443] : memref<6x8192x128xf32, #tpu.memory_space<hbm>> -> memref<1x256x64xf32, #tpu.memory_space<hbm>>
    %dma_start3A_453 = tpu.memref_squeeze %dma_start3A_452 : memref<1x256x64xf32, #tpu.memory_space<hbm>> -> memref<256x64xf32, #tpu.memory_space<hbm>>
    %dma_start3A_454 = arith.constant 0 : i32
    %dma_start3A_455 = arith.constant 0 : i32
    %dma_start3A_456 = tpu.memref_slice %arg8[%dma_start3A_444, %dma_start3A_454, %dma_start3A_455] : memref<3x256x128xf32, #tpu.memory_space<vmem>> -> memref<1x256x64xf32, #tpu.memory_space<vmem>>
    %dma_start3A_457 = tpu.memref_squeeze %dma_start3A_456 : memref<1x256x64xf32, #tpu.memory_space<vmem>> -> memref<256x64xf32, #tpu.memory_space<vmem>>
    tpu.enqueue_dma source(%dma_start3A_457 : memref<256x64xf32, #tpu.memory_space<vmem>>) target(%dma_start3A_453 : memref<256x64xf32, #tpu.memory_space<hbm>>) target_semaphore(%arg14 : memref<!tpu.dma_semaphore, #tpu.memory_space<semaphore_mem>>)
    %dma_wait3A_458 = arith.constant 0 : i32
    %dma_wait3A_459 = arith.constant 3 : i32
    %dma_wait3A_460 = arith.constant 0 : i32
    %dma_wait3A_461 = arith.constant 0 : i32
    %dma_wait3A_462 = tpu.memref_slice %arg8[%dma_wait3A_458, %dma_wait3A_460, %dma_wait3A_461] : memref<3x256x128xf32, #tpu.memory_space<vmem>> -> memref<1x256x64xf32, #tpu.memory_space<vmem>>
    %dma_wait3A_463 = tpu.memref_squeeze %dma_wait3A_462 : memref<1x256x64xf32, #tpu.memory_space<vmem>> -> memref<256x64xf32, #tpu.memory_space<vmem>>
    %dma_wait3A_464 = tpu.memref_slice %arg5[%dma_wait3A_459, %add3A_441, %mul3A_443] : memref<6x8192x128xf32, #tpu.memory_space<hbm>> -> memref<1x256x64xf32, #tpu.memory_space<hbm>>
    %dma_wait3A_465 = tpu.memref_squeeze %dma_wait3A_464 : memref<1x256x64xf32, #tpu.memory_space<hbm>> -> memref<256x64xf32, #tpu.memory_space<hbm>>
    %dma_wait3A_466 = tpu.memref_slice %arg5[%dma_wait3A_459, %add3A_441, %mul3A_443] : memref<6x8192x128xf32, #tpu.memory_space<hbm>> -> memref<1x256x64xf32, #tpu.memory_space<hbm>>
    %dma_wait3A_467 = tpu.memref_squeeze %dma_wait3A_466 : memref<1x256x64xf32, #tpu.memory_space<hbm>> -> memref<256x64xf32, #tpu.memory_space<hbm>>
    %dma_wait3A_468 = arith.constant 0 : i32
    %dma_wait3A_469 = arith.constant 0 : i32
    %dma_wait3A_470 = tpu.memref_slice %arg8[%dma_wait3A_458, %dma_wait3A_468, %dma_wait3A_469] : memref<3x256x128xf32, #tpu.memory_space<vmem>> -> memref<1x256x64xf32, #tpu.memory_space<vmem>>
    %dma_wait3A_471 = tpu.memref_squeeze %dma_wait3A_470 : memref<1x256x64xf32, #tpu.memory_space<vmem>> -> memref<256x64xf32, #tpu.memory_space<vmem>>
    tpu.wait_dma2 semaphore(%arg14 : memref<!tpu.dma_semaphore, #tpu.memory_space<semaphore_mem>>) src(%dma_wait3A_471 : memref<256x64xf32, #tpu.memory_space<vmem>>) dst(%dma_wait3A_467 : memref<256x64xf32, #tpu.memory_space<hbm>>)
    %dma_start3A_472 = arith.constant 4 : i32
    %dma_start3A_473 = arith.constant 1 : i32
    %dma_start3A_474 = arith.constant 0 : i32
    %dma_start3A_475 = arith.constant 0 : i32
    %dma_start3A_476 = arith.constant 0 : i32
    %dma_start3A_477 = tpu.memref_slice %arg8[%dma_start3A_474, %dma_start3A_475, %dma_start3A_476] : memref<3x256x128xf32, #tpu.memory_space<vmem>> -> memref<1x256x128xf32, #tpu.memory_space<vmem>>
    %dma_start3A_478 = tpu.memref_squeeze %dma_start3A_477 : memref<1x256x128xf32, #tpu.memory_space<vmem>> -> memref<256x128xf32, #tpu.memory_space<vmem>>
    %dma_start3A_479 = arith.constant 0 : i32
    %dma_start3A_480 = tpu.memref_slice %arg7[%dma_start3A_472, %dma_start3A_473, %dma_start3A_479] : memref<7x2x256xi32, #tpu.memory_space<vmem>> -> memref<1x1x256xi32, #tpu.memory_space<vmem>>
    %dma_start3A_481 = tpu.memref_squeeze %dma_start3A_480 : memref<1x1x256xi32, #tpu.memory_space<vmem>> -> memref<256xi32, #tpu.memory_space<vmem>>
    %dma_start3A_482 = arith.constant 0 : i32
    %dma_start3A_483 = arith.constant 0 : i32
    %dma_start3A_484 = tpu.memref_slice %arg2[%dma_start3A_482, %dma_start3A_483] : memref<100000x128xf32, #tpu.memory_space<hbm>> -> memref<100000x128xf32, #tpu.memory_space<hbm>>
    tpu.enqueue_indirect_dma source(%dma_start3A_484 : memref<100000x128xf32, #tpu.memory_space<hbm>>) target(%dma_start3A_478 : memref<256x128xf32, #tpu.memory_space<vmem>>) offsets(%dma_start3A_481 : memref<256xi32, #tpu.memory_space<vmem>>) semaphore(%arg11 : memref<!tpu.dma_semaphore, #tpu.memory_space<semaphore_mem>>)
    %dma_wait3A_485 = arith.constant 3 : i32
    %dma_wait3A_486 = arith.constant 1 : i32
    %dma_wait3A_487 = arith.constant 1 : i32
    %dma_wait3A_488 = arith.constant 0 : i32
    %dma_wait3A_489 = arith.constant 0 : i32
    %dma_wait3A_490 = tpu.memref_slice %arg8[%dma_wait3A_487, %dma_wait3A_488, %dma_wait3A_489] : memref<3x256x128xf32, #tpu.memory_space<vmem>> -> memref<1x256x128xf32, #tpu.memory_space<vmem>>
    %dma_wait3A_491 = tpu.memref_squeeze %dma_wait3A_490 : memref<1x256x128xf32, #tpu.memory_space<vmem>> -> memref<256x128xf32, #tpu.memory_space<vmem>>
    %dma_wait3A_492 = arith.constant 0 : i32
    %dma_wait3A_493 = tpu.memref_slice %arg7[%dma_wait3A_485, %dma_wait3A_486, %dma_wait3A_492] : memref<7x2x256xi32, #tpu.memory_space<vmem>> -> memref<1x1x256xi32, #tpu.memory_space<vmem>>
    %dma_wait3A_494 = tpu.memref_squeeze %dma_wait3A_493 : memref<1x1x256xi32, #tpu.memory_space<vmem>> -> memref<256xi32, #tpu.memory_space<vmem>>
    %dma_wait3A_495 = arith.constant 0 : i32
    %dma_wait3A_496 = arith.constant 0 : i32
    %dma_wait3A_497 = tpu.memref_slice %arg2[%dma_wait3A_495, %dma_wait3A_496] : memref<100000x128xf32, #tpu.memory_space<hbm>> -> memref<100000x128xf32, #tpu.memory_space<hbm>>
    tpu.wait_indirect_dma semaphore(%arg12 : memref<!tpu.dma_semaphore, #tpu.memory_space<semaphore_mem>>) src(%dma_wait3A_497 : memref<100000x128xf32, #tpu.memory_space<hbm>>) dst(%dma_wait3A_491 : memref<256x128xf32, #tpu.memory_space<vmem>>)
    %add3A_498 = arith.constant 256 : i32
    %add3A_499 = arith.addi %sub3A_21, %add3A_498 : i32
    %mul3A_500 = arith.constant 64 : i32
    %mul3A_501 = arith.muli %select_n3A, %mul3A_500 : i32
    %dma_start3A_502 = arith.constant 1 : i32
    %dma_start3A_503 = arith.constant 3 : i32
    %dma_start3A_504 = arith.constant 0 : i32
    %dma_start3A_505 = arith.constant 0 : i32
    %dma_start3A_506 = tpu.memref_slice %arg8[%dma_start3A_502, %dma_start3A_504, %dma_start3A_505] : memref<3x256x128xf32, #tpu.memory_space<vmem>> -> memref<1x256x64xf32, #tpu.memory_space<vmem>>
    %dma_start3A_507 = tpu.memref_squeeze %dma_start3A_506 : memref<1x256x64xf32, #tpu.memory_space<vmem>> -> memref<256x64xf32, #tpu.memory_space<vmem>>
    %dma_start3A_508 = tpu.memref_slice %arg5[%dma_start3A_503, %add3A_499, %mul3A_501] : memref<6x8192x128xf32, #tpu.memory_space<hbm>> -> memref<1x256x64xf32, #tpu.memory_space<hbm>>
    %dma_start3A_509 = tpu.memref_squeeze %dma_start3A_508 : memref<1x256x64xf32, #tpu.memory_space<hbm>> -> memref<256x64xf32, #tpu.memory_space<hbm>>
    %dma_start3A_510 = tpu.memref_slice %arg5[%dma_start3A_503, %add3A_499, %mul3A_501] : memref<6x8192x128xf32, #tpu.memory_space<hbm>> -> memref<1x256x64xf32, #tpu.memory_space<hbm>>
    %dma_start3A_511 = tpu.memref_squeeze %dma_start3A_510 : memref<1x256x64xf32, #tpu.memory_space<hbm>> -> memref<256x64xf32, #tpu.memory_space<hbm>>
    %dma_start3A_512 = arith.constant 0 : i32
    %dma_start3A_513 = arith.constant 0 : i32
    %dma_start3A_514 = tpu.memref_slice %arg8[%dma_start3A_502, %dma_start3A_512, %dma_start3A_513] : memref<3x256x128xf32, #tpu.memory_space<vmem>> -> memref<1x256x64xf32, #tpu.memory_space<vmem>>
    %dma_start3A_515 = tpu.memref_squeeze %dma_start3A_514 : memref<1x256x64xf32, #tpu.memory_space<vmem>> -> memref<256x64xf32, #tpu.memory_space<vmem>>
    tpu.enqueue_dma source(%dma_start3A_515 : memref<256x64xf32, #tpu.memory_space<vmem>>) target(%dma_start3A_511 : memref<256x64xf32, #tpu.memory_space<hbm>>) target_semaphore(%arg15 : memref<!tpu.dma_semaphore, #tpu.memory_space<semaphore_mem>>)
    %dma_wait3A_516 = arith.constant 1 : i32
    %dma_wait3A_517 = arith.constant 3 : i32
    %dma_wait3A_518 = arith.constant 0 : i32
    %dma_wait3A_519 = arith.constant 0 : i32
    %dma_wait3A_520 = tpu.memref_slice %arg8[%dma_wait3A_516, %dma_wait3A_518, %dma_wait3A_519] : memref<3x256x128xf32, #tpu.memory_space<vmem>> -> memref<1x256x64xf32, #tpu.memory_space<vmem>>
    %dma_wait3A_521 = tpu.memref_squeeze %dma_wait3A_520 : memref<1x256x64xf32, #tpu.memory_space<vmem>> -> memref<256x64xf32, #tpu.memory_space<vmem>>
    %dma_wait3A_522 = tpu.memref_slice %arg5[%dma_wait3A_517, %add3A_499, %mul3A_501] : memref<6x8192x128xf32, #tpu.memory_space<hbm>> -> memref<1x256x64xf32, #tpu.memory_space<hbm>>
    %dma_wait3A_523 = tpu.memref_squeeze %dma_wait3A_522 : memref<1x256x64xf32, #tpu.memory_space<hbm>> -> memref<256x64xf32, #tpu.memory_space<hbm>>
    %dma_wait3A_524 = tpu.memref_slice %arg5[%dma_wait3A_517, %add3A_499, %mul3A_501] : memref<6x8192x128xf32, #tpu.memory_space<hbm>> -> memref<1x256x64xf32, #tpu.memory_space<hbm>>
    %dma_wait3A_525 = tpu.memref_squeeze %dma_wait3A_524 : memref<1x256x64xf32, #tpu.memory_space<hbm>> -> memref<256x64xf32, #tpu.memory_space<hbm>>
    %dma_wait3A_526 = arith.constant 0 : i32
    %dma_wait3A_527 = arith.constant 0 : i32
    %dma_wait3A_528 = tpu.memref_slice %arg8[%dma_wait3A_516, %dma_wait3A_526, %dma_wait3A_527] : memref<3x256x128xf32, #tpu.memory_space<vmem>> -> memref<1x256x64xf32, #tpu.memory_space<vmem>>
    %dma_wait3A_529 = tpu.memref_squeeze %dma_wait3A_528 : memref<1x256x64xf32, #tpu.memory_space<vmem>> -> memref<256x64xf32, #tpu.memory_space<vmem>>
    tpu.wait_dma2 semaphore(%arg15 : memref<!tpu.dma_semaphore, #tpu.memory_space<semaphore_mem>>) src(%dma_wait3A_529 : memref<256x64xf32, #tpu.memory_space<vmem>>) dst(%dma_wait3A_525 : memref<256x64xf32, #tpu.memory_space<hbm>>)
    %dma_start3A_530 = arith.constant 5 : i32
    %dma_start3A_531 = arith.constant 0 : i32
    %dma_start3A_532 = arith.constant 1 : i32
    %dma_start3A_533 = arith.constant 0 : i32
    %dma_start3A_534 = arith.constant 0 : i32
    %dma_start3A_535 = tpu.memref_slice %arg8[%dma_start3A_532, %dma_start3A_533, %dma_start3A_534] : memref<3x256x128xf32, #tpu.memory_space<vmem>> -> memref<1x256x128xf32, #tpu.memory_space<vmem>>
    %dma_start3A_536 = tpu.memref_squeeze %dma_start3A_535 : memref<1x256x128xf32, #tpu.memory_space<vmem>> -> memref<256x128xf32, #tpu.memory_space<vmem>>
    %dma_start3A_537 = arith.constant 0 : i32
    %dma_start3A_538 = tpu.memref_slice %arg7[%dma_start3A_530, %dma_start3A_531, %dma_start3A_537] : memref<7x2x256xi32, #tpu.memory_space<vmem>> -> memref<1x1x256xi32, #tpu.memory_space<vmem>>
    %dma_start3A_539 = tpu.memref_squeeze %dma_start3A_538 : memref<1x1x256xi32, #tpu.memory_space<vmem>> -> memref<256xi32, #tpu.memory_space<vmem>>
    %dma_start3A_540 = arith.constant 0 : i32
    %dma_start3A_541 = arith.constant 0 : i32
    %dma_start3A_542 = tpu.memref_slice %arg2[%dma_start3A_540, %dma_start3A_541] : memref<100000x128xf32, #tpu.memory_space<hbm>> -> memref<100000x128xf32, #tpu.memory_space<hbm>>
    tpu.enqueue_indirect_dma source(%dma_start3A_542 : memref<100000x128xf32, #tpu.memory_space<hbm>>) target(%dma_start3A_536 : memref<256x128xf32, #tpu.memory_space<vmem>>) offsets(%dma_start3A_539 : memref<256xi32, #tpu.memory_space<vmem>>) semaphore(%arg12 : memref<!tpu.dma_semaphore, #tpu.memory_space<semaphore_mem>>)
    %dma_wait3A_543 = arith.constant 4 : i32
    %dma_wait3A_544 = arith.constant 0 : i32
    %dma_wait3A_545 = arith.constant 2 : i32
    %dma_wait3A_546 = arith.constant 0 : i32
    %dma_wait3A_547 = arith.constant 0 : i32
    %dma_wait3A_548 = tpu.memref_slice %arg8[%dma_wait3A_545, %dma_wait3A_546, %dma_wait3A_547] : memref<3x256x128xf32, #tpu.memory_space<vmem>> -> memref<1x256x128xf32, #tpu.memory_space<vmem>>
    %dma_wait3A_549 = tpu.memref_squeeze %dma_wait3A_548 : memref<1x256x128xf32, #tpu.memory_space<vmem>> -> memref<256x128xf32, #tpu.memory_space<vmem>>
    %dma_wait3A_550 = arith.constant 0 : i32
    %dma_wait3A_551 = tpu.memref_slice %arg7[%dma_wait3A_543, %dma_wait3A_544, %dma_wait3A_550] : memref<7x2x256xi32, #tpu.memory_space<vmem>> -> memref<1x1x256xi32, #tpu.memory_space<vmem>>
    %dma_wait3A_552 = tpu.memref_squeeze %dma_wait3A_551 : memref<1x1x256xi32, #tpu.memory_space<vmem>> -> memref<256xi32, #tpu.memory_space<vmem>>
    %dma_wait3A_553 = arith.constant 0 : i32
    %dma_wait3A_554 = arith.constant 0 : i32
    %dma_wait3A_555 = tpu.memref_slice %arg2[%dma_wait3A_553, %dma_wait3A_554] : memref<100000x128xf32, #tpu.memory_space<hbm>> -> memref<100000x128xf32, #tpu.memory_space<hbm>>
    tpu.wait_indirect_dma semaphore(%arg13 : memref<!tpu.dma_semaphore, #tpu.memory_space<semaphore_mem>>) src(%dma_wait3A_555 : memref<100000x128xf32, #tpu.memory_space<hbm>>) dst(%dma_wait3A_549 : memref<256x128xf32, #tpu.memory_space<vmem>>)
    %add3A_556 = arith.constant 0 : i32
    %add3A_557 = arith.addi %sub3A_21, %add3A_556 : i32
    %mul3A_558 = arith.constant 64 : i32
    %mul3A_559 = arith.muli %select_n3A, %mul3A_558 : i32
    %dma_start3A_560 = arith.constant 2 : i32
    %dma_start3A_561 = arith.constant 4 : i32
    %dma_start3A_562 = arith.constant 0 : i32
    %dma_start3A_563 = arith.constant 64 : i32
    %dma_start3A_564 = tpu.memref_slice %arg8[%dma_start3A_560, %dma_start3A_562, %dma_start3A_563] : memref<3x256x128xf32, #tpu.memory_space<vmem>> -> memref<1x256x64xf32, #tpu.memory_space<vmem>>
    %dma_start3A_565 = tpu.memref_squeeze %dma_start3A_564 : memref<1x256x64xf32, #tpu.memory_space<vmem>> -> memref<256x64xf32, #tpu.memory_space<vmem>>
    %dma_start3A_566 = tpu.memref_slice %arg5[%dma_start3A_561, %add3A_557, %mul3A_559] : memref<6x8192x128xf32, #tpu.memory_space<hbm>> -> memref<1x256x64xf32, #tpu.memory_space<hbm>>
    %dma_start3A_567 = tpu.memref_squeeze %dma_start3A_566 : memref<1x256x64xf32, #tpu.memory_space<hbm>> -> memref<256x64xf32, #tpu.memory_space<hbm>>
    %dma_start3A_568 = tpu.memref_slice %arg5[%dma_start3A_561, %add3A_557, %mul3A_559] : memref<6x8192x128xf32, #tpu.memory_space<hbm>> -> memref<1x256x64xf32, #tpu.memory_space<hbm>>
    %dma_start3A_569 = tpu.memref_squeeze %dma_start3A_568 : memref<1x256x64xf32, #tpu.memory_space<hbm>> -> memref<256x64xf32, #tpu.memory_space<hbm>>
    %dma_start3A_570 = arith.constant 0 : i32
    %dma_start3A_571 = arith.constant 64 : i32
    %dma_start3A_572 = tpu.memref_slice %arg8[%dma_start3A_560, %dma_start3A_570, %dma_start3A_571] : memref<3x256x128xf32, #tpu.memory_space<vmem>> -> memref<1x256x64xf32, #tpu.memory_space<vmem>>
    %dma_start3A_573 = tpu.memref_squeeze %dma_start3A_572 : memref<1x256x64xf32, #tpu.memory_space<vmem>> -> memref<256x64xf32, #tpu.memory_space<vmem>>
    tpu.enqueue_dma source(%dma_start3A_573 : memref<256x64xf32, #tpu.memory_space<vmem>>) target(%dma_start3A_569 : memref<256x64xf32, #tpu.memory_space<hbm>>) target_semaphore(%arg16 : memref<!tpu.dma_semaphore, #tpu.memory_space<semaphore_mem>>)
    %dma_wait3A_574 = arith.constant 2 : i32
    %dma_wait3A_575 = arith.constant 4 : i32
    %dma_wait3A_576 = arith.constant 0 : i32
    %dma_wait3A_577 = arith.constant 64 : i32
    %dma_wait3A_578 = tpu.memref_slice %arg8[%dma_wait3A_574, %dma_wait3A_576, %dma_wait3A_577] : memref<3x256x128xf32, #tpu.memory_space<vmem>> -> memref<1x256x64xf32, #tpu.memory_space<vmem>>
    %dma_wait3A_579 = tpu.memref_squeeze %dma_wait3A_578 : memref<1x256x64xf32, #tpu.memory_space<vmem>> -> memref<256x64xf32, #tpu.memory_space<vmem>>
    %dma_wait3A_580 = tpu.memref_slice %arg5[%dma_wait3A_575, %add3A_557, %mul3A_559] : memref<6x8192x128xf32, #tpu.memory_space<hbm>> -> memref<1x256x64xf32, #tpu.memory_space<hbm>>
    %dma_wait3A_581 = tpu.memref_squeeze %dma_wait3A_580 : memref<1x256x64xf32, #tpu.memory_space<hbm>> -> memref<256x64xf32, #tpu.memory_space<hbm>>
    %dma_wait3A_582 = tpu.memref_slice %arg5[%dma_wait3A_575, %add3A_557, %mul3A_559] : memref<6x8192x128xf32, #tpu.memory_space<hbm>> -> memref<1x256x64xf32, #tpu.memory_space<hbm>>
    %dma_wait3A_583 = tpu.memref_squeeze %dma_wait3A_582 : memref<1x256x64xf32, #tpu.memory_space<hbm>> -> memref<256x64xf32, #tpu.memory_space<hbm>>
    %dma_wait3A_584 = arith.constant 0 : i32
    %dma_wait3A_585 = arith.constant 64 : i32
    %dma_wait3A_586 = tpu.memref_slice %arg8[%dma_wait3A_574, %dma_wait3A_584, %dma_wait3A_585] : memref<3x256x128xf32, #tpu.memory_space<vmem>> -> memref<1x256x64xf32, #tpu.memory_space<vmem>>
    %dma_wait3A_587 = tpu.memref_squeeze %dma_wait3A_586 : memref<1x256x64xf32, #tpu.memory_space<vmem>> -> memref<256x64xf32, #tpu.memory_space<vmem>>
    tpu.wait_dma2 semaphore(%arg16 : memref<!tpu.dma_semaphore, #tpu.memory_space<semaphore_mem>>) src(%dma_wait3A_587 : memref<256x64xf32, #tpu.memory_space<vmem>>) dst(%dma_wait3A_583 : memref<256x64xf32, #tpu.memory_space<hbm>>)
    %dma_start3A_588 = arith.constant 5 : i32
    %dma_start3A_589 = arith.constant 1 : i32
    %dma_start3A_590 = arith.constant 2 : i32
    %dma_start3A_591 = arith.constant 0 : i32
    %dma_start3A_592 = arith.constant 0 : i32
    %dma_start3A_593 = tpu.memref_slice %arg8[%dma_start3A_590, %dma_start3A_591, %dma_start3A_592] : memref<3x256x128xf32, #tpu.memory_space<vmem>> -> memref<1x256x128xf32, #tpu.memory_space<vmem>>
    %dma_start3A_594 = tpu.memref_squeeze %dma_start3A_593 : memref<1x256x128xf32, #tpu.memory_space<vmem>> -> memref<256x128xf32, #tpu.memory_space<vmem>>
    %dma_start3A_595 = arith.constant 0 : i32
    %dma_start3A_596 = tpu.memref_slice %arg7[%dma_start3A_588, %dma_start3A_589, %dma_start3A_595] : memref<7x2x256xi32, #tpu.memory_space<vmem>> -> memref<1x1x256xi32, #tpu.memory_space<vmem>>
    %dma_start3A_597 = tpu.memref_squeeze %dma_start3A_596 : memref<1x1x256xi32, #tpu.memory_space<vmem>> -> memref<256xi32, #tpu.memory_space<vmem>>
    %dma_start3A_598 = arith.constant 0 : i32
    %dma_start3A_599 = arith.constant 0 : i32
    %dma_start3A_600 = tpu.memref_slice %arg2[%dma_start3A_598, %dma_start3A_599] : memref<100000x128xf32, #tpu.memory_space<hbm>> -> memref<100000x128xf32, #tpu.memory_space<hbm>>
    tpu.enqueue_indirect_dma source(%dma_start3A_600 : memref<100000x128xf32, #tpu.memory_space<hbm>>) target(%dma_start3A_594 : memref<256x128xf32, #tpu.memory_space<vmem>>) offsets(%dma_start3A_597 : memref<256xi32, #tpu.memory_space<vmem>>) semaphore(%arg13 : memref<!tpu.dma_semaphore, #tpu.memory_space<semaphore_mem>>)
    %dma_wait3A_601 = arith.constant 4 : i32
    %dma_wait3A_602 = arith.constant 1 : i32
    %dma_wait3A_603 = arith.constant 0 : i32
    %dma_wait3A_604 = arith.constant 0 : i32
    %dma_wait3A_605 = arith.constant 0 : i32
    %dma_wait3A_606 = tpu.memref_slice %arg8[%dma_wait3A_603, %dma_wait3A_604, %dma_wait3A_605] : memref<3x256x128xf32, #tpu.memory_space<vmem>> -> memref<1x256x128xf32, #tpu.memory_space<vmem>>
    %dma_wait3A_607 = tpu.memref_squeeze %dma_wait3A_606 : memref<1x256x128xf32, #tpu.memory_space<vmem>> -> memref<256x128xf32, #tpu.memory_space<vmem>>
    %dma_wait3A_608 = arith.constant 0 : i32
    %dma_wait3A_609 = tpu.memref_slice %arg7[%dma_wait3A_601, %dma_wait3A_602, %dma_wait3A_608] : memref<7x2x256xi32, #tpu.memory_space<vmem>> -> memref<1x1x256xi32, #tpu.memory_space<vmem>>
    %dma_wait3A_610 = tpu.memref_squeeze %dma_wait3A_609 : memref<1x1x256xi32, #tpu.memory_space<vmem>> -> memref<256xi32, #tpu.memory_space<vmem>>
    %dma_wait3A_611 = arith.constant 0 : i32
    %dma_wait3A_612 = arith.constant 0 : i32
    %dma_wait3A_613 = tpu.memref_slice %arg2[%dma_wait3A_611, %dma_wait3A_612] : memref<100000x128xf32, #tpu.memory_space<hbm>> -> memref<100000x128xf32, #tpu.memory_space<hbm>>
    tpu.wait_indirect_dma semaphore(%arg11 : memref<!tpu.dma_semaphore, #tpu.memory_space<semaphore_mem>>) src(%dma_wait3A_613 : memref<100000x128xf32, #tpu.memory_space<hbm>>) dst(%dma_wait3A_607 : memref<256x128xf32, #tpu.memory_space<vmem>>)
    %add3A_614 = arith.constant 256 : i32
    %add3A_615 = arith.addi %sub3A_21, %add3A_614 : i32
    %mul3A_616 = arith.constant 64 : i32
    %mul3A_617 = arith.muli %select_n3A, %mul3A_616 : i32
    %dma_start3A_618 = arith.constant 0 : i32
    %dma_start3A_619 = arith.constant 4 : i32
    %dma_start3A_620 = arith.constant 0 : i32
    %dma_start3A_621 = arith.constant 64 : i32
    %dma_start3A_622 = tpu.memref_slice %arg8[%dma_start3A_618, %dma_start3A_620, %dma_start3A_621] : memref<3x256x128xf32, #tpu.memory_space<vmem>> -> memref<1x256x64xf32, #tpu.memory_space<vmem>>
    %dma_start3A_623 = tpu.memref_squeeze %dma_start3A_622 : memref<1x256x64xf32, #tpu.memory_space<vmem>> -> memref<256x64xf32, #tpu.memory_space<vmem>>
    %dma_start3A_624 = tpu.memref_slice %arg5[%dma_start3A_619, %add3A_615, %mul3A_617] : memref<6x8192x128xf32, #tpu.memory_space<hbm>> -> memref<1x256x64xf32, #tpu.memory_space<hbm>>
    %dma_start3A_625 = tpu.memref_squeeze %dma_start3A_624 : memref<1x256x64xf32, #tpu.memory_space<hbm>> -> memref<256x64xf32, #tpu.memory_space<hbm>>
    %dma_start3A_626 = tpu.memref_slice %arg5[%dma_start3A_619, %add3A_615, %mul3A_617] : memref<6x8192x128xf32, #tpu.memory_space<hbm>> -> memref<1x256x64xf32, #tpu.memory_space<hbm>>
    %dma_start3A_627 = tpu.memref_squeeze %dma_start3A_626 : memref<1x256x64xf32, #tpu.memory_space<hbm>> -> memref<256x64xf32, #tpu.memory_space<hbm>>
    %dma_start3A_628 = arith.constant 0 : i32
    %dma_start3A_629 = arith.constant 64 : i32
    %dma_start3A_630 = tpu.memref_slice %arg8[%dma_start3A_618, %dma_start3A_628, %dma_start3A_629] : memref<3x256x128xf32, #tpu.memory_space<vmem>> -> memref<1x256x64xf32, #tpu.memory_space<vmem>>
    %dma_start3A_631 = tpu.memref_squeeze %dma_start3A_630 : memref<1x256x64xf32, #tpu.memory_space<vmem>> -> memref<256x64xf32, #tpu.memory_space<vmem>>
    tpu.enqueue_dma source(%dma_start3A_631 : memref<256x64xf32, #tpu.memory_space<vmem>>) target(%dma_start3A_627 : memref<256x64xf32, #tpu.memory_space<hbm>>) target_semaphore(%arg14 : memref<!tpu.dma_semaphore, #tpu.memory_space<semaphore_mem>>)
    %dma_wait3A_632 = arith.constant 5 : i32
    %dma_wait3A_633 = arith.constant 0 : i32
    %dma_wait3A_634 = arith.constant 1 : i32
    %dma_wait3A_635 = arith.constant 0 : i32
    %dma_wait3A_636 = arith.constant 0 : i32
    %dma_wait3A_637 = tpu.memref_slice %arg8[%dma_wait3A_634, %dma_wait3A_635, %dma_wait3A_636] : memref<3x256x128xf32, #tpu.memory_space<vmem>> -> memref<1x256x128xf32, #tpu.memory_space<vmem>>
    %dma_wait3A_638 = tpu.memref_squeeze %dma_wait3A_637 : memref<1x256x128xf32, #tpu.memory_space<vmem>> -> memref<256x128xf32, #tpu.memory_space<vmem>>
    %dma_wait3A_639 = arith.constant 0 : i32
    %dma_wait3A_640 = tpu.memref_slice %arg7[%dma_wait3A_632, %dma_wait3A_633, %dma_wait3A_639] : memref<7x2x256xi32, #tpu.memory_space<vmem>> -> memref<1x1x256xi32, #tpu.memory_space<vmem>>
    %dma_wait3A_641 = tpu.memref_squeeze %dma_wait3A_640 : memref<1x1x256xi32, #tpu.memory_space<vmem>> -> memref<256xi32, #tpu.memory_space<vmem>>
    %dma_wait3A_642 = arith.constant 0 : i32
    %dma_wait3A_643 = arith.constant 0 : i32
    %dma_wait3A_644 = tpu.memref_slice %arg2[%dma_wait3A_642, %dma_wait3A_643] : memref<100000x128xf32, #tpu.memory_space<hbm>> -> memref<100000x128xf32, #tpu.memory_space<hbm>>
    tpu.wait_indirect_dma semaphore(%arg12 : memref<!tpu.dma_semaphore, #tpu.memory_space<semaphore_mem>>) src(%dma_wait3A_644 : memref<100000x128xf32, #tpu.memory_space<hbm>>) dst(%dma_wait3A_638 : memref<256x128xf32, #tpu.memory_space<vmem>>)
    %add3A_645 = arith.constant 0 : i32
    %add3A_646 = arith.addi %sub3A_21, %add3A_645 : i32
    %mul3A_647 = arith.constant 64 : i32
    %mul3A_648 = arith.muli %select_n3A, %mul3A_647 : i32
    %dma_start3A_649 = arith.constant 1 : i32
    %dma_start3A_650 = arith.constant 5 : i32
    %dma_start3A_651 = arith.constant 0 : i32
    %dma_start3A_652 = arith.constant 64 : i32
    %dma_start3A_653 = tpu.memref_slice %arg8[%dma_start3A_649, %dma_start3A_651, %dma_start3A_652] : memref<3x256x128xf32, #tpu.memory_space<vmem>> -> memref<1x256x64xf32, #tpu.memory_space<vmem>>
    %dma_start3A_654 = tpu.memref_squeeze %dma_start3A_653 : memref<1x256x64xf32, #tpu.memory_space<vmem>> -> memref<256x64xf32, #tpu.memory_space<vmem>>
    %dma_start3A_655 = tpu.memref_slice %arg5[%dma_start3A_650, %add3A_646, %mul3A_648] : memref<6x8192x128xf32, #tpu.memory_space<hbm>> -> memref<1x256x64xf32, #tpu.memory_space<hbm>>
    %dma_start3A_656 = tpu.memref_squeeze %dma_start3A_655 : memref<1x256x64xf32, #tpu.memory_space<hbm>> -> memref<256x64xf32, #tpu.memory_space<hbm>>
    %dma_start3A_657 = tpu.memref_slice %arg5[%dma_start3A_650, %add3A_646, %mul3A_648] : memref<6x8192x128xf32, #tpu.memory_space<hbm>> -> memref<1x256x64xf32, #tpu.memory_space<hbm>>
    %dma_start3A_658 = tpu.memref_squeeze %dma_start3A_657 : memref<1x256x64xf32, #tpu.memory_space<hbm>> -> memref<256x64xf32, #tpu.memory_space<hbm>>
    %dma_start3A_659 = arith.constant 0 : i32
    %dma_start3A_660 = arith.constant 64 : i32
    %dma_start3A_661 = tpu.memref_slice %arg8[%dma_start3A_649, %dma_start3A_659, %dma_start3A_660] : memref<3x256x128xf32, #tpu.memory_space<vmem>> -> memref<1x256x64xf32, #tpu.memory_space<vmem>>
    %dma_start3A_662 = tpu.memref_squeeze %dma_start3A_661 : memref<1x256x64xf32, #tpu.memory_space<vmem>> -> memref<256x64xf32, #tpu.memory_space<vmem>>
    tpu.enqueue_dma source(%dma_start3A_662 : memref<256x64xf32, #tpu.memory_space<vmem>>) target(%dma_start3A_658 : memref<256x64xf32, #tpu.memory_space<hbm>>) target_semaphore(%arg15 : memref<!tpu.dma_semaphore, #tpu.memory_space<semaphore_mem>>)
    %dma_wait3A_663 = arith.constant 5 : i32
    %dma_wait3A_664 = arith.constant 1 : i32
    %dma_wait3A_665 = arith.constant 2 : i32
    %dma_wait3A_666 = arith.constant 0 : i32
    %dma_wait3A_667 = arith.constant 0 : i32
    %dma_wait3A_668 = tpu.memref_slice %arg8[%dma_wait3A_665, %dma_wait3A_666, %dma_wait3A_667] : memref<3x256x128xf32, #tpu.memory_space<vmem>> -> memref<1x256x128xf32, #tpu.memory_space<vmem>>
    %dma_wait3A_669 = tpu.memref_squeeze %dma_wait3A_668 : memref<1x256x128xf32, #tpu.memory_space<vmem>> -> memref<256x128xf32, #tpu.memory_space<vmem>>
    %dma_wait3A_670 = arith.constant 0 : i32
    %dma_wait3A_671 = tpu.memref_slice %arg7[%dma_wait3A_663, %dma_wait3A_664, %dma_wait3A_670] : memref<7x2x256xi32, #tpu.memory_space<vmem>> -> memref<1x1x256xi32, #tpu.memory_space<vmem>>
    %dma_wait3A_672 = tpu.memref_squeeze %dma_wait3A_671 : memref<1x1x256xi32, #tpu.memory_space<vmem>> -> memref<256xi32, #tpu.memory_space<vmem>>
    %dma_wait3A_673 = arith.constant 0 : i32
    %dma_wait3A_674 = arith.constant 0 : i32
    %dma_wait3A_675 = tpu.memref_slice %arg2[%dma_wait3A_673, %dma_wait3A_674] : memref<100000x128xf32, #tpu.memory_space<hbm>> -> memref<100000x128xf32, #tpu.memory_space<hbm>>
    tpu.wait_indirect_dma semaphore(%arg13 : memref<!tpu.dma_semaphore, #tpu.memory_space<semaphore_mem>>) src(%dma_wait3A_675 : memref<100000x128xf32, #tpu.memory_space<hbm>>) dst(%dma_wait3A_669 : memref<256x128xf32, #tpu.memory_space<vmem>>)
    %add3A_676 = arith.constant 256 : i32
    %add3A_677 = arith.addi %sub3A_21, %add3A_676 : i32
    %mul3A_678 = arith.constant 64 : i32
    %mul3A_679 = arith.muli %select_n3A, %mul3A_678 : i32
    %dma_start3A_680 = arith.constant 2 : i32
    %dma_start3A_681 = arith.constant 5 : i32
    %dma_start3A_682 = arith.constant 0 : i32
    %dma_start3A_683 = arith.constant 64 : i32
    %dma_start3A_684 = tpu.memref_slice %arg8[%dma_start3A_680, %dma_start3A_682, %dma_start3A_683] : memref<3x256x128xf32, #tpu.memory_space<vmem>> -> memref<1x256x64xf32, #tpu.memory_space<vmem>>
    %dma_start3A_685 = tpu.memref_squeeze %dma_start3A_684 : memref<1x256x64xf32, #tpu.memory_space<vmem>> -> memref<256x64xf32, #tpu.memory_space<vmem>>
    %dma_start3A_686 = tpu.memref_slice %arg5[%dma_start3A_681, %add3A_677, %mul3A_679] : memref<6x8192x128xf32, #tpu.memory_space<hbm>> -> memref<1x256x64xf32, #tpu.memory_space<hbm>>
    %dma_start3A_687 = tpu.memref_squeeze %dma_start3A_686 : memref<1x256x64xf32, #tpu.memory_space<hbm>> -> memref<256x64xf32, #tpu.memory_space<hbm>>
    %dma_start3A_688 = tpu.memref_slice %arg5[%dma_start3A_681, %add3A_677, %mul3A_679] : memref<6x8192x128xf32, #tpu.memory_space<hbm>> -> memref<1x256x64xf32, #tpu.memory_space<hbm>>
    %dma_start3A_689 = tpu.memref_squeeze %dma_start3A_688 : memref<1x256x64xf32, #tpu.memory_space<hbm>> -> memref<256x64xf32, #tpu.memory_space<hbm>>
    %dma_start3A_690 = arith.constant 0 : i32
    %dma_start3A_691 = arith.constant 64 : i32
    %dma_start3A_692 = tpu.memref_slice %arg8[%dma_start3A_680, %dma_start3A_690, %dma_start3A_691] : memref<3x256x128xf32, #tpu.memory_space<vmem>> -> memref<1x256x64xf32, #tpu.memory_space<vmem>>
    %dma_start3A_693 = tpu.memref_squeeze %dma_start3A_692 : memref<1x256x64xf32, #tpu.memory_space<vmem>> -> memref<256x64xf32, #tpu.memory_space<vmem>>
    tpu.enqueue_dma source(%dma_start3A_693 : memref<256x64xf32, #tpu.memory_space<vmem>>) target(%dma_start3A_689 : memref<256x64xf32, #tpu.memory_space<hbm>>) target_semaphore(%arg16 : memref<!tpu.dma_semaphore, #tpu.memory_space<semaphore_mem>>)
    %dma_wait3A_694 = arith.constant 0 : i32
    %dma_wait3A_695 = arith.constant 4 : i32
    %dma_wait3A_696 = arith.constant 0 : i32
    %dma_wait3A_697 = arith.constant 64 : i32
    %dma_wait3A_698 = tpu.memref_slice %arg8[%dma_wait3A_694, %dma_wait3A_696, %dma_wait3A_697] : memref<3x256x128xf32, #tpu.memory_space<vmem>> -> memref<1x256x64xf32, #tpu.memory_space<vmem>>
    %dma_wait3A_699 = tpu.memref_squeeze %dma_wait3A_698 : memref<1x256x64xf32, #tpu.memory_space<vmem>> -> memref<256x64xf32, #tpu.memory_space<vmem>>
    %dma_wait3A_700 = tpu.memref_slice %arg5[%dma_wait3A_695, %add3A_615, %mul3A_617] : memref<6x8192x128xf32, #tpu.memory_space<hbm>> -> memref<1x256x64xf32, #tpu.memory_space<hbm>>
    %dma_wait3A_701 = tpu.memref_squeeze %dma_wait3A_700 : memref<1x256x64xf32, #tpu.memory_space<hbm>> -> memref<256x64xf32, #tpu.memory_space<hbm>>
    %dma_wait3A_702 = tpu.memref_slice %arg5[%dma_wait3A_695, %add3A_615, %mul3A_617] : memref<6x8192x128xf32, #tpu.memory_space<hbm>> -> memref<1x256x64xf32, #tpu.memory_space<hbm>>
    %dma_wait3A_703 = tpu.memref_squeeze %dma_wait3A_702 : memref<1x256x64xf32, #tpu.memory_space<hbm>> -> memref<256x64xf32, #tpu.memory_space<hbm>>
    %dma_wait3A_704 = arith.constant 0 : i32
    %dma_wait3A_705 = arith.constant 64 : i32
    %dma_wait3A_706 = tpu.memref_slice %arg8[%dma_wait3A_694, %dma_wait3A_704, %dma_wait3A_705] : memref<3x256x128xf32, #tpu.memory_space<vmem>> -> memref<1x256x64xf32, #tpu.memory_space<vmem>>
    %dma_wait3A_707 = tpu.memref_squeeze %dma_wait3A_706 : memref<1x256x64xf32, #tpu.memory_space<vmem>> -> memref<256x64xf32, #tpu.memory_space<vmem>>
    tpu.wait_dma2 semaphore(%arg14 : memref<!tpu.dma_semaphore, #tpu.memory_space<semaphore_mem>>) src(%dma_wait3A_707 : memref<256x64xf32, #tpu.memory_space<vmem>>) dst(%dma_wait3A_703 : memref<256x64xf32, #tpu.memory_space<hbm>>)
    %dma_wait3A_708 = arith.constant 1 : i32
    %dma_wait3A_709 = arith.constant 5 : i32
    %dma_wait3A_710 = arith.constant 0 : i32
    %dma_wait3A_711 = arith.constant 64 : i32
    %dma_wait3A_712 = tpu.memref_slice %arg8[%dma_wait3A_708, %dma_wait3A_710, %dma_wait3A_711] : memref<3x256x128xf32, #tpu.memory_space<vmem>> -> memref<1x256x64xf32, #tpu.memory_space<vmem>>
    %dma_wait3A_713 = tpu.memref_squeeze %dma_wait3A_712 : memref<1x256x64xf32, #tpu.memory_space<vmem>> -> memref<256x64xf32, #tpu.memory_space<vmem>>
    %dma_wait3A_714 = tpu.memref_slice %arg5[%dma_wait3A_709, %add3A_646, %mul3A_648] : memref<6x8192x128xf32, #tpu.memory_space<hbm>> -> memref<1x256x64xf32, #tpu.memory_space<hbm>>
    %dma_wait3A_715 = tpu.memref_squeeze %dma_wait3A_714 : memref<1x256x64xf32, #tpu.memory_space<hbm>> -> memref<256x64xf32, #tpu.memory_space<hbm>>
    %dma_wait3A_716 = tpu.memref_slice %arg5[%dma_wait3A_709, %add3A_646, %mul3A_648] : memref<6x8192x128xf32, #tpu.memory_space<hbm>> -> memref<1x256x64xf32, #tpu.memory_space<hbm>>
    %dma_wait3A_717 = tpu.memref_squeeze %dma_wait3A_716 : memref<1x256x64xf32, #tpu.memory_space<hbm>> -> memref<256x64xf32, #tpu.memory_space<hbm>>
    %dma_wait3A_718 = arith.constant 0 : i32
    %dma_wait3A_719 = arith.constant 64 : i32
    %dma_wait3A_720 = tpu.memref_slice %arg8[%dma_wait3A_708, %dma_wait3A_718, %dma_wait3A_719] : memref<3x256x128xf32, #tpu.memory_space<vmem>> -> memref<1x256x64xf32, #tpu.memory_space<vmem>>
    %dma_wait3A_721 = tpu.memref_squeeze %dma_wait3A_720 : memref<1x256x64xf32, #tpu.memory_space<vmem>> -> memref<256x64xf32, #tpu.memory_space<vmem>>
    tpu.wait_dma2 semaphore(%arg15 : memref<!tpu.dma_semaphore, #tpu.memory_space<semaphore_mem>>) src(%dma_wait3A_721 : memref<256x64xf32, #tpu.memory_space<vmem>>) dst(%dma_wait3A_717 : memref<256x64xf32, #tpu.memory_space<hbm>>)
    %dma_wait3A_722 = arith.constant 2 : i32
    %dma_wait3A_723 = arith.constant 5 : i32
    %dma_wait3A_724 = arith.constant 0 : i32
    %dma_wait3A_725 = arith.constant 64 : i32
    %dma_wait3A_726 = tpu.memref_slice %arg8[%dma_wait3A_722, %dma_wait3A_724, %dma_wait3A_725] : memref<3x256x128xf32, #tpu.memory_space<vmem>> -> memref<1x256x64xf32, #tpu.memory_space<vmem>>
    %dma_wait3A_727 = tpu.memref_squeeze %dma_wait3A_726 : memref<1x256x64xf32, #tpu.memory_space<vmem>> -> memref<256x64xf32, #tpu.memory_space<vmem>>
    %dma_wait3A_728 = tpu.memref_slice %arg5[%dma_wait3A_723, %add3A_677, %mul3A_679] : memref<6x8192x128xf32, #tpu.memory_space<hbm>> -> memref<1x256x64xf32, #tpu.memory_space<hbm>>
    %dma_wait3A_729 = tpu.memref_squeeze %dma_wait3A_728 : memref<1x256x64xf32, #tpu.memory_space<hbm>> -> memref<256x64xf32, #tpu.memory_space<hbm>>
    %dma_wait3A_730 = tpu.memref_slice %arg5[%dma_wait3A_723, %add3A_677, %mul3A_679] : memref<6x8192x128xf32, #tpu.memory_space<hbm>> -> memref<1x256x64xf32, #tpu.memory_space<hbm>>
    %dma_wait3A_731 = tpu.memref_squeeze %dma_wait3A_730 : memref<1x256x64xf32, #tpu.memory_space<hbm>> -> memref<256x64xf32, #tpu.memory_space<hbm>>
    %dma_wait3A_732 = arith.constant 0 : i32
    %dma_wait3A_733 = arith.constant 64 : i32
    %dma_wait3A_734 = tpu.memref_slice %arg8[%dma_wait3A_722, %dma_wait3A_732, %dma_wait3A_733] : memref<3x256x128xf32, #tpu.memory_space<vmem>> -> memref<1x256x64xf32, #tpu.memory_space<vmem>>
    %dma_wait3A_735 = tpu.memref_squeeze %dma_wait3A_734 : memref<1x256x64xf32, #tpu.memory_space<vmem>> -> memref<256x64xf32, #tpu.memory_space<vmem>>
    tpu.wait_dma2 semaphore(%arg16 : memref<!tpu.dma_semaphore, #tpu.memory_space<semaphore_mem>>) src(%dma_wait3A_735 : memref<256x64xf32, #tpu.memory_space<vmem>>) dst(%dma_wait3A_731 : memref<256x64xf32, #tpu.memory_space<hbm>>)
    %run_scoped3A = arith.constant 6 : i32
    %run_scoped3A_736 = arith.constant 0 : i32
    "tpu.region"() ({
      %run_scoped3A_743 = tpu.sem_alloc : memref<!tpu.dma_semaphore, #tpu.memory_space<semaphore_mem>>
      %dma_start3A_744 = arith.constant 0 : i32
      %dma_start3A_745 = tpu.memref_slice %arg7[%run_scoped3A, %run_scoped3A_736, %dma_start3A_744] : memref<7x2x256xi32, #tpu.memory_space<vmem>> -> memref<1x1x256xi32, #tpu.memory_space<vmem>>
      %dma_start3A_746 = tpu.memref_squeeze %dma_start3A_745 : memref<1x1x256xi32, #tpu.memory_space<vmem>> -> memref<256xi32, #tpu.memory_space<vmem>>
      %dma_start3A_747 = arith.constant 0 : i32
      %dma_start3A_748 = tpu.memref_slice %arg3[%dma_start3A_747] : memref<100000xf32, #tpu.memory_space<hbm>> -> memref<100000xf32, #tpu.memory_space<hbm>>
      tpu.enqueue_indirect_dma source(%dma_start3A_748 : memref<100000xf32, #tpu.memory_space<hbm>>) target(%arg9 : memref<256xf32, #tpu.memory_space<vmem>>) offsets(%dma_start3A_746 : memref<256xi32, #tpu.memory_space<vmem>>) semaphore(%run_scoped3A_743 : memref<!tpu.dma_semaphore, #tpu.memory_space<semaphore_mem>>)
      %dma_wait3A_749 = arith.constant 0 : i32
      %dma_wait3A_750 = tpu.memref_slice %arg7[%run_scoped3A, %run_scoped3A_736, %dma_wait3A_749] : memref<7x2x256xi32, #tpu.memory_space<vmem>> -> memref<1x1x256xi32, #tpu.memory_space<vmem>>
      %dma_wait3A_751 = tpu.memref_squeeze %dma_wait3A_750 : memref<1x1x256xi32, #tpu.memory_space<vmem>> -> memref<256xi32, #tpu.memory_space<vmem>>
      %dma_wait3A_752 = arith.constant 0 : i32
      %dma_wait3A_753 = tpu.memref_slice %arg3[%dma_wait3A_752] : memref<100000xf32, #tpu.memory_space<hbm>> -> memref<100000xf32, #tpu.memory_space<hbm>>
      tpu.wait_indirect_dma semaphore(%run_scoped3A_743 : memref<!tpu.dma_semaphore, #tpu.memory_space<semaphore_mem>>) src(%dma_wait3A_753 : memref<100000xf32, #tpu.memory_space<hbm>>) dst(%arg9 : memref<256xf32, #tpu.memory_space<vmem>>)
      tpu.yield
    }) : () -> ()
    %add3A_737 = arith.constant 0 : i32
    %add3A_738 = arith.addi %mul3A_2, %add3A_737 : i32
    "tpu.region"() ({
      %run_scoped3A_743 = tpu.sem_alloc : memref<!tpu.dma_semaphore, #tpu.memory_space<semaphore_mem>>
      %dma_start3A_744 = tpu.memref_slice %arg6[%add3A_738] : memref<16384xf32, #tpu.memory_space<hbm>> -> memref<256xf32, #tpu.memory_space<hbm>>
      %dma_start3A_745 = tpu.memref_slice %arg6[%add3A_738] : memref<16384xf32, #tpu.memory_space<hbm>> -> memref<256xf32, #tpu.memory_space<hbm>>
      tpu.enqueue_dma source(%arg9 : memref<256xf32, #tpu.memory_space<vmem>>) target(%dma_start3A_745 : memref<256xf32, #tpu.memory_space<hbm>>) target_semaphore(%run_scoped3A_743 : memref<!tpu.dma_semaphore, #tpu.memory_space<semaphore_mem>>)
      %dma_wait3A_746 = tpu.memref_slice %arg6[%add3A_738] : memref<16384xf32, #tpu.memory_space<hbm>> -> memref<256xf32, #tpu.memory_space<hbm>>
      %dma_wait3A_747 = tpu.memref_slice %arg6[%add3A_738] : memref<16384xf32, #tpu.memory_space<hbm>> -> memref<256xf32, #tpu.memory_space<hbm>>
      tpu.wait_dma2 semaphore(%run_scoped3A_743 : memref<!tpu.dma_semaphore, #tpu.memory_space<semaphore_mem>>) src(%arg9 : memref<256xf32, #tpu.memory_space<vmem>>) dst(%dma_wait3A_747 : memref<256xf32, #tpu.memory_space<hbm>>)
      tpu.yield
    }) : () -> ()
    %run_scoped3A_739 = arith.constant 6 : i32
    %run_scoped3A_740 = arith.constant 1 : i32
    "tpu.region"() ({
      %run_scoped3A_743 = tpu.sem_alloc : memref<!tpu.dma_semaphore, #tpu.memory_space<semaphore_mem>>
      %dma_start3A_744 = arith.constant 0 : i32
      %dma_start3A_745 = tpu.memref_slice %arg7[%run_scoped3A_739, %run_scoped3A_740, %dma_start3A_744] : memref<7x2x256xi32, #tpu.memory_space<vmem>> -> memref<1x1x256xi32, #tpu.memory_space<vmem>>
      %dma_start3A_746 = tpu.memref_squeeze %dma_start3A_745 : memref<1x1x256xi32, #tpu.memory_space<vmem>> -> memref<256xi32, #tpu.memory_space<vmem>>
      %dma_start3A_747 = arith.constant 0 : i32
      %dma_start3A_748 = tpu.memref_slice %arg3[%dma_start3A_747] : memref<100000xf32, #tpu.memory_space<hbm>> -> memref<100000xf32, #tpu.memory_space<hbm>>
      tpu.enqueue_indirect_dma source(%dma_start3A_748 : memref<100000xf32, #tpu.memory_space<hbm>>) target(%arg9 : memref<256xf32, #tpu.memory_space<vmem>>) offsets(%dma_start3A_746 : memref<256xi32, #tpu.memory_space<vmem>>) semaphore(%run_scoped3A_743 : memref<!tpu.dma_semaphore, #tpu.memory_space<semaphore_mem>>)
      %dma_wait3A_749 = arith.constant 0 : i32
      %dma_wait3A_750 = tpu.memref_slice %arg7[%run_scoped3A_739, %run_scoped3A_740, %dma_wait3A_749] : memref<7x2x256xi32, #tpu.memory_space<vmem>> -> memref<1x1x256xi32, #tpu.memory_space<vmem>>
      %dma_wait3A_751 = tpu.memref_squeeze %dma_wait3A_750 : memref<1x1x256xi32, #tpu.memory_space<vmem>> -> memref<256xi32, #tpu.memory_space<vmem>>
      %dma_wait3A_752 = arith.constant 0 : i32
      %dma_wait3A_753 = tpu.memref_slice %arg3[%dma_wait3A_752] : memref<100000xf32, #tpu.memory_space<hbm>> -> memref<100000xf32, #tpu.memory_space<hbm>>
      tpu.wait_indirect_dma semaphore(%run_scoped3A_743 : memref<!tpu.dma_semaphore, #tpu.memory_space<semaphore_mem>>) src(%dma_wait3A_753 : memref<100000xf32, #tpu.memory_space<hbm>>) dst(%arg9 : memref<256xf32, #tpu.memory_space<vmem>>)
      tpu.yield
    }) : () -> ()
    %add3A_741 = arith.constant 256 : i32
    %add3A_742 = arith.addi %mul3A_2, %add3A_741 : i32
    "tpu.region"() ({
      %run_scoped3A_743 = tpu.sem_alloc : memref<!tpu.dma_semaphore, #tpu.memory_space<semaphore_mem>>
      %dma_start3A_744 = tpu.memref_slice %arg6[%add3A_742] : memref<16384xf32, #tpu.memory_space<hbm>> -> memref<256xf32, #tpu.memory_space<hbm>>
      %dma_start3A_745 = tpu.memref_slice %arg6[%add3A_742] : memref<16384xf32, #tpu.memory_space<hbm>> -> memref<256xf32, #tpu.memory_space<hbm>>
      tpu.enqueue_dma source(%arg9 : memref<256xf32, #tpu.memory_space<vmem>>) target(%dma_start3A_745 : memref<256xf32, #tpu.memory_space<hbm>>) target_semaphore(%run_scoped3A_743 : memref<!tpu.dma_semaphore, #tpu.memory_space<semaphore_mem>>)
      %dma_wait3A_746 = tpu.memref_slice %arg6[%add3A_742] : memref<16384xf32, #tpu.memory_space<hbm>> -> memref<256xf32, #tpu.memory_space<hbm>>
      %dma_wait3A_747 = tpu.memref_slice %arg6[%add3A_742] : memref<16384xf32, #tpu.memory_space<hbm>> -> memref<256xf32, #tpu.memory_space<hbm>>
      tpu.wait_dma2 semaphore(%run_scoped3A_743 : memref<!tpu.dma_semaphore, #tpu.memory_space<semaphore_mem>>) src(%arg9 : memref<256xf32, #tpu.memory_space<vmem>>) dst(%dma_wait3A_747 : memref<256xf32, #tpu.memory_space<hbm>>)
      tpu.yield
    }) : () -> ()
    return
  }
}

#map = affine_map<(d0, d1) -> (0, 0)>
#map1 = affine_map<(d0, d1) -> (0)>
#map2 = affine_map<(d0, d1) -> (0, 0, 0, 0)>
#map3 = affine_map<(d0, d1) -> (0, 0, 0)>
module attributes {stable_mosaic.version = 14 : i64} {
  func.func @sc_gather(%arg0: i32, %arg1: i32, %arg2: memref<100000x128xf32, #tpu.memory_space<hbm>>, %arg3: memref<100000xf32, #tpu.memory_space<hbm>>, %arg4: memref<100000xf32, #tpu.memory_space<hbm>>, %arg5: memref<3x32x2x256xi32, #tpu.memory_space<hbm>>, %arg6: memref<4x8192x128xf32, #tpu.memory_space<hbm>>, %arg7: memref<16384xf32, #tpu.memory_space<hbm>>, %arg8: memref<16384xf32, #tpu.memory_space<hbm>>, %arg9: memref<3x2x256xi32, #tpu.memory_space<vmem>>, %arg10: memref<3x256x128xf32, #tpu.memory_space<vmem>>, %arg11: memref<256xf32, #tpu.memory_space<vmem>>, %arg12: memref<!tpu.dma_semaphore, #tpu.memory_space<semaphore_mem>>, %arg13: memref<!tpu.dma_semaphore, #tpu.memory_space<semaphore_mem>>, %arg14: memref<!tpu.dma_semaphore, #tpu.memory_space<semaphore_mem>>, %arg15: memref<!tpu.dma_semaphore, #tpu.memory_space<semaphore_mem>>, %arg16: memref<!tpu.dma_semaphore, #tpu.memory_space<semaphore_mem>>, %arg17: memref<!tpu.dma_semaphore, #tpu.memory_space<semaphore_mem>>, %arg18: memref<!tpu.dma_semaphore, #tpu.memory_space<semaphore_mem>>) attributes {dimension_semantics = [#tpu.dimension_semantics<core_parallel>, #tpu.dimension_semantics<subcore_parallel>], iteration_bounds = array<i64: 2, 16>, scalar_prefetch = 0 : i64, scratch_operands = 10 : i64, tpu.core_type = #tpu.core_type<sc_vector_subcore>, window_params = [{transform_indices = #map}, {transform_indices = #map1}, {transform_indices = #map1}, {transform_indices = #map2}, {transform_indices = #map3}, {transform_indices = #map1}, {transform_indices = #map1}]} {
    %mul3A = arith.constant 2 : i32
    %mul3A_0 = arith.muli %arg1, %mul3A : i32
    %add3A = arith.addi %mul3A_0, %arg0 : i32
    %mul3A_1 = arith.constant 512 : i32
    %mul3A_2 = arith.muli %add3A, %mul3A_1 : i32
    %jit3A = arith.constant 8192 : i32
    %div3A = arith.divsi %mul3A_2, %jit3A : i32
    %sign3A = arith.constant 0 : i32
    %sign3A_3 = arith.cmpi sgt, %mul3A_2, %sign3A : i32
    %sign3A_4 = arith.extui %sign3A_3 : i1 to i32
    %sign3A_5 = arith.constant 0 : i32
    %sign3A_6 = arith.cmpi slt, %mul3A_2, %sign3A_5 : i32
    %sign3A_7 = arith.extui %sign3A_6 : i1 to i32
    %sign3A_8 = arith.subi %sign3A_4, %sign3A_7 : i32
    %sign3A_9 = arith.constant 0 : i32
    %sign3A_10 = arith.cmpi sgt, %jit3A, %sign3A_9 : i32
    %sign3A_11 = arith.extui %sign3A_10 : i1 to i32
    %sign3A_12 = arith.constant 0 : i32
    %sign3A_13 = arith.cmpi slt, %jit3A, %sign3A_12 : i32
    %sign3A_14 = arith.extui %sign3A_13 : i1 to i32
    %sign3A_15 = arith.subi %sign3A_11, %sign3A_14 : i32
    %ne3A = arith.cmpi ne, %sign3A_8, %sign3A_15 : i32
    %rem3A = arith.remsi %mul3A_2, %jit3A : i32
    %ne3A_16 = arith.constant 0 : i32
    %ne3A_17 = arith.cmpi ne, %rem3A, %ne3A_16 : i32
    %and3A = arith.andi %ne3A, %ne3A_17 : i1
    %sub3A = arith.constant 1 : i32
    %sub3A_18 = arith.subi %div3A, %sub3A : i32
    %select_n3A = arith.select %and3A, %sub3A_18, %div3A : i32
    %mul3A_19 = arith.constant 8192 : i32
    %mul3A_20 = arith.muli %select_n3A, %mul3A_19 : i32
    %sub3A_21 = arith.subi %mul3A_2, %mul3A_20 : i32
    %dma_start3A = arith.constant 0 : i32
    %dma_start3A_22 = arith.constant 0 : i32
    %dma_start3A_23 = arith.constant 0 : i32
    %dma_start3A_24 = tpu.memref_slice %arg5[%dma_start3A, %add3A, %dma_start3A_22, %dma_start3A_23] : memref<3x32x2x256xi32, #tpu.memory_space<hbm>> -> memref<3x1x2x256xi32, #tpu.memory_space<hbm>>
    %dma_start3A_25 = tpu.memref_squeeze %dma_start3A_24 : memref<3x1x2x256xi32, #tpu.memory_space<hbm>> -> memref<3x2x256xi32, #tpu.memory_space<hbm>>
    %dma_start3A_26 = arith.constant 0 : i32
    %dma_start3A_27 = arith.constant 0 : i32
    %dma_start3A_28 = arith.constant 0 : i32
    %dma_start3A_29 = tpu.memref_slice %arg5[%dma_start3A_26, %add3A, %dma_start3A_27, %dma_start3A_28] : memref<3x32x2x256xi32, #tpu.memory_space<hbm>> -> memref<3x1x2x256xi32, #tpu.memory_space<hbm>>
    %dma_start3A_30 = tpu.memref_squeeze %dma_start3A_29 : memref<3x1x2x256xi32, #tpu.memory_space<hbm>> -> memref<3x2x256xi32, #tpu.memory_space<hbm>>
    tpu.enqueue_dma source(%dma_start3A_30 : memref<3x2x256xi32, #tpu.memory_space<hbm>>) target(%arg9 : memref<3x2x256xi32, #tpu.memory_space<vmem>>) target_semaphore(%arg12 : memref<!tpu.dma_semaphore, #tpu.memory_space<semaphore_mem>>)
    %dma_wait3A = arith.constant 0 : i32
    %dma_wait3A_31 = arith.constant 0 : i32
    %dma_wait3A_32 = arith.constant 0 : i32
    %dma_wait3A_33 = tpu.memref_slice %arg5[%dma_wait3A, %add3A, %dma_wait3A_31, %dma_wait3A_32] : memref<3x32x2x256xi32, #tpu.memory_space<hbm>> -> memref<3x1x2x256xi32, #tpu.memory_space<hbm>>
    %dma_wait3A_34 = tpu.memref_squeeze %dma_wait3A_33 : memref<3x1x2x256xi32, #tpu.memory_space<hbm>> -> memref<3x2x256xi32, #tpu.memory_space<hbm>>
    %dma_wait3A_35 = arith.constant 0 : i32
    %dma_wait3A_36 = arith.constant 0 : i32
    %dma_wait3A_37 = arith.constant 0 : i32
    %dma_wait3A_38 = tpu.memref_slice %arg5[%dma_wait3A_35, %add3A, %dma_wait3A_36, %dma_wait3A_37] : memref<3x32x2x256xi32, #tpu.memory_space<hbm>> -> memref<3x1x2x256xi32, #tpu.memory_space<hbm>>
    %dma_wait3A_39 = tpu.memref_squeeze %dma_wait3A_38 : memref<3x1x2x256xi32, #tpu.memory_space<hbm>> -> memref<3x2x256xi32, #tpu.memory_space<hbm>>
    tpu.wait_dma2 semaphore(%arg12 : memref<!tpu.dma_semaphore, #tpu.memory_space<semaphore_mem>>) src(%dma_wait3A_39 : memref<3x2x256xi32, #tpu.memory_space<hbm>>) dst(%arg9 : memref<3x2x256xi32, #tpu.memory_space<vmem>>)
    %dma_start3A_40 = arith.constant 0 : i32
    %dma_start3A_41 = arith.constant 0 : i32
    %dma_start3A_42 = arith.constant 0 : i32
    %dma_start3A_43 = arith.constant 0 : i32
    %dma_start3A_44 = arith.constant 0 : i32
    %dma_start3A_45 = tpu.memref_slice %arg10[%dma_start3A_42, %dma_start3A_43, %dma_start3A_44] : memref<3x256x128xf32, #tpu.memory_space<vmem>> -> memref<1x256x128xf32, #tpu.memory_space<vmem>>
    %dma_start3A_46 = tpu.memref_squeeze %dma_start3A_45 : memref<1x256x128xf32, #tpu.memory_space<vmem>> -> memref<256x128xf32, #tpu.memory_space<vmem>>
    %dma_start3A_47 = arith.constant 0 : i32
    %dma_start3A_48 = tpu.memref_slice %arg9[%dma_start3A_40, %dma_start3A_41, %dma_start3A_47] : memref<3x2x256xi32, #tpu.memory_space<vmem>> -> memref<1x1x256xi32, #tpu.memory_space<vmem>>
    %dma_start3A_49 = tpu.memref_squeeze %dma_start3A_48 : memref<1x1x256xi32, #tpu.memory_space<vmem>> -> memref<256xi32, #tpu.memory_space<vmem>>
    %dma_start3A_50 = arith.constant 0 : i32
    %dma_start3A_51 = arith.constant 0 : i32
    %dma_start3A_52 = tpu.memref_slice %arg2[%dma_start3A_50, %dma_start3A_51] : memref<100000x128xf32, #tpu.memory_space<hbm>> -> memref<100000x128xf32, #tpu.memory_space<hbm>>
    tpu.enqueue_indirect_dma source(%dma_start3A_52 : memref<100000x128xf32, #tpu.memory_space<hbm>>) target(%dma_start3A_46 : memref<256x128xf32, #tpu.memory_space<vmem>>) offsets(%dma_start3A_49 : memref<256xi32, #tpu.memory_space<vmem>>) semaphore(%arg13 : memref<!tpu.dma_semaphore, #tpu.memory_space<semaphore_mem>>)
    %dma_start3A_53 = arith.constant 0 : i32
    %dma_start3A_54 = arith.constant 1 : i32
    %dma_start3A_55 = arith.constant 1 : i32
    %dma_start3A_56 = arith.constant 0 : i32
    %dma_start3A_57 = arith.constant 0 : i32
    %dma_start3A_58 = tpu.memref_slice %arg10[%dma_start3A_55, %dma_start3A_56, %dma_start3A_57] : memref<3x256x128xf32, #tpu.memory_space<vmem>> -> memref<1x256x128xf32, #tpu.memory_space<vmem>>
    %dma_start3A_59 = tpu.memref_squeeze %dma_start3A_58 : memref<1x256x128xf32, #tpu.memory_space<vmem>> -> memref<256x128xf32, #tpu.memory_space<vmem>>
    %dma_start3A_60 = arith.constant 0 : i32
    %dma_start3A_61 = tpu.memref_slice %arg9[%dma_start3A_53, %dma_start3A_54, %dma_start3A_60] : memref<3x2x256xi32, #tpu.memory_space<vmem>> -> memref<1x1x256xi32, #tpu.memory_space<vmem>>
    %dma_start3A_62 = tpu.memref_squeeze %dma_start3A_61 : memref<1x1x256xi32, #tpu.memory_space<vmem>> -> memref<256xi32, #tpu.memory_space<vmem>>
    %dma_start3A_63 = arith.constant 0 : i32
    %dma_start3A_64 = arith.constant 0 : i32
    %dma_start3A_65 = tpu.memref_slice %arg2[%dma_start3A_63, %dma_start3A_64] : memref<100000x128xf32, #tpu.memory_space<hbm>> -> memref<100000x128xf32, #tpu.memory_space<hbm>>
    tpu.enqueue_indirect_dma source(%dma_start3A_65 : memref<100000x128xf32, #tpu.memory_space<hbm>>) target(%dma_start3A_59 : memref<256x128xf32, #tpu.memory_space<vmem>>) offsets(%dma_start3A_62 : memref<256xi32, #tpu.memory_space<vmem>>) semaphore(%arg14 : memref<!tpu.dma_semaphore, #tpu.memory_space<semaphore_mem>>)
    %dma_start3A_66 = arith.constant 1 : i32
    %dma_start3A_67 = arith.constant 0 : i32
    %dma_start3A_68 = arith.constant 2 : i32
    %dma_start3A_69 = arith.constant 0 : i32
    %dma_start3A_70 = arith.constant 0 : i32
    %dma_start3A_71 = tpu.memref_slice %arg10[%dma_start3A_68, %dma_start3A_69, %dma_start3A_70] : memref<3x256x128xf32, #tpu.memory_space<vmem>> -> memref<1x256x128xf32, #tpu.memory_space<vmem>>
    %dma_start3A_72 = tpu.memref_squeeze %dma_start3A_71 : memref<1x256x128xf32, #tpu.memory_space<vmem>> -> memref<256x128xf32, #tpu.memory_space<vmem>>
    %dma_start3A_73 = arith.constant 0 : i32
    %dma_start3A_74 = tpu.memref_slice %arg9[%dma_start3A_66, %dma_start3A_67, %dma_start3A_73] : memref<3x2x256xi32, #tpu.memory_space<vmem>> -> memref<1x1x256xi32, #tpu.memory_space<vmem>>
    %dma_start3A_75 = tpu.memref_squeeze %dma_start3A_74 : memref<1x1x256xi32, #tpu.memory_space<vmem>> -> memref<256xi32, #tpu.memory_space<vmem>>
    %dma_start3A_76 = arith.constant 0 : i32
    %dma_start3A_77 = arith.constant 0 : i32
    %dma_start3A_78 = tpu.memref_slice %arg2[%dma_start3A_76, %dma_start3A_77] : memref<100000x128xf32, #tpu.memory_space<hbm>> -> memref<100000x128xf32, #tpu.memory_space<hbm>>
    tpu.enqueue_indirect_dma source(%dma_start3A_78 : memref<100000x128xf32, #tpu.memory_space<hbm>>) target(%dma_start3A_72 : memref<256x128xf32, #tpu.memory_space<vmem>>) offsets(%dma_start3A_75 : memref<256xi32, #tpu.memory_space<vmem>>) semaphore(%arg15 : memref<!tpu.dma_semaphore, #tpu.memory_space<semaphore_mem>>)
    %dma_wait3A_79 = arith.constant 0 : i32
    %dma_wait3A_80 = arith.constant 0 : i32
    %dma_wait3A_81 = arith.constant 0 : i32
    %dma_wait3A_82 = arith.constant 0 : i32
    %dma_wait3A_83 = arith.constant 0 : i32
    %dma_wait3A_84 = tpu.memref_slice %arg10[%dma_wait3A_81, %dma_wait3A_82, %dma_wait3A_83] : memref<3x256x128xf32, #tpu.memory_space<vmem>> -> memref<1x256x128xf32, #tpu.memory_space<vmem>>
    %dma_wait3A_85 = tpu.memref_squeeze %dma_wait3A_84 : memref<1x256x128xf32, #tpu.memory_space<vmem>> -> memref<256x128xf32, #tpu.memory_space<vmem>>
    %dma_wait3A_86 = arith.constant 0 : i32
    %dma_wait3A_87 = tpu.memref_slice %arg9[%dma_wait3A_79, %dma_wait3A_80, %dma_wait3A_86] : memref<3x2x256xi32, #tpu.memory_space<vmem>> -> memref<1x1x256xi32, #tpu.memory_space<vmem>>
    %dma_wait3A_88 = tpu.memref_squeeze %dma_wait3A_87 : memref<1x1x256xi32, #tpu.memory_space<vmem>> -> memref<256xi32, #tpu.memory_space<vmem>>
    %dma_wait3A_89 = arith.constant 0 : i32
    %dma_wait3A_90 = arith.constant 0 : i32
    %dma_wait3A_91 = tpu.memref_slice %arg2[%dma_wait3A_89, %dma_wait3A_90] : memref<100000x128xf32, #tpu.memory_space<hbm>> -> memref<100000x128xf32, #tpu.memory_space<hbm>>
    tpu.wait_indirect_dma semaphore(%arg13 : memref<!tpu.dma_semaphore, #tpu.memory_space<semaphore_mem>>) src(%dma_wait3A_91 : memref<100000x128xf32, #tpu.memory_space<hbm>>) dst(%dma_wait3A_85 : memref<256x128xf32, #tpu.memory_space<vmem>>)
    %add3A_92 = arith.constant 0 : i32
    %add3A_93 = arith.addi %sub3A_21, %add3A_92 : i32
    %mul3A_94 = arith.constant 64 : i32
    %mul3A_95 = arith.muli %select_n3A, %mul3A_94 : i32
    %dma_start3A_96 = arith.constant 0 : i32
    %dma_start3A_97 = arith.constant 0 : i32
    %dma_start3A_98 = arith.constant 0 : i32
    %dma_start3A_99 = arith.constant 0 : i32
    %dma_start3A_100 = tpu.memref_slice %arg10[%dma_start3A_96, %dma_start3A_98, %dma_start3A_99] : memref<3x256x128xf32, #tpu.memory_space<vmem>> -> memref<1x256x64xf32, #tpu.memory_space<vmem>>
    %dma_start3A_101 = tpu.memref_squeeze %dma_start3A_100 : memref<1x256x64xf32, #tpu.memory_space<vmem>> -> memref<256x64xf32, #tpu.memory_space<vmem>>
    %dma_start3A_102 = tpu.memref_slice %arg6[%dma_start3A_97, %add3A_93, %mul3A_95] : memref<4x8192x128xf32, #tpu.memory_space<hbm>> -> memref<1x256x64xf32, #tpu.memory_space<hbm>>
    %dma_start3A_103 = tpu.memref_squeeze %dma_start3A_102 : memref<1x256x64xf32, #tpu.memory_space<hbm>> -> memref<256x64xf32, #tpu.memory_space<hbm>>
    %dma_start3A_104 = tpu.memref_slice %arg6[%dma_start3A_97, %add3A_93, %mul3A_95] : memref<4x8192x128xf32, #tpu.memory_space<hbm>> -> memref<1x256x64xf32, #tpu.memory_space<hbm>>
    %dma_start3A_105 = tpu.memref_squeeze %dma_start3A_104 : memref<1x256x64xf32, #tpu.memory_space<hbm>> -> memref<256x64xf32, #tpu.memory_space<hbm>>
    %dma_start3A_106 = arith.constant 0 : i32
    %dma_start3A_107 = arith.constant 0 : i32
    %dma_start3A_108 = tpu.memref_slice %arg10[%dma_start3A_96, %dma_start3A_106, %dma_start3A_107] : memref<3x256x128xf32, #tpu.memory_space<vmem>> -> memref<1x256x64xf32, #tpu.memory_space<vmem>>
    %dma_start3A_109 = tpu.memref_squeeze %dma_start3A_108 : memref<1x256x64xf32, #tpu.memory_space<vmem>> -> memref<256x64xf32, #tpu.memory_space<vmem>>
    tpu.enqueue_dma source(%dma_start3A_109 : memref<256x64xf32, #tpu.memory_space<vmem>>) target(%dma_start3A_105 : memref<256x64xf32, #tpu.memory_space<hbm>>) target_semaphore(%arg16 : memref<!tpu.dma_semaphore, #tpu.memory_space<semaphore_mem>>)
    %add3A_110 = arith.constant 0 : i32
    %add3A_111 = arith.addi %sub3A_21, %add3A_110 : i32
    %mul3A_112 = arith.constant 64 : i32
    %mul3A_113 = arith.muli %select_n3A, %mul3A_112 : i32
    %dma_start3A_114 = arith.constant 0 : i32
    %dma_start3A_115 = arith.constant 1 : i32
    %dma_start3A_116 = arith.constant 0 : i32
    %dma_start3A_117 = arith.constant 64 : i32
    %dma_start3A_118 = tpu.memref_slice %arg10[%dma_start3A_114, %dma_start3A_116, %dma_start3A_117] : memref<3x256x128xf32, #tpu.memory_space<vmem>> -> memref<1x256x64xf32, #tpu.memory_space<vmem>>
    %dma_start3A_119 = tpu.memref_squeeze %dma_start3A_118 : memref<1x256x64xf32, #tpu.memory_space<vmem>> -> memref<256x64xf32, #tpu.memory_space<vmem>>
    %dma_start3A_120 = tpu.memref_slice %arg6[%dma_start3A_115, %add3A_111, %mul3A_113] : memref<4x8192x128xf32, #tpu.memory_space<hbm>> -> memref<1x256x64xf32, #tpu.memory_space<hbm>>
    %dma_start3A_121 = tpu.memref_squeeze %dma_start3A_120 : memref<1x256x64xf32, #tpu.memory_space<hbm>> -> memref<256x64xf32, #tpu.memory_space<hbm>>
    %dma_start3A_122 = tpu.memref_slice %arg6[%dma_start3A_115, %add3A_111, %mul3A_113] : memref<4x8192x128xf32, #tpu.memory_space<hbm>> -> memref<1x256x64xf32, #tpu.memory_space<hbm>>
    %dma_start3A_123 = tpu.memref_squeeze %dma_start3A_122 : memref<1x256x64xf32, #tpu.memory_space<hbm>> -> memref<256x64xf32, #tpu.memory_space<hbm>>
    %dma_start3A_124 = arith.constant 0 : i32
    %dma_start3A_125 = arith.constant 64 : i32
    %dma_start3A_126 = tpu.memref_slice %arg10[%dma_start3A_114, %dma_start3A_124, %dma_start3A_125] : memref<3x256x128xf32, #tpu.memory_space<vmem>> -> memref<1x256x64xf32, #tpu.memory_space<vmem>>
    %dma_start3A_127 = tpu.memref_squeeze %dma_start3A_126 : memref<1x256x64xf32, #tpu.memory_space<vmem>> -> memref<256x64xf32, #tpu.memory_space<vmem>>
    tpu.enqueue_dma source(%dma_start3A_127 : memref<256x64xf32, #tpu.memory_space<vmem>>) target(%dma_start3A_123 : memref<256x64xf32, #tpu.memory_space<hbm>>) target_semaphore(%arg16 : memref<!tpu.dma_semaphore, #tpu.memory_space<semaphore_mem>>)
    %dma_wait3A_128 = arith.constant 0 : i32
    %dma_wait3A_129 = arith.constant 0 : i32
    %dma_wait3A_130 = arith.constant 0 : i32
    %dma_wait3A_131 = arith.constant 0 : i32
    %dma_wait3A_132 = tpu.memref_slice %arg10[%dma_wait3A_128, %dma_wait3A_130, %dma_wait3A_131] : memref<3x256x128xf32, #tpu.memory_space<vmem>> -> memref<1x256x64xf32, #tpu.memory_space<vmem>>
    %dma_wait3A_133 = tpu.memref_squeeze %dma_wait3A_132 : memref<1x256x64xf32, #tpu.memory_space<vmem>> -> memref<256x64xf32, #tpu.memory_space<vmem>>
    %dma_wait3A_134 = tpu.memref_slice %arg6[%dma_wait3A_129, %add3A_93, %mul3A_95] : memref<4x8192x128xf32, #tpu.memory_space<hbm>> -> memref<1x256x64xf32, #tpu.memory_space<hbm>>
    %dma_wait3A_135 = tpu.memref_squeeze %dma_wait3A_134 : memref<1x256x64xf32, #tpu.memory_space<hbm>> -> memref<256x64xf32, #tpu.memory_space<hbm>>
    %dma_wait3A_136 = tpu.memref_slice %arg6[%dma_wait3A_129, %add3A_93, %mul3A_95] : memref<4x8192x128xf32, #tpu.memory_space<hbm>> -> memref<1x256x64xf32, #tpu.memory_space<hbm>>
    %dma_wait3A_137 = tpu.memref_squeeze %dma_wait3A_136 : memref<1x256x64xf32, #tpu.memory_space<hbm>> -> memref<256x64xf32, #tpu.memory_space<hbm>>
    %dma_wait3A_138 = arith.constant 0 : i32
    %dma_wait3A_139 = arith.constant 0 : i32
    %dma_wait3A_140 = tpu.memref_slice %arg10[%dma_wait3A_128, %dma_wait3A_138, %dma_wait3A_139] : memref<3x256x128xf32, #tpu.memory_space<vmem>> -> memref<1x256x64xf32, #tpu.memory_space<vmem>>
    %dma_wait3A_141 = tpu.memref_squeeze %dma_wait3A_140 : memref<1x256x64xf32, #tpu.memory_space<vmem>> -> memref<256x64xf32, #tpu.memory_space<vmem>>
    tpu.wait_dma2 semaphore(%arg16 : memref<!tpu.dma_semaphore, #tpu.memory_space<semaphore_mem>>) src(%dma_wait3A_141 : memref<256x64xf32, #tpu.memory_space<vmem>>) dst(%dma_wait3A_137 : memref<256x64xf32, #tpu.memory_space<hbm>>)
    %dma_wait3A_142 = arith.constant 0 : i32
    %dma_wait3A_143 = arith.constant 1 : i32
    %dma_wait3A_144 = arith.constant 0 : i32
    %dma_wait3A_145 = arith.constant 64 : i32
    %dma_wait3A_146 = tpu.memref_slice %arg10[%dma_wait3A_142, %dma_wait3A_144, %dma_wait3A_145] : memref<3x256x128xf32, #tpu.memory_space<vmem>> -> memref<1x256x64xf32, #tpu.memory_space<vmem>>
    %dma_wait3A_147 = tpu.memref_squeeze %dma_wait3A_146 : memref<1x256x64xf32, #tpu.memory_space<vmem>> -> memref<256x64xf32, #tpu.memory_space<vmem>>
    %dma_wait3A_148 = tpu.memref_slice %arg6[%dma_wait3A_143, %add3A_111, %mul3A_113] : memref<4x8192x128xf32, #tpu.memory_space<hbm>> -> memref<1x256x64xf32, #tpu.memory_space<hbm>>
    %dma_wait3A_149 = tpu.memref_squeeze %dma_wait3A_148 : memref<1x256x64xf32, #tpu.memory_space<hbm>> -> memref<256x64xf32, #tpu.memory_space<hbm>>
    %dma_wait3A_150 = tpu.memref_slice %arg6[%dma_wait3A_143, %add3A_111, %mul3A_113] : memref<4x8192x128xf32, #tpu.memory_space<hbm>> -> memref<1x256x64xf32, #tpu.memory_space<hbm>>
    %dma_wait3A_151 = tpu.memref_squeeze %dma_wait3A_150 : memref<1x256x64xf32, #tpu.memory_space<hbm>> -> memref<256x64xf32, #tpu.memory_space<hbm>>
    %dma_wait3A_152 = arith.constant 0 : i32
    %dma_wait3A_153 = arith.constant 64 : i32
    %dma_wait3A_154 = tpu.memref_slice %arg10[%dma_wait3A_142, %dma_wait3A_152, %dma_wait3A_153] : memref<3x256x128xf32, #tpu.memory_space<vmem>> -> memref<1x256x64xf32, #tpu.memory_space<vmem>>
    %dma_wait3A_155 = tpu.memref_squeeze %dma_wait3A_154 : memref<1x256x64xf32, #tpu.memory_space<vmem>> -> memref<256x64xf32, #tpu.memory_space<vmem>>
    tpu.wait_dma2 semaphore(%arg16 : memref<!tpu.dma_semaphore, #tpu.memory_space<semaphore_mem>>) src(%dma_wait3A_155 : memref<256x64xf32, #tpu.memory_space<vmem>>) dst(%dma_wait3A_151 : memref<256x64xf32, #tpu.memory_space<hbm>>)
    %dma_start3A_156 = arith.constant 1 : i32
    %dma_start3A_157 = arith.constant 1 : i32
    %dma_start3A_158 = arith.constant 0 : i32
    %dma_start3A_159 = arith.constant 0 : i32
    %dma_start3A_160 = arith.constant 0 : i32
    %dma_start3A_161 = tpu.memref_slice %arg10[%dma_start3A_158, %dma_start3A_159, %dma_start3A_160] : memref<3x256x128xf32, #tpu.memory_space<vmem>> -> memref<1x256x128xf32, #tpu.memory_space<vmem>>
    %dma_start3A_162 = tpu.memref_squeeze %dma_start3A_161 : memref<1x256x128xf32, #tpu.memory_space<vmem>> -> memref<256x128xf32, #tpu.memory_space<vmem>>
    %dma_start3A_163 = arith.constant 0 : i32
    %dma_start3A_164 = tpu.memref_slice %arg9[%dma_start3A_156, %dma_start3A_157, %dma_start3A_163] : memref<3x2x256xi32, #tpu.memory_space<vmem>> -> memref<1x1x256xi32, #tpu.memory_space<vmem>>
    %dma_start3A_165 = tpu.memref_squeeze %dma_start3A_164 : memref<1x1x256xi32, #tpu.memory_space<vmem>> -> memref<256xi32, #tpu.memory_space<vmem>>
    %dma_start3A_166 = arith.constant 0 : i32
    %dma_start3A_167 = arith.constant 0 : i32
    %dma_start3A_168 = tpu.memref_slice %arg2[%dma_start3A_166, %dma_start3A_167] : memref<100000x128xf32, #tpu.memory_space<hbm>> -> memref<100000x128xf32, #tpu.memory_space<hbm>>
    tpu.enqueue_indirect_dma source(%dma_start3A_168 : memref<100000x128xf32, #tpu.memory_space<hbm>>) target(%dma_start3A_162 : memref<256x128xf32, #tpu.memory_space<vmem>>) offsets(%dma_start3A_165 : memref<256xi32, #tpu.memory_space<vmem>>) semaphore(%arg13 : memref<!tpu.dma_semaphore, #tpu.memory_space<semaphore_mem>>)
    %dma_wait3A_169 = arith.constant 0 : i32
    %dma_wait3A_170 = arith.constant 1 : i32
    %dma_wait3A_171 = arith.constant 1 : i32
    %dma_wait3A_172 = arith.constant 0 : i32
    %dma_wait3A_173 = arith.constant 0 : i32
    %dma_wait3A_174 = tpu.memref_slice %arg10[%dma_wait3A_171, %dma_wait3A_172, %dma_wait3A_173] : memref<3x256x128xf32, #tpu.memory_space<vmem>> -> memref<1x256x128xf32, #tpu.memory_space<vmem>>
    %dma_wait3A_175 = tpu.memref_squeeze %dma_wait3A_174 : memref<1x256x128xf32, #tpu.memory_space<vmem>> -> memref<256x128xf32, #tpu.memory_space<vmem>>
    %dma_wait3A_176 = arith.constant 0 : i32
    %dma_wait3A_177 = tpu.memref_slice %arg9[%dma_wait3A_169, %dma_wait3A_170, %dma_wait3A_176] : memref<3x2x256xi32, #tpu.memory_space<vmem>> -> memref<1x1x256xi32, #tpu.memory_space<vmem>>
    %dma_wait3A_178 = tpu.memref_squeeze %dma_wait3A_177 : memref<1x1x256xi32, #tpu.memory_space<vmem>> -> memref<256xi32, #tpu.memory_space<vmem>>
    %dma_wait3A_179 = arith.constant 0 : i32
    %dma_wait3A_180 = arith.constant 0 : i32
    %dma_wait3A_181 = tpu.memref_slice %arg2[%dma_wait3A_179, %dma_wait3A_180] : memref<100000x128xf32, #tpu.memory_space<hbm>> -> memref<100000x128xf32, #tpu.memory_space<hbm>>
    tpu.wait_indirect_dma semaphore(%arg14 : memref<!tpu.dma_semaphore, #tpu.memory_space<semaphore_mem>>) src(%dma_wait3A_181 : memref<100000x128xf32, #tpu.memory_space<hbm>>) dst(%dma_wait3A_175 : memref<256x128xf32, #tpu.memory_space<vmem>>)
    %add3A_182 = arith.constant 256 : i32
    %add3A_183 = arith.addi %sub3A_21, %add3A_182 : i32
    %mul3A_184 = arith.constant 64 : i32
    %mul3A_185 = arith.muli %select_n3A, %mul3A_184 : i32
    %dma_start3A_186 = arith.constant 1 : i32
    %dma_start3A_187 = arith.constant 0 : i32
    %dma_start3A_188 = arith.constant 0 : i32
    %dma_start3A_189 = arith.constant 0 : i32
    %dma_start3A_190 = tpu.memref_slice %arg10[%dma_start3A_186, %dma_start3A_188, %dma_start3A_189] : memref<3x256x128xf32, #tpu.memory_space<vmem>> -> memref<1x256x64xf32, #tpu.memory_space<vmem>>
    %dma_start3A_191 = tpu.memref_squeeze %dma_start3A_190 : memref<1x256x64xf32, #tpu.memory_space<vmem>> -> memref<256x64xf32, #tpu.memory_space<vmem>>
    %dma_start3A_192 = tpu.memref_slice %arg6[%dma_start3A_187, %add3A_183, %mul3A_185] : memref<4x8192x128xf32, #tpu.memory_space<hbm>> -> memref<1x256x64xf32, #tpu.memory_space<hbm>>
    %dma_start3A_193 = tpu.memref_squeeze %dma_start3A_192 : memref<1x256x64xf32, #tpu.memory_space<hbm>> -> memref<256x64xf32, #tpu.memory_space<hbm>>
    %dma_start3A_194 = tpu.memref_slice %arg6[%dma_start3A_187, %add3A_183, %mul3A_185] : memref<4x8192x128xf32, #tpu.memory_space<hbm>> -> memref<1x256x64xf32, #tpu.memory_space<hbm>>
    %dma_start3A_195 = tpu.memref_squeeze %dma_start3A_194 : memref<1x256x64xf32, #tpu.memory_space<hbm>> -> memref<256x64xf32, #tpu.memory_space<hbm>>
    %dma_start3A_196 = arith.constant 0 : i32
    %dma_start3A_197 = arith.constant 0 : i32
    %dma_start3A_198 = tpu.memref_slice %arg10[%dma_start3A_186, %dma_start3A_196, %dma_start3A_197] : memref<3x256x128xf32, #tpu.memory_space<vmem>> -> memref<1x256x64xf32, #tpu.memory_space<vmem>>
    %dma_start3A_199 = tpu.memref_squeeze %dma_start3A_198 : memref<1x256x64xf32, #tpu.memory_space<vmem>> -> memref<256x64xf32, #tpu.memory_space<vmem>>
    tpu.enqueue_dma source(%dma_start3A_199 : memref<256x64xf32, #tpu.memory_space<vmem>>) target(%dma_start3A_195 : memref<256x64xf32, #tpu.memory_space<hbm>>) target_semaphore(%arg17 : memref<!tpu.dma_semaphore, #tpu.memory_space<semaphore_mem>>)
    %add3A_200 = arith.constant 256 : i32
    %add3A_201 = arith.addi %sub3A_21, %add3A_200 : i32
    %mul3A_202 = arith.constant 64 : i32
    %mul3A_203 = arith.muli %select_n3A, %mul3A_202 : i32
    %dma_start3A_204 = arith.constant 1 : i32
    %dma_start3A_205 = arith.constant 1 : i32
    %dma_start3A_206 = arith.constant 0 : i32
    %dma_start3A_207 = arith.constant 64 : i32
    %dma_start3A_208 = tpu.memref_slice %arg10[%dma_start3A_204, %dma_start3A_206, %dma_start3A_207] : memref<3x256x128xf32, #tpu.memory_space<vmem>> -> memref<1x256x64xf32, #tpu.memory_space<vmem>>
    %dma_start3A_209 = tpu.memref_squeeze %dma_start3A_208 : memref<1x256x64xf32, #tpu.memory_space<vmem>> -> memref<256x64xf32, #tpu.memory_space<vmem>>
    %dma_start3A_210 = tpu.memref_slice %arg6[%dma_start3A_205, %add3A_201, %mul3A_203] : memref<4x8192x128xf32, #tpu.memory_space<hbm>> -> memref<1x256x64xf32, #tpu.memory_space<hbm>>
    %dma_start3A_211 = tpu.memref_squeeze %dma_start3A_210 : memref<1x256x64xf32, #tpu.memory_space<hbm>> -> memref<256x64xf32, #tpu.memory_space<hbm>>
    %dma_start3A_212 = tpu.memref_slice %arg6[%dma_start3A_205, %add3A_201, %mul3A_203] : memref<4x8192x128xf32, #tpu.memory_space<hbm>> -> memref<1x256x64xf32, #tpu.memory_space<hbm>>
    %dma_start3A_213 = tpu.memref_squeeze %dma_start3A_212 : memref<1x256x64xf32, #tpu.memory_space<hbm>> -> memref<256x64xf32, #tpu.memory_space<hbm>>
    %dma_start3A_214 = arith.constant 0 : i32
    %dma_start3A_215 = arith.constant 64 : i32
    %dma_start3A_216 = tpu.memref_slice %arg10[%dma_start3A_204, %dma_start3A_214, %dma_start3A_215] : memref<3x256x128xf32, #tpu.memory_space<vmem>> -> memref<1x256x64xf32, #tpu.memory_space<vmem>>
    %dma_start3A_217 = tpu.memref_squeeze %dma_start3A_216 : memref<1x256x64xf32, #tpu.memory_space<vmem>> -> memref<256x64xf32, #tpu.memory_space<vmem>>
    tpu.enqueue_dma source(%dma_start3A_217 : memref<256x64xf32, #tpu.memory_space<vmem>>) target(%dma_start3A_213 : memref<256x64xf32, #tpu.memory_space<hbm>>) target_semaphore(%arg17 : memref<!tpu.dma_semaphore, #tpu.memory_space<semaphore_mem>>)
    %dma_wait3A_218 = arith.constant 1 : i32
    %dma_wait3A_219 = arith.constant 0 : i32
    %dma_wait3A_220 = arith.constant 2 : i32
    %dma_wait3A_221 = arith.constant 0 : i32
    %dma_wait3A_222 = arith.constant 0 : i32
    %dma_wait3A_223 = tpu.memref_slice %arg10[%dma_wait3A_220, %dma_wait3A_221, %dma_wait3A_222] : memref<3x256x128xf32, #tpu.memory_space<vmem>> -> memref<1x256x128xf32, #tpu.memory_space<vmem>>
    %dma_wait3A_224 = tpu.memref_squeeze %dma_wait3A_223 : memref<1x256x128xf32, #tpu.memory_space<vmem>> -> memref<256x128xf32, #tpu.memory_space<vmem>>
    %dma_wait3A_225 = arith.constant 0 : i32
    %dma_wait3A_226 = tpu.memref_slice %arg9[%dma_wait3A_218, %dma_wait3A_219, %dma_wait3A_225] : memref<3x2x256xi32, #tpu.memory_space<vmem>> -> memref<1x1x256xi32, #tpu.memory_space<vmem>>
    %dma_wait3A_227 = tpu.memref_squeeze %dma_wait3A_226 : memref<1x1x256xi32, #tpu.memory_space<vmem>> -> memref<256xi32, #tpu.memory_space<vmem>>
    %dma_wait3A_228 = arith.constant 0 : i32
    %dma_wait3A_229 = arith.constant 0 : i32
    %dma_wait3A_230 = tpu.memref_slice %arg2[%dma_wait3A_228, %dma_wait3A_229] : memref<100000x128xf32, #tpu.memory_space<hbm>> -> memref<100000x128xf32, #tpu.memory_space<hbm>>
    tpu.wait_indirect_dma semaphore(%arg15 : memref<!tpu.dma_semaphore, #tpu.memory_space<semaphore_mem>>) src(%dma_wait3A_230 : memref<100000x128xf32, #tpu.memory_space<hbm>>) dst(%dma_wait3A_224 : memref<256x128xf32, #tpu.memory_space<vmem>>)
    %add3A_231 = arith.constant 0 : i32
    %add3A_232 = arith.addi %sub3A_21, %add3A_231 : i32
    %mul3A_233 = arith.constant 64 : i32
    %mul3A_234 = arith.muli %select_n3A, %mul3A_233 : i32
    %dma_start3A_235 = arith.constant 2 : i32
    %dma_start3A_236 = arith.constant 2 : i32
    %dma_start3A_237 = arith.constant 0 : i32
    %dma_start3A_238 = arith.constant 0 : i32
    %dma_start3A_239 = tpu.memref_slice %arg10[%dma_start3A_235, %dma_start3A_237, %dma_start3A_238] : memref<3x256x128xf32, #tpu.memory_space<vmem>> -> memref<1x256x64xf32, #tpu.memory_space<vmem>>
    %dma_start3A_240 = tpu.memref_squeeze %dma_start3A_239 : memref<1x256x64xf32, #tpu.memory_space<vmem>> -> memref<256x64xf32, #tpu.memory_space<vmem>>
    %dma_start3A_241 = tpu.memref_slice %arg6[%dma_start3A_236, %add3A_232, %mul3A_234] : memref<4x8192x128xf32, #tpu.memory_space<hbm>> -> memref<1x256x64xf32, #tpu.memory_space<hbm>>
    %dma_start3A_242 = tpu.memref_squeeze %dma_start3A_241 : memref<1x256x64xf32, #tpu.memory_space<hbm>> -> memref<256x64xf32, #tpu.memory_space<hbm>>
    %dma_start3A_243 = tpu.memref_slice %arg6[%dma_start3A_236, %add3A_232, %mul3A_234] : memref<4x8192x128xf32, #tpu.memory_space<hbm>> -> memref<1x256x64xf32, #tpu.memory_space<hbm>>
    %dma_start3A_244 = tpu.memref_squeeze %dma_start3A_243 : memref<1x256x64xf32, #tpu.memory_space<hbm>> -> memref<256x64xf32, #tpu.memory_space<hbm>>
    %dma_start3A_245 = arith.constant 0 : i32
    %dma_start3A_246 = arith.constant 0 : i32
    %dma_start3A_247 = tpu.memref_slice %arg10[%dma_start3A_235, %dma_start3A_245, %dma_start3A_246] : memref<3x256x128xf32, #tpu.memory_space<vmem>> -> memref<1x256x64xf32, #tpu.memory_space<vmem>>
    %dma_start3A_248 = tpu.memref_squeeze %dma_start3A_247 : memref<1x256x64xf32, #tpu.memory_space<vmem>> -> memref<256x64xf32, #tpu.memory_space<vmem>>
    tpu.enqueue_dma source(%dma_start3A_248 : memref<256x64xf32, #tpu.memory_space<vmem>>) target(%dma_start3A_244 : memref<256x64xf32, #tpu.memory_space<hbm>>) target_semaphore(%arg18 : memref<!tpu.dma_semaphore, #tpu.memory_space<semaphore_mem>>)
    %add3A_249 = arith.constant 0 : i32
    %add3A_250 = arith.addi %sub3A_21, %add3A_249 : i32
    %mul3A_251 = arith.constant 64 : i32
    %mul3A_252 = arith.muli %select_n3A, %mul3A_251 : i32
    %dma_start3A_253 = arith.constant 2 : i32
    %dma_start3A_254 = arith.constant 3 : i32
    %dma_start3A_255 = arith.constant 0 : i32
    %dma_start3A_256 = arith.constant 64 : i32
    %dma_start3A_257 = tpu.memref_slice %arg10[%dma_start3A_253, %dma_start3A_255, %dma_start3A_256] : memref<3x256x128xf32, #tpu.memory_space<vmem>> -> memref<1x256x64xf32, #tpu.memory_space<vmem>>
    %dma_start3A_258 = tpu.memref_squeeze %dma_start3A_257 : memref<1x256x64xf32, #tpu.memory_space<vmem>> -> memref<256x64xf32, #tpu.memory_space<vmem>>
    %dma_start3A_259 = tpu.memref_slice %arg6[%dma_start3A_254, %add3A_250, %mul3A_252] : memref<4x8192x128xf32, #tpu.memory_space<hbm>> -> memref<1x256x64xf32, #tpu.memory_space<hbm>>
    %dma_start3A_260 = tpu.memref_squeeze %dma_start3A_259 : memref<1x256x64xf32, #tpu.memory_space<hbm>> -> memref<256x64xf32, #tpu.memory_space<hbm>>
    %dma_start3A_261 = tpu.memref_slice %arg6[%dma_start3A_254, %add3A_250, %mul3A_252] : memref<4x8192x128xf32, #tpu.memory_space<hbm>> -> memref<1x256x64xf32, #tpu.memory_space<hbm>>
    %dma_start3A_262 = tpu.memref_squeeze %dma_start3A_261 : memref<1x256x64xf32, #tpu.memory_space<hbm>> -> memref<256x64xf32, #tpu.memory_space<hbm>>
    %dma_start3A_263 = arith.constant 0 : i32
    %dma_start3A_264 = arith.constant 64 : i32
    %dma_start3A_265 = tpu.memref_slice %arg10[%dma_start3A_253, %dma_start3A_263, %dma_start3A_264] : memref<3x256x128xf32, #tpu.memory_space<vmem>> -> memref<1x256x64xf32, #tpu.memory_space<vmem>>
    %dma_start3A_266 = tpu.memref_squeeze %dma_start3A_265 : memref<1x256x64xf32, #tpu.memory_space<vmem>> -> memref<256x64xf32, #tpu.memory_space<vmem>>
    tpu.enqueue_dma source(%dma_start3A_266 : memref<256x64xf32, #tpu.memory_space<vmem>>) target(%dma_start3A_262 : memref<256x64xf32, #tpu.memory_space<hbm>>) target_semaphore(%arg18 : memref<!tpu.dma_semaphore, #tpu.memory_space<semaphore_mem>>)
    %dma_wait3A_267 = arith.constant 1 : i32
    %dma_wait3A_268 = arith.constant 1 : i32
    %dma_wait3A_269 = arith.constant 0 : i32
    %dma_wait3A_270 = arith.constant 0 : i32
    %dma_wait3A_271 = arith.constant 0 : i32
    %dma_wait3A_272 = tpu.memref_slice %arg10[%dma_wait3A_269, %dma_wait3A_270, %dma_wait3A_271] : memref<3x256x128xf32, #tpu.memory_space<vmem>> -> memref<1x256x128xf32, #tpu.memory_space<vmem>>
    %dma_wait3A_273 = tpu.memref_squeeze %dma_wait3A_272 : memref<1x256x128xf32, #tpu.memory_space<vmem>> -> memref<256x128xf32, #tpu.memory_space<vmem>>
    %dma_wait3A_274 = arith.constant 0 : i32
    %dma_wait3A_275 = tpu.memref_slice %arg9[%dma_wait3A_267, %dma_wait3A_268, %dma_wait3A_274] : memref<3x2x256xi32, #tpu.memory_space<vmem>> -> memref<1x1x256xi32, #tpu.memory_space<vmem>>
    %dma_wait3A_276 = tpu.memref_squeeze %dma_wait3A_275 : memref<1x1x256xi32, #tpu.memory_space<vmem>> -> memref<256xi32, #tpu.memory_space<vmem>>
    %dma_wait3A_277 = arith.constant 0 : i32
    %dma_wait3A_278 = arith.constant 0 : i32
    %dma_wait3A_279 = tpu.memref_slice %arg2[%dma_wait3A_277, %dma_wait3A_278] : memref<100000x128xf32, #tpu.memory_space<hbm>> -> memref<100000x128xf32, #tpu.memory_space<hbm>>
    tpu.wait_indirect_dma semaphore(%arg13 : memref<!tpu.dma_semaphore, #tpu.memory_space<semaphore_mem>>) src(%dma_wait3A_279 : memref<100000x128xf32, #tpu.memory_space<hbm>>) dst(%dma_wait3A_273 : memref<256x128xf32, #tpu.memory_space<vmem>>)
    %add3A_280 = arith.constant 256 : i32
    %add3A_281 = arith.addi %sub3A_21, %add3A_280 : i32
    %mul3A_282 = arith.constant 64 : i32
    %mul3A_283 = arith.muli %select_n3A, %mul3A_282 : i32
    %dma_start3A_284 = arith.constant 0 : i32
    %dma_start3A_285 = arith.constant 2 : i32
    %dma_start3A_286 = arith.constant 0 : i32
    %dma_start3A_287 = arith.constant 0 : i32
    %dma_start3A_288 = tpu.memref_slice %arg10[%dma_start3A_284, %dma_start3A_286, %dma_start3A_287] : memref<3x256x128xf32, #tpu.memory_space<vmem>> -> memref<1x256x64xf32, #tpu.memory_space<vmem>>
    %dma_start3A_289 = tpu.memref_squeeze %dma_start3A_288 : memref<1x256x64xf32, #tpu.memory_space<vmem>> -> memref<256x64xf32, #tpu.memory_space<vmem>>
    %dma_start3A_290 = tpu.memref_slice %arg6[%dma_start3A_285, %add3A_281, %mul3A_283] : memref<4x8192x128xf32, #tpu.memory_space<hbm>> -> memref<1x256x64xf32, #tpu.memory_space<hbm>>
    %dma_start3A_291 = tpu.memref_squeeze %dma_start3A_290 : memref<1x256x64xf32, #tpu.memory_space<hbm>> -> memref<256x64xf32, #tpu.memory_space<hbm>>
    %dma_start3A_292 = tpu.memref_slice %arg6[%dma_start3A_285, %add3A_281, %mul3A_283] : memref<4x8192x128xf32, #tpu.memory_space<hbm>> -> memref<1x256x64xf32, #tpu.memory_space<hbm>>
    %dma_start3A_293 = tpu.memref_squeeze %dma_start3A_292 : memref<1x256x64xf32, #tpu.memory_space<hbm>> -> memref<256x64xf32, #tpu.memory_space<hbm>>
    %dma_start3A_294 = arith.constant 0 : i32
    %dma_start3A_295 = arith.constant 0 : i32
    %dma_start3A_296 = tpu.memref_slice %arg10[%dma_start3A_284, %dma_start3A_294, %dma_start3A_295] : memref<3x256x128xf32, #tpu.memory_space<vmem>> -> memref<1x256x64xf32, #tpu.memory_space<vmem>>
    %dma_start3A_297 = tpu.memref_squeeze %dma_start3A_296 : memref<1x256x64xf32, #tpu.memory_space<vmem>> -> memref<256x64xf32, #tpu.memory_space<vmem>>
    tpu.enqueue_dma source(%dma_start3A_297 : memref<256x64xf32, #tpu.memory_space<vmem>>) target(%dma_start3A_293 : memref<256x64xf32, #tpu.memory_space<hbm>>) target_semaphore(%arg16 : memref<!tpu.dma_semaphore, #tpu.memory_space<semaphore_mem>>)
    %add3A_298 = arith.constant 256 : i32
    %add3A_299 = arith.addi %sub3A_21, %add3A_298 : i32
    %mul3A_300 = arith.constant 64 : i32
    %mul3A_301 = arith.muli %select_n3A, %mul3A_300 : i32
    %dma_start3A_302 = arith.constant 0 : i32
    %dma_start3A_303 = arith.constant 3 : i32
    %dma_start3A_304 = arith.constant 0 : i32
    %dma_start3A_305 = arith.constant 64 : i32
    %dma_start3A_306 = tpu.memref_slice %arg10[%dma_start3A_302, %dma_start3A_304, %dma_start3A_305] : memref<3x256x128xf32, #tpu.memory_space<vmem>> -> memref<1x256x64xf32, #tpu.memory_space<vmem>>
    %dma_start3A_307 = tpu.memref_squeeze %dma_start3A_306 : memref<1x256x64xf32, #tpu.memory_space<vmem>> -> memref<256x64xf32, #tpu.memory_space<vmem>>
    %dma_start3A_308 = tpu.memref_slice %arg6[%dma_start3A_303, %add3A_299, %mul3A_301] : memref<4x8192x128xf32, #tpu.memory_space<hbm>> -> memref<1x256x64xf32, #tpu.memory_space<hbm>>
    %dma_start3A_309 = tpu.memref_squeeze %dma_start3A_308 : memref<1x256x64xf32, #tpu.memory_space<hbm>> -> memref<256x64xf32, #tpu.memory_space<hbm>>
    %dma_start3A_310 = tpu.memref_slice %arg6[%dma_start3A_303, %add3A_299, %mul3A_301] : memref<4x8192x128xf32, #tpu.memory_space<hbm>> -> memref<1x256x64xf32, #tpu.memory_space<hbm>>
    %dma_start3A_311 = tpu.memref_squeeze %dma_start3A_310 : memref<1x256x64xf32, #tpu.memory_space<hbm>> -> memref<256x64xf32, #tpu.memory_space<hbm>>
    %dma_start3A_312 = arith.constant 0 : i32
    %dma_start3A_313 = arith.constant 64 : i32
    %dma_start3A_314 = tpu.memref_slice %arg10[%dma_start3A_302, %dma_start3A_312, %dma_start3A_313] : memref<3x256x128xf32, #tpu.memory_space<vmem>> -> memref<1x256x64xf32, #tpu.memory_space<vmem>>
    %dma_start3A_315 = tpu.memref_squeeze %dma_start3A_314 : memref<1x256x64xf32, #tpu.memory_space<vmem>> -> memref<256x64xf32, #tpu.memory_space<vmem>>
    tpu.enqueue_dma source(%dma_start3A_315 : memref<256x64xf32, #tpu.memory_space<vmem>>) target(%dma_start3A_311 : memref<256x64xf32, #tpu.memory_space<hbm>>) target_semaphore(%arg16 : memref<!tpu.dma_semaphore, #tpu.memory_space<semaphore_mem>>)
    %dma_wait3A_316 = arith.constant 1 : i32
    %dma_wait3A_317 = arith.constant 0 : i32
    %dma_wait3A_318 = arith.constant 0 : i32
    %dma_wait3A_319 = arith.constant 0 : i32
    %dma_wait3A_320 = tpu.memref_slice %arg10[%dma_wait3A_316, %dma_wait3A_318, %dma_wait3A_319] : memref<3x256x128xf32, #tpu.memory_space<vmem>> -> memref<1x256x64xf32, #tpu.memory_space<vmem>>
    %dma_wait3A_321 = tpu.memref_squeeze %dma_wait3A_320 : memref<1x256x64xf32, #tpu.memory_space<vmem>> -> memref<256x64xf32, #tpu.memory_space<vmem>>
    %dma_wait3A_322 = tpu.memref_slice %arg6[%dma_wait3A_317, %add3A_183, %mul3A_185] : memref<4x8192x128xf32, #tpu.memory_space<hbm>> -> memref<1x256x64xf32, #tpu.memory_space<hbm>>
    %dma_wait3A_323 = tpu.memref_squeeze %dma_wait3A_322 : memref<1x256x64xf32, #tpu.memory_space<hbm>> -> memref<256x64xf32, #tpu.memory_space<hbm>>
    %dma_wait3A_324 = tpu.memref_slice %arg6[%dma_wait3A_317, %add3A_183, %mul3A_185] : memref<4x8192x128xf32, #tpu.memory_space<hbm>> -> memref<1x256x64xf32, #tpu.memory_space<hbm>>
    %dma_wait3A_325 = tpu.memref_squeeze %dma_wait3A_324 : memref<1x256x64xf32, #tpu.memory_space<hbm>> -> memref<256x64xf32, #tpu.memory_space<hbm>>
    %dma_wait3A_326 = arith.constant 0 : i32
    %dma_wait3A_327 = arith.constant 0 : i32
    %dma_wait3A_328 = tpu.memref_slice %arg10[%dma_wait3A_316, %dma_wait3A_326, %dma_wait3A_327] : memref<3x256x128xf32, #tpu.memory_space<vmem>> -> memref<1x256x64xf32, #tpu.memory_space<vmem>>
    %dma_wait3A_329 = tpu.memref_squeeze %dma_wait3A_328 : memref<1x256x64xf32, #tpu.memory_space<vmem>> -> memref<256x64xf32, #tpu.memory_space<vmem>>
    tpu.wait_dma2 semaphore(%arg17 : memref<!tpu.dma_semaphore, #tpu.memory_space<semaphore_mem>>) src(%dma_wait3A_329 : memref<256x64xf32, #tpu.memory_space<vmem>>) dst(%dma_wait3A_325 : memref<256x64xf32, #tpu.memory_space<hbm>>)
    %dma_wait3A_330 = arith.constant 1 : i32
    %dma_wait3A_331 = arith.constant 1 : i32
    %dma_wait3A_332 = arith.constant 0 : i32
    %dma_wait3A_333 = arith.constant 64 : i32
    %dma_wait3A_334 = tpu.memref_slice %arg10[%dma_wait3A_330, %dma_wait3A_332, %dma_wait3A_333] : memref<3x256x128xf32, #tpu.memory_space<vmem>> -> memref<1x256x64xf32, #tpu.memory_space<vmem>>
    %dma_wait3A_335 = tpu.memref_squeeze %dma_wait3A_334 : memref<1x256x64xf32, #tpu.memory_space<vmem>> -> memref<256x64xf32, #tpu.memory_space<vmem>>
    %dma_wait3A_336 = tpu.memref_slice %arg6[%dma_wait3A_331, %add3A_201, %mul3A_203] : memref<4x8192x128xf32, #tpu.memory_space<hbm>> -> memref<1x256x64xf32, #tpu.memory_space<hbm>>
    %dma_wait3A_337 = tpu.memref_squeeze %dma_wait3A_336 : memref<1x256x64xf32, #tpu.memory_space<hbm>> -> memref<256x64xf32, #tpu.memory_space<hbm>>
    %dma_wait3A_338 = tpu.memref_slice %arg6[%dma_wait3A_331, %add3A_201, %mul3A_203] : memref<4x8192x128xf32, #tpu.memory_space<hbm>> -> memref<1x256x64xf32, #tpu.memory_space<hbm>>
    %dma_wait3A_339 = tpu.memref_squeeze %dma_wait3A_338 : memref<1x256x64xf32, #tpu.memory_space<hbm>> -> memref<256x64xf32, #tpu.memory_space<hbm>>
    %dma_wait3A_340 = arith.constant 0 : i32
    %dma_wait3A_341 = arith.constant 64 : i32
    %dma_wait3A_342 = tpu.memref_slice %arg10[%dma_wait3A_330, %dma_wait3A_340, %dma_wait3A_341] : memref<3x256x128xf32, #tpu.memory_space<vmem>> -> memref<1x256x64xf32, #tpu.memory_space<vmem>>
    %dma_wait3A_343 = tpu.memref_squeeze %dma_wait3A_342 : memref<1x256x64xf32, #tpu.memory_space<vmem>> -> memref<256x64xf32, #tpu.memory_space<vmem>>
    tpu.wait_dma2 semaphore(%arg17 : memref<!tpu.dma_semaphore, #tpu.memory_space<semaphore_mem>>) src(%dma_wait3A_343 : memref<256x64xf32, #tpu.memory_space<vmem>>) dst(%dma_wait3A_339 : memref<256x64xf32, #tpu.memory_space<hbm>>)
    %dma_wait3A_344 = arith.constant 2 : i32
    %dma_wait3A_345 = arith.constant 2 : i32
    %dma_wait3A_346 = arith.constant 0 : i32
    %dma_wait3A_347 = arith.constant 0 : i32
    %dma_wait3A_348 = tpu.memref_slice %arg10[%dma_wait3A_344, %dma_wait3A_346, %dma_wait3A_347] : memref<3x256x128xf32, #tpu.memory_space<vmem>> -> memref<1x256x64xf32, #tpu.memory_space<vmem>>
    %dma_wait3A_349 = tpu.memref_squeeze %dma_wait3A_348 : memref<1x256x64xf32, #tpu.memory_space<vmem>> -> memref<256x64xf32, #tpu.memory_space<vmem>>
    %dma_wait3A_350 = tpu.memref_slice %arg6[%dma_wait3A_345, %add3A_232, %mul3A_234] : memref<4x8192x128xf32, #tpu.memory_space<hbm>> -> memref<1x256x64xf32, #tpu.memory_space<hbm>>
    %dma_wait3A_351 = tpu.memref_squeeze %dma_wait3A_350 : memref<1x256x64xf32, #tpu.memory_space<hbm>> -> memref<256x64xf32, #tpu.memory_space<hbm>>
    %dma_wait3A_352 = tpu.memref_slice %arg6[%dma_wait3A_345, %add3A_232, %mul3A_234] : memref<4x8192x128xf32, #tpu.memory_space<hbm>> -> memref<1x256x64xf32, #tpu.memory_space<hbm>>
    %dma_wait3A_353 = tpu.memref_squeeze %dma_wait3A_352 : memref<1x256x64xf32, #tpu.memory_space<hbm>> -> memref<256x64xf32, #tpu.memory_space<hbm>>
    %dma_wait3A_354 = arith.constant 0 : i32
    %dma_wait3A_355 = arith.constant 0 : i32
    %dma_wait3A_356 = tpu.memref_slice %arg10[%dma_wait3A_344, %dma_wait3A_354, %dma_wait3A_355] : memref<3x256x128xf32, #tpu.memory_space<vmem>> -> memref<1x256x64xf32, #tpu.memory_space<vmem>>
    %dma_wait3A_357 = tpu.memref_squeeze %dma_wait3A_356 : memref<1x256x64xf32, #tpu.memory_space<vmem>> -> memref<256x64xf32, #tpu.memory_space<vmem>>
    tpu.wait_dma2 semaphore(%arg18 : memref<!tpu.dma_semaphore, #tpu.memory_space<semaphore_mem>>) src(%dma_wait3A_357 : memref<256x64xf32, #tpu.memory_space<vmem>>) dst(%dma_wait3A_353 : memref<256x64xf32, #tpu.memory_space<hbm>>)
    %dma_wait3A_358 = arith.constant 2 : i32
    %dma_wait3A_359 = arith.constant 3 : i32
    %dma_wait3A_360 = arith.constant 0 : i32
    %dma_wait3A_361 = arith.constant 64 : i32
    %dma_wait3A_362 = tpu.memref_slice %arg10[%dma_wait3A_358, %dma_wait3A_360, %dma_wait3A_361] : memref<3x256x128xf32, #tpu.memory_space<vmem>> -> memref<1x256x64xf32, #tpu.memory_space<vmem>>
    %dma_wait3A_363 = tpu.memref_squeeze %dma_wait3A_362 : memref<1x256x64xf32, #tpu.memory_space<vmem>> -> memref<256x64xf32, #tpu.memory_space<vmem>>
    %dma_wait3A_364 = tpu.memref_slice %arg6[%dma_wait3A_359, %add3A_250, %mul3A_252] : memref<4x8192x128xf32, #tpu.memory_space<hbm>> -> memref<1x256x64xf32, #tpu.memory_space<hbm>>
    %dma_wait3A_365 = tpu.memref_squeeze %dma_wait3A_364 : memref<1x256x64xf32, #tpu.memory_space<hbm>> -> memref<256x64xf32, #tpu.memory_space<hbm>>
    %dma_wait3A_366 = tpu.memref_slice %arg6[%dma_wait3A_359, %add3A_250, %mul3A_252] : memref<4x8192x128xf32, #tpu.memory_space<hbm>> -> memref<1x256x64xf32, #tpu.memory_space<hbm>>
    %dma_wait3A_367 = tpu.memref_squeeze %dma_wait3A_366 : memref<1x256x64xf32, #tpu.memory_space<hbm>> -> memref<256x64xf32, #tpu.memory_space<hbm>>
    %dma_wait3A_368 = arith.constant 0 : i32
    %dma_wait3A_369 = arith.constant 64 : i32
    %dma_wait3A_370 = tpu.memref_slice %arg10[%dma_wait3A_358, %dma_wait3A_368, %dma_wait3A_369] : memref<3x256x128xf32, #tpu.memory_space<vmem>> -> memref<1x256x64xf32, #tpu.memory_space<vmem>>
    %dma_wait3A_371 = tpu.memref_squeeze %dma_wait3A_370 : memref<1x256x64xf32, #tpu.memory_space<vmem>> -> memref<256x64xf32, #tpu.memory_space<vmem>>
    tpu.wait_dma2 semaphore(%arg18 : memref<!tpu.dma_semaphore, #tpu.memory_space<semaphore_mem>>) src(%dma_wait3A_371 : memref<256x64xf32, #tpu.memory_space<vmem>>) dst(%dma_wait3A_367 : memref<256x64xf32, #tpu.memory_space<hbm>>)
    %dma_wait3A_372 = arith.constant 0 : i32
    %dma_wait3A_373 = arith.constant 2 : i32
    %dma_wait3A_374 = arith.constant 0 : i32
    %dma_wait3A_375 = arith.constant 0 : i32
    %dma_wait3A_376 = tpu.memref_slice %arg10[%dma_wait3A_372, %dma_wait3A_374, %dma_wait3A_375] : memref<3x256x128xf32, #tpu.memory_space<vmem>> -> memref<1x256x64xf32, #tpu.memory_space<vmem>>
    %dma_wait3A_377 = tpu.memref_squeeze %dma_wait3A_376 : memref<1x256x64xf32, #tpu.memory_space<vmem>> -> memref<256x64xf32, #tpu.memory_space<vmem>>
    %dma_wait3A_378 = tpu.memref_slice %arg6[%dma_wait3A_373, %add3A_281, %mul3A_283] : memref<4x8192x128xf32, #tpu.memory_space<hbm>> -> memref<1x256x64xf32, #tpu.memory_space<hbm>>
    %dma_wait3A_379 = tpu.memref_squeeze %dma_wait3A_378 : memref<1x256x64xf32, #tpu.memory_space<hbm>> -> memref<256x64xf32, #tpu.memory_space<hbm>>
    %dma_wait3A_380 = tpu.memref_slice %arg6[%dma_wait3A_373, %add3A_281, %mul3A_283] : memref<4x8192x128xf32, #tpu.memory_space<hbm>> -> memref<1x256x64xf32, #tpu.memory_space<hbm>>
    %dma_wait3A_381 = tpu.memref_squeeze %dma_wait3A_380 : memref<1x256x64xf32, #tpu.memory_space<hbm>> -> memref<256x64xf32, #tpu.memory_space<hbm>>
    %dma_wait3A_382 = arith.constant 0 : i32
    %dma_wait3A_383 = arith.constant 0 : i32
    %dma_wait3A_384 = tpu.memref_slice %arg10[%dma_wait3A_372, %dma_wait3A_382, %dma_wait3A_383] : memref<3x256x128xf32, #tpu.memory_space<vmem>> -> memref<1x256x64xf32, #tpu.memory_space<vmem>>
    %dma_wait3A_385 = tpu.memref_squeeze %dma_wait3A_384 : memref<1x256x64xf32, #tpu.memory_space<vmem>> -> memref<256x64xf32, #tpu.memory_space<vmem>>
    tpu.wait_dma2 semaphore(%arg16 : memref<!tpu.dma_semaphore, #tpu.memory_space<semaphore_mem>>) src(%dma_wait3A_385 : memref<256x64xf32, #tpu.memory_space<vmem>>) dst(%dma_wait3A_381 : memref<256x64xf32, #tpu.memory_space<hbm>>)
    %dma_wait3A_386 = arith.constant 0 : i32
    %dma_wait3A_387 = arith.constant 3 : i32
    %dma_wait3A_388 = arith.constant 0 : i32
    %dma_wait3A_389 = arith.constant 64 : i32
    %dma_wait3A_390 = tpu.memref_slice %arg10[%dma_wait3A_386, %dma_wait3A_388, %dma_wait3A_389] : memref<3x256x128xf32, #tpu.memory_space<vmem>> -> memref<1x256x64xf32, #tpu.memory_space<vmem>>
    %dma_wait3A_391 = tpu.memref_squeeze %dma_wait3A_390 : memref<1x256x64xf32, #tpu.memory_space<vmem>> -> memref<256x64xf32, #tpu.memory_space<vmem>>
    %dma_wait3A_392 = tpu.memref_slice %arg6[%dma_wait3A_387, %add3A_299, %mul3A_301] : memref<4x8192x128xf32, #tpu.memory_space<hbm>> -> memref<1x256x64xf32, #tpu.memory_space<hbm>>
    %dma_wait3A_393 = tpu.memref_squeeze %dma_wait3A_392 : memref<1x256x64xf32, #tpu.memory_space<hbm>> -> memref<256x64xf32, #tpu.memory_space<hbm>>
    %dma_wait3A_394 = tpu.memref_slice %arg6[%dma_wait3A_387, %add3A_299, %mul3A_301] : memref<4x8192x128xf32, #tpu.memory_space<hbm>> -> memref<1x256x64xf32, #tpu.memory_space<hbm>>
    %dma_wait3A_395 = tpu.memref_squeeze %dma_wait3A_394 : memref<1x256x64xf32, #tpu.memory_space<hbm>> -> memref<256x64xf32, #tpu.memory_space<hbm>>
    %dma_wait3A_396 = arith.constant 0 : i32
    %dma_wait3A_397 = arith.constant 64 : i32
    %dma_wait3A_398 = tpu.memref_slice %arg10[%dma_wait3A_386, %dma_wait3A_396, %dma_wait3A_397] : memref<3x256x128xf32, #tpu.memory_space<vmem>> -> memref<1x256x64xf32, #tpu.memory_space<vmem>>
    %dma_wait3A_399 = tpu.memref_squeeze %dma_wait3A_398 : memref<1x256x64xf32, #tpu.memory_space<vmem>> -> memref<256x64xf32, #tpu.memory_space<vmem>>
    tpu.wait_dma2 semaphore(%arg16 : memref<!tpu.dma_semaphore, #tpu.memory_space<semaphore_mem>>) src(%dma_wait3A_399 : memref<256x64xf32, #tpu.memory_space<vmem>>) dst(%dma_wait3A_395 : memref<256x64xf32, #tpu.memory_space<hbm>>)
    %run_scoped3A = arith.constant 2 : i32
    %run_scoped3A_400 = arith.constant 0 : i32
    "tpu.region"() ({
      %run_scoped3A_415 = tpu.sem_alloc : memref<!tpu.dma_semaphore, #tpu.memory_space<semaphore_mem>>
      %dma_start3A_416 = arith.constant 0 : i32
      %dma_start3A_417 = tpu.memref_slice %arg9[%run_scoped3A, %run_scoped3A_400, %dma_start3A_416] : memref<3x2x256xi32, #tpu.memory_space<vmem>> -> memref<1x1x256xi32, #tpu.memory_space<vmem>>
      %dma_start3A_418 = tpu.memref_squeeze %dma_start3A_417 : memref<1x1x256xi32, #tpu.memory_space<vmem>> -> memref<256xi32, #tpu.memory_space<vmem>>
      %dma_start3A_419 = arith.constant 0 : i32
      %dma_start3A_420 = tpu.memref_slice %arg3[%dma_start3A_419] : memref<100000xf32, #tpu.memory_space<hbm>> -> memref<100000xf32, #tpu.memory_space<hbm>>
      tpu.enqueue_indirect_dma source(%dma_start3A_420 : memref<100000xf32, #tpu.memory_space<hbm>>) target(%arg11 : memref<256xf32, #tpu.memory_space<vmem>>) offsets(%dma_start3A_418 : memref<256xi32, #tpu.memory_space<vmem>>) semaphore(%run_scoped3A_415 : memref<!tpu.dma_semaphore, #tpu.memory_space<semaphore_mem>>)
      %dma_wait3A_421 = arith.constant 0 : i32
      %dma_wait3A_422 = tpu.memref_slice %arg9[%run_scoped3A, %run_scoped3A_400, %dma_wait3A_421] : memref<3x2x256xi32, #tpu.memory_space<vmem>> -> memref<1x1x256xi32, #tpu.memory_space<vmem>>
      %dma_wait3A_423 = tpu.memref_squeeze %dma_wait3A_422 : memref<1x1x256xi32, #tpu.memory_space<vmem>> -> memref<256xi32, #tpu.memory_space<vmem>>
      %dma_wait3A_424 = arith.constant 0 : i32
      %dma_wait3A_425 = tpu.memref_slice %arg3[%dma_wait3A_424] : memref<100000xf32, #tpu.memory_space<hbm>> -> memref<100000xf32, #tpu.memory_space<hbm>>
      tpu.wait_indirect_dma semaphore(%run_scoped3A_415 : memref<!tpu.dma_semaphore, #tpu.memory_space<semaphore_mem>>) src(%dma_wait3A_425 : memref<100000xf32, #tpu.memory_space<hbm>>) dst(%arg11 : memref<256xf32, #tpu.memory_space<vmem>>)
      tpu.yield
    }) : () -> ()
    %add3A_401 = arith.constant 0 : i32
    %add3A_402 = arith.addi %mul3A_2, %add3A_401 : i32
    "tpu.region"() ({
      %run_scoped3A_415 = tpu.sem_alloc : memref<!tpu.dma_semaphore, #tpu.memory_space<semaphore_mem>>
      %dma_start3A_416 = tpu.memref_slice %arg7[%add3A_402] : memref<16384xf32, #tpu.memory_space<hbm>> -> memref<256xf32, #tpu.memory_space<hbm>>
      %dma_start3A_417 = tpu.memref_slice %arg7[%add3A_402] : memref<16384xf32, #tpu.memory_space<hbm>> -> memref<256xf32, #tpu.memory_space<hbm>>
      tpu.enqueue_dma source(%arg11 : memref<256xf32, #tpu.memory_space<vmem>>) target(%dma_start3A_417 : memref<256xf32, #tpu.memory_space<hbm>>) target_semaphore(%run_scoped3A_415 : memref<!tpu.dma_semaphore, #tpu.memory_space<semaphore_mem>>)
      %dma_wait3A_418 = tpu.memref_slice %arg7[%add3A_402] : memref<16384xf32, #tpu.memory_space<hbm>> -> memref<256xf32, #tpu.memory_space<hbm>>
      %dma_wait3A_419 = tpu.memref_slice %arg7[%add3A_402] : memref<16384xf32, #tpu.memory_space<hbm>> -> memref<256xf32, #tpu.memory_space<hbm>>
      tpu.wait_dma2 semaphore(%run_scoped3A_415 : memref<!tpu.dma_semaphore, #tpu.memory_space<semaphore_mem>>) src(%arg11 : memref<256xf32, #tpu.memory_space<vmem>>) dst(%dma_wait3A_419 : memref<256xf32, #tpu.memory_space<hbm>>)
      tpu.yield
    }) : () -> ()
    %run_scoped3A_403 = arith.constant 2 : i32
    %run_scoped3A_404 = arith.constant 1 : i32
    "tpu.region"() ({
      %run_scoped3A_415 = tpu.sem_alloc : memref<!tpu.dma_semaphore, #tpu.memory_space<semaphore_mem>>
      %dma_start3A_416 = arith.constant 0 : i32
      %dma_start3A_417 = tpu.memref_slice %arg9[%run_scoped3A_403, %run_scoped3A_404, %dma_start3A_416] : memref<3x2x256xi32, #tpu.memory_space<vmem>> -> memref<1x1x256xi32, #tpu.memory_space<vmem>>
      %dma_start3A_418 = tpu.memref_squeeze %dma_start3A_417 : memref<1x1x256xi32, #tpu.memory_space<vmem>> -> memref<256xi32, #tpu.memory_space<vmem>>
      %dma_start3A_419 = arith.constant 0 : i32
      %dma_start3A_420 = tpu.memref_slice %arg3[%dma_start3A_419] : memref<100000xf32, #tpu.memory_space<hbm>> -> memref<100000xf32, #tpu.memory_space<hbm>>
      tpu.enqueue_indirect_dma source(%dma_start3A_420 : memref<100000xf32, #tpu.memory_space<hbm>>) target(%arg11 : memref<256xf32, #tpu.memory_space<vmem>>) offsets(%dma_start3A_418 : memref<256xi32, #tpu.memory_space<vmem>>) semaphore(%run_scoped3A_415 : memref<!tpu.dma_semaphore, #tpu.memory_space<semaphore_mem>>)
      %dma_wait3A_421 = arith.constant 0 : i32
      %dma_wait3A_422 = tpu.memref_slice %arg9[%run_scoped3A_403, %run_scoped3A_404, %dma_wait3A_421] : memref<3x2x256xi32, #tpu.memory_space<vmem>> -> memref<1x1x256xi32, #tpu.memory_space<vmem>>
      %dma_wait3A_423 = tpu.memref_squeeze %dma_wait3A_422 : memref<1x1x256xi32, #tpu.memory_space<vmem>> -> memref<256xi32, #tpu.memory_space<vmem>>
      %dma_wait3A_424 = arith.constant 0 : i32
      %dma_wait3A_425 = tpu.memref_slice %arg3[%dma_wait3A_424] : memref<100000xf32, #tpu.memory_space<hbm>> -> memref<100000xf32, #tpu.memory_space<hbm>>
      tpu.wait_indirect_dma semaphore(%run_scoped3A_415 : memref<!tpu.dma_semaphore, #tpu.memory_space<semaphore_mem>>) src(%dma_wait3A_425 : memref<100000xf32, #tpu.memory_space<hbm>>) dst(%arg11 : memref<256xf32, #tpu.memory_space<vmem>>)
      tpu.yield
    }) : () -> ()
    %add3A_405 = arith.constant 256 : i32
    %add3A_406 = arith.addi %mul3A_2, %add3A_405 : i32
    "tpu.region"() ({
      %run_scoped3A_415 = tpu.sem_alloc : memref<!tpu.dma_semaphore, #tpu.memory_space<semaphore_mem>>
      %dma_start3A_416 = tpu.memref_slice %arg7[%add3A_406] : memref<16384xf32, #tpu.memory_space<hbm>> -> memref<256xf32, #tpu.memory_space<hbm>>
      %dma_start3A_417 = tpu.memref_slice %arg7[%add3A_406] : memref<16384xf32, #tpu.memory_space<hbm>> -> memref<256xf32, #tpu.memory_space<hbm>>
      tpu.enqueue_dma source(%arg11 : memref<256xf32, #tpu.memory_space<vmem>>) target(%dma_start3A_417 : memref<256xf32, #tpu.memory_space<hbm>>) target_semaphore(%run_scoped3A_415 : memref<!tpu.dma_semaphore, #tpu.memory_space<semaphore_mem>>)
      %dma_wait3A_418 = tpu.memref_slice %arg7[%add3A_406] : memref<16384xf32, #tpu.memory_space<hbm>> -> memref<256xf32, #tpu.memory_space<hbm>>
      %dma_wait3A_419 = tpu.memref_slice %arg7[%add3A_406] : memref<16384xf32, #tpu.memory_space<hbm>> -> memref<256xf32, #tpu.memory_space<hbm>>
      tpu.wait_dma2 semaphore(%run_scoped3A_415 : memref<!tpu.dma_semaphore, #tpu.memory_space<semaphore_mem>>) src(%arg11 : memref<256xf32, #tpu.memory_space<vmem>>) dst(%dma_wait3A_419 : memref<256xf32, #tpu.memory_space<hbm>>)
      tpu.yield
    }) : () -> ()
    %run_scoped3A_407 = arith.constant 2 : i32
    %run_scoped3A_408 = arith.constant 0 : i32
    "tpu.region"() ({
      %run_scoped3A_415 = tpu.sem_alloc : memref<!tpu.dma_semaphore, #tpu.memory_space<semaphore_mem>>
      %dma_start3A_416 = arith.constant 0 : i32
      %dma_start3A_417 = tpu.memref_slice %arg9[%run_scoped3A_407, %run_scoped3A_408, %dma_start3A_416] : memref<3x2x256xi32, #tpu.memory_space<vmem>> -> memref<1x1x256xi32, #tpu.memory_space<vmem>>
      %dma_start3A_418 = tpu.memref_squeeze %dma_start3A_417 : memref<1x1x256xi32, #tpu.memory_space<vmem>> -> memref<256xi32, #tpu.memory_space<vmem>>
      %dma_start3A_419 = arith.constant 0 : i32
      %dma_start3A_420 = tpu.memref_slice %arg4[%dma_start3A_419] : memref<100000xf32, #tpu.memory_space<hbm>> -> memref<100000xf32, #tpu.memory_space<hbm>>
      tpu.enqueue_indirect_dma source(%dma_start3A_420 : memref<100000xf32, #tpu.memory_space<hbm>>) target(%arg11 : memref<256xf32, #tpu.memory_space<vmem>>) offsets(%dma_start3A_418 : memref<256xi32, #tpu.memory_space<vmem>>) semaphore(%run_scoped3A_415 : memref<!tpu.dma_semaphore, #tpu.memory_space<semaphore_mem>>)
      %dma_wait3A_421 = arith.constant 0 : i32
      %dma_wait3A_422 = tpu.memref_slice %arg9[%run_scoped3A_407, %run_scoped3A_408, %dma_wait3A_421] : memref<3x2x256xi32, #tpu.memory_space<vmem>> -> memref<1x1x256xi32, #tpu.memory_space<vmem>>
      %dma_wait3A_423 = tpu.memref_squeeze %dma_wait3A_422 : memref<1x1x256xi32, #tpu.memory_space<vmem>> -> memref<256xi32, #tpu.memory_space<vmem>>
      %dma_wait3A_424 = arith.constant 0 : i32
      %dma_wait3A_425 = tpu.memref_slice %arg4[%dma_wait3A_424] : memref<100000xf32, #tpu.memory_space<hbm>> -> memref<100000xf32, #tpu.memory_space<hbm>>
      tpu.wait_indirect_dma semaphore(%run_scoped3A_415 : memref<!tpu.dma_semaphore, #tpu.memory_space<semaphore_mem>>) src(%dma_wait3A_425 : memref<100000xf32, #tpu.memory_space<hbm>>) dst(%arg11 : memref<256xf32, #tpu.memory_space<vmem>>)
      tpu.yield
    }) : () -> ()
    %add3A_409 = arith.constant 0 : i32
    %add3A_410 = arith.addi %mul3A_2, %add3A_409 : i32
    "tpu.region"() ({
      %run_scoped3A_415 = tpu.sem_alloc : memref<!tpu.dma_semaphore, #tpu.memory_space<semaphore_mem>>
      %dma_start3A_416 = tpu.memref_slice %arg8[%add3A_410] : memref<16384xf32, #tpu.memory_space<hbm>> -> memref<256xf32, #tpu.memory_space<hbm>>
      %dma_start3A_417 = tpu.memref_slice %arg8[%add3A_410] : memref<16384xf32, #tpu.memory_space<hbm>> -> memref<256xf32, #tpu.memory_space<hbm>>
      tpu.enqueue_dma source(%arg11 : memref<256xf32, #tpu.memory_space<vmem>>) target(%dma_start3A_417 : memref<256xf32, #tpu.memory_space<hbm>>) target_semaphore(%run_scoped3A_415 : memref<!tpu.dma_semaphore, #tpu.memory_space<semaphore_mem>>)
      %dma_wait3A_418 = tpu.memref_slice %arg8[%add3A_410] : memref<16384xf32, #tpu.memory_space<hbm>> -> memref<256xf32, #tpu.memory_space<hbm>>
      %dma_wait3A_419 = tpu.memref_slice %arg8[%add3A_410] : memref<16384xf32, #tpu.memory_space<hbm>> -> memref<256xf32, #tpu.memory_space<hbm>>
      tpu.wait_dma2 semaphore(%run_scoped3A_415 : memref<!tpu.dma_semaphore, #tpu.memory_space<semaphore_mem>>) src(%arg11 : memref<256xf32, #tpu.memory_space<vmem>>) dst(%dma_wait3A_419 : memref<256xf32, #tpu.memory_space<hbm>>)
      tpu.yield
    }) : () -> ()
    %run_scoped3A_411 = arith.constant 2 : i32
    %run_scoped3A_412 = arith.constant 1 : i32
    "tpu.region"() ({
      %run_scoped3A_415 = tpu.sem_alloc : memref<!tpu.dma_semaphore, #tpu.memory_space<semaphore_mem>>
      %dma_start3A_416 = arith.constant 0 : i32
      %dma_start3A_417 = tpu.memref_slice %arg9[%run_scoped3A_411, %run_scoped3A_412, %dma_start3A_416] : memref<3x2x256xi32, #tpu.memory_space<vmem>> -> memref<1x1x256xi32, #tpu.memory_space<vmem>>
      %dma_start3A_418 = tpu.memref_squeeze %dma_start3A_417 : memref<1x1x256xi32, #tpu.memory_space<vmem>> -> memref<256xi32, #tpu.memory_space<vmem>>
      %dma_start3A_419 = arith.constant 0 : i32
      %dma_start3A_420 = tpu.memref_slice %arg4[%dma_start3A_419] : memref<100000xf32, #tpu.memory_space<hbm>> -> memref<100000xf32, #tpu.memory_space<hbm>>
      tpu.enqueue_indirect_dma source(%dma_start3A_420 : memref<100000xf32, #tpu.memory_space<hbm>>) target(%arg11 : memref<256xf32, #tpu.memory_space<vmem>>) offsets(%dma_start3A_418 : memref<256xi32, #tpu.memory_space<vmem>>) semaphore(%run_scoped3A_415 : memref<!tpu.dma_semaphore, #tpu.memory_space<semaphore_mem>>)
      %dma_wait3A_421 = arith.constant 0 : i32
      %dma_wait3A_422 = tpu.memref_slice %arg9[%run_scoped3A_411, %run_scoped3A_412, %dma_wait3A_421] : memref<3x2x256xi32, #tpu.memory_space<vmem>> -> memref<1x1x256xi32, #tpu.memory_space<vmem>>
      %dma_wait3A_423 = tpu.memref_squeeze %dma_wait3A_422 : memref<1x1x256xi32, #tpu.memory_space<vmem>> -> memref<256xi32, #tpu.memory_space<vmem>>
      %dma_wait3A_424 = arith.constant 0 : i32
      %dma_wait3A_425 = tpu.memref_slice %arg4[%dma_wait3A_424] : memref<100000xf32, #tpu.memory_space<hbm>> -> memref<100000xf32, #tpu.memory_space<hbm>>
      tpu.wait_indirect_dma semaphore(%run_scoped3A_415 : memref<!tpu.dma_semaphore, #tpu.memory_space<semaphore_mem>>) src(%dma_wait3A_425 : memref<100000xf32, #tpu.memory_space<hbm>>) dst(%arg11 : memref<256xf32, #tpu.memory_space<vmem>>)
      tpu.yield
    }) : () -> ()
    %add3A_413 = arith.constant 256 : i32
    %add3A_414 = arith.addi %mul3A_2, %add3A_413 : i32
    "tpu.region"() ({
      %run_scoped3A_415 = tpu.sem_alloc : memref<!tpu.dma_semaphore, #tpu.memory_space<semaphore_mem>>
      %dma_start3A_416 = tpu.memref_slice %arg8[%add3A_414] : memref<16384xf32, #tpu.memory_space<hbm>> -> memref<256xf32, #tpu.memory_space<hbm>>
      %dma_start3A_417 = tpu.memref_slice %arg8[%add3A_414] : memref<16384xf32, #tpu.memory_space<hbm>> -> memref<256xf32, #tpu.memory_space<hbm>>
      tpu.enqueue_dma source(%arg11 : memref<256xf32, #tpu.memory_space<vmem>>) target(%dma_start3A_417 : memref<256xf32, #tpu.memory_space<hbm>>) target_semaphore(%run_scoped3A_415 : memref<!tpu.dma_semaphore, #tpu.memory_space<semaphore_mem>>)
      %dma_wait3A_418 = tpu.memref_slice %arg8[%add3A_414] : memref<16384xf32, #tpu.memory_space<hbm>> -> memref<256xf32, #tpu.memory_space<hbm>>
      %dma_wait3A_419 = tpu.memref_slice %arg8[%add3A_414] : memref<16384xf32, #tpu.memory_space<hbm>> -> memref<256xf32, #tpu.memory_space<hbm>>
      tpu.wait_dma2 semaphore(%run_scoped3A_415 : memref<!tpu.dma_semaphore, #tpu.memory_space<semaphore_mem>>) src(%arg11 : memref<256xf32, #tpu.memory_space<vmem>>) dst(%dma_wait3A_419 : memref<256xf32, #tpu.memory_space<hbm>>)
      tpu.yield
    }) : () -> ()
    return
  }
}

#map = affine_map<(d0, d1) -> (0, 0)>
#map1 = affine_map<(d0, d1) -> (0, 0, 0, 0)>
#map2 = affine_map<(d0, d1) -> (0, 0, 0)>
module attributes {stable_mosaic.version = 14 : i64} {
  func.func @sc_gather(%arg0: i32, %arg1: i32, %arg2: memref<100000x128xf32, #tpu.memory_space<hbm>>, %arg3: memref<4x32x2x256xi32, #tpu.memory_space<hbm>>, %arg4: memref<4x8192x128xf32, #tpu.memory_space<hbm>>, %arg5: memref<4x2x256xi32, #tpu.memory_space<vmem>>, %arg6: memref<3x256x128xf32, #tpu.memory_space<vmem>>, %arg7: memref<256xf32, #tpu.memory_space<vmem>>, %arg8: memref<!tpu.dma_semaphore, #tpu.memory_space<semaphore_mem>>, %arg9: memref<!tpu.dma_semaphore, #tpu.memory_space<semaphore_mem>>, %arg10: memref<!tpu.dma_semaphore, #tpu.memory_space<semaphore_mem>>, %arg11: memref<!tpu.dma_semaphore, #tpu.memory_space<semaphore_mem>>, %arg12: memref<!tpu.dma_semaphore, #tpu.memory_space<semaphore_mem>>, %arg13: memref<!tpu.dma_semaphore, #tpu.memory_space<semaphore_mem>>, %arg14: memref<!tpu.dma_semaphore, #tpu.memory_space<semaphore_mem>>) attributes {dimension_semantics = [#tpu.dimension_semantics<core_parallel>, #tpu.dimension_semantics<subcore_parallel>], iteration_bounds = array<i64: 2, 16>, scalar_prefetch = 0 : i64, scratch_operands = 10 : i64, tpu.core_type = #tpu.core_type<sc_vector_subcore>, window_params = [{transform_indices = #map}, {transform_indices = #map1}, {transform_indices = #map2}]} {
    %mul3A = arith.constant 2 : i32
    %mul3A_0 = arith.muli %arg1, %mul3A : i32
    %add3A = arith.addi %mul3A_0, %arg0 : i32
    %mul3A_1 = arith.constant 512 : i32
    %mul3A_2 = arith.muli %add3A, %mul3A_1 : i32
    %jit3A = arith.constant 8192 : i32
    %div3A = arith.divsi %mul3A_2, %jit3A : i32
    %sign3A = arith.constant 0 : i32
    %sign3A_3 = arith.cmpi sgt, %mul3A_2, %sign3A : i32
    %sign3A_4 = arith.extui %sign3A_3 : i1 to i32
    %sign3A_5 = arith.constant 0 : i32
    %sign3A_6 = arith.cmpi slt, %mul3A_2, %sign3A_5 : i32
    %sign3A_7 = arith.extui %sign3A_6 : i1 to i32
    %sign3A_8 = arith.subi %sign3A_4, %sign3A_7 : i32
    %sign3A_9 = arith.constant 0 : i32
    %sign3A_10 = arith.cmpi sgt, %jit3A, %sign3A_9 : i32
    %sign3A_11 = arith.extui %sign3A_10 : i1 to i32
    %sign3A_12 = arith.constant 0 : i32
    %sign3A_13 = arith.cmpi slt, %jit3A, %sign3A_12 : i32
    %sign3A_14 = arith.extui %sign3A_13 : i1 to i32
    %sign3A_15 = arith.subi %sign3A_11, %sign3A_14 : i32
    %ne3A = arith.cmpi ne, %sign3A_8, %sign3A_15 : i32
    %rem3A = arith.remsi %mul3A_2, %jit3A : i32
    %ne3A_16 = arith.constant 0 : i32
    %ne3A_17 = arith.cmpi ne, %rem3A, %ne3A_16 : i32
    %and3A = arith.andi %ne3A, %ne3A_17 : i1
    %sub3A = arith.constant 1 : i32
    %sub3A_18 = arith.subi %div3A, %sub3A : i32
    %select_n3A = arith.select %and3A, %sub3A_18, %div3A : i32
    %mul3A_19 = arith.constant 8192 : i32
    %mul3A_20 = arith.muli %select_n3A, %mul3A_19 : i32
    %sub3A_21 = arith.subi %mul3A_2, %mul3A_20 : i32
    %dma_start3A = arith.constant 0 : i32
    %dma_start3A_22 = arith.constant 0 : i32
    %dma_start3A_23 = arith.constant 0 : i32
    %dma_start3A_24 = tpu.memref_slice %arg3[%dma_start3A, %add3A, %dma_start3A_22, %dma_start3A_23] : memref<4x32x2x256xi32, #tpu.memory_space<hbm>> -> memref<4x1x2x256xi32, #tpu.memory_space<hbm>>
    %dma_start3A_25 = tpu.memref_squeeze %dma_start3A_24 : memref<4x1x2x256xi32, #tpu.memory_space<hbm>> -> memref<4x2x256xi32, #tpu.memory_space<hbm>>
    %dma_start3A_26 = arith.constant 0 : i32
    %dma_start3A_27 = arith.constant 0 : i32
    %dma_start3A_28 = arith.constant 0 : i32
    %dma_start3A_29 = tpu.memref_slice %arg3[%dma_start3A_26, %add3A, %dma_start3A_27, %dma_start3A_28] : memref<4x32x2x256xi32, #tpu.memory_space<hbm>> -> memref<4x1x2x256xi32, #tpu.memory_space<hbm>>
    %dma_start3A_30 = tpu.memref_squeeze %dma_start3A_29 : memref<4x1x2x256xi32, #tpu.memory_space<hbm>> -> memref<4x2x256xi32, #tpu.memory_space<hbm>>
    tpu.enqueue_dma source(%dma_start3A_30 : memref<4x2x256xi32, #tpu.memory_space<hbm>>) target(%arg5 : memref<4x2x256xi32, #tpu.memory_space<vmem>>) target_semaphore(%arg8 : memref<!tpu.dma_semaphore, #tpu.memory_space<semaphore_mem>>)
    %dma_wait3A = arith.constant 0 : i32
    %dma_wait3A_31 = arith.constant 0 : i32
    %dma_wait3A_32 = arith.constant 0 : i32
    %dma_wait3A_33 = tpu.memref_slice %arg3[%dma_wait3A, %add3A, %dma_wait3A_31, %dma_wait3A_32] : memref<4x32x2x256xi32, #tpu.memory_space<hbm>> -> memref<4x1x2x256xi32, #tpu.memory_space<hbm>>
    %dma_wait3A_34 = tpu.memref_squeeze %dma_wait3A_33 : memref<4x1x2x256xi32, #tpu.memory_space<hbm>> -> memref<4x2x256xi32, #tpu.memory_space<hbm>>
    %dma_wait3A_35 = arith.constant 0 : i32
    %dma_wait3A_36 = arith.constant 0 : i32
    %dma_wait3A_37 = arith.constant 0 : i32
    %dma_wait3A_38 = tpu.memref_slice %arg3[%dma_wait3A_35, %add3A, %dma_wait3A_36, %dma_wait3A_37] : memref<4x32x2x256xi32, #tpu.memory_space<hbm>> -> memref<4x1x2x256xi32, #tpu.memory_space<hbm>>
    %dma_wait3A_39 = tpu.memref_squeeze %dma_wait3A_38 : memref<4x1x2x256xi32, #tpu.memory_space<hbm>> -> memref<4x2x256xi32, #tpu.memory_space<hbm>>
    tpu.wait_dma2 semaphore(%arg8 : memref<!tpu.dma_semaphore, #tpu.memory_space<semaphore_mem>>) src(%dma_wait3A_39 : memref<4x2x256xi32, #tpu.memory_space<hbm>>) dst(%arg5 : memref<4x2x256xi32, #tpu.memory_space<vmem>>)
    %dma_start3A_40 = arith.constant 0 : i32
    %dma_start3A_41 = arith.constant 0 : i32
    %dma_start3A_42 = arith.constant 0 : i32
    %dma_start3A_43 = arith.constant 0 : i32
    %dma_start3A_44 = arith.constant 0 : i32
    %dma_start3A_45 = tpu.memref_slice %arg6[%dma_start3A_42, %dma_start3A_43, %dma_start3A_44] : memref<3x256x128xf32, #tpu.memory_space<vmem>> -> memref<1x256x128xf32, #tpu.memory_space<vmem>>
    %dma_start3A_46 = tpu.memref_squeeze %dma_start3A_45 : memref<1x256x128xf32, #tpu.memory_space<vmem>> -> memref<256x128xf32, #tpu.memory_space<vmem>>
    %dma_start3A_47 = arith.constant 0 : i32
    %dma_start3A_48 = tpu.memref_slice %arg5[%dma_start3A_40, %dma_start3A_41, %dma_start3A_47] : memref<4x2x256xi32, #tpu.memory_space<vmem>> -> memref<1x1x256xi32, #tpu.memory_space<vmem>>
    %dma_start3A_49 = tpu.memref_squeeze %dma_start3A_48 : memref<1x1x256xi32, #tpu.memory_space<vmem>> -> memref<256xi32, #tpu.memory_space<vmem>>
    %dma_start3A_50 = arith.constant 0 : i32
    %dma_start3A_51 = arith.constant 0 : i32
    %dma_start3A_52 = tpu.memref_slice %arg2[%dma_start3A_50, %dma_start3A_51] : memref<100000x128xf32, #tpu.memory_space<hbm>> -> memref<100000x128xf32, #tpu.memory_space<hbm>>
    tpu.enqueue_indirect_dma source(%dma_start3A_52 : memref<100000x128xf32, #tpu.memory_space<hbm>>) target(%dma_start3A_46 : memref<256x128xf32, #tpu.memory_space<vmem>>) offsets(%dma_start3A_49 : memref<256xi32, #tpu.memory_space<vmem>>) semaphore(%arg9 : memref<!tpu.dma_semaphore, #tpu.memory_space<semaphore_mem>>)
    %dma_start3A_53 = arith.constant 0 : i32
    %dma_start3A_54 = arith.constant 1 : i32
    %dma_start3A_55 = arith.constant 1 : i32
    %dma_start3A_56 = arith.constant 0 : i32
    %dma_start3A_57 = arith.constant 0 : i32
    %dma_start3A_58 = tpu.memref_slice %arg6[%dma_start3A_55, %dma_start3A_56, %dma_start3A_57] : memref<3x256x128xf32, #tpu.memory_space<vmem>> -> memref<1x256x128xf32, #tpu.memory_space<vmem>>
    %dma_start3A_59 = tpu.memref_squeeze %dma_start3A_58 : memref<1x256x128xf32, #tpu.memory_space<vmem>> -> memref<256x128xf32, #tpu.memory_space<vmem>>
    %dma_start3A_60 = arith.constant 0 : i32
    %dma_start3A_61 = tpu.memref_slice %arg5[%dma_start3A_53, %dma_start3A_54, %dma_start3A_60] : memref<4x2x256xi32, #tpu.memory_space<vmem>> -> memref<1x1x256xi32, #tpu.memory_space<vmem>>
    %dma_start3A_62 = tpu.memref_squeeze %dma_start3A_61 : memref<1x1x256xi32, #tpu.memory_space<vmem>> -> memref<256xi32, #tpu.memory_space<vmem>>
    %dma_start3A_63 = arith.constant 0 : i32
    %dma_start3A_64 = arith.constant 0 : i32
    %dma_start3A_65 = tpu.memref_slice %arg2[%dma_start3A_63, %dma_start3A_64] : memref<100000x128xf32, #tpu.memory_space<hbm>> -> memref<100000x128xf32, #tpu.memory_space<hbm>>
    tpu.enqueue_indirect_dma source(%dma_start3A_65 : memref<100000x128xf32, #tpu.memory_space<hbm>>) target(%dma_start3A_59 : memref<256x128xf32, #tpu.memory_space<vmem>>) offsets(%dma_start3A_62 : memref<256xi32, #tpu.memory_space<vmem>>) semaphore(%arg10 : memref<!tpu.dma_semaphore, #tpu.memory_space<semaphore_mem>>)
    %dma_start3A_66 = arith.constant 1 : i32
    %dma_start3A_67 = arith.constant 0 : i32
    %dma_start3A_68 = arith.constant 2 : i32
    %dma_start3A_69 = arith.constant 0 : i32
    %dma_start3A_70 = arith.constant 0 : i32
    %dma_start3A_71 = tpu.memref_slice %arg6[%dma_start3A_68, %dma_start3A_69, %dma_start3A_70] : memref<3x256x128xf32, #tpu.memory_space<vmem>> -> memref<1x256x128xf32, #tpu.memory_space<vmem>>
    %dma_start3A_72 = tpu.memref_squeeze %dma_start3A_71 : memref<1x256x128xf32, #tpu.memory_space<vmem>> -> memref<256x128xf32, #tpu.memory_space<vmem>>
    %dma_start3A_73 = arith.constant 0 : i32
    %dma_start3A_74 = tpu.memref_slice %arg5[%dma_start3A_66, %dma_start3A_67, %dma_start3A_73] : memref<4x2x256xi32, #tpu.memory_space<vmem>> -> memref<1x1x256xi32, #tpu.memory_space<vmem>>
    %dma_start3A_75 = tpu.memref_squeeze %dma_start3A_74 : memref<1x1x256xi32, #tpu.memory_space<vmem>> -> memref<256xi32, #tpu.memory_space<vmem>>
    %dma_start3A_76 = arith.constant 0 : i32
    %dma_start3A_77 = arith.constant 0 : i32
    %dma_start3A_78 = tpu.memref_slice %arg2[%dma_start3A_76, %dma_start3A_77] : memref<100000x128xf32, #tpu.memory_space<hbm>> -> memref<100000x128xf32, #tpu.memory_space<hbm>>
    tpu.enqueue_indirect_dma source(%dma_start3A_78 : memref<100000x128xf32, #tpu.memory_space<hbm>>) target(%dma_start3A_72 : memref<256x128xf32, #tpu.memory_space<vmem>>) offsets(%dma_start3A_75 : memref<256xi32, #tpu.memory_space<vmem>>) semaphore(%arg11 : memref<!tpu.dma_semaphore, #tpu.memory_space<semaphore_mem>>)
    %dma_wait3A_79 = arith.constant 0 : i32
    %dma_wait3A_80 = arith.constant 0 : i32
    %dma_wait3A_81 = arith.constant 0 : i32
    %dma_wait3A_82 = arith.constant 0 : i32
    %dma_wait3A_83 = arith.constant 0 : i32
    %dma_wait3A_84 = tpu.memref_slice %arg6[%dma_wait3A_81, %dma_wait3A_82, %dma_wait3A_83] : memref<3x256x128xf32, #tpu.memory_space<vmem>> -> memref<1x256x128xf32, #tpu.memory_space<vmem>>
    %dma_wait3A_85 = tpu.memref_squeeze %dma_wait3A_84 : memref<1x256x128xf32, #tpu.memory_space<vmem>> -> memref<256x128xf32, #tpu.memory_space<vmem>>
    %dma_wait3A_86 = arith.constant 0 : i32
    %dma_wait3A_87 = tpu.memref_slice %arg5[%dma_wait3A_79, %dma_wait3A_80, %dma_wait3A_86] : memref<4x2x256xi32, #tpu.memory_space<vmem>> -> memref<1x1x256xi32, #tpu.memory_space<vmem>>
    %dma_wait3A_88 = tpu.memref_squeeze %dma_wait3A_87 : memref<1x1x256xi32, #tpu.memory_space<vmem>> -> memref<256xi32, #tpu.memory_space<vmem>>
    %dma_wait3A_89 = arith.constant 0 : i32
    %dma_wait3A_90 = arith.constant 0 : i32
    %dma_wait3A_91 = tpu.memref_slice %arg2[%dma_wait3A_89, %dma_wait3A_90] : memref<100000x128xf32, #tpu.memory_space<hbm>> -> memref<100000x128xf32, #tpu.memory_space<hbm>>
    tpu.wait_indirect_dma semaphore(%arg9 : memref<!tpu.dma_semaphore, #tpu.memory_space<semaphore_mem>>) src(%dma_wait3A_91 : memref<100000x128xf32, #tpu.memory_space<hbm>>) dst(%dma_wait3A_85 : memref<256x128xf32, #tpu.memory_space<vmem>>)
    %add3A_92 = arith.constant 0 : i32
    %add3A_93 = arith.addi %sub3A_21, %add3A_92 : i32
    %mul3A_94 = arith.constant 64 : i32
    %mul3A_95 = arith.muli %select_n3A, %mul3A_94 : i32
    %dma_start3A_96 = arith.constant 0 : i32
    %dma_start3A_97 = arith.constant 0 : i32
    %dma_start3A_98 = arith.constant 0 : i32
    %dma_start3A_99 = arith.constant 0 : i32
    %dma_start3A_100 = tpu.memref_slice %arg6[%dma_start3A_96, %dma_start3A_98, %dma_start3A_99] : memref<3x256x128xf32, #tpu.memory_space<vmem>> -> memref<1x256x64xf32, #tpu.memory_space<vmem>>
    %dma_start3A_101 = tpu.memref_squeeze %dma_start3A_100 : memref<1x256x64xf32, #tpu.memory_space<vmem>> -> memref<256x64xf32, #tpu.memory_space<vmem>>
    %dma_start3A_102 = tpu.memref_slice %arg4[%dma_start3A_97, %add3A_93, %mul3A_95] : memref<4x8192x128xf32, #tpu.memory_space<hbm>> -> memref<1x256x64xf32, #tpu.memory_space<hbm>>
    %dma_start3A_103 = tpu.memref_squeeze %dma_start3A_102 : memref<1x256x64xf32, #tpu.memory_space<hbm>> -> memref<256x64xf32, #tpu.memory_space<hbm>>
    %dma_start3A_104 = tpu.memref_slice %arg4[%dma_start3A_97, %add3A_93, %mul3A_95] : memref<4x8192x128xf32, #tpu.memory_space<hbm>> -> memref<1x256x64xf32, #tpu.memory_space<hbm>>
    %dma_start3A_105 = tpu.memref_squeeze %dma_start3A_104 : memref<1x256x64xf32, #tpu.memory_space<hbm>> -> memref<256x64xf32, #tpu.memory_space<hbm>>
    %dma_start3A_106 = arith.constant 0 : i32
    %dma_start3A_107 = arith.constant 0 : i32
    %dma_start3A_108 = tpu.memref_slice %arg6[%dma_start3A_96, %dma_start3A_106, %dma_start3A_107] : memref<3x256x128xf32, #tpu.memory_space<vmem>> -> memref<1x256x64xf32, #tpu.memory_space<vmem>>
    %dma_start3A_109 = tpu.memref_squeeze %dma_start3A_108 : memref<1x256x64xf32, #tpu.memory_space<vmem>> -> memref<256x64xf32, #tpu.memory_space<vmem>>
    tpu.enqueue_dma source(%dma_start3A_109 : memref<256x64xf32, #tpu.memory_space<vmem>>) target(%dma_start3A_105 : memref<256x64xf32, #tpu.memory_space<hbm>>) target_semaphore(%arg12 : memref<!tpu.dma_semaphore, #tpu.memory_space<semaphore_mem>>)
    %dma_wait3A_110 = arith.constant 0 : i32
    %dma_wait3A_111 = arith.constant 0 : i32
    %dma_wait3A_112 = arith.constant 0 : i32
    %dma_wait3A_113 = arith.constant 0 : i32
    %dma_wait3A_114 = tpu.memref_slice %arg6[%dma_wait3A_110, %dma_wait3A_112, %dma_wait3A_113] : memref<3x256x128xf32, #tpu.memory_space<vmem>> -> memref<1x256x64xf32, #tpu.memory_space<vmem>>
    %dma_wait3A_115 = tpu.memref_squeeze %dma_wait3A_114 : memref<1x256x64xf32, #tpu.memory_space<vmem>> -> memref<256x64xf32, #tpu.memory_space<vmem>>
    %dma_wait3A_116 = tpu.memref_slice %arg4[%dma_wait3A_111, %add3A_93, %mul3A_95] : memref<4x8192x128xf32, #tpu.memory_space<hbm>> -> memref<1x256x64xf32, #tpu.memory_space<hbm>>
    %dma_wait3A_117 = tpu.memref_squeeze %dma_wait3A_116 : memref<1x256x64xf32, #tpu.memory_space<hbm>> -> memref<256x64xf32, #tpu.memory_space<hbm>>
    %dma_wait3A_118 = tpu.memref_slice %arg4[%dma_wait3A_111, %add3A_93, %mul3A_95] : memref<4x8192x128xf32, #tpu.memory_space<hbm>> -> memref<1x256x64xf32, #tpu.memory_space<hbm>>
    %dma_wait3A_119 = tpu.memref_squeeze %dma_wait3A_118 : memref<1x256x64xf32, #tpu.memory_space<hbm>> -> memref<256x64xf32, #tpu.memory_space<hbm>>
    %dma_wait3A_120 = arith.constant 0 : i32
    %dma_wait3A_121 = arith.constant 0 : i32
    %dma_wait3A_122 = tpu.memref_slice %arg6[%dma_wait3A_110, %dma_wait3A_120, %dma_wait3A_121] : memref<3x256x128xf32, #tpu.memory_space<vmem>> -> memref<1x256x64xf32, #tpu.memory_space<vmem>>
    %dma_wait3A_123 = tpu.memref_squeeze %dma_wait3A_122 : memref<1x256x64xf32, #tpu.memory_space<vmem>> -> memref<256x64xf32, #tpu.memory_space<vmem>>
    tpu.wait_dma2 semaphore(%arg12 : memref<!tpu.dma_semaphore, #tpu.memory_space<semaphore_mem>>) src(%dma_wait3A_123 : memref<256x64xf32, #tpu.memory_space<vmem>>) dst(%dma_wait3A_119 : memref<256x64xf32, #tpu.memory_space<hbm>>)
    %dma_start3A_124 = arith.constant 1 : i32
    %dma_start3A_125 = arith.constant 1 : i32
    %dma_start3A_126 = arith.constant 0 : i32
    %dma_start3A_127 = arith.constant 0 : i32
    %dma_start3A_128 = arith.constant 0 : i32
    %dma_start3A_129 = tpu.memref_slice %arg6[%dma_start3A_126, %dma_start3A_127, %dma_start3A_128] : memref<3x256x128xf32, #tpu.memory_space<vmem>> -> memref<1x256x128xf32, #tpu.memory_space<vmem>>
    %dma_start3A_130 = tpu.memref_squeeze %dma_start3A_129 : memref<1x256x128xf32, #tpu.memory_space<vmem>> -> memref<256x128xf32, #tpu.memory_space<vmem>>
    %dma_start3A_131 = arith.constant 0 : i32
    %dma_start3A_132 = tpu.memref_slice %arg5[%dma_start3A_124, %dma_start3A_125, %dma_start3A_131] : memref<4x2x256xi32, #tpu.memory_space<vmem>> -> memref<1x1x256xi32, #tpu.memory_space<vmem>>
    %dma_start3A_133 = tpu.memref_squeeze %dma_start3A_132 : memref<1x1x256xi32, #tpu.memory_space<vmem>> -> memref<256xi32, #tpu.memory_space<vmem>>
    %dma_start3A_134 = arith.constant 0 : i32
    %dma_start3A_135 = arith.constant 0 : i32
    %dma_start3A_136 = tpu.memref_slice %arg2[%dma_start3A_134, %dma_start3A_135] : memref<100000x128xf32, #tpu.memory_space<hbm>> -> memref<100000x128xf32, #tpu.memory_space<hbm>>
    tpu.enqueue_indirect_dma source(%dma_start3A_136 : memref<100000x128xf32, #tpu.memory_space<hbm>>) target(%dma_start3A_130 : memref<256x128xf32, #tpu.memory_space<vmem>>) offsets(%dma_start3A_133 : memref<256xi32, #tpu.memory_space<vmem>>) semaphore(%arg9 : memref<!tpu.dma_semaphore, #tpu.memory_space<semaphore_mem>>)
    %dma_wait3A_137 = arith.constant 0 : i32
    %dma_wait3A_138 = arith.constant 1 : i32
    %dma_wait3A_139 = arith.constant 1 : i32
    %dma_wait3A_140 = arith.constant 0 : i32
    %dma_wait3A_141 = arith.constant 0 : i32
    %dma_wait3A_142 = tpu.memref_slice %arg6[%dma_wait3A_139, %dma_wait3A_140, %dma_wait3A_141] : memref<3x256x128xf32, #tpu.memory_space<vmem>> -> memref<1x256x128xf32, #tpu.memory_space<vmem>>
    %dma_wait3A_143 = tpu.memref_squeeze %dma_wait3A_142 : memref<1x256x128xf32, #tpu.memory_space<vmem>> -> memref<256x128xf32, #tpu.memory_space<vmem>>
    %dma_wait3A_144 = arith.constant 0 : i32
    %dma_wait3A_145 = tpu.memref_slice %arg5[%dma_wait3A_137, %dma_wait3A_138, %dma_wait3A_144] : memref<4x2x256xi32, #tpu.memory_space<vmem>> -> memref<1x1x256xi32, #tpu.memory_space<vmem>>
    %dma_wait3A_146 = tpu.memref_squeeze %dma_wait3A_145 : memref<1x1x256xi32, #tpu.memory_space<vmem>> -> memref<256xi32, #tpu.memory_space<vmem>>
    %dma_wait3A_147 = arith.constant 0 : i32
    %dma_wait3A_148 = arith.constant 0 : i32
    %dma_wait3A_149 = tpu.memref_slice %arg2[%dma_wait3A_147, %dma_wait3A_148] : memref<100000x128xf32, #tpu.memory_space<hbm>> -> memref<100000x128xf32, #tpu.memory_space<hbm>>
    tpu.wait_indirect_dma semaphore(%arg10 : memref<!tpu.dma_semaphore, #tpu.memory_space<semaphore_mem>>) src(%dma_wait3A_149 : memref<100000x128xf32, #tpu.memory_space<hbm>>) dst(%dma_wait3A_143 : memref<256x128xf32, #tpu.memory_space<vmem>>)
    %add3A_150 = arith.constant 256 : i32
    %add3A_151 = arith.addi %sub3A_21, %add3A_150 : i32
    %mul3A_152 = arith.constant 64 : i32
    %mul3A_153 = arith.muli %select_n3A, %mul3A_152 : i32
    %dma_start3A_154 = arith.constant 1 : i32
    %dma_start3A_155 = arith.constant 0 : i32
    %dma_start3A_156 = arith.constant 0 : i32
    %dma_start3A_157 = arith.constant 0 : i32
    %dma_start3A_158 = tpu.memref_slice %arg6[%dma_start3A_154, %dma_start3A_156, %dma_start3A_157] : memref<3x256x128xf32, #tpu.memory_space<vmem>> -> memref<1x256x64xf32, #tpu.memory_space<vmem>>
    %dma_start3A_159 = tpu.memref_squeeze %dma_start3A_158 : memref<1x256x64xf32, #tpu.memory_space<vmem>> -> memref<256x64xf32, #tpu.memory_space<vmem>>
    %dma_start3A_160 = tpu.memref_slice %arg4[%dma_start3A_155, %add3A_151, %mul3A_153] : memref<4x8192x128xf32, #tpu.memory_space<hbm>> -> memref<1x256x64xf32, #tpu.memory_space<hbm>>
    %dma_start3A_161 = tpu.memref_squeeze %dma_start3A_160 : memref<1x256x64xf32, #tpu.memory_space<hbm>> -> memref<256x64xf32, #tpu.memory_space<hbm>>
    %dma_start3A_162 = tpu.memref_slice %arg4[%dma_start3A_155, %add3A_151, %mul3A_153] : memref<4x8192x128xf32, #tpu.memory_space<hbm>> -> memref<1x256x64xf32, #tpu.memory_space<hbm>>
    %dma_start3A_163 = tpu.memref_squeeze %dma_start3A_162 : memref<1x256x64xf32, #tpu.memory_space<hbm>> -> memref<256x64xf32, #tpu.memory_space<hbm>>
    %dma_start3A_164 = arith.constant 0 : i32
    %dma_start3A_165 = arith.constant 0 : i32
    %dma_start3A_166 = tpu.memref_slice %arg6[%dma_start3A_154, %dma_start3A_164, %dma_start3A_165] : memref<3x256x128xf32, #tpu.memory_space<vmem>> -> memref<1x256x64xf32, #tpu.memory_space<vmem>>
    %dma_start3A_167 = tpu.memref_squeeze %dma_start3A_166 : memref<1x256x64xf32, #tpu.memory_space<vmem>> -> memref<256x64xf32, #tpu.memory_space<vmem>>
    tpu.enqueue_dma source(%dma_start3A_167 : memref<256x64xf32, #tpu.memory_space<vmem>>) target(%dma_start3A_163 : memref<256x64xf32, #tpu.memory_space<hbm>>) target_semaphore(%arg13 : memref<!tpu.dma_semaphore, #tpu.memory_space<semaphore_mem>>)
    %dma_wait3A_168 = arith.constant 1 : i32
    %dma_wait3A_169 = arith.constant 0 : i32
    %dma_wait3A_170 = arith.constant 0 : i32
    %dma_wait3A_171 = arith.constant 0 : i32
    %dma_wait3A_172 = tpu.memref_slice %arg6[%dma_wait3A_168, %dma_wait3A_170, %dma_wait3A_171] : memref<3x256x128xf32, #tpu.memory_space<vmem>> -> memref<1x256x64xf32, #tpu.memory_space<vmem>>
    %dma_wait3A_173 = tpu.memref_squeeze %dma_wait3A_172 : memref<1x256x64xf32, #tpu.memory_space<vmem>> -> memref<256x64xf32, #tpu.memory_space<vmem>>
    %dma_wait3A_174 = tpu.memref_slice %arg4[%dma_wait3A_169, %add3A_151, %mul3A_153] : memref<4x8192x128xf32, #tpu.memory_space<hbm>> -> memref<1x256x64xf32, #tpu.memory_space<hbm>>
    %dma_wait3A_175 = tpu.memref_squeeze %dma_wait3A_174 : memref<1x256x64xf32, #tpu.memory_space<hbm>> -> memref<256x64xf32, #tpu.memory_space<hbm>>
    %dma_wait3A_176 = tpu.memref_slice %arg4[%dma_wait3A_169, %add3A_151, %mul3A_153] : memref<4x8192x128xf32, #tpu.memory_space<hbm>> -> memref<1x256x64xf32, #tpu.memory_space<hbm>>
    %dma_wait3A_177 = tpu.memref_squeeze %dma_wait3A_176 : memref<1x256x64xf32, #tpu.memory_space<hbm>> -> memref<256x64xf32, #tpu.memory_space<hbm>>
    %dma_wait3A_178 = arith.constant 0 : i32
    %dma_wait3A_179 = arith.constant 0 : i32
    %dma_wait3A_180 = tpu.memref_slice %arg6[%dma_wait3A_168, %dma_wait3A_178, %dma_wait3A_179] : memref<3x256x128xf32, #tpu.memory_space<vmem>> -> memref<1x256x64xf32, #tpu.memory_space<vmem>>
    %dma_wait3A_181 = tpu.memref_squeeze %dma_wait3A_180 : memref<1x256x64xf32, #tpu.memory_space<vmem>> -> memref<256x64xf32, #tpu.memory_space<vmem>>
    tpu.wait_dma2 semaphore(%arg13 : memref<!tpu.dma_semaphore, #tpu.memory_space<semaphore_mem>>) src(%dma_wait3A_181 : memref<256x64xf32, #tpu.memory_space<vmem>>) dst(%dma_wait3A_177 : memref<256x64xf32, #tpu.memory_space<hbm>>)
    %dma_start3A_182 = arith.constant 2 : i32
    %dma_start3A_183 = arith.constant 0 : i32
    %dma_start3A_184 = arith.constant 1 : i32
    %dma_start3A_185 = arith.constant 0 : i32
    %dma_start3A_186 = arith.constant 0 : i32
    %dma_start3A_187 = tpu.memref_slice %arg6[%dma_start3A_184, %dma_start3A_185, %dma_start3A_186] : memref<3x256x128xf32, #tpu.memory_space<vmem>> -> memref<1x256x128xf32, #tpu.memory_space<vmem>>
    %dma_start3A_188 = tpu.memref_squeeze %dma_start3A_187 : memref<1x256x128xf32, #tpu.memory_space<vmem>> -> memref<256x128xf32, #tpu.memory_space<vmem>>
    %dma_start3A_189 = arith.constant 0 : i32
    %dma_start3A_190 = tpu.memref_slice %arg5[%dma_start3A_182, %dma_start3A_183, %dma_start3A_189] : memref<4x2x256xi32, #tpu.memory_space<vmem>> -> memref<1x1x256xi32, #tpu.memory_space<vmem>>
    %dma_start3A_191 = tpu.memref_squeeze %dma_start3A_190 : memref<1x1x256xi32, #tpu.memory_space<vmem>> -> memref<256xi32, #tpu.memory_space<vmem>>
    %dma_start3A_192 = arith.constant 0 : i32
    %dma_start3A_193 = arith.constant 0 : i32
    %dma_start3A_194 = tpu.memref_slice %arg2[%dma_start3A_192, %dma_start3A_193] : memref<100000x128xf32, #tpu.memory_space<hbm>> -> memref<100000x128xf32, #tpu.memory_space<hbm>>
    tpu.enqueue_indirect_dma source(%dma_start3A_194 : memref<100000x128xf32, #tpu.memory_space<hbm>>) target(%dma_start3A_188 : memref<256x128xf32, #tpu.memory_space<vmem>>) offsets(%dma_start3A_191 : memref<256xi32, #tpu.memory_space<vmem>>) semaphore(%arg10 : memref<!tpu.dma_semaphore, #tpu.memory_space<semaphore_mem>>)
    %dma_wait3A_195 = arith.constant 1 : i32
    %dma_wait3A_196 = arith.constant 0 : i32
    %dma_wait3A_197 = arith.constant 2 : i32
    %dma_wait3A_198 = arith.constant 0 : i32
    %dma_wait3A_199 = arith.constant 0 : i32
    %dma_wait3A_200 = tpu.memref_slice %arg6[%dma_wait3A_197, %dma_wait3A_198, %dma_wait3A_199] : memref<3x256x128xf32, #tpu.memory_space<vmem>> -> memref<1x256x128xf32, #tpu.memory_space<vmem>>
    %dma_wait3A_201 = tpu.memref_squeeze %dma_wait3A_200 : memref<1x256x128xf32, #tpu.memory_space<vmem>> -> memref<256x128xf32, #tpu.memory_space<vmem>>
    %dma_wait3A_202 = arith.constant 0 : i32
    %dma_wait3A_203 = tpu.memref_slice %arg5[%dma_wait3A_195, %dma_wait3A_196, %dma_wait3A_202] : memref<4x2x256xi32, #tpu.memory_space<vmem>> -> memref<1x1x256xi32, #tpu.memory_space<vmem>>
    %dma_wait3A_204 = tpu.memref_squeeze %dma_wait3A_203 : memref<1x1x256xi32, #tpu.memory_space<vmem>> -> memref<256xi32, #tpu.memory_space<vmem>>
    %dma_wait3A_205 = arith.constant 0 : i32
    %dma_wait3A_206 = arith.constant 0 : i32
    %dma_wait3A_207 = tpu.memref_slice %arg2[%dma_wait3A_205, %dma_wait3A_206] : memref<100000x128xf32, #tpu.memory_space<hbm>> -> memref<100000x128xf32, #tpu.memory_space<hbm>>
    tpu.wait_indirect_dma semaphore(%arg11 : memref<!tpu.dma_semaphore, #tpu.memory_space<semaphore_mem>>) src(%dma_wait3A_207 : memref<100000x128xf32, #tpu.memory_space<hbm>>) dst(%dma_wait3A_201 : memref<256x128xf32, #tpu.memory_space<vmem>>)
    %add3A_208 = arith.constant 0 : i32
    %add3A_209 = arith.addi %sub3A_21, %add3A_208 : i32
    %mul3A_210 = arith.constant 64 : i32
    %mul3A_211 = arith.muli %select_n3A, %mul3A_210 : i32
    %dma_start3A_212 = arith.constant 2 : i32
    %dma_start3A_213 = arith.constant 1 : i32
    %dma_start3A_214 = arith.constant 0 : i32
    %dma_start3A_215 = arith.constant 0 : i32
    %dma_start3A_216 = tpu.memref_slice %arg6[%dma_start3A_212, %dma_start3A_214, %dma_start3A_215] : memref<3x256x128xf32, #tpu.memory_space<vmem>> -> memref<1x256x64xf32, #tpu.memory_space<vmem>>
    %dma_start3A_217 = tpu.memref_squeeze %dma_start3A_216 : memref<1x256x64xf32, #tpu.memory_space<vmem>> -> memref<256x64xf32, #tpu.memory_space<vmem>>
    %dma_start3A_218 = tpu.memref_slice %arg4[%dma_start3A_213, %add3A_209, %mul3A_211] : memref<4x8192x128xf32, #tpu.memory_space<hbm>> -> memref<1x256x64xf32, #tpu.memory_space<hbm>>
    %dma_start3A_219 = tpu.memref_squeeze %dma_start3A_218 : memref<1x256x64xf32, #tpu.memory_space<hbm>> -> memref<256x64xf32, #tpu.memory_space<hbm>>
    %dma_start3A_220 = tpu.memref_slice %arg4[%dma_start3A_213, %add3A_209, %mul3A_211] : memref<4x8192x128xf32, #tpu.memory_space<hbm>> -> memref<1x256x64xf32, #tpu.memory_space<hbm>>
    %dma_start3A_221 = tpu.memref_squeeze %dma_start3A_220 : memref<1x256x64xf32, #tpu.memory_space<hbm>> -> memref<256x64xf32, #tpu.memory_space<hbm>>
    %dma_start3A_222 = arith.constant 0 : i32
    %dma_start3A_223 = arith.constant 0 : i32
    %dma_start3A_224 = tpu.memref_slice %arg6[%dma_start3A_212, %dma_start3A_222, %dma_start3A_223] : memref<3x256x128xf32, #tpu.memory_space<vmem>> -> memref<1x256x64xf32, #tpu.memory_space<vmem>>
    %dma_start3A_225 = tpu.memref_squeeze %dma_start3A_224 : memref<1x256x64xf32, #tpu.memory_space<vmem>> -> memref<256x64xf32, #tpu.memory_space<vmem>>
    tpu.enqueue_dma source(%dma_start3A_225 : memref<256x64xf32, #tpu.memory_space<vmem>>) target(%dma_start3A_221 : memref<256x64xf32, #tpu.memory_space<hbm>>) target_semaphore(%arg14 : memref<!tpu.dma_semaphore, #tpu.memory_space<semaphore_mem>>)
    %dma_wait3A_226 = arith.constant 2 : i32
    %dma_wait3A_227 = arith.constant 1 : i32
    %dma_wait3A_228 = arith.constant 0 : i32
    %dma_wait3A_229 = arith.constant 0 : i32
    %dma_wait3A_230 = tpu.memref_slice %arg6[%dma_wait3A_226, %dma_wait3A_228, %dma_wait3A_229] : memref<3x256x128xf32, #tpu.memory_space<vmem>> -> memref<1x256x64xf32, #tpu.memory_space<vmem>>
    %dma_wait3A_231 = tpu.memref_squeeze %dma_wait3A_230 : memref<1x256x64xf32, #tpu.memory_space<vmem>> -> memref<256x64xf32, #tpu.memory_space<vmem>>
    %dma_wait3A_232 = tpu.memref_slice %arg4[%dma_wait3A_227, %add3A_209, %mul3A_211] : memref<4x8192x128xf32, #tpu.memory_space<hbm>> -> memref<1x256x64xf32, #tpu.memory_space<hbm>>
    %dma_wait3A_233 = tpu.memref_squeeze %dma_wait3A_232 : memref<1x256x64xf32, #tpu.memory_space<hbm>> -> memref<256x64xf32, #tpu.memory_space<hbm>>
    %dma_wait3A_234 = tpu.memref_slice %arg4[%dma_wait3A_227, %add3A_209, %mul3A_211] : memref<4x8192x128xf32, #tpu.memory_space<hbm>> -> memref<1x256x64xf32, #tpu.memory_space<hbm>>
    %dma_wait3A_235 = tpu.memref_squeeze %dma_wait3A_234 : memref<1x256x64xf32, #tpu.memory_space<hbm>> -> memref<256x64xf32, #tpu.memory_space<hbm>>
    %dma_wait3A_236 = arith.constant 0 : i32
    %dma_wait3A_237 = arith.constant 0 : i32
    %dma_wait3A_238 = tpu.memref_slice %arg6[%dma_wait3A_226, %dma_wait3A_236, %dma_wait3A_237] : memref<3x256x128xf32, #tpu.memory_space<vmem>> -> memref<1x256x64xf32, #tpu.memory_space<vmem>>
    %dma_wait3A_239 = tpu.memref_squeeze %dma_wait3A_238 : memref<1x256x64xf32, #tpu.memory_space<vmem>> -> memref<256x64xf32, #tpu.memory_space<vmem>>
    tpu.wait_dma2 semaphore(%arg14 : memref<!tpu.dma_semaphore, #tpu.memory_space<semaphore_mem>>) src(%dma_wait3A_239 : memref<256x64xf32, #tpu.memory_space<vmem>>) dst(%dma_wait3A_235 : memref<256x64xf32, #tpu.memory_space<hbm>>)
    %dma_start3A_240 = arith.constant 2 : i32
    %dma_start3A_241 = arith.constant 1 : i32
    %dma_start3A_242 = arith.constant 2 : i32
    %dma_start3A_243 = arith.constant 0 : i32
    %dma_start3A_244 = arith.constant 0 : i32
    %dma_start3A_245 = tpu.memref_slice %arg6[%dma_start3A_242, %dma_start3A_243, %dma_start3A_244] : memref<3x256x128xf32, #tpu.memory_space<vmem>> -> memref<1x256x128xf32, #tpu.memory_space<vmem>>
    %dma_start3A_246 = tpu.memref_squeeze %dma_start3A_245 : memref<1x256x128xf32, #tpu.memory_space<vmem>> -> memref<256x128xf32, #tpu.memory_space<vmem>>
    %dma_start3A_247 = arith.constant 0 : i32
    %dma_start3A_248 = tpu.memref_slice %arg5[%dma_start3A_240, %dma_start3A_241, %dma_start3A_247] : memref<4x2x256xi32, #tpu.memory_space<vmem>> -> memref<1x1x256xi32, #tpu.memory_space<vmem>>
    %dma_start3A_249 = tpu.memref_squeeze %dma_start3A_248 : memref<1x1x256xi32, #tpu.memory_space<vmem>> -> memref<256xi32, #tpu.memory_space<vmem>>
    %dma_start3A_250 = arith.constant 0 : i32
    %dma_start3A_251 = arith.constant 0 : i32
    %dma_start3A_252 = tpu.memref_slice %arg2[%dma_start3A_250, %dma_start3A_251] : memref<100000x128xf32, #tpu.memory_space<hbm>> -> memref<100000x128xf32, #tpu.memory_space<hbm>>
    tpu.enqueue_indirect_dma source(%dma_start3A_252 : memref<100000x128xf32, #tpu.memory_space<hbm>>) target(%dma_start3A_246 : memref<256x128xf32, #tpu.memory_space<vmem>>) offsets(%dma_start3A_249 : memref<256xi32, #tpu.memory_space<vmem>>) semaphore(%arg11 : memref<!tpu.dma_semaphore, #tpu.memory_space<semaphore_mem>>)
    %dma_wait3A_253 = arith.constant 1 : i32
    %dma_wait3A_254 = arith.constant 1 : i32
    %dma_wait3A_255 = arith.constant 0 : i32
    %dma_wait3A_256 = arith.constant 0 : i32
    %dma_wait3A_257 = arith.constant 0 : i32
    %dma_wait3A_258 = tpu.memref_slice %arg6[%dma_wait3A_255, %dma_wait3A_256, %dma_wait3A_257] : memref<3x256x128xf32, #tpu.memory_space<vmem>> -> memref<1x256x128xf32, #tpu.memory_space<vmem>>
    %dma_wait3A_259 = tpu.memref_squeeze %dma_wait3A_258 : memref<1x256x128xf32, #tpu.memory_space<vmem>> -> memref<256x128xf32, #tpu.memory_space<vmem>>
    %dma_wait3A_260 = arith.constant 0 : i32
    %dma_wait3A_261 = tpu.memref_slice %arg5[%dma_wait3A_253, %dma_wait3A_254, %dma_wait3A_260] : memref<4x2x256xi32, #tpu.memory_space<vmem>> -> memref<1x1x256xi32, #tpu.memory_space<vmem>>
    %dma_wait3A_262 = tpu.memref_squeeze %dma_wait3A_261 : memref<1x1x256xi32, #tpu.memory_space<vmem>> -> memref<256xi32, #tpu.memory_space<vmem>>
    %dma_wait3A_263 = arith.constant 0 : i32
    %dma_wait3A_264 = arith.constant 0 : i32
    %dma_wait3A_265 = tpu.memref_slice %arg2[%dma_wait3A_263, %dma_wait3A_264] : memref<100000x128xf32, #tpu.memory_space<hbm>> -> memref<100000x128xf32, #tpu.memory_space<hbm>>
    tpu.wait_indirect_dma semaphore(%arg9 : memref<!tpu.dma_semaphore, #tpu.memory_space<semaphore_mem>>) src(%dma_wait3A_265 : memref<100000x128xf32, #tpu.memory_space<hbm>>) dst(%dma_wait3A_259 : memref<256x128xf32, #tpu.memory_space<vmem>>)
    %add3A_266 = arith.constant 256 : i32
    %add3A_267 = arith.addi %sub3A_21, %add3A_266 : i32
    %mul3A_268 = arith.constant 64 : i32
    %mul3A_269 = arith.muli %select_n3A, %mul3A_268 : i32
    %dma_start3A_270 = arith.constant 0 : i32
    %dma_start3A_271 = arith.constant 1 : i32
    %dma_start3A_272 = arith.constant 0 : i32
    %dma_start3A_273 = arith.constant 0 : i32
    %dma_start3A_274 = tpu.memref_slice %arg6[%dma_start3A_270, %dma_start3A_272, %dma_start3A_273] : memref<3x256x128xf32, #tpu.memory_space<vmem>> -> memref<1x256x64xf32, #tpu.memory_space<vmem>>
    %dma_start3A_275 = tpu.memref_squeeze %dma_start3A_274 : memref<1x256x64xf32, #tpu.memory_space<vmem>> -> memref<256x64xf32, #tpu.memory_space<vmem>>
    %dma_start3A_276 = tpu.memref_slice %arg4[%dma_start3A_271, %add3A_267, %mul3A_269] : memref<4x8192x128xf32, #tpu.memory_space<hbm>> -> memref<1x256x64xf32, #tpu.memory_space<hbm>>
    %dma_start3A_277 = tpu.memref_squeeze %dma_start3A_276 : memref<1x256x64xf32, #tpu.memory_space<hbm>> -> memref<256x64xf32, #tpu.memory_space<hbm>>
    %dma_start3A_278 = tpu.memref_slice %arg4[%dma_start3A_271, %add3A_267, %mul3A_269] : memref<4x8192x128xf32, #tpu.memory_space<hbm>> -> memref<1x256x64xf32, #tpu.memory_space<hbm>>
    %dma_start3A_279 = tpu.memref_squeeze %dma_start3A_278 : memref<1x256x64xf32, #tpu.memory_space<hbm>> -> memref<256x64xf32, #tpu.memory_space<hbm>>
    %dma_start3A_280 = arith.constant 0 : i32
    %dma_start3A_281 = arith.constant 0 : i32
    %dma_start3A_282 = tpu.memref_slice %arg6[%dma_start3A_270, %dma_start3A_280, %dma_start3A_281] : memref<3x256x128xf32, #tpu.memory_space<vmem>> -> memref<1x256x64xf32, #tpu.memory_space<vmem>>
    %dma_start3A_283 = tpu.memref_squeeze %dma_start3A_282 : memref<1x256x64xf32, #tpu.memory_space<vmem>> -> memref<256x64xf32, #tpu.memory_space<vmem>>
    tpu.enqueue_dma source(%dma_start3A_283 : memref<256x64xf32, #tpu.memory_space<vmem>>) target(%dma_start3A_279 : memref<256x64xf32, #tpu.memory_space<hbm>>) target_semaphore(%arg12 : memref<!tpu.dma_semaphore, #tpu.memory_space<semaphore_mem>>)
    %dma_wait3A_284 = arith.constant 0 : i32
    %dma_wait3A_285 = arith.constant 1 : i32
    %dma_wait3A_286 = arith.constant 0 : i32
    %dma_wait3A_287 = arith.constant 0 : i32
    %dma_wait3A_288 = tpu.memref_slice %arg6[%dma_wait3A_284, %dma_wait3A_286, %dma_wait3A_287] : memref<3x256x128xf32, #tpu.memory_space<vmem>> -> memref<1x256x64xf32, #tpu.memory_space<vmem>>
    %dma_wait3A_289 = tpu.memref_squeeze %dma_wait3A_288 : memref<1x256x64xf32, #tpu.memory_space<vmem>> -> memref<256x64xf32, #tpu.memory_space<vmem>>
    %dma_wait3A_290 = tpu.memref_slice %arg4[%dma_wait3A_285, %add3A_267, %mul3A_269] : memref<4x8192x128xf32, #tpu.memory_space<hbm>> -> memref<1x256x64xf32, #tpu.memory_space<hbm>>
    %dma_wait3A_291 = tpu.memref_squeeze %dma_wait3A_290 : memref<1x256x64xf32, #tpu.memory_space<hbm>> -> memref<256x64xf32, #tpu.memory_space<hbm>>
    %dma_wait3A_292 = tpu.memref_slice %arg4[%dma_wait3A_285, %add3A_267, %mul3A_269] : memref<4x8192x128xf32, #tpu.memory_space<hbm>> -> memref<1x256x64xf32, #tpu.memory_space<hbm>>
    %dma_wait3A_293 = tpu.memref_squeeze %dma_wait3A_292 : memref<1x256x64xf32, #tpu.memory_space<hbm>> -> memref<256x64xf32, #tpu.memory_space<hbm>>
    %dma_wait3A_294 = arith.constant 0 : i32
    %dma_wait3A_295 = arith.constant 0 : i32
    %dma_wait3A_296 = tpu.memref_slice %arg6[%dma_wait3A_284, %dma_wait3A_294, %dma_wait3A_295] : memref<3x256x128xf32, #tpu.memory_space<vmem>> -> memref<1x256x64xf32, #tpu.memory_space<vmem>>
    %dma_wait3A_297 = tpu.memref_squeeze %dma_wait3A_296 : memref<1x256x64xf32, #tpu.memory_space<vmem>> -> memref<256x64xf32, #tpu.memory_space<vmem>>
    tpu.wait_dma2 semaphore(%arg12 : memref<!tpu.dma_semaphore, #tpu.memory_space<semaphore_mem>>) src(%dma_wait3A_297 : memref<256x64xf32, #tpu.memory_space<vmem>>) dst(%dma_wait3A_293 : memref<256x64xf32, #tpu.memory_space<hbm>>)
    %dma_start3A_298 = arith.constant 3 : i32
    %dma_start3A_299 = arith.constant 0 : i32
    %dma_start3A_300 = arith.constant 0 : i32
    %dma_start3A_301 = arith.constant 0 : i32
    %dma_start3A_302 = arith.constant 0 : i32
    %dma_start3A_303 = tpu.memref_slice %arg6[%dma_start3A_300, %dma_start3A_301, %dma_start3A_302] : memref<3x256x128xf32, #tpu.memory_space<vmem>> -> memref<1x256x128xf32, #tpu.memory_space<vmem>>
    %dma_start3A_304 = tpu.memref_squeeze %dma_start3A_303 : memref<1x256x128xf32, #tpu.memory_space<vmem>> -> memref<256x128xf32, #tpu.memory_space<vmem>>
    %dma_start3A_305 = arith.constant 0 : i32
    %dma_start3A_306 = tpu.memref_slice %arg5[%dma_start3A_298, %dma_start3A_299, %dma_start3A_305] : memref<4x2x256xi32, #tpu.memory_space<vmem>> -> memref<1x1x256xi32, #tpu.memory_space<vmem>>
    %dma_start3A_307 = tpu.memref_squeeze %dma_start3A_306 : memref<1x1x256xi32, #tpu.memory_space<vmem>> -> memref<256xi32, #tpu.memory_space<vmem>>
    %dma_start3A_308 = arith.constant 0 : i32
    %dma_start3A_309 = arith.constant 0 : i32
    %dma_start3A_310 = tpu.memref_slice %arg2[%dma_start3A_308, %dma_start3A_309] : memref<100000x128xf32, #tpu.memory_space<hbm>> -> memref<100000x128xf32, #tpu.memory_space<hbm>>
    tpu.enqueue_indirect_dma source(%dma_start3A_310 : memref<100000x128xf32, #tpu.memory_space<hbm>>) target(%dma_start3A_304 : memref<256x128xf32, #tpu.memory_space<vmem>>) offsets(%dma_start3A_307 : memref<256xi32, #tpu.memory_space<vmem>>) semaphore(%arg9 : memref<!tpu.dma_semaphore, #tpu.memory_space<semaphore_mem>>)
    %dma_wait3A_311 = arith.constant 2 : i32
    %dma_wait3A_312 = arith.constant 0 : i32
    %dma_wait3A_313 = arith.constant 1 : i32
    %dma_wait3A_314 = arith.constant 0 : i32
    %dma_wait3A_315 = arith.constant 0 : i32
    %dma_wait3A_316 = tpu.memref_slice %arg6[%dma_wait3A_313, %dma_wait3A_314, %dma_wait3A_315] : memref<3x256x128xf32, #tpu.memory_space<vmem>> -> memref<1x256x128xf32, #tpu.memory_space<vmem>>
    %dma_wait3A_317 = tpu.memref_squeeze %dma_wait3A_316 : memref<1x256x128xf32, #tpu.memory_space<vmem>> -> memref<256x128xf32, #tpu.memory_space<vmem>>
    %dma_wait3A_318 = arith.constant 0 : i32
    %dma_wait3A_319 = tpu.memref_slice %arg5[%dma_wait3A_311, %dma_wait3A_312, %dma_wait3A_318] : memref<4x2x256xi32, #tpu.memory_space<vmem>> -> memref<1x1x256xi32, #tpu.memory_space<vmem>>
    %dma_wait3A_320 = tpu.memref_squeeze %dma_wait3A_319 : memref<1x1x256xi32, #tpu.memory_space<vmem>> -> memref<256xi32, #tpu.memory_space<vmem>>
    %dma_wait3A_321 = arith.constant 0 : i32
    %dma_wait3A_322 = arith.constant 0 : i32
    %dma_wait3A_323 = tpu.memref_slice %arg2[%dma_wait3A_321, %dma_wait3A_322] : memref<100000x128xf32, #tpu.memory_space<hbm>> -> memref<100000x128xf32, #tpu.memory_space<hbm>>
    tpu.wait_indirect_dma semaphore(%arg10 : memref<!tpu.dma_semaphore, #tpu.memory_space<semaphore_mem>>) src(%dma_wait3A_323 : memref<100000x128xf32, #tpu.memory_space<hbm>>) dst(%dma_wait3A_317 : memref<256x128xf32, #tpu.memory_space<vmem>>)
    %add3A_324 = arith.constant 0 : i32
    %add3A_325 = arith.addi %sub3A_21, %add3A_324 : i32
    %mul3A_326 = arith.constant 64 : i32
    %mul3A_327 = arith.muli %select_n3A, %mul3A_326 : i32
    %dma_start3A_328 = arith.constant 1 : i32
    %dma_start3A_329 = arith.constant 2 : i32
    %dma_start3A_330 = arith.constant 0 : i32
    %dma_start3A_331 = arith.constant 64 : i32
    %dma_start3A_332 = tpu.memref_slice %arg6[%dma_start3A_328, %dma_start3A_330, %dma_start3A_331] : memref<3x256x128xf32, #tpu.memory_space<vmem>> -> memref<1x256x64xf32, #tpu.memory_space<vmem>>
    %dma_start3A_333 = tpu.memref_squeeze %dma_start3A_332 : memref<1x256x64xf32, #tpu.memory_space<vmem>> -> memref<256x64xf32, #tpu.memory_space<vmem>>
    %dma_start3A_334 = tpu.memref_slice %arg4[%dma_start3A_329, %add3A_325, %mul3A_327] : memref<4x8192x128xf32, #tpu.memory_space<hbm>> -> memref<1x256x64xf32, #tpu.memory_space<hbm>>
    %dma_start3A_335 = tpu.memref_squeeze %dma_start3A_334 : memref<1x256x64xf32, #tpu.memory_space<hbm>> -> memref<256x64xf32, #tpu.memory_space<hbm>>
    %dma_start3A_336 = tpu.memref_slice %arg4[%dma_start3A_329, %add3A_325, %mul3A_327] : memref<4x8192x128xf32, #tpu.memory_space<hbm>> -> memref<1x256x64xf32, #tpu.memory_space<hbm>>
    %dma_start3A_337 = tpu.memref_squeeze %dma_start3A_336 : memref<1x256x64xf32, #tpu.memory_space<hbm>> -> memref<256x64xf32, #tpu.memory_space<hbm>>
    %dma_start3A_338 = arith.constant 0 : i32
    %dma_start3A_339 = arith.constant 64 : i32
    %dma_start3A_340 = tpu.memref_slice %arg6[%dma_start3A_328, %dma_start3A_338, %dma_start3A_339] : memref<3x256x128xf32, #tpu.memory_space<vmem>> -> memref<1x256x64xf32, #tpu.memory_space<vmem>>
    %dma_start3A_341 = tpu.memref_squeeze %dma_start3A_340 : memref<1x256x64xf32, #tpu.memory_space<vmem>> -> memref<256x64xf32, #tpu.memory_space<vmem>>
    tpu.enqueue_dma source(%dma_start3A_341 : memref<256x64xf32, #tpu.memory_space<vmem>>) target(%dma_start3A_337 : memref<256x64xf32, #tpu.memory_space<hbm>>) target_semaphore(%arg13 : memref<!tpu.dma_semaphore, #tpu.memory_space<semaphore_mem>>)
    %dma_wait3A_342 = arith.constant 1 : i32
    %dma_wait3A_343 = arith.constant 2 : i32
    %dma_wait3A_344 = arith.constant 0 : i32
    %dma_wait3A_345 = arith.constant 64 : i32
    %dma_wait3A_346 = tpu.memref_slice %arg6[%dma_wait3A_342, %dma_wait3A_344, %dma_wait3A_345] : memref<3x256x128xf32, #tpu.memory_space<vmem>> -> memref<1x256x64xf32, #tpu.memory_space<vmem>>
    %dma_wait3A_347 = tpu.memref_squeeze %dma_wait3A_346 : memref<1x256x64xf32, #tpu.memory_space<vmem>> -> memref<256x64xf32, #tpu.memory_space<vmem>>
    %dma_wait3A_348 = tpu.memref_slice %arg4[%dma_wait3A_343, %add3A_325, %mul3A_327] : memref<4x8192x128xf32, #tpu.memory_space<hbm>> -> memref<1x256x64xf32, #tpu.memory_space<hbm>>
    %dma_wait3A_349 = tpu.memref_squeeze %dma_wait3A_348 : memref<1x256x64xf32, #tpu.memory_space<hbm>> -> memref<256x64xf32, #tpu.memory_space<hbm>>
    %dma_wait3A_350 = tpu.memref_slice %arg4[%dma_wait3A_343, %add3A_325, %mul3A_327] : memref<4x8192x128xf32, #tpu.memory_space<hbm>> -> memref<1x256x64xf32, #tpu.memory_space<hbm>>
    %dma_wait3A_351 = tpu.memref_squeeze %dma_wait3A_350 : memref<1x256x64xf32, #tpu.memory_space<hbm>> -> memref<256x64xf32, #tpu.memory_space<hbm>>
    %dma_wait3A_352 = arith.constant 0 : i32
    %dma_wait3A_353 = arith.constant 64 : i32
    %dma_wait3A_354 = tpu.memref_slice %arg6[%dma_wait3A_342, %dma_wait3A_352, %dma_wait3A_353] : memref<3x256x128xf32, #tpu.memory_space<vmem>> -> memref<1x256x64xf32, #tpu.memory_space<vmem>>
    %dma_wait3A_355 = tpu.memref_squeeze %dma_wait3A_354 : memref<1x256x64xf32, #tpu.memory_space<vmem>> -> memref<256x64xf32, #tpu.memory_space<vmem>>
    tpu.wait_dma2 semaphore(%arg13 : memref<!tpu.dma_semaphore, #tpu.memory_space<semaphore_mem>>) src(%dma_wait3A_355 : memref<256x64xf32, #tpu.memory_space<vmem>>) dst(%dma_wait3A_351 : memref<256x64xf32, #tpu.memory_space<hbm>>)
    %dma_start3A_356 = arith.constant 3 : i32
    %dma_start3A_357 = arith.constant 1 : i32
    %dma_start3A_358 = arith.constant 1 : i32
    %dma_start3A_359 = arith.constant 0 : i32
    %dma_start3A_360 = arith.constant 0 : i32
    %dma_start3A_361 = tpu.memref_slice %arg6[%dma_start3A_358, %dma_start3A_359, %dma_start3A_360] : memref<3x256x128xf32, #tpu.memory_space<vmem>> -> memref<1x256x128xf32, #tpu.memory_space<vmem>>
    %dma_start3A_362 = tpu.memref_squeeze %dma_start3A_361 : memref<1x256x128xf32, #tpu.memory_space<vmem>> -> memref<256x128xf32, #tpu.memory_space<vmem>>
    %dma_start3A_363 = arith.constant 0 : i32
    %dma_start3A_364 = tpu.memref_slice %arg5[%dma_start3A_356, %dma_start3A_357, %dma_start3A_363] : memref<4x2x256xi32, #tpu.memory_space<vmem>> -> memref<1x1x256xi32, #tpu.memory_space<vmem>>
    %dma_start3A_365 = tpu.memref_squeeze %dma_start3A_364 : memref<1x1x256xi32, #tpu.memory_space<vmem>> -> memref<256xi32, #tpu.memory_space<vmem>>
    %dma_start3A_366 = arith.constant 0 : i32
    %dma_start3A_367 = arith.constant 0 : i32
    %dma_start3A_368 = tpu.memref_slice %arg2[%dma_start3A_366, %dma_start3A_367] : memref<100000x128xf32, #tpu.memory_space<hbm>> -> memref<100000x128xf32, #tpu.memory_space<hbm>>
    tpu.enqueue_indirect_dma source(%dma_start3A_368 : memref<100000x128xf32, #tpu.memory_space<hbm>>) target(%dma_start3A_362 : memref<256x128xf32, #tpu.memory_space<vmem>>) offsets(%dma_start3A_365 : memref<256xi32, #tpu.memory_space<vmem>>) semaphore(%arg10 : memref<!tpu.dma_semaphore, #tpu.memory_space<semaphore_mem>>)
    %dma_wait3A_369 = arith.constant 2 : i32
    %dma_wait3A_370 = arith.constant 1 : i32
    %dma_wait3A_371 = arith.constant 2 : i32
    %dma_wait3A_372 = arith.constant 0 : i32
    %dma_wait3A_373 = arith.constant 0 : i32
    %dma_wait3A_374 = tpu.memref_slice %arg6[%dma_wait3A_371, %dma_wait3A_372, %dma_wait3A_373] : memref<3x256x128xf32, #tpu.memory_space<vmem>> -> memref<1x256x128xf32, #tpu.memory_space<vmem>>
    %dma_wait3A_375 = tpu.memref_squeeze %dma_wait3A_374 : memref<1x256x128xf32, #tpu.memory_space<vmem>> -> memref<256x128xf32, #tpu.memory_space<vmem>>
    %dma_wait3A_376 = arith.constant 0 : i32
    %dma_wait3A_377 = tpu.memref_slice %arg5[%dma_wait3A_369, %dma_wait3A_370, %dma_wait3A_376] : memref<4x2x256xi32, #tpu.memory_space<vmem>> -> memref<1x1x256xi32, #tpu.memory_space<vmem>>
    %dma_wait3A_378 = tpu.memref_squeeze %dma_wait3A_377 : memref<1x1x256xi32, #tpu.memory_space<vmem>> -> memref<256xi32, #tpu.memory_space<vmem>>
    %dma_wait3A_379 = arith.constant 0 : i32
    %dma_wait3A_380 = arith.constant 0 : i32
    %dma_wait3A_381 = tpu.memref_slice %arg2[%dma_wait3A_379, %dma_wait3A_380] : memref<100000x128xf32, #tpu.memory_space<hbm>> -> memref<100000x128xf32, #tpu.memory_space<hbm>>
    tpu.wait_indirect_dma semaphore(%arg11 : memref<!tpu.dma_semaphore, #tpu.memory_space<semaphore_mem>>) src(%dma_wait3A_381 : memref<100000x128xf32, #tpu.memory_space<hbm>>) dst(%dma_wait3A_375 : memref<256x128xf32, #tpu.memory_space<vmem>>)
    %add3A_382 = arith.constant 256 : i32
    %add3A_383 = arith.addi %sub3A_21, %add3A_382 : i32
    %mul3A_384 = arith.constant 64 : i32
    %mul3A_385 = arith.muli %select_n3A, %mul3A_384 : i32
    %dma_start3A_386 = arith.constant 2 : i32
    %dma_start3A_387 = arith.constant 2 : i32
    %dma_start3A_388 = arith.constant 0 : i32
    %dma_start3A_389 = arith.constant 64 : i32
    %dma_start3A_390 = tpu.memref_slice %arg6[%dma_start3A_386, %dma_start3A_388, %dma_start3A_389] : memref<3x256x128xf32, #tpu.memory_space<vmem>> -> memref<1x256x64xf32, #tpu.memory_space<vmem>>
    %dma_start3A_391 = tpu.memref_squeeze %dma_start3A_390 : memref<1x256x64xf32, #tpu.memory_space<vmem>> -> memref<256x64xf32, #tpu.memory_space<vmem>>
    %dma_start3A_392 = tpu.memref_slice %arg4[%dma_start3A_387, %add3A_383, %mul3A_385] : memref<4x8192x128xf32, #tpu.memory_space<hbm>> -> memref<1x256x64xf32, #tpu.memory_space<hbm>>
    %dma_start3A_393 = tpu.memref_squeeze %dma_start3A_392 : memref<1x256x64xf32, #tpu.memory_space<hbm>> -> memref<256x64xf32, #tpu.memory_space<hbm>>
    %dma_start3A_394 = tpu.memref_slice %arg4[%dma_start3A_387, %add3A_383, %mul3A_385] : memref<4x8192x128xf32, #tpu.memory_space<hbm>> -> memref<1x256x64xf32, #tpu.memory_space<hbm>>
    %dma_start3A_395 = tpu.memref_squeeze %dma_start3A_394 : memref<1x256x64xf32, #tpu.memory_space<hbm>> -> memref<256x64xf32, #tpu.memory_space<hbm>>
    %dma_start3A_396 = arith.constant 0 : i32
    %dma_start3A_397 = arith.constant 64 : i32
    %dma_start3A_398 = tpu.memref_slice %arg6[%dma_start3A_386, %dma_start3A_396, %dma_start3A_397] : memref<3x256x128xf32, #tpu.memory_space<vmem>> -> memref<1x256x64xf32, #tpu.memory_space<vmem>>
    %dma_start3A_399 = tpu.memref_squeeze %dma_start3A_398 : memref<1x256x64xf32, #tpu.memory_space<vmem>> -> memref<256x64xf32, #tpu.memory_space<vmem>>
    tpu.enqueue_dma source(%dma_start3A_399 : memref<256x64xf32, #tpu.memory_space<vmem>>) target(%dma_start3A_395 : memref<256x64xf32, #tpu.memory_space<hbm>>) target_semaphore(%arg14 : memref<!tpu.dma_semaphore, #tpu.memory_space<semaphore_mem>>)
    %dma_wait3A_400 = arith.constant 3 : i32
    %dma_wait3A_401 = arith.constant 0 : i32
    %dma_wait3A_402 = arith.constant 0 : i32
    %dma_wait3A_403 = arith.constant 0 : i32
    %dma_wait3A_404 = arith.constant 0 : i32
    %dma_wait3A_405 = tpu.memref_slice %arg6[%dma_wait3A_402, %dma_wait3A_403, %dma_wait3A_404] : memref<3x256x128xf32, #tpu.memory_space<vmem>> -> memref<1x256x128xf32, #tpu.memory_space<vmem>>
    %dma_wait3A_406 = tpu.memref_squeeze %dma_wait3A_405 : memref<1x256x128xf32, #tpu.memory_space<vmem>> -> memref<256x128xf32, #tpu.memory_space<vmem>>
    %dma_wait3A_407 = arith.constant 0 : i32
    %dma_wait3A_408 = tpu.memref_slice %arg5[%dma_wait3A_400, %dma_wait3A_401, %dma_wait3A_407] : memref<4x2x256xi32, #tpu.memory_space<vmem>> -> memref<1x1x256xi32, #tpu.memory_space<vmem>>
    %dma_wait3A_409 = tpu.memref_squeeze %dma_wait3A_408 : memref<1x1x256xi32, #tpu.memory_space<vmem>> -> memref<256xi32, #tpu.memory_space<vmem>>
    %dma_wait3A_410 = arith.constant 0 : i32
    %dma_wait3A_411 = arith.constant 0 : i32
    %dma_wait3A_412 = tpu.memref_slice %arg2[%dma_wait3A_410, %dma_wait3A_411] : memref<100000x128xf32, #tpu.memory_space<hbm>> -> memref<100000x128xf32, #tpu.memory_space<hbm>>
    tpu.wait_indirect_dma semaphore(%arg9 : memref<!tpu.dma_semaphore, #tpu.memory_space<semaphore_mem>>) src(%dma_wait3A_412 : memref<100000x128xf32, #tpu.memory_space<hbm>>) dst(%dma_wait3A_406 : memref<256x128xf32, #tpu.memory_space<vmem>>)
    %add3A_413 = arith.constant 0 : i32
    %add3A_414 = arith.addi %sub3A_21, %add3A_413 : i32
    %mul3A_415 = arith.constant 64 : i32
    %mul3A_416 = arith.muli %select_n3A, %mul3A_415 : i32
    %dma_start3A_417 = arith.constant 0 : i32
    %dma_start3A_418 = arith.constant 3 : i32
    %dma_start3A_419 = arith.constant 0 : i32
    %dma_start3A_420 = arith.constant 64 : i32
    %dma_start3A_421 = tpu.memref_slice %arg6[%dma_start3A_417, %dma_start3A_419, %dma_start3A_420] : memref<3x256x128xf32, #tpu.memory_space<vmem>> -> memref<1x256x64xf32, #tpu.memory_space<vmem>>
    %dma_start3A_422 = tpu.memref_squeeze %dma_start3A_421 : memref<1x256x64xf32, #tpu.memory_space<vmem>> -> memref<256x64xf32, #tpu.memory_space<vmem>>
    %dma_start3A_423 = tpu.memref_slice %arg4[%dma_start3A_418, %add3A_414, %mul3A_416] : memref<4x8192x128xf32, #tpu.memory_space<hbm>> -> memref<1x256x64xf32, #tpu.memory_space<hbm>>
    %dma_start3A_424 = tpu.memref_squeeze %dma_start3A_423 : memref<1x256x64xf32, #tpu.memory_space<hbm>> -> memref<256x64xf32, #tpu.memory_space<hbm>>
    %dma_start3A_425 = tpu.memref_slice %arg4[%dma_start3A_418, %add3A_414, %mul3A_416] : memref<4x8192x128xf32, #tpu.memory_space<hbm>> -> memref<1x256x64xf32, #tpu.memory_space<hbm>>
    %dma_start3A_426 = tpu.memref_squeeze %dma_start3A_425 : memref<1x256x64xf32, #tpu.memory_space<hbm>> -> memref<256x64xf32, #tpu.memory_space<hbm>>
    %dma_start3A_427 = arith.constant 0 : i32
    %dma_start3A_428 = arith.constant 64 : i32
    %dma_start3A_429 = tpu.memref_slice %arg6[%dma_start3A_417, %dma_start3A_427, %dma_start3A_428] : memref<3x256x128xf32, #tpu.memory_space<vmem>> -> memref<1x256x64xf32, #tpu.memory_space<vmem>>
    %dma_start3A_430 = tpu.memref_squeeze %dma_start3A_429 : memref<1x256x64xf32, #tpu.memory_space<vmem>> -> memref<256x64xf32, #tpu.memory_space<vmem>>
    tpu.enqueue_dma source(%dma_start3A_430 : memref<256x64xf32, #tpu.memory_space<vmem>>) target(%dma_start3A_426 : memref<256x64xf32, #tpu.memory_space<hbm>>) target_semaphore(%arg12 : memref<!tpu.dma_semaphore, #tpu.memory_space<semaphore_mem>>)
    %dma_wait3A_431 = arith.constant 3 : i32
    %dma_wait3A_432 = arith.constant 1 : i32
    %dma_wait3A_433 = arith.constant 1 : i32
    %dma_wait3A_434 = arith.constant 0 : i32
    %dma_wait3A_435 = arith.constant 0 : i32
    %dma_wait3A_436 = tpu.memref_slice %arg6[%dma_wait3A_433, %dma_wait3A_434, %dma_wait3A_435] : memref<3x256x128xf32, #tpu.memory_space<vmem>> -> memref<1x256x128xf32, #tpu.memory_space<vmem>>
    %dma_wait3A_437 = tpu.memref_squeeze %dma_wait3A_436 : memref<1x256x128xf32, #tpu.memory_space<vmem>> -> memref<256x128xf32, #tpu.memory_space<vmem>>
    %dma_wait3A_438 = arith.constant 0 : i32
    %dma_wait3A_439 = tpu.memref_slice %arg5[%dma_wait3A_431, %dma_wait3A_432, %dma_wait3A_438] : memref<4x2x256xi32, #tpu.memory_space<vmem>> -> memref<1x1x256xi32, #tpu.memory_space<vmem>>
    %dma_wait3A_440 = tpu.memref_squeeze %dma_wait3A_439 : memref<1x1x256xi32, #tpu.memory_space<vmem>> -> memref<256xi32, #tpu.memory_space<vmem>>
    %dma_wait3A_441 = arith.constant 0 : i32
    %dma_wait3A_442 = arith.constant 0 : i32
    %dma_wait3A_443 = tpu.memref_slice %arg2[%dma_wait3A_441, %dma_wait3A_442] : memref<100000x128xf32, #tpu.memory_space<hbm>> -> memref<100000x128xf32, #tpu.memory_space<hbm>>
    tpu.wait_indirect_dma semaphore(%arg10 : memref<!tpu.dma_semaphore, #tpu.memory_space<semaphore_mem>>) src(%dma_wait3A_443 : memref<100000x128xf32, #tpu.memory_space<hbm>>) dst(%dma_wait3A_437 : memref<256x128xf32, #tpu.memory_space<vmem>>)
    %add3A_444 = arith.constant 256 : i32
    %add3A_445 = arith.addi %sub3A_21, %add3A_444 : i32
    %mul3A_446 = arith.constant 64 : i32
    %mul3A_447 = arith.muli %select_n3A, %mul3A_446 : i32
    %dma_start3A_448 = arith.constant 1 : i32
    %dma_start3A_449 = arith.constant 3 : i32
    %dma_start3A_450 = arith.constant 0 : i32
    %dma_start3A_451 = arith.constant 64 : i32
    %dma_start3A_452 = tpu.memref_slice %arg6[%dma_start3A_448, %dma_start3A_450, %dma_start3A_451] : memref<3x256x128xf32, #tpu.memory_space<vmem>> -> memref<1x256x64xf32, #tpu.memory_space<vmem>>
    %dma_start3A_453 = tpu.memref_squeeze %dma_start3A_452 : memref<1x256x64xf32, #tpu.memory_space<vmem>> -> memref<256x64xf32, #tpu.memory_space<vmem>>
    %dma_start3A_454 = tpu.memref_slice %arg4[%dma_start3A_449, %add3A_445, %mul3A_447] : memref<4x8192x128xf32, #tpu.memory_space<hbm>> -> memref<1x256x64xf32, #tpu.memory_space<hbm>>
    %dma_start3A_455 = tpu.memref_squeeze %dma_start3A_454 : memref<1x256x64xf32, #tpu.memory_space<hbm>> -> memref<256x64xf32, #tpu.memory_space<hbm>>
    %dma_start3A_456 = tpu.memref_slice %arg4[%dma_start3A_449, %add3A_445, %mul3A_447] : memref<4x8192x128xf32, #tpu.memory_space<hbm>> -> memref<1x256x64xf32, #tpu.memory_space<hbm>>
    %dma_start3A_457 = tpu.memref_squeeze %dma_start3A_456 : memref<1x256x64xf32, #tpu.memory_space<hbm>> -> memref<256x64xf32, #tpu.memory_space<hbm>>
    %dma_start3A_458 = arith.constant 0 : i32
    %dma_start3A_459 = arith.constant 64 : i32
    %dma_start3A_460 = tpu.memref_slice %arg6[%dma_start3A_448, %dma_start3A_458, %dma_start3A_459] : memref<3x256x128xf32, #tpu.memory_space<vmem>> -> memref<1x256x64xf32, #tpu.memory_space<vmem>>
    %dma_start3A_461 = tpu.memref_squeeze %dma_start3A_460 : memref<1x256x64xf32, #tpu.memory_space<vmem>> -> memref<256x64xf32, #tpu.memory_space<vmem>>
    tpu.enqueue_dma source(%dma_start3A_461 : memref<256x64xf32, #tpu.memory_space<vmem>>) target(%dma_start3A_457 : memref<256x64xf32, #tpu.memory_space<hbm>>) target_semaphore(%arg13 : memref<!tpu.dma_semaphore, #tpu.memory_space<semaphore_mem>>)
    %dma_wait3A_462 = arith.constant 2 : i32
    %dma_wait3A_463 = arith.constant 2 : i32
    %dma_wait3A_464 = arith.constant 0 : i32
    %dma_wait3A_465 = arith.constant 64 : i32
    %dma_wait3A_466 = tpu.memref_slice %arg6[%dma_wait3A_462, %dma_wait3A_464, %dma_wait3A_465] : memref<3x256x128xf32, #tpu.memory_space<vmem>> -> memref<1x256x64xf32, #tpu.memory_space<vmem>>
    %dma_wait3A_467 = tpu.memref_squeeze %dma_wait3A_466 : memref<1x256x64xf32, #tpu.memory_space<vmem>> -> memref<256x64xf32, #tpu.memory_space<vmem>>
    %dma_wait3A_468 = tpu.memref_slice %arg4[%dma_wait3A_463, %add3A_383, %mul3A_385] : memref<4x8192x128xf32, #tpu.memory_space<hbm>> -> memref<1x256x64xf32, #tpu.memory_space<hbm>>
    %dma_wait3A_469 = tpu.memref_squeeze %dma_wait3A_468 : memref<1x256x64xf32, #tpu.memory_space<hbm>> -> memref<256x64xf32, #tpu.memory_space<hbm>>
    %dma_wait3A_470 = tpu.memref_slice %arg4[%dma_wait3A_463, %add3A_383, %mul3A_385] : memref<4x8192x128xf32, #tpu.memory_space<hbm>> -> memref<1x256x64xf32, #tpu.memory_space<hbm>>
    %dma_wait3A_471 = tpu.memref_squeeze %dma_wait3A_470 : memref<1x256x64xf32, #tpu.memory_space<hbm>> -> memref<256x64xf32, #tpu.memory_space<hbm>>
    %dma_wait3A_472 = arith.constant 0 : i32
    %dma_wait3A_473 = arith.constant 64 : i32
    %dma_wait3A_474 = tpu.memref_slice %arg6[%dma_wait3A_462, %dma_wait3A_472, %dma_wait3A_473] : memref<3x256x128xf32, #tpu.memory_space<vmem>> -> memref<1x256x64xf32, #tpu.memory_space<vmem>>
    %dma_wait3A_475 = tpu.memref_squeeze %dma_wait3A_474 : memref<1x256x64xf32, #tpu.memory_space<vmem>> -> memref<256x64xf32, #tpu.memory_space<vmem>>
    tpu.wait_dma2 semaphore(%arg14 : memref<!tpu.dma_semaphore, #tpu.memory_space<semaphore_mem>>) src(%dma_wait3A_475 : memref<256x64xf32, #tpu.memory_space<vmem>>) dst(%dma_wait3A_471 : memref<256x64xf32, #tpu.memory_space<hbm>>)
    %dma_wait3A_476 = arith.constant 0 : i32
    %dma_wait3A_477 = arith.constant 3 : i32
    %dma_wait3A_478 = arith.constant 0 : i32
    %dma_wait3A_479 = arith.constant 64 : i32
    %dma_wait3A_480 = tpu.memref_slice %arg6[%dma_wait3A_476, %dma_wait3A_478, %dma_wait3A_479] : memref<3x256x128xf32, #tpu.memory_space<vmem>> -> memref<1x256x64xf32, #tpu.memory_space<vmem>>
    %dma_wait3A_481 = tpu.memref_squeeze %dma_wait3A_480 : memref<1x256x64xf32, #tpu.memory_space<vmem>> -> memref<256x64xf32, #tpu.memory_space<vmem>>
    %dma_wait3A_482 = tpu.memref_slice %arg4[%dma_wait3A_477, %add3A_414, %mul3A_416] : memref<4x8192x128xf32, #tpu.memory_space<hbm>> -> memref<1x256x64xf32, #tpu.memory_space<hbm>>
    %dma_wait3A_483 = tpu.memref_squeeze %dma_wait3A_482 : memref<1x256x64xf32, #tpu.memory_space<hbm>> -> memref<256x64xf32, #tpu.memory_space<hbm>>
    %dma_wait3A_484 = tpu.memref_slice %arg4[%dma_wait3A_477, %add3A_414, %mul3A_416] : memref<4x8192x128xf32, #tpu.memory_space<hbm>> -> memref<1x256x64xf32, #tpu.memory_space<hbm>>
    %dma_wait3A_485 = tpu.memref_squeeze %dma_wait3A_484 : memref<1x256x64xf32, #tpu.memory_space<hbm>> -> memref<256x64xf32, #tpu.memory_space<hbm>>
    %dma_wait3A_486 = arith.constant 0 : i32
    %dma_wait3A_487 = arith.constant 64 : i32
    %dma_wait3A_488 = tpu.memref_slice %arg6[%dma_wait3A_476, %dma_wait3A_486, %dma_wait3A_487] : memref<3x256x128xf32, #tpu.memory_space<vmem>> -> memref<1x256x64xf32, #tpu.memory_space<vmem>>
    %dma_wait3A_489 = tpu.memref_squeeze %dma_wait3A_488 : memref<1x256x64xf32, #tpu.memory_space<vmem>> -> memref<256x64xf32, #tpu.memory_space<vmem>>
    tpu.wait_dma2 semaphore(%arg12 : memref<!tpu.dma_semaphore, #tpu.memory_space<semaphore_mem>>) src(%dma_wait3A_489 : memref<256x64xf32, #tpu.memory_space<vmem>>) dst(%dma_wait3A_485 : memref<256x64xf32, #tpu.memory_space<hbm>>)
    %dma_wait3A_490 = arith.constant 1 : i32
    %dma_wait3A_491 = arith.constant 3 : i32
    %dma_wait3A_492 = arith.constant 0 : i32
    %dma_wait3A_493 = arith.constant 64 : i32
    %dma_wait3A_494 = tpu.memref_slice %arg6[%dma_wait3A_490, %dma_wait3A_492, %dma_wait3A_493] : memref<3x256x128xf32, #tpu.memory_space<vmem>> -> memref<1x256x64xf32, #tpu.memory_space<vmem>>
    %dma_wait3A_495 = tpu.memref_squeeze %dma_wait3A_494 : memref<1x256x64xf32, #tpu.memory_space<vmem>> -> memref<256x64xf32, #tpu.memory_space<vmem>>
    %dma_wait3A_496 = tpu.memref_slice %arg4[%dma_wait3A_491, %add3A_445, %mul3A_447] : memref<4x8192x128xf32, #tpu.memory_space<hbm>> -> memref<1x256x64xf32, #tpu.memory_space<hbm>>
    %dma_wait3A_497 = tpu.memref_squeeze %dma_wait3A_496 : memref<1x256x64xf32, #tpu.memory_space<hbm>> -> memref<256x64xf32, #tpu.memory_space<hbm>>
    %dma_wait3A_498 = tpu.memref_slice %arg4[%dma_wait3A_491, %add3A_445, %mul3A_447] : memref<4x8192x128xf32, #tpu.memory_space<hbm>> -> memref<1x256x64xf32, #tpu.memory_space<hbm>>
    %dma_wait3A_499 = tpu.memref_squeeze %dma_wait3A_498 : memref<1x256x64xf32, #tpu.memory_space<hbm>> -> memref<256x64xf32, #tpu.memory_space<hbm>>
    %dma_wait3A_500 = arith.constant 0 : i32
    %dma_wait3A_501 = arith.constant 64 : i32
    %dma_wait3A_502 = tpu.memref_slice %arg6[%dma_wait3A_490, %dma_wait3A_500, %dma_wait3A_501] : memref<3x256x128xf32, #tpu.memory_space<vmem>> -> memref<1x256x64xf32, #tpu.memory_space<vmem>>
    %dma_wait3A_503 = tpu.memref_squeeze %dma_wait3A_502 : memref<1x256x64xf32, #tpu.memory_space<vmem>> -> memref<256x64xf32, #tpu.memory_space<vmem>>
    tpu.wait_dma2 semaphore(%arg13 : memref<!tpu.dma_semaphore, #tpu.memory_space<semaphore_mem>>) src(%dma_wait3A_503 : memref<256x64xf32, #tpu.memory_space<vmem>>) dst(%dma_wait3A_499 : memref<256x64xf32, #tpu.memory_space<hbm>>)
    return
  }
}

module attributes {stable_mosaic.version = 14 : i64} {
  func.func @_repack_bc_body(%arg0: i32, %arg1: memref<64x8192xf32, #tpu.memory_space<vmem>>, %arg2: memref<64x8192xf32, #tpu.memory_space<vmem>>, %arg3: memref<8192x128xf32, #tpu.memory_space<vmem>>, %arg4: memref<8192xf32, #tpu.memory_space<vmem>>, %arg5: memref<8192xf32, #tpu.memory_space<vmem>>) attributes {dimension_semantics = [#tpu.dimension_semantics<arbitrary>], iteration_bounds = array<i64: 13>, scalar_prefetch = 0 : i64, scratch_operands = 0 : i64, tpu.core_type = #tpu.core_type<tc>, window_params = [{transform_indices = @transform_0, window_bounds = array<i64: 64, 8192>}, {transform_indices = @transform_1, window_bounds = array<i64: 64, 8192>}, {transform_indices = @transform_2, window_bounds = array<i64: 8192, 128>}, {transform_indices = @transform_3, window_bounds = array<i64: 8192>}, {transform_indices = @transform_4, window_bounds = array<i64: 8192>}]} {
    %get3A = arith.constant 0 : index
    %get3A_0 = arith.constant 0 : index
    %get3A_1 = vector.load %arg1[%get3A, %get3A_0] : memref<64x8192xf32, #tpu.memory_space<vmem>>, vector<64x8192xf32>
    %get3A_2 = arith.constant 0 : index
    %get3A_3 = arith.constant 0 : index
    %get3A_4 = vector.load %arg2[%get3A_2, %get3A_3] : memref<64x8192xf32, #tpu.memory_space<vmem>>, vector<64x8192xf32>
    %transpose3A = tpu.transpose %get3A_1, [1, 0] : vector<64x8192xf32> -> vector<8192x64xf32>
    %swap3A = arith.constant 0 : index
    %swap3A_5 = arith.constant 0 : index
    %swap3A_6 = vector.load %arg3[%swap3A, %swap3A_5] : memref<8192x128xf32, #tpu.memory_space<vmem>>, vector<8192x64xf32>
    tpu.vector_store %arg3[%swap3A, %swap3A_5], %transpose3A {strides = array<i32>} : memref<8192x128xf32, #tpu.memory_space<vmem>>, vector<8192x64xf32>,
    %transpose3A_7 = tpu.transpose %get3A_4, [1, 0] : vector<64x8192xf32> -> vector<8192x64xf32>
    %swap3A_8 = arith.constant 0 : index
    %swap3A_9 = arith.constant 64 : index
    %swap3A_10 = vector.load %arg3[%swap3A_8, %swap3A_9] : memref<8192x128xf32, #tpu.memory_space<vmem>>, vector<8192x64xf32>
    tpu.vector_store %arg3[%swap3A_8, %swap3A_9], %transpose3A_7 {strides = array<i32>} : memref<8192x128xf32, #tpu.memory_space<vmem>>, vector<8192x64xf32>,
    %sub3A = arith.constant 1.000000e+00 : f32
    %sub3A_11 = vector.broadcast %sub3A : f32 to vector<64x8192xf32>
    %sub3A_12 = arith.subf %sub3A_11, %get3A_1 : vector<64x8192xf32>
    %mul3A = arith.mulf %get3A_1, %sub3A_12 : vector<64x8192xf32>
    %sub3A_13 = arith.constant 1.000000e+00 : f32
    %sub3A_14 = vector.broadcast %sub3A_13 : f32 to vector<64x8192xf32>
    %sub3A_15 = arith.subf %sub3A_14, %get3A_4 : vector<64x8192xf32>
    %mul3A_16 = arith.mulf %get3A_4, %sub3A_15 : vector<64x8192xf32>
    %mul3A_17 = arith.mulf %mul3A, %mul3A : vector<64x8192xf32>
    %reduce_sum3A = arith.constant dense<0.000000e+00> : vector<8192xf32>
    %reduce_sum3A_18 = vector.multi_reduction <add>, %mul3A_17, %reduce_sum3A [0] : vector<64x8192xf32> to vector<8192xf32>
    %mul3A_19 = arith.mulf %mul3A_16, %mul3A_16 : vector<64x8192xf32>
    %reduce_sum3A_20 = arith.constant dense<0.000000e+00> : vector<8192xf32>
    %reduce_sum3A_21 = vector.multi_reduction <add>, %mul3A_19, %reduce_sum3A_20 [0] : vector<64x8192xf32> to vector<8192xf32>
    %add3A = arith.addf %reduce_sum3A_18, %reduce_sum3A_21 : vector<8192xf32>
    %swap3A_22 = arith.constant 0 : index
    %swap3A_23 = vector.load %arg4[%swap3A_22] : memref<8192xf32, #tpu.memory_space<vmem>>, vector<8192xf32>
    tpu.vector_store %arg4[%swap3A_22], %add3A {strides = array<i32>} : memref<8192xf32, #tpu.memory_space<vmem>>, vector<8192xf32>,
    %abs3A = math.absf %get3A_1 : vector<64x8192xf32>
    %reduce_sum3A_24 = arith.constant dense<0.000000e+00> : vector<8192xf32>
    %reduce_sum3A_25 = vector.multi_reduction <add>, %abs3A, %reduce_sum3A_24 [0] : vector<64x8192xf32> to vector<8192xf32>
    %sub3A_26 = arith.constant 1.000000e+00 : f32
    %sub3A_27 = vector.broadcast %sub3A_26 : f32 to vector<8192xf32>
    %sub3A_28 = arith.subf %sub3A_27, %reduce_sum3A_25 : vector<8192xf32>
    %max3A = arith.constant 0.000000e+00 : f32
    %max3A_29 = vector.broadcast %max3A : f32 to vector<8192xf32>
    %max3A_30 = arith.maximumf %sub3A_28, %max3A_29 : vector<8192xf32>
    %abs3A_31 = math.absf %get3A_4 : vector<64x8192xf32>
    %reduce_sum3A_32 = arith.constant dense<0.000000e+00> : vector<8192xf32>
    %reduce_sum3A_33 = vector.multi_reduction <add>, %abs3A_31, %reduce_sum3A_32 [0] : vector<64x8192xf32> to vector<8192xf32>
    %sub3A_34 = arith.constant 1.000000e+00 : f32
    %sub3A_35 = vector.broadcast %sub3A_34 : f32 to vector<8192xf32>
    %sub3A_36 = arith.subf %sub3A_35, %reduce_sum3A_33 : vector<8192xf32>
    %max3A_37 = arith.constant 0.000000e+00 : f32
    %max3A_38 = vector.broadcast %max3A_37 : f32 to vector<8192xf32>
    %max3A_39 = arith.maximumf %sub3A_36, %max3A_38 : vector<8192xf32>
    %add3A_40 = arith.addf %max3A_30, %max3A_39 : vector<8192xf32>
    %swap3A_41 = arith.constant 0 : index
    %swap3A_42 = vector.load %arg5[%swap3A_41] : memref<8192xf32, #tpu.memory_space<vmem>>, vector<8192xf32>
    tpu.vector_store %arg5[%swap3A_41], %add3A_40 {strides = array<i32>} : memref<8192xf32, #tpu.memory_space<vmem>>, vector<8192xf32>,
    return
  }
  func.func @transform_0(%arg0: i32) -> (i32, i32) {
    %c0_i32 = arith.constant 0 : i32
    %c0_i32_0 = arith.constant 0 : i32
    return %c0_i32, %arg0 : i32, i32
  }
  func.func @transform_1(%arg0: i32) -> (i32, i32) {
    %c0_i32 = arith.constant 0 : i32
    %c0_i32_0 = arith.constant 0 : i32
    return %c0_i32, %arg0 : i32, i32
  }
  func.func @transform_2(%arg0: i32) -> (i32, i32) {
    %c0_i32 = arith.constant 0 : i32
    %c0_i32_0 = arith.constant 0 : i32
    return %arg0, %c0_i32 : i32, i32
  }
  func.func @transform_3(%arg0: i32) -> i32 {
    %c0_i32 = arith.constant 0 : i32
    return %arg0 : i32
  }
  func.func @transform_4(%arg0: i32) -> i32 {
    %c0_i32 = arith.constant 0 : i32
    return %arg0 : i32
  }
}

module attributes {stable_mosaic.version = 14 : i64} {
  func.func @_repack_et_body(%arg0: i32, %arg1: memref<64x8192xf32, #tpu.memory_space<vmem>>, %arg2: memref<64x8192xf32, #tpu.memory_space<vmem>>, %arg3: memref<8192x128xf32, #tpu.memory_space<vmem>>, %arg4: memref<8192xf32, #tpu.memory_space<vmem>>) attributes {dimension_semantics = [#tpu.dimension_semantics<arbitrary>], iteration_bounds = array<i64: 13>, scalar_prefetch = 0 : i64, scratch_operands = 0 : i64, tpu.core_type = #tpu.core_type<tc>, window_params = [{transform_indices = @transform_0, window_bounds = array<i64: 64, 8192>}, {transform_indices = @transform_1, window_bounds = array<i64: 64, 8192>}, {transform_indices = @transform_2, window_bounds = array<i64: 8192, 128>}, {transform_indices = @transform_3, window_bounds = array<i64: 8192>}]} {
    %get3A = arith.constant 0 : index
    %get3A_0 = arith.constant 0 : index
    %get3A_1 = vector.load %arg1[%get3A, %get3A_0] : memref<64x8192xf32, #tpu.memory_space<vmem>>, vector<64x8192xf32>
    %transpose3A = tpu.transpose %get3A_1, [1, 0] : vector<64x8192xf32> -> vector<8192x64xf32>
    %swap3A = arith.constant 0 : index
    %swap3A_2 = arith.constant 0 : index
    %swap3A_3 = vector.load %arg3[%swap3A, %swap3A_2] : memref<8192x128xf32, #tpu.memory_space<vmem>>, vector<8192x64xf32>
    tpu.vector_store %arg3[%swap3A, %swap3A_2], %transpose3A {strides = array<i32>} : memref<8192x128xf32, #tpu.memory_space<vmem>>, vector<8192x64xf32>,
    %get3A_4 = arith.constant 0 : index
    %get3A_5 = arith.constant 0 : index
    %get3A_6 = vector.load %arg2[%get3A_4, %get3A_5] : memref<64x8192xf32, #tpu.memory_space<vmem>>, vector<64x8192xf32>
    %transpose3A_7 = tpu.transpose %get3A_6, [1, 0] : vector<64x8192xf32> -> vector<8192x64xf32>
    %swap3A_8 = arith.constant 0 : index
    %swap3A_9 = arith.constant 64 : index
    %swap3A_10 = vector.load %arg3[%swap3A_8, %swap3A_9] : memref<8192x128xf32, #tpu.memory_space<vmem>>, vector<8192x64xf32>
    tpu.vector_store %arg3[%swap3A_8, %swap3A_9], %transpose3A_7 {strides = array<i32>} : memref<8192x128xf32, #tpu.memory_space<vmem>>, vector<8192x64xf32>,
    %mul3A = arith.mulf %get3A_1, %get3A_1 : vector<64x8192xf32>
    %reduce_sum3A = arith.constant dense<0.000000e+00> : vector<8192xf32>
    %reduce_sum3A_11 = vector.multi_reduction <add>, %mul3A, %reduce_sum3A [0] : vector<64x8192xf32> to vector<8192xf32>
    %sub3A = arith.constant 1.000000e+00 : f32
    %sub3A_12 = vector.broadcast %sub3A : f32 to vector<8192xf32>
    %sub3A_13 = arith.subf %reduce_sum3A_11, %sub3A_12 : vector<8192xf32>
    %mul3A_14 = arith.mulf %sub3A_13, %sub3A_13 : vector<8192xf32>
    %swap3A_15 = arith.constant 0 : index
    %swap3A_16 = vector.load %arg4[%swap3A_15] : memref<8192xf32, #tpu.memory_space<vmem>>, vector<8192xf32>
    tpu.vector_store %arg4[%swap3A_15], %mul3A_14 {strides = array<i32>} : memref<8192xf32, #tpu.memory_space<vmem>>, vector<8192xf32>,
    return
  }
  func.func @transform_0(%arg0: i32) -> (i32, i32) {
    %c0_i32 = arith.constant 0 : i32
    %c0_i32_0 = arith.constant 0 : i32
    return %c0_i32, %arg0 : i32, i32
  }
  func.func @transform_1(%arg0: i32) -> (i32, i32) {
    %c0_i32 = arith.constant 0 : i32
    %c0_i32_0 = arith.constant 0 : i32
    return %c0_i32, %arg0 : i32, i32
  }
  func.func @transform_2(%arg0: i32) -> (i32, i32) {
    %c0_i32 = arith.constant 0 : i32
    %c0_i32_0 = arith.constant 0 : i32
    return %arg0, %c0_i32 : i32, i32
  }
  func.func @transform_3(%arg0: i32) -> i32 {
    %c0_i32 = arith.constant 0 : i32
    return %arg0 : i32
  }
}

module attributes {stable_mosaic.version = 14 : i64} {
  func.func @_repack_hr_body(%arg0: i32, %arg1: memref<64x8192xf32, #tpu.memory_space<vmem>>, %arg2: memref<64x8192xf32, #tpu.memory_space<vmem>>, %arg3: memref<8192x128xf32, #tpu.memory_space<vmem>>) attributes {dimension_semantics = [#tpu.dimension_semantics<arbitrary>], iteration_bounds = array<i64: 13>, scalar_prefetch = 0 : i64, scratch_operands = 0 : i64, tpu.core_type = #tpu.core_type<tc>, window_params = [{transform_indices = @transform_0, window_bounds = array<i64: 64, 8192>}, {transform_indices = @transform_1, window_bounds = array<i64: 64, 8192>}, {transform_indices = @transform_2, window_bounds = array<i64: 8192, 128>}]} {
    %get3A = arith.constant 0 : index
    %get3A_0 = arith.constant 0 : index
    %get3A_1 = vector.load %arg1[%get3A, %get3A_0] : memref<64x8192xf32, #tpu.memory_space<vmem>>, vector<64x8192xf32>
    %transpose3A = tpu.transpose %get3A_1, [1, 0] : vector<64x8192xf32> -> vector<8192x64xf32>
    %swap3A = arith.constant 0 : index
    %swap3A_2 = arith.constant 0 : index
    %swap3A_3 = vector.load %arg3[%swap3A, %swap3A_2] : memref<8192x128xf32, #tpu.memory_space<vmem>>, vector<8192x64xf32>
    tpu.vector_store %arg3[%swap3A, %swap3A_2], %transpose3A {strides = array<i32>} : memref<8192x128xf32, #tpu.memory_space<vmem>>, vector<8192x64xf32>,
    %get3A_4 = arith.constant 0 : index
    %get3A_5 = arith.constant 0 : index
    %get3A_6 = vector.load %arg2[%get3A_4, %get3A_5] : memref<64x8192xf32, #tpu.memory_space<vmem>>, vector<64x8192xf32>
    %transpose3A_7 = tpu.transpose %get3A_6, [1, 0] : vector<64x8192xf32> -> vector<8192x64xf32>
    %swap3A_8 = arith.constant 0 : index
    %swap3A_9 = arith.constant 64 : index
    %swap3A_10 = vector.load %arg3[%swap3A_8, %swap3A_9] : memref<8192x128xf32, #tpu.memory_space<vmem>>, vector<8192x64xf32>
    tpu.vector_store %arg3[%swap3A_8, %swap3A_9], %transpose3A_7 {strides = array<i32>} : memref<8192x128xf32, #tpu.memory_space<vmem>>, vector<8192x64xf32>,
    return
  }
  func.func @transform_0(%arg0: i32) -> (i32, i32) {
    %c0_i32 = arith.constant 0 : i32
    %c0_i32_0 = arith.constant 0 : i32
    return %c0_i32, %arg0 : i32, i32
  }
  func.func @transform_1(%arg0: i32) -> (i32, i32) {
    %c0_i32 = arith.constant 0 : i32
    %c0_i32_0 = arith.constant 0 : i32
    return %c0_i32, %arg0 : i32, i32
  }
  func.func @transform_2(%arg0: i32) -> (i32, i32) {
    %c0_i32 = arith.constant 0 : i32
    %c0_i32_0 = arith.constant 0 : i32
    return %arg0, %c0_i32 : i32, i32
  }
}

module attributes {stable_mosaic.version = 14 : i64} {
  func.func @_tc_batch_body(%arg0: i32, %arg1: memref<1x1xf32, #tpu.memory_space<vmem>>, %arg2: memref<6x512x128xf32, #tpu.memory_space<vmem>>, %arg3: memref<4x512x128xf32, #tpu.memory_space<vmem>>, %arg4: memref<4x512x128xf32, #tpu.memory_space<vmem>>, %arg5: memref<2x512xf32, #tpu.memory_space<vmem>>, %arg6: memref<2x512xf32, #tpu.memory_space<vmem>>, %arg7: memref<2x512xf32, #tpu.memory_space<vmem>>) attributes {dimension_semantics = [#tpu.dimension_semantics<arbitrary>], iteration_bounds = array<i64: 16>, scalar_prefetch = 0 : i64, scratch_operands = 0 : i64, tpu.core_type = #tpu.core_type<tc>, window_params = [{pipeline_mode = #tpu.pipeline_mode<synchronous>, transform_indices = @transform_0, window_bounds = array<i64: 1, 1>}, {transform_indices = @transform_1, window_bounds = array<i64: 6, 512, 128>}, {transform_indices = @transform_2, window_bounds = array<i64: 4, 512, 128>}, {transform_indices = @transform_3, window_bounds = array<i64: 4, 512, 128>}, {transform_indices = @transform_4, window_bounds = array<i64: 2, 512>}, {transform_indices = @transform_5, window_bounds = array<i64: 2, 512>}, {transform_indices = @transform_6, window_bounds = array<i64: 2, 512>}]} {
    %get3A = arith.constant 0 : index
    %get3A_0 = arith.constant 0 : index
    %get3A_1 = vector.load %arg1[%get3A, %get3A_0] : memref<1x1xf32, #tpu.memory_space<vmem>>, vector<1x1xf32>
    %get3A_2 = vector.extract %get3A_1[0, 0] : f32 from vector<1x1xf32>
    %get3A_3 = arith.constant 0 : index
    %get3A_4 = arith.constant 0 : index
    %get3A_5 = arith.constant 0 : index
    %get3A_6 = vector.load %arg2[%get3A_3, %get3A_4, %get3A_5] : memref<6x512x128xf32, #tpu.memory_space<vmem>>, vector<6x512x128xf32>
    %get3A_7 = arith.constant 0 : index
    %get3A_8 = arith.constant 0 : index
    %get3A_9 = arith.constant 0 : index
    %get3A_10 = vector.load %arg3[%get3A_7, %get3A_8, %get3A_9] : memref<4x512x128xf32, #tpu.memory_space<vmem>>, vector<4x512x128xf32>
    %get3A_11 = arith.constant 0 : index
    %get3A_12 = arith.constant 0 : index
    %get3A_13 = arith.constant 0 : index
    %get3A_14 = vector.load %arg4[%get3A_11, %get3A_12, %get3A_13] : memref<4x512x128xf32, #tpu.memory_space<vmem>>, vector<4x512x128xf32>
    %slice3A = vector.extract_strided_slice %get3A_6 {offsets = [0, 0, 0], sizes = [1, 512, 128], strides = [1, 1, 1]} : vector<6x512x128xf32> to vector<1x512x128xf32>
    %squeeze3A = vector.shape_cast %slice3A : vector<1x512x128xf32> to vector<512x128xf32>
    %slice3A_15 = vector.extract_strided_slice %get3A_6 {offsets = [1, 0, 0], sizes = [1, 512, 128], strides = [1, 1, 1]} : vector<6x512x128xf32> to vector<1x512x128xf32>
    %squeeze3A_16 = vector.shape_cast %slice3A_15 : vector<1x512x128xf32> to vector<512x128xf32>
    %slice3A_17 = vector.extract_strided_slice %get3A_6 {offsets = [2, 0, 0], sizes = [1, 512, 128], strides = [1, 1, 1]} : vector<6x512x128xf32> to vector<1x512x128xf32>
    %squeeze3A_18 = vector.shape_cast %slice3A_17 : vector<1x512x128xf32> to vector<512x128xf32>
    %slice3A_19 = vector.extract_strided_slice %get3A_6 {offsets = [3, 0, 0], sizes = [1, 512, 128], strides = [1, 1, 1]} : vector<6x512x128xf32> to vector<1x512x128xf32>
    %squeeze3A_20 = vector.shape_cast %slice3A_19 : vector<1x512x128xf32> to vector<512x128xf32>
    %slice3A_21 = vector.extract_strided_slice %get3A_6 {offsets = [4, 0, 0], sizes = [1, 512, 128], strides = [1, 1, 1]} : vector<6x512x128xf32> to vector<1x512x128xf32>
    %squeeze3A_22 = vector.shape_cast %slice3A_21 : vector<1x512x128xf32> to vector<512x128xf32>
    %slice3A_23 = vector.extract_strided_slice %get3A_6 {offsets = [5, 0, 0], sizes = [1, 512, 128], strides = [1, 1, 1]} : vector<6x512x128xf32> to vector<1x512x128xf32>
    %squeeze3A_24 = vector.shape_cast %slice3A_23 : vector<1x512x128xf32> to vector<512x128xf32>
    %slice3A_25 = vector.extract_strided_slice %get3A_10 {offsets = [0, 0, 0], sizes = [1, 512, 128], strides = [1, 1, 1]} : vector<4x512x128xf32> to vector<1x512x128xf32>
    %squeeze3A_26 = vector.shape_cast %slice3A_25 : vector<1x512x128xf32> to vector<512x128xf32>
    %slice3A_27 = vector.extract_strided_slice %get3A_10 {offsets = [1, 0, 0], sizes = [1, 512, 128], strides = [1, 1, 1]} : vector<4x512x128xf32> to vector<1x512x128xf32>
    %squeeze3A_28 = vector.shape_cast %slice3A_27 : vector<1x512x128xf32> to vector<512x128xf32>
    %slice3A_29 = vector.extract_strided_slice %get3A_10 {offsets = [2, 0, 0], sizes = [1, 512, 128], strides = [1, 1, 1]} : vector<4x512x128xf32> to vector<1x512x128xf32>
    %squeeze3A_30 = vector.shape_cast %slice3A_29 : vector<1x512x128xf32> to vector<512x128xf32>
    %slice3A_31 = vector.extract_strided_slice %get3A_10 {offsets = [3, 0, 0], sizes = [1, 512, 128], strides = [1, 1, 1]} : vector<4x512x128xf32> to vector<1x512x128xf32>
    %squeeze3A_32 = vector.shape_cast %slice3A_31 : vector<1x512x128xf32> to vector<512x128xf32>
    %slice3A_33 = vector.extract_strided_slice %get3A_14 {offsets = [0, 0, 0], sizes = [1, 512, 128], strides = [1, 1, 1]} : vector<4x512x128xf32> to vector<1x512x128xf32>
    %squeeze3A_34 = vector.shape_cast %slice3A_33 : vector<1x512x128xf32> to vector<512x128xf32>
    %slice3A_35 = vector.extract_strided_slice %get3A_14 {offsets = [1, 0, 0], sizes = [1, 512, 128], strides = [1, 1, 1]} : vector<4x512x128xf32> to vector<1x512x128xf32>
    %squeeze3A_36 = vector.shape_cast %slice3A_35 : vector<1x512x128xf32> to vector<512x128xf32>
    %slice3A_37 = vector.extract_strided_slice %get3A_14 {offsets = [2, 0, 0], sizes = [1, 512, 128], strides = [1, 1, 1]} : vector<4x512x128xf32> to vector<1x512x128xf32>
    %squeeze3A_38 = vector.shape_cast %slice3A_37 : vector<1x512x128xf32> to vector<512x128xf32>
    %slice3A_39 = vector.extract_strided_slice %get3A_14 {offsets = [3, 0, 0], sizes = [1, 512, 128], strides = [1, 1, 1]} : vector<4x512x128xf32> to vector<1x512x128xf32>
    %squeeze3A_40 = vector.shape_cast %slice3A_39 : vector<1x512x128xf32> to vector<512x128xf32>
    %iota3A = tpu.iota {dimensions = array<i32: 0>} : vector<2x128xi32>
    %iota3A_41 = tpu.iota {dimensions = array<i32: 1>} : vector<2x128xi32>
    %lt3A = arith.constant 64 : i32
    %lt3A_42 = vector.broadcast %lt3A : i32 to vector<2x128xi32>
    %lt3A_43 = arith.cmpi slt, %iota3A_41, %lt3A_42 : vector<2x128xi32>
    %eq3A = arith.constant 0 : i32
    %eq3A_44 = vector.broadcast %eq3A : i32 to vector<2x128xi32>
    %eq3A_45 = arith.cmpi eq, %iota3A, %eq3A_44 : vector<2x128xi32>
    %eq3A_46 = arith.xori %lt3A_43, %eq3A_45 : vector<2x128xi1>
    %eq3A_47 = arith.constant dense<true> : vector<2x128xi1>
    %eq3A_48 = arith.xori %eq3A_46, %eq3A_47 : vector<2x128xi1>
    %jit3A = arith.constant 1.000000e+00 : f32
    %jit3A_49 = arith.constant 0.000000e+00 : f32
    %broadcast_in_dim3A = vector.broadcast %jit3A : f32 to vector<2x128xf32>
    %broadcast_in_dim3A_50 = vector.broadcast %jit3A_49 : f32 to vector<2x128xf32>
    %select_n3A = arith.select %eq3A_48, %broadcast_in_dim3A, %broadcast_in_dim3A_50 : vector<2x128xi1>, vector<2x128xf32>
    %sub3A = arith.constant 1.000000e+00 : f32
    %sub3A_51 = vector.broadcast %sub3A : f32 to vector<512x128xf32>
    %sub3A_52 = arith.subf %sub3A_51, %squeeze3A_26 : vector<512x128xf32>
    %mul3A = arith.mulf %sub3A_52, %squeeze3A : vector<512x128xf32>
    %sub3A_53 = arith.constant 1.000000e+00 : f32
    %sub3A_54 = vector.broadcast %sub3A_53 : f32 to vector<512x128xf32>
    %sub3A_55 = arith.subf %sub3A_54, %squeeze3A_28 : vector<512x128xf32>
    %mul3A_56 = arith.mulf %sub3A_55, %squeeze3A_16 : vector<512x128xf32>
    %add3A = arith.addf %squeeze3A_34, %squeeze3A_38 : vector<512x128xf32>
    %sub3A_57 = arith.subf %add3A, %squeeze3A_22 : vector<512x128xf32>
    %abs3A = math.absf %sub3A_57 : vector<512x128xf32>
    %dot_general3A = arith.constant dense<0.000000e+00> : vector<2x512xf32>
    %dot_general3A_58 = tpu.matmul %select_n3A, %abs3A, %dot_general3A {dimension_numbers = #tpu.dot_dimension_numbers<[1], [1], [0], [0], [0, 0, 1, 0], [], []>, precision = #tpu.contract_precision<fp32>, transpose_lhs_hint = false} : vector<2x128xf32>, vector<512x128xf32>, vector<2x512xf32> -> vector<2x512xf32>
    %mul3A_59 = arith.mulf %mul3A, %mul3A : vector<512x128xf32>
    %mul3A_60 = arith.mulf %mul3A_56, %mul3A_56 : vector<512x128xf32>
    %add3A_61 = arith.addf %mul3A_59, %mul3A_60 : vector<512x128xf32>
    %dot_general3A_62 = arith.constant dense<0.000000e+00> : vector<2x512xf32>
    %dot_general3A_63 = tpu.matmul %select_n3A, %add3A_61, %dot_general3A_62 {dimension_numbers = #tpu.dot_dimension_numbers<[1], [1], [0], [0], [0, 0, 1, 0], [], []>, precision = #tpu.contract_precision<fp32>, transpose_lhs_hint = false} : vector<2x128xf32>, vector<512x128xf32>, vector<2x512xf32> -> vector<2x512xf32>
    %sub3A_64 = arith.constant 1.000000e+00 : f32
    %sub3A_65 = vector.broadcast %sub3A_64 : f32 to vector<512x128xf32>
    %sub3A_66 = arith.subf %sub3A_65, %squeeze3A_30 : vector<512x128xf32>
    %mul3A_67 = arith.mulf %sub3A_66, %squeeze3A_18 : vector<512x128xf32>
    %sub3A_68 = arith.constant 1.000000e+00 : f32
    %sub3A_69 = vector.broadcast %sub3A_68 : f32 to vector<512x128xf32>
    %sub3A_70 = arith.subf %sub3A_69, %squeeze3A_32 : vector<512x128xf32>
    %mul3A_71 = arith.mulf %sub3A_70, %squeeze3A_20 : vector<512x128xf32>
    %add3A_72 = arith.addf %squeeze3A_36, %squeeze3A_40 : vector<512x128xf32>
    %sub3A_73 = arith.subf %add3A_72, %squeeze3A_24 : vector<512x128xf32>
    %abs3A_74 = math.absf %sub3A_73 : vector<512x128xf32>
    %dot_general3A_75 = arith.constant dense<0.000000e+00> : vector<2x512xf32>
    %dot_general3A_76 = tpu.matmul %select_n3A, %abs3A_74, %dot_general3A_75 {dimension_numbers = #tpu.dot_dimension_numbers<[1], [1], [0], [0], [0, 0, 1, 0], [], []>, precision = #tpu.contract_precision<fp32>, transpose_lhs_hint = false} : vector<2x128xf32>, vector<512x128xf32>, vector<2x512xf32> -> vector<2x512xf32>
    %mul3A_77 = arith.mulf %mul3A_67, %mul3A_67 : vector<512x128xf32>
    %mul3A_78 = arith.mulf %mul3A_71, %mul3A_71 : vector<512x128xf32>
    %add3A_79 = arith.addf %mul3A_77, %mul3A_78 : vector<512x128xf32>
    %dot_general3A_80 = arith.constant dense<0.000000e+00> : vector<2x512xf32>
    %dot_general3A_81 = tpu.matmul %select_n3A, %add3A_79, %dot_general3A_80 {dimension_numbers = #tpu.dot_dimension_numbers<[1], [1], [0], [0], [0, 0, 1, 0], [], []>, precision = #tpu.contract_precision<fp32>, transpose_lhs_hint = false} : vector<2x128xf32>, vector<512x128xf32>, vector<2x512xf32> -> vector<2x512xf32>
    %add3A_82 = arith.addf %dot_general3A_63, %dot_general3A_58 : vector<2x512xf32>
    %swap3A = arith.constant 0 : index
    %swap3A_83 = arith.constant 0 : index
    %swap3A_84 = vector.load %arg5[%swap3A, %swap3A_83] : memref<2x512xf32, #tpu.memory_space<vmem>>, vector<2x512xf32>
    tpu.vector_store %arg5[%swap3A, %swap3A_83], %add3A_82 {strides = array<i32>} : memref<2x512xf32, #tpu.memory_space<vmem>>, vector<2x512xf32>,
    %add3A_85 = arith.addf %dot_general3A_81, %dot_general3A_76 : vector<2x512xf32>
    %sub3A_86 = vector.broadcast %get3A_2 : f32 to vector<2x512xf32>
    %sub3A_87 = arith.subf %sub3A_86, %add3A_85 : vector<2x512xf32>
    %max3A = arith.constant 0.000000e+00 : f32
    %max3A_88 = vector.broadcast %max3A : f32 to vector<2x512xf32>
    %max3A_89 = arith.maximumf %sub3A_87, %max3A_88 : vector<2x512xf32>
    %swap3A_90 = arith.constant 0 : index
    %swap3A_91 = arith.constant 0 : index
    %swap3A_92 = vector.load %arg6[%swap3A_90, %swap3A_91] : memref<2x512xf32, #tpu.memory_space<vmem>>, vector<2x512xf32>
    tpu.vector_store %arg6[%swap3A_90, %swap3A_91], %max3A_89 {strides = array<i32>} : memref<2x512xf32, #tpu.memory_space<vmem>>, vector<2x512xf32>,
    %add3A_93 = vector.broadcast %get3A_2 : f32 to vector<2x512xf32>
    %add3A_94 = arith.addf %add3A_93, %dot_general3A_58 : vector<2x512xf32>
    %sub3A_95 = arith.subf %add3A_94, %dot_general3A_76 : vector<2x512xf32>
    %max3A_96 = arith.constant 0.000000e+00 : f32
    %max3A_97 = vector.broadcast %max3A_96 : f32 to vector<2x512xf32>
    %max3A_98 = arith.maximumf %sub3A_95, %max3A_97 : vector<2x512xf32>
    %swap3A_99 = arith.constant 0 : index
    %swap3A_100 = arith.constant 0 : index
    %swap3A_101 = vector.load %arg7[%swap3A_99, %swap3A_100] : memref<2x512xf32, #tpu.memory_space<vmem>>, vector<2x512xf32>
    tpu.vector_store %arg7[%swap3A_99, %swap3A_100], %max3A_98 {strides = array<i32>} : memref<2x512xf32, #tpu.memory_space<vmem>>, vector<2x512xf32>,
    return
  }
  func.func @transform_0(%arg0: i32) -> (i32, i32) {
    %c0_i32 = arith.constant 0 : i32
    %c0_i32_0 = arith.constant 0 : i32
    %c0_i32_1 = arith.constant 0 : i32
    return %c0_i32, %c0_i32_0 : i32, i32
  }
  func.func @transform_1(%arg0: i32) -> (i32, i32, i32) {
    %c0_i32 = arith.constant 0 : i32
    %c0_i32_0 = arith.constant 0 : i32
    %c0_i32_1 = arith.constant 0 : i32
    return %c0_i32, %arg0, %c0_i32_0 : i32, i32, i32
  }
  func.func @transform_2(%arg0: i32) -> (i32, i32, i32) {
    %c0_i32 = arith.constant 0 : i32
    %c0_i32_0 = arith.constant 0 : i32
    %c0_i32_1 = arith.constant 0 : i32
    return %c0_i32, %arg0, %c0_i32_0 : i32, i32, i32
  }
  func.func @transform_3(%arg0: i32) -> (i32, i32, i32) {
    %c0_i32 = arith.constant 0 : i32
    %c0_i32_0 = arith.constant 0 : i32
    %c0_i32_1 = arith.constant 0 : i32
    return %c0_i32, %arg0, %c0_i32_0 : i32, i32, i32
  }
  func.func @transform_4(%arg0: i32) -> (i32, i32) {
    %c0_i32 = arith.constant 0 : i32
    %c0_i32_0 = arith.constant 0 : i32
    return %c0_i32, %arg0 : i32, i32
  }
  func.func @transform_5(%arg0: i32) -> (i32, i32) {
    %c0_i32 = arith.constant 0 : i32
    %c0_i32_0 = arith.constant 0 : i32
    return %c0_i32, %arg0 : i32, i32
  }
  func.func @transform_6(%arg0: i32) -> (i32, i32) {
    %c0_i32 = arith.constant 0 : i32
    %c0_i32_0 = arith.constant 0 : i32
    return %c0_i32, %arg0 : i32, i32
  }
}

</mosaic_0001>

<sc_bundles>
// kernel: kernel.12.cloned.1.call-start
scs
__scs_entry_jumppad:
0x0: {  	(pc) =	sbr.rel $0x88, $3  }
0x1: {  	(tag) =	ssettag $0x0;
	lr =	simm.s32 $0x1  }
0x2: {  	[smem:$0x3F8C] =	sst lr;
	_ =	strace $0xD0000000  }
0x3: {  	_ = 	snop  }
0x4: {  	_ = 	snop  }
0x5: {  	_ = 	snop  }
0x6: {  	_ = 	snop  }
0x7: {  	_ = 	snop  }
__scs_overlays_trampoline_lowered:
0x8: {  	[smem:$0x3F9B] =	sst s0  }
0x9: {  	[smem:$0x3F9C] =	sst s1  }
0xa: {  	[smem:$0x3F9D] =	sst s2  }
0xb: {  	[smem:$0x3F9E] =	sst s3  }
0xc: {  	[smem:$0x3F9F] =	sst s4  }
0xd: {  	[smem:$0x3FA0] =	sst s5  }
0xe: {  	[smem:$0x3FA1] =	sst s6  }
0xf: {  	[smem:$0x3FA2] =	sst s7  }
0x10: {  	[smem:$0x3FA3] =	sst s8  }
0x11: {  	[smem:$0x3FA4] =	sst s9;
	s0 =	simm.s32 @!p0 $0x0  }
0x12: {  	s1 =	sld [smem:$0x3F8A];
	s0 =	simm.s32 @p0 $0x1  }
0x13: {  	[smem:$0x3FA5] =	sst s0;
	s0 =	simm.s32 @!p1 $0x0  }
0x14: {  	s2 =	sld [smem:$0x3F89];
	s0 =	simm.s32 @p1 $0x1  }
0x15: {  	[smem:$0x3FA6] =	sst s0;
	s0 =	simm.s32 @!p2 $0x0  }
0x16: {  	s3 =	sld [smem:$0x3FDB];
	s0 =	simm.s32 @p2 $0x1  }
0x17: {  	s4 =	simm.s32 $0x1BF5;
	[smem:$0x3FA8] =	sst s0  }
0x18: {  	s0 =	sld [smem:$0x3F8B];
	_ =	swait.ge [sflag:s4], $0x0  }
0x19: {  	s7 =	sld [smem:$0x3F8C]  }
0x1a: {  	s8 =	sadd.s32 $0xFFFFE003, lr  }
0x1b: {  	s9 =	sadd.s32 $0xFFFFFEF7, lr;
	s5 =	simm.s32 $0xFFFFFFFF;
	p2 =	slt.u32 s8, $0xFFFFF086  }
0x1c: {  	p1 =	slt.u32 s9, $0xF7A;
	s5 =	simm.s32 @!p2 $0x0  }
0x1d: {  	s5 =	simm.s32 @p1 $0x1;
	p0 =	seq.s32 s7, s2  }
0x1e: {  	s7 =	smul.u32 @!p0 $0xF7A, s2;
	p2 =	seq.s32 @!p0 s5, $0x0  }
0x1f: {  	s9 =	smul.u32 $0xF7A, s1;
	s8 =	simm.s32 @!p0 $0x1BF5;
	p2 =	por !p2, p0  }
0x20: {  	[sflag:s8] =	ssyncset.s32 @!p0 $0xFFFFF086;
	s6 =	sadd.s32 @!p0 s3, s7;
	s7 =	simm.s32 @!p0 $0x108  }
0x21: {  	s3 =	sadd.s32 s3, s9;
	s6 =	sadd.s32 @!p0 $0x88, s6;
	s7 =	simm.s32 @p2 $0x1082  }
0x22: {  	[simem:s7], [sflag:s8] =	dma.local @!p0 [hbm:s6], $0xF7A  }
0x23: {  	s9 =	sor.u32 $0xD0000000, s2;
	s6 =	simm.s32 $0x108;
	_ =	swait.ge @!p0 [sflag:s8], $0x0  }
0x24: {  	s3 =	sadd.s32 $0x88, s3;
	s6 =	simm.s32 @!p1 $0x1082;
	[sflag:s4] =	ssyncset.s32 $0xFFFFF086  }
0x25: {  	[simem:s6], [sflag:s4] =	dma.local [hbm:s3], $0xF7A  }
0x26: {  	[smem:$0x3F8C] =	sst s1;
	(tag) =	ssettag s2;
	_ =	strace s9  }
0x27: {  	s1 =	sld [smem:$0x3F9C]  }
0x28: {  	s2 =	sld [smem:$0x3F9D]  }
0x29: {  	s4 =	sld [smem:$0x3F9F]  }
0x2a: {  	p0 =	seq.s32 s5, $0x0;
	s5 =	sld [smem:$0x3FA0]  }
0x2b: {  	s6 =	sld [smem:$0x3FA1]  }
0x2c: {  	s7 =	sld [smem:$0x3FA2]  }
0x2d: {  	s3 =	simm.s32 $0x108;
	s8 =	sld [smem:$0x3FA3]  }
0x2e: {  	s3 =	simm.s32 @!p0 $0x1082;
	s9 =	sld [smem:$0x3FA4]  }
0x2f: {  	lr =	sadd.s32 s0, s3;
	s0 =	sld [smem:$0x3F9B]  }
0x30: {  	s3 =	sld [smem:$0x3F9E]  }
0x31: {  	[smem:$0x3FA7] =	sst s10  }
0x32: {  	s10 =	sld [smem:$0x3FA5];
	_ =	sdelay $0x3  }
0x33: {  	p0 =	seq.s32 s10, $0x1;
	s10 =	sld [smem:$0x3FA7];
	_ =	sdelay $0x3  }
0x34: {  	[smem:$0x3FA7] =	sst s10  }
0x35: {  	s10 =	sld [smem:$0x3FA6];
	_ =	sdelay $0x3  }
0x36: {  	p1 =	seq.s32 s10, $0x1;
	s10 =	sld [smem:$0x3FA7];
	_ =	sdelay $0x3  }
0x37: {  	[smem:$0x3FA7] =	sst s10  }
0x38: {  	s10 =	sld [smem:$0x3FA8]  }
0x39: {  	_ = 	snop;
	(pc) =	sbr.ind lr, $3  }
0x3a: {  	_ = 	snop  }
0x3b: {  	_ = 	snop  }
0x3c: {  	p2 =	seq.s32 s10, $0x1;
	s10 =	sld [smem:$0x3FA7]  }
0x3d: {  	_ =	shalt  }
0x3e: {  	_ =	shalt  }
0x3f: {  	_ =	shalt  }
0x40: {  	_ =	shalt  }
0x41: {  	_ =	shalt  }
0x42: {  	_ =	shalt  }
0x43: {  	_ =	shalt  }
0x44: {  	_ =	shalt  }
0x45: {  	_ =	shalt  }
0x46: {  	_ =	shalt  }
0x47: {  	_ =	shalt  }
0x48: {  	_ =	shalt  }
0x49: {  	_ =	shalt  }
0x4a: {  	_ =	shalt  }
0x4b: {  	_ =	shalt  }
0x4c: {  	_ =	shalt  }
0x4d: {  	_ =	shalt  }
0x4e: {  	_ =	shalt  }
0x4f: {  	_ =	shalt  }
0x50: {  	_ =	shalt  }
0x51: {  	_ =	shalt  }
0x52: {  	_ =	shalt  }
0x53: {  	_ =	shalt  }
0x54: {  	_ =	shalt  }
0x55: {  	_ =	shalt  }
0x56: {  	_ =	shalt  }
0x57: {  	_ =	shalt  }
0x58: {  	_ =	shalt  }
0x59: {  	_ =	shalt  }
0x5a: {  	_ =	shalt  }
0x5b: {  	_ =	shalt  }
0x5c: {  	_ =	shalt  }
0x5d: {  	_ =	shalt  }
0x5e: {  	_ =	shalt  }
0x5f: {  	_ =	shalt  }
0x60: {  	_ =	shalt  }
0x61: {  	_ =	shalt  }
0x62: {  	_ =	shalt  }
0x63: {  	_ =	shalt  }
0x64: {  	_ =	shalt  }
0x65: {  	_ =	shalt  }
0x66: {  	_ =	shalt  }
0x67: {  	_ =	shalt  }
0x68: {  	_ =	shalt  }
0x69: {  	_ =	shalt  }
0x6a: {  	_ =	shalt  }
0x6b: {  	_ =	shalt  }
0x6c: {  	_ =	shalt  }
0x6d: {  	_ =	shalt  }
0x6e: {  	_ =	shalt  }
0x6f: {  	_ =	shalt  }
0x70: {  	_ =	shalt  }
0x71: {  	_ =	shalt  }
0x72: {  	_ =	shalt  }
0x73: {  	_ =	shalt  }
0x74: {  	_ =	shalt  }
0x75: {  	_ =	shalt  }
0x76: {  	_ =	shalt  }
0x77: {  	_ =	shalt  }
0x78: {  	_ =	shalt  }
0x79: {  	_ =	shalt  }
0x7a: {  	_ =	shalt  }
0x7b: {  	_ =	shalt  }
0x7c: {  	_ =	shalt  }
0x7d: {  	_ =	shalt  }
0x7e: {  	_ =	shalt  }
0x7f: {  	_ =	shalt  }
0x80: {  	_ =	shalt  }
0x81: {  	_ =	shalt  }
0x82: {  	_ =	shalt  }
0x83: {  	_ =	shalt  }
0x84: {  	_ =	shalt  }
0x85: {  	_ =	shalt  }
0x86: {  	_ =	shalt  }
0x87: {  	_ =	shalt  }
.Lfunc_end0:
.L_simem_size_0:
called_computation.1_lowered:
.L_overlay_start_0:
0x88: {  	s2 =	sld [smem:$0x3FD9]  }
0x89: {  	s3 =	sld [smem:$0x3FFE];
	_ =	sdelay $0x1  }
0x8a: {  	s1 =	srdreg.scid  }
0x8b: {  	s0 =	sand.u32 $0x1, s1  }
0x8c: {  	s14 =	sshll.u32 s0, $0xA;
	s2 =	sadd.s32 s3, s2  }
0x8d: {  	s2 =	sadd.s32 s2, s14  }
0x8e: {  	[smem:$0x3FB3] =	sst s2  }
0x8f: {  	_ = 	snop  }
0x90: {  	s2 =	sld [smem:$0x3FD0];
	_ =	sdelay $0x2  }
0x91: {  	s15 =	simm.s32 $0xC;
	s4 =	simm.s32 $0x10  }
0x92: {  	[smem:s4], [sflag:s15] =	dma.local [hbm:s2], $0x1  }
0x93: {  	_ =	swait.eq [sflag:s15], $0x1  }
0x94: {  	[sflag:s15] =	ssyncset.done $0x0  }
0x95: {  	s16 =	sld [smem:$0x13];
	[sflag:s15] =	ssyncadd.s32 $0xFFFFFFFF  }
0x96: {  	s17 =	sld [smem:$0x14];
	(tm) =	ssettm $0x1  }
0x97: {  	s18 =	sld [smem:$0x3FFB];
	_ =	sdelay $0x3  }
0x98: {  	_ =	strace s18  }
0x99: {  	s4 =	sld [smem:$0x3FFC];
	_ =	sdelay $0x3  }
0x9a: {  	_ =	strace s4  }
0x9b: {  	s4 =	sld [smem:$0x3FFD];
	_ =	sdelay $0x3  }
0x9c: {  	_ =	strace s4  }
0x9d: {  	_ =	strace $0x8FFFFFFF  }
0x9e: {  	s19 =	sld [smem:$0x3FDB];
	_ =	sdelay $0x1  }
0x9f: {  	s5 =	simm.s32 $_scs_section_size  }
0xa0: {  	s6 =	simm.s32 $_size__tile_overlayer_lowered;
	s7 =	simm.s32 $_tile_overlayer_lowered  }
0xa1: {  	s22 =	simm.s32 $0x1BFF;
	s21 =	sshll.u32 s7, $0x1;
	s4 =	sadd.s32 s5, s19  }
0xa2: {  	s8 =	simm.s32 $0x0;
	s20 =	sshll.u32 s6, $0x1;
	s6 =	sadd.s32 s21, s4  }
0xa3: {  	[timem:s8], [sflag:s22] =	dma.local [hbm:s6], s20  }
0xa4: {  	_ =	swait.ge [sflag:s22], s20  }
0xa5: {  	s5 =	ssub.s32 $0x0, s20;
	[sflag:s22] =	ssyncset.done $0x0  }
0xa6: {  	[sflag:s22] =	ssyncadd.s32 s5;
	_ =	sdelay $0x1  }
0xa7: {  	s23 =	simm.s32 $0x1B8B  }
0xa8: {  	_ =	swait.ge [sflag:s23], $0x1  }
0xa9: {  	[sflag:s23] =	ssyncset.done $0x0  }
0xaa: {  	s25 =	simm.s32 $0x1B8E;
	s24 =	sld [smem:$0x3FFE];
	[sflag:s23] =	ssyncadd.s32 $0xFFFFFFFF  }
0xab: {  	s26 =	simm.s32 $execute0_lowered;
	[smem:$0x3FD2] =	sst s25  }
0xac: {  	s6 =	sshll.u32 s26, $0x1;
	_ =	strace $0x80000046;
	[dreg:$0x1] =	wrdreg $0xFFFFFFFF  }
0xad: {  	s28 =	simm.s32 $_size_execute0_lowered;
	s4 =	sadd.s32 s4, s6;
	[dreg:$0x0] =	wrdreg $0x0  }
0xae: {  	s6 =	sshll.u32 s28, $0x1;
	[dreg:$0x2] =	wrdreg s4  }
0xaf: {  	[dreg:$0x3] =	wrdreg s6  }
0xb0: {  	[dreg:$0x4] =	wrdreg $0xC0  }
0xb1: {  	_ =	task [dreg:s8], $0x5FFFF  }
0xb2: {  	[dreg:$0x1] =	wrdreg $0xFFFFFFFF  }
0xb3: {  	[dreg:$0x0] =	wrdreg $0x60  }
0xb4: {  	[dreg:$0x2] =	wrdreg s24  }
0xb5: {  	[dreg:$0x3] =	wrdreg s16  }
0xb6: {  	[dreg:$0x4] =	wrdreg s17  }
0xb7: {  	[dreg:$0x5] =	wrdreg $0xA  }
0xb8: {  	_ =	task.clear_ibuf [dreg:s8], $0x6FFFF;
	_ =	strace $0x90000046  }
0xb9: {  	s29 =	simm.s32 $0xA;
	_ =	strace $0x80000048  }
0xba: {  	_ =	swait.ge [sflag:s29], $0x1  }
0xbb: {  	[sflag:s29] =	ssyncadd.s32 $0xFFFFFFFF  }
0xbc: {  	_ =	strace $0x90000048  }
0xbd: {  	_ =	sfence  }
0xbe: {  	s30 =	sld [smem:$0x0];
	_ =	sdelay $0x2  }
0xbf: {  	s31 =	sshll.u32 s1, $0xD;
	s1 =	sshrl.u32 s1, $0x2  }
0xc0: {  	s3 =	sand.u32 $0x4000, s31;
	s1 =	sadd.s32 s1, s30  }
0xc1: {  	s0 =	sor.u32 s3, s0;
	s1 =	sshll.u32 s1, $0x11  }
0xc2: {  	s0 =	sor.u32 s1, s0  }
0xc3: {  	s0 =	sadd.s32 $0x8F2B, s0  }
0xc4: {  	[sflag:s0] =	ssyncadd.remote.s32 $0x1  }
0xc5: {  	_ =	sfence.sel $0xFFFF  }
0xc6: {  	[dreg:$0x0] =	wrdreg $0xFFFFFFFF;
	(pc) =	sbr.abs _section_cstart, $3  }
0xc7: {  	[dreg:$0x1] =	wrdreg $0xFFFFFFFF  }
0xc8: {  	_ =	task.clear_ibuf [dreg:s8], $0x2FFFF;
	_ =	strace $0x9FFFFFFF  }
0xc9: {  	(tm) =	ssettm $0x7FFFFFFF  }
tec
execute0_lowered:
.L_overlay_start_1:
0x0: {  	(tag) =	ssettag $0x1  }
0x1: {  	s0 =	rddreg [dreg:$0x0]  }
0x2: {  	s1 =	rddreg [dreg:$0x1]  }
0x3: {  	s6 =	rddreg [dreg:$0x2];
	s2 =	srdreg.scid  }
0x4: {  	s8 =	stileid.u32;
	s22 =	simm.s32 $0x1;
	s23 =	simm.s32 $0x100  }
0x5: {  	s28 =	simm.s32 $0x5;
	s30 =	simm.s32 $0x600;
	s31 =	simm.s32 $0x3  }
0x6: {  	s21 =	simm.s32 $0x7;
	s29 =	simm.s32 $0x8;
	s7 =	sand.u32 $0x1, s2  }
0x7: {  	s2 =	simm.s32 $0x0;
	s3 =	sshll.u32 s8, $0xA;
	s4 =	sshll.u32 s7, $0x9  }
0x8: {  	[smem:$0x7FF] =	sst s2;
	s11 =	ssub.s32 $0x2, s7;
	s4 =	sor.u32 s4, s3  }
0x9: {  	_ =	strace $0x80000047;
	s3 =	sadd.s32 $0x5400, s0;
	s12 =	sshrl.u32 s11, $0x1  }
0xa: {  	s5 =	sshll.u32 s4, $0x4;
	s15 =	sshrl.u32 s4, $0x3;
	s4 =	sadd.s32 $0x18BE00, s0  }
0xb: {  	s16 =	ssub.s32 s11, s12;
	s5 =	sor.u32 s8, s5;
	s24 =	sadd.s32 s15, s0  }
0xc: {  	s25 =	sor.u32 $0x20, s15;
	s17 =	sadd.s32 s1, s15;
	s26 =	sadd.s32 s6, s15  }
0xd: {  	s19 =	smax.u32 s16, $0x1;
	s15 =	simm.s32 $0x0;
	s9 =	sand.u32 $0x1E008, s5  }
0xe: {  	s5 =	sadd.s32 $0x18F000, s0;
	s8 =	sadd.s32 $0x3C00, s24;
	[dreg:$0x5] =	wrdreg s17  }
0xf: {  	s1 =	sadd.s32 s1, s25;
	[dreg:$0x7] =	wrdreg s26;
	s0 =	sadd.s32 s9, s0  }
0x10: {  	s26 =	simm.s32 $0x2;
	s24 =	simm.s32 $0x400;
	s7 =	sadd.s32 $0x192200, s0  }
0x11: {  	[dreg:$0x4] =	wrdreg s8;
	s8 =	sadd.s32 $0x1B2200, s0;
	s9 =	sadd.s32 $0x193200, s0  }
0x12: {  	[dreg:$0x6] =	wrdreg s1;
	s10 =	sadd.s32 $0x1B3200, s0;
	s11 =	sadd.s32 $0x1D2200, s0  }
0x13: {  	s1 =	simm.s32 $0x6;
	s12 =	sadd.s32 $0x1F2200, s0;
	s13 =	sadd.s32 $0x1D3200, s0  }
0x14: {  	s14 =	sadd.s32 $0x1F3200, s0;
	s0 =	sadd.s32 s6, s25;
	s25 =	simm.s32 $0x18600  }
0x15: {  	s6 =	simm.s32 $0x500;
	[dreg:$0x8] =	wrdreg s0;
	s0 =	simm.s32 $0x4  }
.LBB2_1:
0x16: {  	s16 =	rddreg [dreg:$0x4];
	s17 =	simm.s32 $0x200;
	s18 =	simm.s32 $0x4000  }
0x17: {  	[tilespmem:s2], [sflag:$0x1] =	stream.strided.gather [hbm4b:s16+s17], $0x600, s18, s17, $0x38;
	[tilespmem:$0x18700] =	vst v63  }
0x18: {  	_ =	swait.ge [sflag:s22], $0x600  }
0x19: {  	[sflag:s22] =	ssyncset.done $0x0  }
0x1a: {  	[sflag:s22] =	ssyncadd.s32 $0xFFFFFA00  }
0x1b: {  	[tilespmem:s30], [sflag:$0x2] =	stream.indirect.gather [hbm4b:s3+s23], $0x80, s2, s23, $0xb8;
	[tilespmem:$0x18700] =	vst v63  }
0x1c: {  	s18 =	simm.s32 $0x8600  }
0x1d: {  	[tilespmem:s18], [sflag:$0x3] =	stream.indirect.gather [hbm4b:s3+s23], $0x80, s23, s23, $0xb8;
	[tilespmem:$0x18700] =	vst v63  }
0x1e: {  	s20 =	simm.s32 $0x10600  }
0x1f: {  	[tilespmem:s20], [sflag:$0x4] =	stream.indirect.gather [hbm4b:s3+s23], $0x80, s17, s23, $0xb8;
	[tilespmem:$0x18700] =	vst v63  }
0x20: {  	_ =	swait.ge [sflag:s26], $0x8000  }
0x21: {  	s16 =	simm.s32 $0x680;
	s18 =	sadd.s32 $0x0, s7;
	[sflag:s26] =	ssyncset.done $0x0  }
0x22: {  	s20 =	simm.s32 $0x10;
	s17 =	simm.s32 $0x600;
	[sflag:s26] =	ssyncadd.s32 $0xFFFF8000  }
.LBB2_2:
0x23: {  	[hbm4b:s18+s2] =	stream.linear.scatter [tilespmem:s17], [sflag:$0x5], $0x40, $0x38;
	[tilespmem:$0x18700] =	vst v63  }
0x24: {  	s18 =	smov.u32 s20;
	s17 =	smov.u32 s16;
	p0 =	sne.s32 s20, $0xFF0  }
.Ltmp0:
0x25: {  	s20 =	sadd.s32 $0x10, s20;
	(pc) =	sbr.rel @p0 .LBB2_2-.Ltmp0, $2  }
0x26: {  	_ =	sdelay $0x2  }
0x27: {  	s16 =	sadd.s32 $0x80, s16;
	s18 =	sadd.s32 s18, s7  }
0x28: {  	[hbm4b:s18+s2] =	stream.linear.scatter [tilespmem:s17], [sflag:$0x5], $0x40, $0x38;
	[tilespmem:$0x18700] =	vst v63  }
0x29: {  	s20 =	simm.s32 $0x640  }
0x2a: {  	s16 =	simm.s32 $0x10;
	s18 =	sadd.s32 $0x0, s8;
	s17 =	simm.s32 $0x6C0  }
.LBB2_4:
0x2b: {  	[hbm4b:s18+s2] =	stream.linear.scatter [tilespmem:s20], [sflag:$0x5], $0x40, $0x38;
	[tilespmem:$0x18700] =	vst v63  }
0x2c: {  	s18 =	smov.u32 s16;
	s20 =	smov.u32 s17;
	p0 =	sne.s32 s16, $0xFF0  }
.Ltmp1:
0x2d: {  	s16 =	sadd.s32 $0x10, s16;
	(pc) =	sbr.rel @p0 .LBB2_4-.Ltmp1, $2  }
0x2e: {  	_ =	sdelay $0x2  }
0x2f: {  	s17 =	sadd.s32 $0x80, s17;
	s18 =	sadd.s32 s18, s8  }
0x30: {  	[hbm4b:s18+s2] =	stream.linear.scatter [tilespmem:s20], [sflag:$0x5], $0x40, $0x38;
	[tilespmem:$0x18700] =	vst v63  }
0x31: {  	_ =	swait.ge [sflag:s28], $0x4000  }
0x32: {  	[sflag:s28] =	ssyncset.done $0x0  }
0x33: {  	[sflag:s28] =	ssyncadd.s32 $0xFFFFC000  }
0x34: {  	_ =	swait.ge [sflag:s28], $0x4000  }
0x35: {  	[sflag:s28] =	ssyncset.done $0x0  }
0x36: {  	s16 =	simm.s32 $0x300;
	[sflag:s28] =	ssyncadd.s32 $0xFFFFC000  }
0x37: {  	[tilespmem:s30], [sflag:$0x2] =	stream.indirect.gather [hbm4b:s3+s23], $0x80, s16, s23, $0xb8;
	[tilespmem:$0x18700] =	vst v63  }
0x38: {  	_ =	swait.ge [sflag:s31], $0x8000  }
0x39: {  	s20 =	simm.s32 $0x8600;
	s18 =	sadd.s32 $0x0, s9;
	[sflag:s31] =	ssyncset.done $0x0  }
0x3a: {  	s17 =	simm.s32 $0x8680;
	s16 =	simm.s32 $0x10;
	[sflag:s31] =	ssyncadd.s32 $0xFFFF8000  }
.LBB2_6:
0x3b: {  	[hbm4b:s18+s2] =	stream.linear.scatter [tilespmem:s20], [sflag:$0x6], $0x40, $0x38;
	[tilespmem:$0x18700] =	vst v63  }
0x3c: {  	s18 =	smov.u32 s16;
	s20 =	smov.u32 s17;
	p0 =	sne.s32 s16, $0xFF0  }
.Ltmp2:
0x3d: {  	s16 =	sadd.s32 $0x10, s16;
	(pc) =	sbr.rel @p0 .LBB2_6-.Ltmp2, $2  }
0x3e: {  	_ =	sdelay $0x2  }
0x3f: {  	s17 =	sadd.s32 $0x80, s17;
	s18 =	sadd.s32 s18, s9  }
0x40: {  	[hbm4b:s18+s2] =	stream.linear.scatter [tilespmem:s20], [sflag:$0x6], $0x40, $0x38;
	[tilespmem:$0x18700] =	vst v63  }
0x41: {  	s20 =	simm.s32 $0x8640  }
0x42: {  	s16 =	simm.s32 $0x10;
	s18 =	sadd.s32 $0x0, s10;
	s17 =	simm.s32 $0x86C0  }
.LBB2_8:
0x43: {  	[hbm4b:s18+s2] =	stream.linear.scatter [tilespmem:s20], [sflag:$0x6], $0x40, $0x38;
	[tilespmem:$0x18700] =	vst v63  }
0x44: {  	s18 =	smov.u32 s16;
	s20 =	smov.u32 s17;
	p0 =	sne.s32 s16, $0xFF0  }
.Ltmp3:
0x45: {  	s16 =	sadd.s32 $0x10, s16;
	(pc) =	sbr.rel @p0 .LBB2_8-.Ltmp3, $2  }
0x46: {  	_ =	sdelay $0x2  }
0x47: {  	s17 =	sadd.s32 $0x80, s17;
	s18 =	sadd.s32 s18, s10  }
0x48: {  	[hbm4b:s18+s2] =	stream.linear.scatter [tilespmem:s20], [sflag:$0x6], $0x40, $0x38;
	[tilespmem:$0x18700] =	vst v63  }
0x49: {  	_ =	swait.ge [sflag:s0], $0x8000  }
0x4a: {  	s20 =	simm.s32 $0x10600;
	s16 =	simm.s32 $0x10;
	[sflag:s0] =	ssyncset.done $0x0  }
0x4b: {  	s18 =	sadd.s32 $0x0, s11;
	s17 =	simm.s32 $0x10680;
	[sflag:s0] =	ssyncadd.s32 $0xFFFF8000  }
.LBB2_10:
0x4c: {  	[hbm4b:s18+s2] =	stream.linear.scatter [tilespmem:s20], [sflag:$0x7], $0x40, $0x38;
	[tilespmem:$0x18700] =	vst v63  }
0x4d: {  	s18 =	smov.u32 s16;
	s20 =	smov.u32 s17;
	p0 =	sne.s32 s16, $0xFF0  }
.Ltmp4:
0x4e: {  	s16 =	sadd.s32 $0x10, s16;
	(pc) =	sbr.rel @p0 .LBB2_10-.Ltmp4, $2  }
0x4f: {  	_ =	sdelay $0x2  }
0x50: {  	s17 =	sadd.s32 $0x80, s17;
	s18 =	sadd.s32 s18, s11  }
0x51: {  	[hbm4b:s18+s2] =	stream.linear.scatter [tilespmem:s20], [sflag:$0x7], $0x40, $0x38;
	[tilespmem:$0x18700] =	vst v63  }
0x52: {  	s20 =	simm.s32 $0x10640  }
0x53: {  	s16 =	simm.s32 $0x10;
	s18 =	sadd.s32 $0x0, s12;
	s17 =	simm.s32 $0x106C0  }
.LBB2_12:
0x54: {  	[hbm4b:s18+s2] =	stream.linear.scatter [tilespmem:s20], [sflag:$0x7], $0x40, $0x38;
	[tilespmem:$0x18700] =	vst v63  }
0x55: {  	s18 =	smov.u32 s16;
	s20 =	smov.u32 s17;
	p0 =	sne.s32 s16, $0xFF0  }
.Ltmp5:
0x56: {  	s16 =	sadd.s32 $0x10, s16;
	(pc) =	sbr.rel @p0 .LBB2_12-.Ltmp5, $2  }
0x57: {  	_ =	sdelay $0x2  }
0x58: {  	s17 =	sadd.s32 $0x80, s17;
	s18 =	sadd.s32 s18, s12  }
0x59: {  	[hbm4b:s18+s2] =	stream.linear.scatter [tilespmem:s20], [sflag:$0x7], $0x40, $0x38;
	[tilespmem:$0x18700] =	vst v63  }
0x5a: {  	_ =	swait.ge [sflag:s26], $0x8000  }
0x5b: {  	s20 =	simm.s32 $0x600;
	s16 =	simm.s32 $0x10;
	[sflag:s26] =	ssyncset.done $0x0  }
0x5c: {  	s18 =	sadd.s32 $0x0, s13;
	s17 =	simm.s32 $0x680;
	[sflag:s26] =	ssyncadd.s32 $0xFFFF8000  }
.LBB2_14:
0x5d: {  	[hbm4b:s18+s2] =	stream.linear.scatter [tilespmem:s20], [sflag:$0x5], $0x40, $0x38;
	[tilespmem:$0x18700] =	vst v63  }
0x5e: {  	s18 =	smov.u32 s16;
	s20 =	smov.u32 s17;
	p0 =	sne.s32 s16, $0xFF0  }
.Ltmp6:
0x5f: {  	s16 =	sadd.s32 $0x10, s16;
	(pc) =	sbr.rel @p0 .LBB2_14-.Ltmp6, $2  }
0x60: {  	_ =	sdelay $0x2  }
0x61: {  	s17 =	sadd.s32 $0x80, s17;
	s18 =	sadd.s32 s18, s13  }
0x62: {  	[hbm4b:s18+s2] =	stream.linear.scatter [tilespmem:s20], [sflag:$0x5], $0x40, $0x38;
	[tilespmem:$0x18700] =	vst v63  }
0x63: {  	s20 =	simm.s32 $0x640  }
0x64: {  	s16 =	simm.s32 $0x10;
	s18 =	sadd.s32 $0x0, s14;
	s17 =	simm.s32 $0x6C0  }
.LBB2_16:
0x65: {  	[hbm4b:s18+s2] =	stream.linear.scatter [tilespmem:s20], [sflag:$0x5], $0x40, $0x38;
	[tilespmem:$0x18700] =	vst v63  }
0x66: {  	s18 =	smov.u32 s16;
	s20 =	smov.u32 s17;
	p0 =	sne.s32 s16, $0xFF0  }
.Ltmp7:
0x67: {  	s16 =	sadd.s32 $0x10, s16;
	(pc) =	sbr.rel @p0 .LBB2_16-.Ltmp7, $2  }
0x68: {  	_ =	sdelay $0x2  }
0x69: {  	s17 =	sadd.s32 $0x80, s17;
	s18 =	sadd.s32 s18, s14  }
0x6a: {  	[hbm4b:s18+s2] =	stream.linear.scatter [tilespmem:s20], [sflag:$0x5], $0x40, $0x38;
	[tilespmem:$0x18700] =	vst v63  }
0x6b: {  	_ =	swait.ge [sflag:s1], $0x4000  }
0x6c: {  	[sflag:s1] =	ssyncset.done $0x0  }
0x6d: {  	[sflag:s1] =	ssyncadd.s32 $0xFFFFC000  }
0x6e: {  	_ =	swait.ge [sflag:s1], $0x4000  }
0x6f: {  	[sflag:s1] =	ssyncset.done $0x0  }
0x70: {  	[sflag:s1] =	ssyncadd.s32 $0xFFFFC000  }
0x71: {  	_ =	swait.ge [sflag:s21], $0x4000  }
0x72: {  	[sflag:s21] =	ssyncset.done $0x0  }
0x73: {  	[sflag:s21] =	ssyncadd.s32 $0xFFFFC000  }
0x74: {  	_ =	swait.ge [sflag:s21], $0x4000  }
0x75: {  	[sflag:s21] =	ssyncset.done $0x0  }
0x76: {  	[sflag:s21] =	ssyncadd.s32 $0xFFFFC000  }
0x77: {  	_ =	swait.ge [sflag:s28], $0x4000  }
0x78: {  	[sflag:s28] =	ssyncset.done $0x0  }
0x79: {  	[sflag:s28] =	ssyncadd.s32 $0xFFFFC000  }
0x7a: {  	_ =	swait.ge [sflag:s28], $0x4000  }
0x7b: {  	[sflag:s28] =	ssyncset.done $0x0  }
0x7c: {  	[sflag:s28] =	ssyncadd.s32 $0xFFFFC000  }
0x7d: {  	[tilespmem:s25], [sflag:$0x8] =	stream.indirect.gather [hbm4b:s4+s23], $0x1, s24, s23, $0xb8;
	[tilespmem:$0x18700] =	vst v63  }
0x7e: {  	_ =	swait.ge [sflag:s29], $0x100  }
0x7f: {  	[sflag:s29] =	ssyncset.done $0x0  }
0x80: {  	s16 =	rddreg [dreg:$0x5];
	[sflag:s29] =	ssyncadd.s32 $0xFFFFFF00  }
0x81: {  	[hbm4b:s16+s2] =	stream.linear.scatter [tilespmem:s25], [sflag:$0x8], $0x100, $0x38;
	[tilespmem:$0x18700] =	vst v63  }
0x82: {  	_ =	swait.ge [sflag:s29], $0x100  }
0x83: {  	[sflag:s29] =	ssyncset.done $0x0  }
0x84: {  	[sflag:s29] =	ssyncadd.s32 $0xFFFFFF00  }
0x85: {  	[tilespmem:s25], [sflag:$0x8] =	stream.indirect.gather [hbm4b:s4+s23], $0x1, s6, s23, $0xb8;
	[tilespmem:$0x18700] =	vst v63  }
0x86: {  	_ =	swait.ge [sflag:s29], $0x100  }
0x87: {  	[sflag:s29] =	ssyncset.done $0x0  }
0x88: {  	s17 =	rddreg [dreg:$0x6];
	[sflag:s29] =	ssyncadd.s32 $0xFFFFFF00  }
0x89: {  	[hbm4b:s17+s2] =	stream.linear.scatter [tilespmem:s25], [sflag:$0x8], $0x100, $0x38;
	[tilespmem:$0x18700] =	vst v63  }
0x8a: {  	_ =	swait.ge [sflag:s29], $0x100  }
0x8b: {  	[sflag:s29] =	ssyncset.done $0x0  }
0x8c: {  	[sflag:s29] =	ssyncadd.s32 $0xFFFFFF00  }
0x8d: {  	[tilespmem:s25], [sflag:$0x8] =	stream.indirect.gather [hbm4b:s5+s23], $0x1, s24, s23, $0xb8;
	[tilespmem:$0x18700] =	vst v63  }
0x8e: {  	_ =	swait.ge [sflag:s29], $0x100  }
0x8f: {  	[sflag:s29] =	ssyncset.done $0x0  }
0x90: {  	s18 =	rddreg [dreg:$0x7];
	[sflag:s29] =	ssyncadd.s32 $0xFFFFFF00  }
0x91: {  	[hbm4b:s18+s2] =	stream.linear.scatter [tilespmem:s25], [sflag:$0x8], $0x100, $0x38;
	[tilespmem:$0x18700] =	vst v63  }
0x92: {  	_ =	swait.ge [sflag:s29], $0x100  }
0x93: {  	[sflag:s29] =	ssyncset.done $0x0  }
0x94: {  	[sflag:s29] =	ssyncadd.s32 $0xFFFFFF00  }
0x95: {  	[tilespmem:s25], [sflag:$0x8] =	stream.indirect.gather [hbm4b:s5+s23], $0x1, s6, s23, $0xb8;
	[tilespmem:$0x18700] =	vst v63  }
0x96: {  	s15 =	sadd.s32 $0x1, s15;
	_ =	swait.ge [sflag:s29], $0x100  }
0x97: {  	p0 =	sne.s32 s15, s19;
	[sflag:s29] =	ssyncset.done $0x0  }
.Ltmp8:
0x98: {  	s20 =	rddreg [dreg:$0x8];
	[sflag:s29] =	ssyncadd.s32 $0xFFFFFF00;
	(pc) =	sbr.rel @p0 .LBB2_1-.Ltmp8, $4  }
0x99: {  	[hbm4b:s20+s2] =	stream.linear.scatter [tilespmem:s25], [sflag:$0x8], $0x100, $0x38;
	[tilespmem:$0x18700] =	vst v63  }
0x9a: {  	_ =	swait.ge [sflag:s29], $0x100  }
0x9b: {  	[sflag:s29] =	ssyncset.done $0x0  }
0x9c: {  	[sflag:s29] =	ssyncadd.s32 $0xFFFFFF00  }
0x9d: {  	_ =	sfence.sel $0x180000  }
0x9e: {  	[bflag:$0x0] =	sbarrier.arrive $0xFFFF  }
0x9f: {  	_ =	strace $0x90000047  }
0xa0: {  	s0 =	stileid.u32;
	[bflag:$0x2] =	sbarrier.arrive $0xFFFF  }
0xa1: {  	p0 =	sne.s32 s0, $0x0;
	s0 =	rddreg [dreg:$0x3]  }
0xa2: {  	s0 =	sadd.s32 @!p0 $0x100000, s0  }
0xa3: {  	[sflag:s0] =	ssyncadd.tile.s32 @!p0 $0x1;
	_ =	shalt  }
.Lfunc_end2:
_tile_overlayer_lowered:
.L_overlay_start_2:
0xa4: {  	(tag) =	ssettag $0x2  }
0xa5: {  	s0 =	rddreg [dreg:$0x0];
	s2 =	stileid.u32  }
0xa6: {  	s1 =	rddreg [dreg:$0x1];
	p0 =	sne.s32 s2, $0x0  }
0xa7: {  	s3 =	rddreg [dreg:$0x2];
	[bflag:$0x3] =	sbarrier.arrive $0xFFFF;
	s2 =	simm.s32 @!p0 $0x1C08  }
0xa8: {  	[timem:s3], [sflag:s2] =	dma.local @!p0 [hbm:s0], s1  }
0xa9: {  	s0 =	simm.s32 @!p0 $0x8  }
0xaa: {  	_ =	swait.ge @!p0 [sflag:s0], s1  }
0xab: {  	s1 =	ssub.s32 @!p0 $0x0, s1;
	[sflag:s0] =	ssyncset.done @!p0 $0x0  }
0xac: {  	[sflag:s0] =	ssyncadd.s32 @!p0 s1  }
0xad: {  	[bflag:$0x3] =	sbarrier.arrive $0xFFFF  }
0xae: {  	_ =	shalt  }

// kernel: kernel.15.cloned.1.call-start
scs
__scs_entry_jumppad:
0x0: {  	(pc) =	sbr.rel $0x88, $3  }
0x1: {  	(tag) =	ssettag $0x0;
	lr =	simm.s32 $0x1  }
0x2: {  	[smem:$0x3F8C] =	sst lr;
	_ =	strace $0xD0000000  }
0x3: {  	_ = 	snop  }
0x4: {  	_ = 	snop  }
0x5: {  	_ = 	snop  }
0x6: {  	_ = 	snop  }
0x7: {  	_ = 	snop  }
__scs_overlays_trampoline_lowered:
0x8: {  	[smem:$0x3F9B] =	sst s0  }
0x9: {  	[smem:$0x3F9C] =	sst s1  }
0xa: {  	[smem:$0x3F9D] =	sst s2  }
0xb: {  	[smem:$0x3F9E] =	sst s3  }
0xc: {  	[smem:$0x3F9F] =	sst s4  }
0xd: {  	[smem:$0x3FA0] =	sst s5  }
0xe: {  	[smem:$0x3FA1] =	sst s6  }
0xf: {  	[smem:$0x3FA2] =	sst s7  }
0x10: {  	[smem:$0x3FA3] =	sst s8  }
0x11: {  	[smem:$0x3FA4] =	sst s9;
	s0 =	simm.s32 @!p0 $0x0  }
0x12: {  	s1 =	sld [smem:$0x3F8A];
	s0 =	simm.s32 @p0 $0x1  }
0x13: {  	[smem:$0x3FA5] =	sst s0;
	s0 =	simm.s32 @!p1 $0x0  }
0x14: {  	s2 =	sld [smem:$0x3F89];
	s0 =	simm.s32 @p1 $0x1  }
0x15: {  	[smem:$0x3FA6] =	sst s0;
	s0 =	simm.s32 @!p2 $0x0  }
0x16: {  	s3 =	sld [smem:$0x3FDB];
	s0 =	simm.s32 @p2 $0x1  }
0x17: {  	s4 =	simm.s32 $0x1BF5;
	[smem:$0x3FA8] =	sst s0  }
0x18: {  	s0 =	sld [smem:$0x3F8B];
	_ =	swait.ge [sflag:s4], $0x0  }
0x19: {  	s7 =	sld [smem:$0x3F8C]  }
0x1a: {  	s8 =	sadd.s32 $0xFFFFE003, lr  }
0x1b: {  	s9 =	sadd.s32 $0xFFFFFEF7, lr;
	s5 =	simm.s32 $0xFFFFFFFF;
	p2 =	slt.u32 s8, $0xFFFFF086  }
0x1c: {  	p1 =	slt.u32 s9, $0xF7A;
	s5 =	simm.s32 @!p2 $0x0  }
0x1d: {  	s5 =	simm.s32 @p1 $0x1;
	p0 =	seq.s32 s7, s2  }
0x1e: {  	s7 =	smul.u32 @!p0 $0xF7A, s2;
	p2 =	seq.s32 @!p0 s5, $0x0  }
0x1f: {  	s9 =	smul.u32 $0xF7A, s1;
	s8 =	simm.s32 @!p0 $0x1BF5;
	p2 =	por !p2, p0  }
0x20: {  	[sflag:s8] =	ssyncset.s32 @!p0 $0xFFFFF086;
	s6 =	sadd.s32 @!p0 s3, s7;
	s7 =	simm.s32 @!p0 $0x108  }
0x21: {  	s3 =	sadd.s32 s3, s9;
	s6 =	sadd.s32 @!p0 $0x88, s6;
	s7 =	simm.s32 @p2 $0x1082  }
0x22: {  	[simem:s7], [sflag:s8] =	dma.local @!p0 [hbm:s6], $0xF7A  }
0x23: {  	s9 =	sor.u32 $0xD0000000, s2;
	s6 =	simm.s32 $0x108;
	_ =	swait.ge @!p0 [sflag:s8], $0x0  }
0x24: {  	s3 =	sadd.s32 $0x88, s3;
	s6 =	simm.s32 @!p1 $0x1082;
	[sflag:s4] =	ssyncset.s32 $0xFFFFF086  }
0x25: {  	[simem:s6], [sflag:s4] =	dma.local [hbm:s3], $0xF7A  }
0x26: {  	[smem:$0x3F8C] =	sst s1;
	(tag) =	ssettag s2;
	_ =	strace s9  }
0x27: {  	s1 =	sld [smem:$0x3F9C]  }
0x28: {  	s2 =	sld [smem:$0x3F9D]  }
0x29: {  	s4 =	sld [smem:$0x3F9F]  }
0x2a: {  	p0 =	seq.s32 s5, $0x0;
	s5 =	sld [smem:$0x3FA0]  }
0x2b: {  	s6 =	sld [smem:$0x3FA1]  }
0x2c: {  	s7 =	sld [smem:$0x3FA2]  }
0x2d: {  	s3 =	simm.s32 $0x108;
	s8 =	sld [smem:$0x3FA3]  }
0x2e: {  	s3 =	simm.s32 @!p0 $0x1082;
	s9 =	sld [smem:$0x3FA4]  }
0x2f: {  	lr =	sadd.s32 s0, s3;
	s0 =	sld [smem:$0x3F9B]  }
0x30: {  	s3 =	sld [smem:$0x3F9E]  }
0x31: {  	[smem:$0x3FA7] =	sst s10  }
0x32: {  	s10 =	sld [smem:$0x3FA5];
	_ =	sdelay $0x3  }
0x33: {  	p0 =	seq.s32 s10, $0x1;
	s10 =	sld [smem:$0x3FA7];
	_ =	sdelay $0x3  }
0x34: {  	[smem:$0x3FA7] =	sst s10  }
0x35: {  	s10 =	sld [smem:$0x3FA6];
	_ =	sdelay $0x3  }
0x36: {  	p1 =	seq.s32 s10, $0x1;
	s10 =	sld [smem:$0x3FA7];
	_ =	sdelay $0x3  }
0x37: {  	[smem:$0x3FA7] =	sst s10  }
0x38: {  	s10 =	sld [smem:$0x3FA8]  }
0x39: {  	_ = 	snop;
	(pc) =	sbr.ind lr, $3  }
0x3a: {  	_ = 	snop  }
0x3b: {  	_ = 	snop  }
0x3c: {  	p2 =	seq.s32 s10, $0x1;
	s10 =	sld [smem:$0x3FA7]  }
0x3d: {  	_ =	shalt  }
0x3e: {  	_ =	shalt  }
0x3f: {  	_ =	shalt  }
0x40: {  	_ =	shalt  }
0x41: {  	_ =	shalt  }
0x42: {  	_ =	shalt  }
0x43: {  	_ =	shalt  }
0x44: {  	_ =	shalt  }
0x45: {  	_ =	shalt  }
0x46: {  	_ =	shalt  }
0x47: {  	_ =	shalt  }
0x48: {  	_ =	shalt  }
0x49: {  	_ =	shalt  }
0x4a: {  	_ =	shalt  }
0x4b: {  	_ =	shalt  }
0x4c: {  	_ =	shalt  }
0x4d: {  	_ =	shalt  }
0x4e: {  	_ =	shalt  }
0x4f: {  	_ =	shalt  }
0x50: {  	_ =	shalt  }
0x51: {  	_ =	shalt  }
0x52: {  	_ =	shalt  }
0x53: {  	_ =	shalt  }
0x54: {  	_ =	shalt  }
0x55: {  	_ =	shalt  }
0x56: {  	_ =	shalt  }
0x57: {  	_ =	shalt  }
0x58: {  	_ =	shalt  }
0x59: {  	_ =	shalt  }
0x5a: {  	_ =	shalt  }
0x5b: {  	_ =	shalt  }
0x5c: {  	_ =	shalt  }
0x5d: {  	_ =	shalt  }
0x5e: {  	_ =	shalt  }
0x5f: {  	_ =	shalt  }
0x60: {  	_ =	shalt  }
0x61: {  	_ =	shalt  }
0x62: {  	_ =	shalt  }
0x63: {  	_ =	shalt  }
0x64: {  	_ =	shalt  }
0x65: {  	_ =	shalt  }
0x66: {  	_ =	shalt  }
0x67: {  	_ =	shalt  }
0x68: {  	_ =	shalt  }
0x69: {  	_ =	shalt  }
0x6a: {  	_ =	shalt  }
0x6b: {  	_ =	shalt  }
0x6c: {  	_ =	shalt  }
0x6d: {  	_ =	shalt  }
0x6e: {  	_ =	shalt  }
0x6f: {  	_ =	shalt  }
0x70: {  	_ =	shalt  }
0x71: {  	_ =	shalt  }
0x72: {  	_ =	shalt  }
0x73: {  	_ =	shalt  }
0x74: {  	_ =	shalt  }
0x75: {  	_ =	shalt  }
0x76: {  	_ =	shalt  }
0x77: {  	_ =	shalt  }
0x78: {  	_ =	shalt  }
0x79: {  	_ =	shalt  }
0x7a: {  	_ =	shalt  }
0x7b: {  	_ =	shalt  }
0x7c: {  	_ =	shalt  }
0x7d: {  	_ =	shalt  }
0x7e: {  	_ =	shalt  }
0x7f: {  	_ =	shalt  }
0x80: {  	_ =	shalt  }
0x81: {  	_ =	shalt  }
0x82: {  	_ =	shalt  }
0x83: {  	_ =	shalt  }
0x84: {  	_ =	shalt  }
0x85: {  	_ =	shalt  }
0x86: {  	_ =	shalt  }
0x87: {  	_ =	shalt  }
.Lfunc_end0:
.L_simem_size_0:
called_computation.2_lowered:
.L_overlay_start_0:
0x88: {  	s2 =	sld [smem:$0x3FD9]  }
0x89: {  	s3 =	sld [smem:$0x3FFE];
	_ =	sdelay $0x1  }
0x8a: {  	s1 =	srdreg.scid  }
0x8b: {  	s0 =	sand.u32 $0x1, s1  }
0x8c: {  	s17 =	sshll.u32 s0, $0xA;
	s2 =	sadd.s32 s3, s2  }
0x8d: {  	s2 =	sadd.s32 s2, s17  }
0x8e: {  	[smem:$0x3FB3] =	sst s2  }
0x8f: {  	_ = 	snop  }
0x90: {  	(tm) =	ssettm $0x1  }
0x91: {  	s18 =	sld [smem:$0x3FFB];
	_ =	sdelay $0x3  }
0x92: {  	_ =	strace s18  }
0x93: {  	s2 =	sld [smem:$0x3FFC];
	_ =	sdelay $0x3  }
0x94: {  	_ =	strace s2  }
0x95: {  	s2 =	sld [smem:$0x3FFD];
	_ =	sdelay $0x3  }
0x96: {  	_ =	strace s2  }
0x97: {  	_ =	strace $0x8FFFFFFF  }
0x98: {  	s19 =	sld [smem:$0x3FDB];
	_ =	sdelay $0x1  }
0x99: {  	s20 =	simm.s32 $_scs_section_size  }
0x9a: {  	s4 =	simm.s32 $_size__tile_overlayer_lowered;
	s5 =	simm.s32 $_tile_overlayer_lowered  }
0x9b: {  	s6 =	simm.s32 $0x1BFF;
	s21 =	sshll.u32 s5, $0x1;
	s3 =	sadd.s32 s20, s19  }
0x9c: {  	s22 =	simm.s32 $0x0;
	s4 =	sshll.u32 s4, $0x1;
	s5 =	sadd.s32 s21, s3  }
0x9d: {  	[timem:s22], [sflag:s6] =	dma.local [hbm:s5], s4  }
0x9e: {  	_ =	swait.ge [sflag:s6], s4  }
0x9f: {  	s4 =	ssub.s32 $0x0, s4;
	[sflag:s6] =	ssyncset.done $0x0  }
0xa0: {  	[sflag:s6] =	ssyncadd.s32 s4;
	_ =	sdelay $0x1  }
0xa1: {  	s23 =	simm.s32 $0x1B8B  }
0xa2: {  	_ =	swait.ge [sflag:s23], $0x1  }
0xa3: {  	[sflag:s23] =	ssyncset.done $0x0  }
0xa4: {  	[sflag:s23] =	ssyncadd.s32 $0xFFFFFFFF  }
0xa5: {  	s4 =	sld [smem:$0x0]  }
0xa6: {  	s5 =	sand.u32 $0xFFFFFFFE, s1  }
0xa7: {  	p0 =	sne.s32 s1, s5  }
0xa8: {  	s5 =	sshll.u32 @p0 s5, $0xE  }
0xa9: {  	s5 =	sadd.s32 @p0 $0x11B8D, s5;
	s6 =	sshll.u32 @p0 s4, $0x11  }
0xaa: {  	s5 =	sor.u32 @p0 s6, s5  }
0xab: {  	[sflag:s5] =	ssyncadd.remote.s32 @p0 $0x1;
	_ =	sdelay $0x1  }
0xac: {  	s5 =	simm.s32 @p0 $0x1B8D  }
0xad: {  	_ =	swait.eq @p0 [sflag:s5], $0x1  }
0xae: {  	[sflag:s5] =	ssyncadd.s32 @p0 $0xFFFFFFFF  }
0xaf: {  	s6 =	sshll.u32 @!p0 s1, $0xE  }
0xb0: {  	s6 =	sor.u32 @!p0 $0x4000, s6;
	s5 =	simm.s32 @!p0 $0x1B8D  }
0xb1: {  	s4 =	sshll.u32 @!p0 s4, $0x11;
	s6 =	sadd.s32 @!p0 $0x11B8D, s6;
	_ =	swait.eq @!p0 [sflag:s5], $0x1  }
0xb2: {  	s4 =	sor.u32 @!p0 s4, s6;
	[sflag:s5] =	ssyncadd.s32 @!p0 $0xFFFFFFFF  }
0xb3: {  	s25 =	simm.s32 $0x1B8E;
	s24 =	sld [smem:$0x3FFE];
	[sflag:s4] =	ssyncadd.remote.s32 @!p0 $0x1  }
0xb4: {  	s26 =	simm.s32 $execute0_lowered;
	[smem:$0x3FD2] =	sst s25  }
0xb5: {  	s5 =	sshll.u32 s26, $0x1;
	_ =	strace $0x8000004C;
	[dreg:$0x1] =	wrdreg $0xFFFFFFFF  }
0xb6: {  	s28 =	simm.s32 $_size_execute0_lowered;
	s3 =	sadd.s32 s3, s5;
	[dreg:$0x0] =	wrdreg $0x0  }
0xb7: {  	s5 =	sshll.u32 s28, $0x1;
	[dreg:$0x2] =	wrdreg s3  }
0xb8: {  	[dreg:$0x3] =	wrdreg s5  }
0xb9: {  	[dreg:$0x4] =	wrdreg $0xC0  }
0xba: {  	_ =	task [dreg:s22], $0x5FFFF  }
0xbb: {  	[dreg:$0x1] =	wrdreg $0xFFFFFFFF  }
0xbc: {  	[dreg:$0x0] =	wrdreg $0x60  }
0xbd: {  	[dreg:$0x2] =	wrdreg s24  }
0xbe: {  	[dreg:$0x3] =	wrdreg $0xB  }
0xbf: {  	_ =	task.clear_ibuf [dreg:s22], $0x4FFFF;
	_ =	strace $0x9000004C  }
0xc0: {  	s29 =	simm.s32 $0xB;
	_ =	strace $0x8000004E  }
0xc1: {  	_ =	swait.ge [sflag:s29], $0x1  }
0xc2: {  	[sflag:s29] =	ssyncadd.s32 $0xFFFFFFFF  }
0xc3: {  	_ =	strace $0x9000004E  }
0xc4: {  	_ =	sfence  }
0xc5: {  	s30 =	sld [smem:$0x0];
	_ =	sdelay $0x2  }
0xc6: {  	s31 =	sshll.u32 s1, $0xD;
	s1 =	sshrl.u32 s1, $0x2  }
0xc7: {  	s4 =	sand.u32 $0x4000, s31;
	s1 =	sadd.s32 s1, s30  }
0xc8: {  	s0 =	sor.u32 s4, s0;
	s1 =	sshll.u32 s1, $0x11  }
0xc9: {  	s0 =	sor.u32 s1, s0  }
0xca: {  	s0 =	sadd.s32 $0x8F2B, s0  }
0xcb: {  	[sflag:s0] =	ssyncadd.remote.s32 $0x1  }
0xcc: {  	_ =	sfence.sel $0xFFFF  }
0xcd: {  	[dreg:$0x0] =	wrdreg $0xFFFFFFFF;
	(pc) =	sbr.abs _section_cstart, $3  }
0xce: {  	[dreg:$0x1] =	wrdreg $0xFFFFFFFF  }
0xcf: {  	_ =	task.clear_ibuf [dreg:s22], $0x2FFFF;
	_ =	strace $0x9FFFFFFF  }
0xd0: {  	(tm) =	ssettm $0x7FFFFFFF  }
0xd1: {  	_ =	shalt  }
tec
execute0_lowered:
.L_overlay_start_1:
0x0: {  	(tag) =	ssettag $0x1  }
0x1: {  	s0 =	srdreg.scid  }
0x2: {  	s6 =	stileid.u32;
	s1 =	rddreg [dreg:$0x0]  }
0x3: {  	s2 =	simm.s32 $0x0;
	s14 =	simm.s32 $0x200;
	s16 =	simm.s32 $0x1  }
0x4: {  	s17 =	simm.s32 $0x100;
	s18 =	simm.s32 $0x8800;
	s19 =	simm.s32 $0x10800  }
0x5: {  	s20 =	simm.s32 $0x2;
	s21 =	simm.s32 $0x5;
	s23 =	simm.s32 $0x800  }
0x6: {  	s24 =	simm.s32 $0x3;
	s25 =	simm.s32 $0x6;
	s28 =	simm.s32 $0x4  }
0x7: {  	s29 =	simm.s32 $0x7;
	s31 =	simm.s32 $0x600;
	s0 =	sand.u32 $0x1, s0  }
0x8: {  	s3 =	sshll.u32 s6, $0xA;
	[smem:$0x7FF] =	sst s2;
	s4 =	sshll.u32 s0, $0x9  }
0x9: {  	_ =	strace $0x8000004D;
	s0 =	ssub.s32 $0x2, s0;
	s4 =	sor.u32 s4, s3  }
0xa: {  	s3 =	sadd.s32 $0x461600, s1;
	s30 =	sshrl.u32 s0, $0x1;
	s5 =	sshll.u32 s4, $0x4  }
0xb: {  	s4 =	sshrl.u32 s4, $0x3;
	s0 =	ssub.s32 s0, s30;
	s5 =	sor.u32 s6, s5  }
0xc: {  	s4 =	sadd.s32 s4, s1;
	s13 =	smax.u32 s0, $0x1;
	s5 =	sand.u32 $0x1E008, s5  }
0xd: {  	s0 =	simm.s32 $0x0;
	s4 =	sadd.s32 $0x45F600, s4;
	s1 =	sadd.s32 s5, s1  }
0xe: {  	s5 =	sadd.s32 $0x5E8000, s1;
	s6 =	sadd.s32 $0x5E9000, s1;
	s7 =	sadd.s32 $0x608000, s1  }
0xf: {  	s8 =	sadd.s32 $0x609000, s1;
	s9 =	sadd.s32 $0x628000, s1;
	s10 =	sadd.s32 $0x629000, s1  }
0x10: {  	s11 =	sadd.s32 $0x648000, s1;
	s12 =	sadd.s32 $0x649000, s1;
	s1 =	simm.s32 $0x700  }
.LBB2_1:
0x11: {  	s15 =	simm.s32 $0x4000  }
0x12: {  	[tilespmem:s2], [sflag:$0x1] =	stream.strided.gather [hbm4b:s4+s14], $0x800, s15, s14, $0x38;
	[tilespmem:$0x18800] =	vst v63  }
0x13: {  	_ =	swait.ge [sflag:s16], $0x800  }
0x14: {  	[sflag:s16] =	ssyncset.done $0x0  }
0x15: {  	[sflag:s16] =	ssyncadd.s32 $0xFFFFF800  }
0x16: {  	[tilespmem:s23], [sflag:$0x2] =	stream.indirect.gather [hbm4b:s3+s17], $0x80, s2, s17, $0xb8;
	[tilespmem:$0x18800] =	vst v63  }
0x17: {  	_ = 	snop  }
0x18: {  	[tilespmem:s18], [sflag:$0x3] =	stream.indirect.gather [hbm4b:s3+s17], $0x80, s17, s17, $0xb8;
	[tilespmem:$0x18800] =	vst v63  }
0x19: {  	_ = 	snop  }
0x1a: {  	[tilespmem:s19], [sflag:$0x4] =	stream.indirect.gather [hbm4b:s3+s17], $0x80, s14, s17, $0xb8;
	[tilespmem:$0x18800] =	vst v63  }
0x1b: {  	_ =	swait.ge [sflag:s20], $0x8000  }
0x1c: {  	s30 =	sadd.s32 $0x0, s5;
	s22 =	simm.s32 $0x880;
	[sflag:s20] =	ssyncset.done $0x0  }
0x1d: {  	s26 =	simm.s32 $0x800;
	s15 =	simm.s32 $0x10;
	[sflag:s20] =	ssyncadd.s32 $0xFFFF8000  }
.LBB2_2:
0x1e: {  	[hbm4b:s30+s2] =	stream.linear.scatter [tilespmem:s26], [sflag:$0x5], $0x40, $0x38;
	[tilespmem:$0x18800] =	vst v63  }
0x1f: {  	s30 =	smov.u32 s15;
	s26 =	smov.u32 s22;
	p0 =	sne.s32 s15, $0xFF0  }
.Ltmp0:
0x20: {  	s15 =	sadd.s32 $0x10, s15;
	(pc) =	sbr.rel @p0 .LBB2_2-.Ltmp0, $2  }
0x21: {  	_ =	sdelay $0x2  }
0x22: {  	s22 =	sadd.s32 $0x80, s22;
	s30 =	sadd.s32 s30, s5  }
0x23: {  	[hbm4b:s30+s2] =	stream.linear.scatter [tilespmem:s26], [sflag:$0x5], $0x40, $0x38;
	[tilespmem:$0x18800] =	vst v63  }
0x24: {  	_ =	swait.ge [sflag:s21], $0x4000  }
0x25: {  	[sflag:s21] =	ssyncset.done $0x0  }
0x26: {  	s15 =	simm.s32 $0x300;
	[sflag:s21] =	ssyncadd.s32 $0xFFFFC000  }
0x27: {  	[tilespmem:s23], [sflag:$0x2] =	stream.indirect.gather [hbm4b:s3+s17], $0x80, s15, s17, $0xb8;
	[tilespmem:$0x18800] =	vst v63  }
0x28: {  	_ =	swait.ge [sflag:s24], $0x8000  }
0x29: {  	s22 =	simm.s32 $0x10;
	s30 =	sadd.s32 $0x0, s6;
	[sflag:s24] =	ssyncset.done $0x0  }
0x2a: {  	s26 =	simm.s32 $0x8880;
	s15 =	simm.s32 $0x8800;
	[sflag:s24] =	ssyncadd.s32 $0xFFFF8000  }
.LBB2_4:
0x2b: {  	[hbm4b:s30+s2] =	stream.linear.scatter [tilespmem:s15], [sflag:$0x6], $0x40, $0x38;
	[tilespmem:$0x18800] =	vst v63  }
0x2c: {  	s30 =	smov.u32 s22;
	s15 =	smov.u32 s26;
	p0 =	sne.s32 s22, $0xFF0  }
.Ltmp1:
0x2d: {  	s22 =	sadd.s32 $0x10, s22;
	(pc) =	sbr.rel @p0 .LBB2_4-.Ltmp1, $2  }
0x2e: {  	_ =	sdelay $0x2  }
0x2f: {  	s26 =	sadd.s32 $0x80, s26;
	s30 =	sadd.s32 s30, s6  }
0x30: {  	[hbm4b:s30+s2] =	stream.linear.scatter [tilespmem:s15], [sflag:$0x6], $0x40, $0x38;
	[tilespmem:$0x18800] =	vst v63  }
0x31: {  	_ =	swait.ge [sflag:s25], $0x4000  }
0x32: {  	[sflag:s25] =	ssyncset.done $0x0  }
0x33: {  	s26 =	simm.s32 $0x400;
	[sflag:s25] =	ssyncadd.s32 $0xFFFFC000  }
0x34: {  	[tilespmem:s18], [sflag:$0x3] =	stream.indirect.gather [hbm4b:s3+s17], $0x80, s26, s17, $0xb8;
	[tilespmem:$0x18800] =	vst v63  }
0x35: {  	_ =	swait.ge [sflag:s28], $0x8000  }
0x36: {  	s15 =	simm.s32 $0x10800;
	s22 =	simm.s32 $0x10;
	[sflag:s28] =	ssyncset.done $0x0  }
0x37: {  	s30 =	sadd.s32 $0x0, s7;
	s26 =	simm.s32 $0x10880;
	[sflag:s28] =	ssyncadd.s32 $0xFFFF8000  }
.LBB2_6:
0x38: {  	[hbm4b:s30+s2] =	stream.linear.scatter [tilespmem:s15], [sflag:$0x7], $0x40, $0x38;
	[tilespmem:$0x18800] =	vst v63  }
0x39: {  	s30 =	smov.u32 s22;
	s15 =	smov.u32 s26;
	p0 =	sne.s32 s22, $0xFF0  }
.Ltmp2:
0x3a: {  	s22 =	sadd.s32 $0x10, s22;
	(pc) =	sbr.rel @p0 .LBB2_6-.Ltmp2, $2  }
0x3b: {  	_ =	sdelay $0x2  }
0x3c: {  	s26 =	sadd.s32 $0x80, s26;
	s30 =	sadd.s32 s30, s7  }
0x3d: {  	[hbm4b:s30+s2] =	stream.linear.scatter [tilespmem:s15], [sflag:$0x7], $0x40, $0x38;
	[tilespmem:$0x18800] =	vst v63  }
0x3e: {  	_ =	swait.ge [sflag:s29], $0x4000  }
0x3f: {  	[sflag:s29] =	ssyncset.done $0x0  }
0x40: {  	s26 =	simm.s32 $0x500;
	[sflag:s29] =	ssyncadd.s32 $0xFFFFC000  }
0x41: {  	[tilespmem:s19], [sflag:$0x4] =	stream.indirect.gather [hbm4b:s3+s17], $0x80, s26, s17, $0xb8;
	[tilespmem:$0x18800] =	vst v63  }
0x42: {  	_ =	swait.ge [sflag:s20], $0x8000  }
0x43: {  	s15 =	simm.s32 $0x800;
	s22 =	simm.s32 $0x10;
	[sflag:s20] =	ssyncset.done $0x0  }
0x44: {  	s30 =	sadd.s32 $0x0, s8;
	s26 =	simm.s32 $0x880;
	[sflag:s20] =	ssyncadd.s32 $0xFFFF8000  }
.LBB2_8:
0x45: {  	[hbm4b:s30+s2] =	stream.linear.scatter [tilespmem:s15], [sflag:$0x5], $0x40, $0x38;
	[tilespmem:$0x18800] =	vst v63  }
0x46: {  	s30 =	smov.u32 s22;
	s15 =	smov.u32 s26;
	p0 =	sne.s32 s22, $0xFF0  }
.Ltmp3:
0x47: {  	s22 =	sadd.s32 $0x10, s22;
	(pc) =	sbr.rel @p0 .LBB2_8-.Ltmp3, $2  }
0x48: {  	_ =	sdelay $0x2  }
0x49: {  	s26 =	sadd.s32 $0x80, s26;
	s30 =	sadd.s32 s30, s8  }
0x4a: {  	[hbm4b:s30+s2] =	stream.linear.scatter [tilespmem:s15], [sflag:$0x5], $0x40, $0x38;
	[tilespmem:$0x18800] =	vst v63  }
0x4b: {  	_ =	swait.ge [sflag:s21], $0x4000  }
0x4c: {  	[sflag:s21] =	ssyncset.done $0x0  }
0x4d: {  	[sflag:s21] =	ssyncadd.s32 $0xFFFFC000  }
0x4e: {  	[tilespmem:s23], [sflag:$0x2] =	stream.indirect.gather [hbm4b:s3+s17], $0x80, s31, s17, $0xb8;
	[tilespmem:$0x18800] =	vst v63  }
0x4f: {  	_ =	swait.ge [sflag:s24], $0x8000  }
0x50: {  	s15 =	simm.s32 $0x8840;
	s22 =	simm.s32 $0x10;
	[sflag:s24] =	ssyncset.done $0x0  }
0x51: {  	s30 =	sadd.s32 $0x0, s9;
	s26 =	simm.s32 $0x88C0;
	[sflag:s24] =	ssyncadd.s32 $0xFFFF8000  }
.LBB2_10:
0x52: {  	[hbm4b:s30+s2] =	stream.linear.scatter [tilespmem:s15], [sflag:$0x6], $0x40, $0x38;
	[tilespmem:$0x18800] =	vst v63  }
0x53: {  	s30 =	smov.u32 s22;
	s15 =	smov.u32 s26;
	p0 =	sne.s32 s22, $0xFF0  }
.Ltmp4:
0x54: {  	s22 =	sadd.s32 $0x10, s22;
	(pc) =	sbr.rel @p0 .LBB2_10-.Ltmp4, $2  }
0x55: {  	_ =	sdelay $0x2  }
0x56: {  	s26 =	sadd.s32 $0x80, s26;
	s30 =	sadd.s32 s30, s9  }
0x57: {  	[hbm4b:s30+s2] =	stream.linear.scatter [tilespmem:s15], [sflag:$0x6], $0x40, $0x38;
	[tilespmem:$0x18800] =	vst v63  }
0x58: {  	_ =	swait.ge [sflag:s25], $0x4000  }
0x59: {  	[sflag:s25] =	ssyncset.done $0x0  }
0x5a: {  	[sflag:s25] =	ssyncadd.s32 $0xFFFFC000  }
0x5b: {  	[tilespmem:s18], [sflag:$0x3] =	stream.indirect.gather [hbm4b:s3+s17], $0x80, s1, s17, $0xb8;
	[tilespmem:$0x18800] =	vst v63  }
0x5c: {  	_ =	swait.ge [sflag:s28], $0x8000  }
0x5d: {  	s15 =	simm.s32 $0x10840;
	s22 =	simm.s32 $0x10;
	[sflag:s28] =	ssyncset.done $0x0  }
0x5e: {  	s30 =	sadd.s32 $0x0, s10;
	s26 =	simm.s32 $0x108C0;
	[sflag:s28] =	ssyncadd.s32 $0xFFFF8000  }
.LBB2_12:
0x5f: {  	[hbm4b:s30+s2] =	stream.linear.scatter [tilespmem:s15], [sflag:$0x7], $0x40, $0x38;
	[tilespmem:$0x18800] =	vst v63  }
0x60: {  	s30 =	smov.u32 s22;
	s15 =	smov.u32 s26;
	p0 =	sne.s32 s22, $0xFF0  }
.Ltmp5:
0x61: {  	s22 =	sadd.s32 $0x10, s22;
	(pc) =	sbr.rel @p0 .LBB2_12-.Ltmp5, $2  }
0x62: {  	_ =	sdelay $0x2  }
0x63: {  	s26 =	sadd.s32 $0x80, s26;
	s30 =	sadd.s32 s30, s10  }
0x64: {  	[hbm4b:s30+s2] =	stream.linear.scatter [tilespmem:s15], [sflag:$0x7], $0x40, $0x38;
	[tilespmem:$0x18800] =	vst v63  }
0x65: {  	_ =	swait.ge [sflag:s20], $0x8000  }
0x66: {  	s15 =	simm.s32 $0x840;
	s22 =	simm.s32 $0x10;
	[sflag:s20] =	ssyncset.done $0x0  }
0x67: {  	s30 =	sadd.s32 $0x0, s11;
	s26 =	simm.s32 $0x8C0;
	[sflag:s20] =	ssyncadd.s32 $0xFFFF8000  }
.LBB2_14:
0x68: {  	[hbm4b:s30+s2] =	stream.linear.scatter [tilespmem:s15], [sflag:$0x5], $0x40, $0x38;
	[tilespmem:$0x18800] =	vst v63  }
0x69: {  	s30 =	smov.u32 s22;
	s15 =	smov.u32 s26;
	p0 =	sne.s32 s22, $0xFF0  }
.Ltmp6:
0x6a: {  	s22 =	sadd.s32 $0x10, s22;
	(pc) =	sbr.rel @p0 .LBB2_14-.Ltmp6, $2  }
0x6b: {  	_ =	sdelay $0x2  }
0x6c: {  	s26 =	sadd.s32 $0x80, s26;
	s30 =	sadd.s32 s30, s11  }
0x6d: {  	[hbm4b:s30+s2] =	stream.linear.scatter [tilespmem:s15], [sflag:$0x5], $0x40, $0x38;
	[tilespmem:$0x18800] =	vst v63  }
0x6e: {  	_ =	swait.ge [sflag:s24], $0x8000  }
0x6f: {  	s15 =	simm.s32 $0x8840;
	s22 =	simm.s32 $0x10;
	[sflag:s24] =	ssyncset.done $0x0  }
0x70: {  	s30 =	sadd.s32 $0x0, s12;
	s26 =	simm.s32 $0x88C0;
	[sflag:s24] =	ssyncadd.s32 $0xFFFF8000  }
.LBB2_16:
0x71: {  	[hbm4b:s30+s2] =	stream.linear.scatter [tilespmem:s15], [sflag:$0x6], $0x40, $0x38;
	[tilespmem:$0x18800] =	vst v63  }
0x72: {  	s30 =	smov.u32 s22;
	s15 =	smov.u32 s26;
	p0 =	sne.s32 s22, $0xFF0  }
.Ltmp7:
0x73: {  	s22 =	sadd.s32 $0x10, s22;
	(pc) =	sbr.rel @p0 .LBB2_16-.Ltmp7, $2  }
0x74: {  	_ =	sdelay $0x2  }
0x75: {  	s26 =	sadd.s32 $0x80, s26;
	s30 =	sadd.s32 s30, s12  }
0x76: {  	[hbm4b:s30+s2] =	stream.linear.scatter [tilespmem:s15], [sflag:$0x6], $0x40, $0x38;
	[tilespmem:$0x18800] =	vst v63  }
0x77: {  	_ =	swait.ge [sflag:s29], $0x4000  }
0x78: {  	[sflag:s29] =	ssyncset.done $0x0  }
0x79: {  	s0 =	sadd.s32 $0x1, s0;
	[sflag:s29] =	ssyncadd.s32 $0xFFFFC000  }
0x7a: {  	p0 =	sne.s32 s0, s13;
	_ =	swait.ge [sflag:s21], $0x4000  }
.Ltmp8:
0x7b: {  	[sflag:s21] =	ssyncset.done $0x0;
	(pc) =	sbr.rel @p0 .LBB2_1-.Ltmp8, $4  }
0x7c: {  	[sflag:s21] =	ssyncadd.s32 $0xFFFFC000  }
0x7d: {  	_ =	swait.ge [sflag:s25], $0x4000  }
0x7e: {  	[sflag:s25] =	ssyncset.done $0x0  }
0x7f: {  	[sflag:s25] =	ssyncadd.s32 $0xFFFFC000  }
0x80: {  	_ =	sfence.sel $0x180000  }
0x81: {  	[bflag:$0x0] =	sbarrier.arrive $0xFFFF  }
0x82: {  	_ =	strace $0x9000004D  }
0x83: {  	s0 =	stileid.u32;
	[bflag:$0x2] =	sbarrier.arrive $0xFFFF  }
0x84: {  	p0 =	sne.s32 s0, $0x0;
	s0 =	rddreg [dreg:$0x1]  }
0x85: {  	s0 =	sadd.s32 @!p0 $0x100000, s0  }
0x86: {  	[sflag:s0] =	ssyncadd.tile.s32 @!p0 $0x1;
	_ =	shalt  }
.Lfunc_end2:
_tile_overlayer_lowered:
.L_overlay_start_2:
0x87: {  	(tag) =	ssettag $0x2  }
0x88: {  	s0 =	rddreg [dreg:$0x0];
	s2 =	stileid.u32  }
0x89: {  	s1 =	rddreg [dreg:$0x1];
	p0 =	sne.s32 s2, $0x0  }
0x8a: {  	s3 =	rddreg [dreg:$0x2];
	[bflag:$0x3] =	sbarrier.arrive $0xFFFF;
	s2 =	simm.s32 @!p0 $0x1C08  }
0x8b: {  	[timem:s3], [sflag:s2] =	dma.local @!p0 [hbm:s0], s1  }
0x8c: {  	s0 =	simm.s32 @!p0 $0x8  }
0x8d: {  	_ =	swait.ge @!p0 [sflag:s0], s1  }
0x8e: {  	s1 =	ssub.s32 @!p0 $0x0, s1;
	[sflag:s0] =	ssyncset.done @!p0 $0x0  }
0x8f: {  	[sflag:s0] =	ssyncadd.s32 @!p0 s1  }
0x90: {  	[bflag:$0x3] =	sbarrier.arrive $0xFFFF  }
0x91: {  	_ =	shalt  }

// kernel: kernel.9.cloned.1.call-start
scs
__scs_entry_jumppad:
0x0: {  	(pc) =	sbr.rel $0x88, $3  }
0x1: {  	(tag) =	ssettag $0x0;
	lr =	simm.s32 $0x1  }
0x2: {  	[smem:$0x3F8C] =	sst lr;
	_ =	strace $0xD0000000  }
0x3: {  	_ = 	snop  }
0x4: {  	_ = 	snop  }
0x5: {  	_ = 	snop  }
0x6: {  	_ = 	snop  }
0x7: {  	_ = 	snop  }
__scs_overlays_trampoline_lowered:
0x8: {  	[smem:$0x3F9B] =	sst s0  }
0x9: {  	[smem:$0x3F9C] =	sst s1  }
0xa: {  	[smem:$0x3F9D] =	sst s2  }
0xb: {  	[smem:$0x3F9E] =	sst s3  }
0xc: {  	[smem:$0x3F9F] =	sst s4  }
0xd: {  	[smem:$0x3FA0] =	sst s5  }
0xe: {  	[smem:$0x3FA1] =	sst s6  }
0xf: {  	[smem:$0x3FA2] =	sst s7  }
0x10: {  	[smem:$0x3FA3] =	sst s8  }
0x11: {  	[smem:$0x3FA4] =	sst s9;
	s0 =	simm.s32 @!p0 $0x0  }
0x12: {  	s1 =	sld [smem:$0x3F8A];
	s0 =	simm.s32 @p0 $0x1  }
0x13: {  	[smem:$0x3FA5] =	sst s0;
	s0 =	simm.s32 @!p1 $0x0  }
0x14: {  	s2 =	sld [smem:$0x3F89];
	s0 =	simm.s32 @p1 $0x1  }
0x15: {  	[smem:$0x3FA6] =	sst s0;
	s0 =	simm.s32 @!p2 $0x0  }
0x16: {  	s3 =	sld [smem:$0x3FDB];
	s0 =	simm.s32 @p2 $0x1  }
0x17: {  	s4 =	simm.s32 $0x1BF5;
	[smem:$0x3FA8] =	sst s0  }
0x18: {  	s0 =	sld [smem:$0x3F8B];
	_ =	swait.ge [sflag:s4], $0x0  }
0x19: {  	s7 =	sld [smem:$0x3F8C]  }
0x1a: {  	s8 =	sadd.s32 $0xFFFFE003, lr  }
0x1b: {  	s9 =	sadd.s32 $0xFFFFFEF7, lr;
	s5 =	simm.s32 $0xFFFFFFFF;
	p2 =	slt.u32 s8, $0xFFFFF086  }
0x1c: {  	p1 =	slt.u32 s9, $0xF7A;
	s5 =	simm.s32 @!p2 $0x0  }
0x1d: {  	s5 =	simm.s32 @p1 $0x1;
	p0 =	seq.s32 s7, s2  }
0x1e: {  	s7 =	smul.u32 @!p0 $0xF7A, s2;
	p2 =	seq.s32 @!p0 s5, $0x0  }
0x1f: {  	s9 =	smul.u32 $0xF7A, s1;
	s8 =	simm.s32 @!p0 $0x1BF5;
	p2 =	por !p2, p0  }
0x20: {  	[sflag:s8] =	ssyncset.s32 @!p0 $0xFFFFF086;
	s6 =	sadd.s32 @!p0 s3, s7;
	s7 =	simm.s32 @!p0 $0x108  }
0x21: {  	s3 =	sadd.s32 s3, s9;
	s6 =	sadd.s32 @!p0 $0x88, s6;
	s7 =	simm.s32 @p2 $0x1082  }
0x22: {  	[simem:s7], [sflag:s8] =	dma.local @!p0 [hbm:s6], $0xF7A  }
0x23: {  	s9 =	sor.u32 $0xD0000000, s2;
	s6 =	simm.s32 $0x108;
	_ =	swait.ge @!p0 [sflag:s8], $0x0  }
0x24: {  	s3 =	sadd.s32 $0x88, s3;
	s6 =	simm.s32 @!p1 $0x1082;
	[sflag:s4] =	ssyncset.s32 $0xFFFFF086  }
0x25: {  	[simem:s6], [sflag:s4] =	dma.local [hbm:s3], $0xF7A  }
0x26: {  	[smem:$0x3F8C] =	sst s1;
	(tag) =	ssettag s2;
	_ =	strace s9  }
0x27: {  	s1 =	sld [smem:$0x3F9C]  }
0x28: {  	s2 =	sld [smem:$0x3F9D]  }
0x29: {  	s4 =	sld [smem:$0x3F9F]  }
0x2a: {  	p0 =	seq.s32 s5, $0x0;
	s5 =	sld [smem:$0x3FA0]  }
0x2b: {  	s6 =	sld [smem:$0x3FA1]  }
0x2c: {  	s7 =	sld [smem:$0x3FA2]  }
0x2d: {  	s3 =	simm.s32 $0x108;
	s8 =	sld [smem:$0x3FA3]  }
0x2e: {  	s3 =	simm.s32 @!p0 $0x1082;
	s9 =	sld [smem:$0x3FA4]  }
0x2f: {  	lr =	sadd.s32 s0, s3;
	s0 =	sld [smem:$0x3F9B]  }
0x30: {  	s3 =	sld [smem:$0x3F9E]  }
0x31: {  	[smem:$0x3FA7] =	sst s10  }
0x32: {  	s10 =	sld [smem:$0x3FA5];
	_ =	sdelay $0x3  }
0x33: {  	p0 =	seq.s32 s10, $0x1;
	s10 =	sld [smem:$0x3FA7];
	_ =	sdelay $0x3  }
0x34: {  	[smem:$0x3FA7] =	sst s10  }
0x35: {  	s10 =	sld [smem:$0x3FA6];
	_ =	sdelay $0x3  }
0x36: {  	p1 =	seq.s32 s10, $0x1;
	s10 =	sld [smem:$0x3FA7];
	_ =	sdelay $0x3  }
0x37: {  	[smem:$0x3FA7] =	sst s10  }
0x38: {  	s10 =	sld [smem:$0x3FA8]  }
0x39: {  	_ = 	snop;
	(pc) =	sbr.ind lr, $3  }
0x3a: {  	_ = 	snop  }
0x3b: {  	_ = 	snop  }
0x3c: {  	p2 =	seq.s32 s10, $0x1;
	s10 =	sld [smem:$0x3FA7]  }
0x3d: {  	_ =	shalt  }
0x3e: {  	_ =	shalt  }
0x3f: {  	_ =	shalt  }
0x40: {  	_ =	shalt  }
0x41: {  	_ =	shalt  }
0x42: {  	_ =	shalt  }
0x43: {  	_ =	shalt  }
0x44: {  	_ =	shalt  }
0x45: {  	_ =	shalt  }
0x46: {  	_ =	shalt  }
0x47: {  	_ =	shalt  }
0x48: {  	_ =	shalt  }
0x49: {  	_ =	shalt  }
0x4a: {  	_ =	shalt  }
0x4b: {  	_ =	shalt  }
0x4c: {  	_ =	shalt  }
0x4d: {  	_ =	shalt  }
0x4e: {  	_ =	shalt  }
0x4f: {  	_ =	shalt  }
0x50: {  	_ =	shalt  }
0x51: {  	_ =	shalt  }
0x52: {  	_ =	shalt  }
0x53: {  	_ =	shalt  }
0x54: {  	_ =	shalt  }
0x55: {  	_ =	shalt  }
0x56: {  	_ =	shalt  }
0x57: {  	_ =	shalt  }
0x58: {  	_ =	shalt  }
0x59: {  	_ =	shalt  }
0x5a: {  	_ =	shalt  }
0x5b: {  	_ =	shalt  }
0x5c: {  	_ =	shalt  }
0x5d: {  	_ =	shalt  }
0x5e: {  	_ =	shalt  }
0x5f: {  	_ =	shalt  }
0x60: {  	_ =	shalt  }
0x61: {  	_ =	shalt  }
0x62: {  	_ =	shalt  }
0x63: {  	_ =	shalt  }
0x64: {  	_ =	shalt  }
0x65: {  	_ =	shalt  }
0x66: {  	_ =	shalt  }
0x67: {  	_ =	shalt  }
0x68: {  	_ =	shalt  }
0x69: {  	_ =	shalt  }
0x6a: {  	_ =	shalt  }
0x6b: {  	_ =	shalt  }
0x6c: {  	_ =	shalt  }
0x6d: {  	_ =	shalt  }
0x6e: {  	_ =	shalt  }
0x6f: {  	_ =	shalt  }
0x70: {  	_ =	shalt  }
0x71: {  	_ =	shalt  }
0x72: {  	_ =	shalt  }
0x73: {  	_ =	shalt  }
0x74: {  	_ =	shalt  }
0x75: {  	_ =	shalt  }
0x76: {  	_ =	shalt  }
0x77: {  	_ =	shalt  }
0x78: {  	_ =	shalt  }
0x79: {  	_ =	shalt  }
0x7a: {  	_ =	shalt  }
0x7b: {  	_ =	shalt  }
0x7c: {  	_ =	shalt  }
0x7d: {  	_ =	shalt  }
0x7e: {  	_ =	shalt  }
0x7f: {  	_ =	shalt  }
0x80: {  	_ =	shalt  }
0x81: {  	_ =	shalt  }
0x82: {  	_ =	shalt  }
0x83: {  	_ =	shalt  }
0x84: {  	_ =	shalt  }
0x85: {  	_ =	shalt  }
0x86: {  	_ =	shalt  }
0x87: {  	_ =	shalt  }
.Lfunc_end0:
.L_simem_size_0:
called_computation_lowered:
.L_overlay_start_0:
0x88: {  	s2 =	sld [smem:$0x3FD9]  }
0x89: {  	s3 =	sld [smem:$0x3FFE];
	_ =	sdelay $0x1  }
0x8a: {  	s1 =	srdreg.scid  }
0x8b: {  	s0 =	sand.u32 $0x1, s1  }
0x8c: {  	s15 =	sshll.u32 s0, $0xA;
	s2 =	sadd.s32 s3, s2  }
0x8d: {  	s2 =	sadd.s32 s2, s15  }
0x8e: {  	[smem:$0x3FB3] =	sst s2  }
0x8f: {  	_ = 	snop  }
0x90: {  	s2 =	sld [smem:$0x3FD0];
	_ =	sdelay $0x2  }
0x91: {  	s16 =	simm.s32 $0xC;
	s4 =	simm.s32 $0x10  }
0x92: {  	[smem:s4], [sflag:s16] =	dma.local [hbm:s2], $0x1  }
0x93: {  	_ =	swait.eq [sflag:s16], $0x1  }
0x94: {  	[sflag:s16] =	ssyncset.done $0x0  }
0x95: {  	[sflag:s16] =	ssyncadd.s32 $0xFFFFFFFF  }
0x96: {  	s17 =	sld [smem:$0x12];
	(tm) =	ssettm $0x1  }
0x97: {  	s18 =	sld [smem:$0x3FFB];
	_ =	sdelay $0x3  }
0x98: {  	_ =	strace s18  }
0x99: {  	s2 =	sld [smem:$0x3FFC];
	_ =	sdelay $0x3  }
0x9a: {  	_ =	strace s2  }
0x9b: {  	s2 =	sld [smem:$0x3FFD];
	_ =	sdelay $0x3  }
0x9c: {  	_ =	strace s2  }
0x9d: {  	_ =	strace $0x8FFFFFFF  }
0x9e: {  	s19 =	sld [smem:$0x3FDB];
	_ =	sdelay $0x1  }
0x9f: {  	s20 =	simm.s32 $_scs_section_size  }
0xa0: {  	s5 =	simm.s32 $_size__tile_overlayer_lowered;
	s6 =	simm.s32 $_tile_overlayer_lowered  }
0xa1: {  	s7 =	simm.s32 $0x1BFF;
	s21 =	sshll.u32 s6, $0x1;
	s4 =	sadd.s32 s20, s19  }
0xa2: {  	s22 =	simm.s32 $0x0;
	s5 =	sshll.u32 s5, $0x1;
	s6 =	sadd.s32 s21, s4  }
0xa3: {  	[timem:s22], [sflag:s7] =	dma.local [hbm:s6], s5  }
0xa4: {  	_ =	swait.ge [sflag:s7], s5  }
0xa5: {  	s5 =	ssub.s32 $0x0, s5;
	[sflag:s7] =	ssyncset.done $0x0  }
0xa6: {  	[sflag:s7] =	ssyncadd.s32 s5;
	_ =	sdelay $0x1  }
0xa7: {  	s23 =	simm.s32 $0x1B8B  }
0xa8: {  	_ =	swait.ge [sflag:s23], $0x1  }
0xa9: {  	[sflag:s23] =	ssyncset.done $0x0  }
0xaa: {  	[sflag:s23] =	ssyncadd.s32 $0xFFFFFFFF  }
0xab: {  	s5 =	sld [smem:$0x0]  }
0xac: {  	s6 =	sand.u32 $0xFFFFFFFE, s1  }
0xad: {  	p0 =	sne.s32 s1, s6  }
0xae: {  	s6 =	sshll.u32 @p0 s6, $0xE  }
0xaf: {  	s6 =	sadd.s32 @p0 $0x11B8D, s6;
	s7 =	sshll.u32 @p0 s5, $0x11  }
0xb0: {  	s6 =	sor.u32 @p0 s7, s6  }
0xb1: {  	[sflag:s6] =	ssyncadd.remote.s32 @p0 $0x1;
	_ =	sdelay $0x1  }
0xb2: {  	s6 =	simm.s32 @p0 $0x1B8D  }
0xb3: {  	_ =	swait.eq @p0 [sflag:s6], $0x1  }
0xb4: {  	[sflag:s6] =	ssyncadd.s32 @p0 $0xFFFFFFFF  }
0xb5: {  	s7 =	sshll.u32 @!p0 s1, $0xE  }
0xb6: {  	s7 =	sor.u32 @!p0 $0x4000, s7;
	s6 =	simm.s32 @!p0 $0x1B8D  }
0xb7: {  	s5 =	sshll.u32 @!p0 s5, $0x11;
	s7 =	sadd.s32 @!p0 $0x11B8D, s7;
	_ =	swait.eq @!p0 [sflag:s6], $0x1  }
0xb8: {  	s5 =	sor.u32 @!p0 s5, s7;
	[sflag:s6] =	ssyncadd.s32 @!p0 $0xFFFFFFFF  }
0xb9: {  	s25 =	simm.s32 $0x1B8E;
	s24 =	sld [smem:$0x3FFE];
	[sflag:s5] =	ssyncadd.remote.s32 @!p0 $0x1  }
0xba: {  	s26 =	simm.s32 $execute0_lowered;
	[smem:$0x3FD2] =	sst s25  }
0xbb: {  	s6 =	sshll.u32 s26, $0x1;
	_ =	strace $0x80000049;
	[dreg:$0x1] =	wrdreg $0xFFFFFFFF  }
0xbc: {  	s28 =	simm.s32 $_size_execute0_lowered;
	s4 =	sadd.s32 s4, s6;
	[dreg:$0x0] =	wrdreg $0x0  }
0xbd: {  	s6 =	sshll.u32 s28, $0x1;
	[dreg:$0x2] =	wrdreg s4  }
0xbe: {  	[dreg:$0x3] =	wrdreg s6  }
0xbf: {  	[dreg:$0x4] =	wrdreg $0xC0  }
0xc0: {  	_ =	task [dreg:s22], $0x5FFFF  }
0xc1: {  	[dreg:$0x1] =	wrdreg $0xFFFFFFFF  }
0xc2: {  	[dreg:$0x0] =	wrdreg $0x60  }
0xc3: {  	[dreg:$0x2] =	wrdreg s24  }
0xc4: {  	[dreg:$0x3] =	wrdreg s17  }
0xc5: {  	[dreg:$0x4] =	wrdreg $0x9  }
0xc6: {  	_ =	task.clear_ibuf [dreg:s22], $0x5FFFF;
	_ =	strace $0x90000049  }
0xc7: {  	s29 =	simm.s32 $0x9;
	_ =	strace $0x8000004B  }
0xc8: {  	_ =	swait.ge [sflag:s29], $0x1  }
0xc9: {  	[sflag:s29] =	ssyncadd.s32 $0xFFFFFFFF  }
0xca: {  	_ =	strace $0x9000004B  }
0xcb: {  	_ =	sfence  }
0xcc: {  	s30 =	sld [smem:$0x0];
	_ =	sdelay $0x2  }
0xcd: {  	s31 =	sshll.u32 s1, $0xD;
	s1 =	sshrl.u32 s1, $0x2  }
0xce: {  	s4 =	sand.u32 $0x4000, s31;
	s1 =	sadd.s32 s1, s30  }
0xcf: {  	s0 =	sor.u32 s4, s0;
	s1 =	sshll.u32 s1, $0x11  }
0xd0: {  	s0 =	sor.u32 s1, s0  }
0xd1: {  	s0 =	sadd.s32 $0x8F2B, s0  }
0xd2: {  	[sflag:s0] =	ssyncadd.remote.s32 $0x1  }
0xd3: {  	_ =	sfence.sel $0xFFFF  }
0xd4: {  	[dreg:$0x0] =	wrdreg $0xFFFFFFFF;
	(pc) =	sbr.abs _section_cstart, $3  }
0xd5: {  	[dreg:$0x1] =	wrdreg $0xFFFFFFFF  }
0xd6: {  	_ =	task.clear_ibuf [dreg:s22], $0x2FFFF;
	_ =	strace $0x9FFFFFFF  }
0xd7: {  	(tm) =	ssettm $0x7FFFFFFF  }
tec
execute0_lowered:
.L_overlay_start_1:
0x0: {  	(tag) =	ssettag $0x1  }
0x1: {  	s0 =	srdreg.scid;
	s1 =	rddreg [dreg:$0x0]  }
0x2: {  	s6 =	stileid.u32;
	s4 =	rddreg [dreg:$0x1];
	s2 =	simm.s32 $0x0  }
0x3: {  	s28 =	simm.s32 $0x2;
	s29 =	simm.s32 $0x5;
	s31 =	simm.s32 $0xE00  }
0x4: {  	s30 =	simm.s32 $0x4;
	s22 =	simm.s32 $0x7;
	s21 =	simm.s32 $0x8  }
0x5: {  	s19 =	simm.s32 $0x0;
	s0 =	sand.u32 $0x1, s0;
	s3 =	sshll.u32 s6, $0xA  }
0x6: {  	[smem:$0x7FF] =	sst s2;
	s7 =	sadd.s32 $0x39C400, s1;
	s5 =	sshll.u32 s0, $0x9  }
0x7: {  	_ =	strace $0x8000004A;
	s0 =	ssub.s32 $0x2, s0;
	s5 =	sor.u32 s5, s3  }
0x8: {  	[dreg:$0x3] =	wrdreg s7;
	s13 =	sshrl.u32 s0, $0x1;
	s3 =	sshll.u32 s5, $0x4  }
0x9: {  	s5 =	sshrl.u32 s5, $0x3;
	s0 =	ssub.s32 s0, s13;
	s6 =	sor.u32 s6, s3  }
0xa: {  	s3 =	sadd.s32 $0x215A00, s1;
	s24 =	sadd.s32 s5, s1;
	s4 =	sadd.s32 s4, s5  }
0xb: {  	s5 =	simm.s32 $0x18E00;
	s6 =	sand.u32 $0x1E008, s6;
	s25 =	sadd.s32 $0x212200, s24  }
0xc: {  	s26 =	sadd.s32 $0x20, s4;
	s1 =	sadd.s32 s6, s1;
	[dreg:$0x4] =	wrdreg s25  }
0xd: {  	[dreg:$0x6] =	wrdreg s26;
	s25 =	simm.s32 $0x8E00;
	s26 =	simm.s32 $0x10E00  }
0xe: {  	s0 =	smax.u32 s0, $0x1;
	s6 =	sadd.s32 $0x39F600, s1;
	s7 =	sadd.s32 $0x3A0600, s1  }
0xf: {  	[dreg:$0x5] =	wrdreg s4;
	s8 =	sadd.s32 $0x3BF600, s1;
	s9 =	sadd.s32 $0x3C0600, s1  }
0x10: {  	[dreg:$0x7] =	wrdreg s0;
	s10 =	sadd.s32 $0x3DF600, s1;
	s11 =	sadd.s32 $0x3E0600, s1  }
0x11: {  	s24 =	simm.s32 $0x100;
	s12 =	sadd.s32 $0x3FF600, s1;
	s13 =	sadd.s32 $0x400600, s1  }
0x12: {  	s0 =	simm.s32 $0x6;
	s14 =	sadd.s32 $0x41F600, s1;
	s15 =	sadd.s32 $0x420600, s1  }
0x13: {  	s16 =	sadd.s32 $0x43F600, s1;
	s18 =	sadd.s32 $0x440600, s1;
	s1 =	simm.s32 $0x3  }
.LBB2_1:
0x14: {  	s4 =	rddreg [dreg:$0x4]  }
0x15: {  	s17 =	simm.s32 $0x200;
	s20 =	simm.s32 $0x4000;
	s23 =	simm.s32 $0x1  }
0x16: {  	[tilespmem:s2], [sflag:$0x1] =	stream.strided.gather [hbm4b:s4+s17], $0xE00, s20, s17, $0x38;
	[tilespmem:$0x18F00] =	vst v63  }
0x17: {  	_ =	swait.ge [sflag:s23], $0xE00  }
0x18: {  	[sflag:s23] =	ssyncset.done $0x0  }
0x19: {  	[sflag:s23] =	ssyncadd.s32 $0xFFFFF200  }
0x1a: {  	[tilespmem:s31], [sflag:$0x2] =	stream.indirect.gather [hbm4b:s3+s24], $0x80, s2, s24, $0xb8;
	[tilespmem:$0x18F00] =	vst v63  }
0x1b: {  	_ = 	snop  }
0x1c: {  	[tilespmem:s25], [sflag:$0x3] =	stream.indirect.gather [hbm4b:s3+s24], $0x80, s24, s24, $0xb8;
	[tilespmem:$0x18F00] =	vst v63  }
0x1d: {  	_ = 	snop  }
0x1e: {  	[tilespmem:s26], [sflag:$0x4] =	stream.indirect.gather [hbm4b:s3+s24], $0x80, s17, s24, $0xb8;
	[tilespmem:$0x18F00] =	vst v63  }
0x1f: {  	_ =	swait.ge [sflag:s28], $0x8000  }
0x20: {  	s20 =	simm.s32 $0x10;
	s4 =	sadd.s32 $0x0, s6;
	[sflag:s28] =	ssyncset.done $0x0  }
0x21: {  	s23 =	simm.s32 $0xE00;
	s17 =	simm.s32 $0xE80;
	[sflag:s28] =	ssyncadd.s32 $0xFFFF8000  }
.LBB2_2:
0x22: {  	[hbm4b:s4+s2] =	stream.linear.scatter [tilespmem:s23], [sflag:$0x5], $0x40, $0x38;
	[tilespmem:$0x18F00] =	vst v63  }
0x23: {  	s4 =	smov.u32 s20;
	s23 =	smov.u32 s17;
	p0 =	sne.s32 s20, $0xFF0  }
.Ltmp0:
0x24: {  	s20 =	sadd.s32 $0x10, s20;
	(pc) =	sbr.rel @p0 .LBB2_2-.Ltmp0, $2  }
0x25: {  	_ =	sdelay $0x2  }
0x26: {  	s17 =	sadd.s32 $0x80, s17;
	s4 =	sadd.s32 s4, s6  }
0x27: {  	[hbm4b:s4+s2] =	stream.linear.scatter [tilespmem:s23], [sflag:$0x5], $0x40, $0x38;
	[tilespmem:$0x18F00] =	vst v63  }
0x28: {  	_ =	swait.ge [sflag:s29], $0x4000  }
0x29: {  	[sflag:s29] =	ssyncset.done $0x0  }
0x2a: {  	s23 =	simm.s32 $0x300;
	[sflag:s29] =	ssyncadd.s32 $0xFFFFC000  }
0x2b: {  	[tilespmem:s31], [sflag:$0x2] =	stream.indirect.gather [hbm4b:s3+s24], $0x80, s23, s24, $0xb8;
	[tilespmem:$0x18F00] =	vst v63  }
0x2c: {  	_ =	swait.ge [sflag:s1], $0x8000  }
0x2d: {  	s20 =	simm.s32 $0x8E00;
	s17 =	simm.s32 $0x10;
	[sflag:s1] =	ssyncset.done $0x0  }
0x2e: {  	s4 =	sadd.s32 $0x0, s7;
	s23 =	simm.s32 $0x8E80;
	[sflag:s1] =	ssyncadd.s32 $0xFFFF8000  }
.LBB2_4:
0x2f: {  	[hbm4b:s4+s2] =	stream.linear.scatter [tilespmem:s20], [sflag:$0x6], $0x40, $0x38;
	[tilespmem:$0x18F00] =	vst v63  }
0x30: {  	s4 =	smov.u32 s17;
	s20 =	smov.u32 s23;
	p0 =	sne.s32 s17, $0xFF0  }
.Ltmp1:
0x31: {  	s17 =	sadd.s32 $0x10, s17;
	(pc) =	sbr.rel @p0 .LBB2_4-.Ltmp1, $2  }
0x32: {  	_ =	sdelay $0x2  }
0x33: {  	s23 =	sadd.s32 $0x80, s23;
	s4 =	sadd.s32 s4, s7  }
0x34: {  	[hbm4b:s4+s2] =	stream.linear.scatter [tilespmem:s20], [sflag:$0x6], $0x40, $0x38;
	[tilespmem:$0x18F00] =	vst v63  }
0x35: {  	_ =	swait.ge [sflag:s0], $0x4000  }
0x36: {  	[sflag:s0] =	ssyncset.done $0x0  }
0x37: {  	s23 =	simm.s32 $0x400;
	[sflag:s0] =	ssyncadd.s32 $0xFFFFC000  }
0x38: {  	[tilespmem:s25], [sflag:$0x3] =	stream.indirect.gather [hbm4b:s3+s24], $0x80, s23, s24, $0xb8;
	[tilespmem:$0x18F00] =	vst v63  }
0x39: {  	_ =	swait.ge [sflag:s30], $0x8000  }
0x3a: {  	s20 =	simm.s32 $0x10E00;
	s17 =	simm.s32 $0x10;
	[sflag:s30] =	ssyncset.done $0x0  }
0x3b: {  	s4 =	sadd.s32 $0x0, s8;
	s23 =	simm.s32 $0x10E80;
	[sflag:s30] =	ssyncadd.s32 $0xFFFF8000  }
.LBB2_6:
0x3c: {  	[hbm4b:s4+s2] =	stream.linear.scatter [tilespmem:s20], [sflag:$0x7], $0x40, $0x38;
	[tilespmem:$0x18F00] =	vst v63  }
0x3d: {  	s4 =	smov.u32 s17;
	s20 =	smov.u32 s23;
	p0 =	sne.s32 s17, $0xFF0  }
.Ltmp2:
0x3e: {  	s17 =	sadd.s32 $0x10, s17;
	(pc) =	sbr.rel @p0 .LBB2_6-.Ltmp2, $2  }
0x3f: {  	_ =	sdelay $0x2  }
0x40: {  	s23 =	sadd.s32 $0x80, s23;
	s4 =	sadd.s32 s4, s8  }
0x41: {  	[hbm4b:s4+s2] =	stream.linear.scatter [tilespmem:s20], [sflag:$0x7], $0x40, $0x38;
	[tilespmem:$0x18F00] =	vst v63  }
0x42: {  	_ =	swait.ge [sflag:s22], $0x4000  }
0x43: {  	[sflag:s22] =	ssyncset.done $0x0  }
0x44: {  	s23 =	simm.s32 $0x500;
	[sflag:s22] =	ssyncadd.s32 $0xFFFFC000  }
0x45: {  	[tilespmem:s26], [sflag:$0x4] =	stream.indirect.gather [hbm4b:s3+s24], $0x80, s23, s24, $0xb8;
	[tilespmem:$0x18F00] =	vst v63  }
0x46: {  	_ =	swait.ge [sflag:s28], $0x8000  }
0x47: {  	s20 =	simm.s32 $0xE00;
	s17 =	simm.s32 $0x10;
	[sflag:s28] =	ssyncset.done $0x0  }
0x48: {  	s4 =	sadd.s32 $0x0, s9;
	s23 =	simm.s32 $0xE80;
	[sflag:s28] =	ssyncadd.s32 $0xFFFF8000  }
.LBB2_8:
0x49: {  	[hbm4b:s4+s2] =	stream.linear.scatter [tilespmem:s20], [sflag:$0x5], $0x40, $0x38;
	[tilespmem:$0x18F00] =	vst v63  }
0x4a: {  	s4 =	smov.u32 s17;
	s20 =	smov.u32 s23;
	p0 =	sne.s32 s17, $0xFF0  }
.Ltmp3:
0x4b: {  	s17 =	sadd.s32 $0x10, s17;
	(pc) =	sbr.rel @p0 .LBB2_8-.Ltmp3, $2  }
0x4c: {  	_ =	sdelay $0x2  }
0x4d: {  	s23 =	sadd.s32 $0x80, s23;
	s4 =	sadd.s32 s4, s9  }
0x4e: {  	[hbm4b:s4+s2] =	stream.linear.scatter [tilespmem:s20], [sflag:$0x5], $0x40, $0x38;
	[tilespmem:$0x18F00] =	vst v63  }
0x4f: {  	_ =	swait.ge [sflag:s29], $0x4000  }
0x50: {  	[sflag:s29] =	ssyncset.done $0x0  }
0x51: {  	s23 =	simm.s32 $0x600;
	[sflag:s29] =	ssyncadd.s32 $0xFFFFC000  }
0x52: {  	[tilespmem:s31], [sflag:$0x2] =	stream.indirect.gather [hbm4b:s3+s24], $0x80, s23, s24, $0xb8;
	[tilespmem:$0x18F00] =	vst v63  }
0x53: {  	_ =	swait.ge [sflag:s1], $0x8000  }
0x54: {  	s20 =	simm.s32 $0x8E00;
	s17 =	simm.s32 $0x10;
	[sflag:s1] =	ssyncset.done $0x0  }
0x55: {  	s4 =	sadd.s32 $0x0, s10;
	s23 =	simm.s32 $0x8E80;
	[sflag:s1] =	ssyncadd.s32 $0xFFFF8000  }
.LBB2_10:
0x56: {  	[hbm4b:s4+s2] =	stream.linear.scatter [tilespmem:s20], [sflag:$0x6], $0x40, $0x38;
	[tilespmem:$0x18F00] =	vst v63  }
0x57: {  	s4 =	smov.u32 s17;
	s20 =	smov.u32 s23;
	p0 =	sne.s32 s17, $0xFF0  }
.Ltmp4:
0x58: {  	s17 =	sadd.s32 $0x10, s17;
	(pc) =	sbr.rel @p0 .LBB2_10-.Ltmp4, $2  }
0x59: {  	_ =	sdelay $0x2  }
0x5a: {  	s23 =	sadd.s32 $0x80, s23;
	s4 =	sadd.s32 s4, s10  }
0x5b: {  	[hbm4b:s4+s2] =	stream.linear.scatter [tilespmem:s20], [sflag:$0x6], $0x40, $0x38;
	[tilespmem:$0x18F00] =	vst v63  }
0x5c: {  	_ =	swait.ge [sflag:s0], $0x4000  }
0x5d: {  	[sflag:s0] =	ssyncset.done $0x0  }
0x5e: {  	s23 =	simm.s32 $0x700;
	[sflag:s0] =	ssyncadd.s32 $0xFFFFC000  }
0x5f: {  	[tilespmem:s25], [sflag:$0x3] =	stream.indirect.gather [hbm4b:s3+s24], $0x80, s23, s24, $0xb8;
	[tilespmem:$0x18F00] =	vst v63  }
0x60: {  	_ =	swait.ge [sflag:s30], $0x8000  }
0x61: {  	s20 =	simm.s32 $0x10E00;
	s17 =	simm.s32 $0x10;
	[sflag:s30] =	ssyncset.done $0x0  }
0x62: {  	s4 =	sadd.s32 $0x0, s11;
	s23 =	simm.s32 $0x10E80;
	[sflag:s30] =	ssyncadd.s32 $0xFFFF8000  }
.LBB2_12:
0x63: {  	[hbm4b:s4+s2] =	stream.linear.scatter [tilespmem:s20], [sflag:$0x7], $0x40, $0x38;
	[tilespmem:$0x18F00] =	vst v63  }
0x64: {  	s4 =	smov.u32 s17;
	s20 =	smov.u32 s23;
	p0 =	sne.s32 s17, $0xFF0  }
.Ltmp5:
0x65: {  	s17 =	sadd.s32 $0x10, s17;
	(pc) =	sbr.rel @p0 .LBB2_12-.Ltmp5, $2  }
0x66: {  	_ =	sdelay $0x2  }
0x67: {  	s23 =	sadd.s32 $0x80, s23;
	s4 =	sadd.s32 s4, s11  }
0x68: {  	[hbm4b:s4+s2] =	stream.linear.scatter [tilespmem:s20], [sflag:$0x7], $0x40, $0x38;
	[tilespmem:$0x18F00] =	vst v63  }
0x69: {  	_ =	swait.ge [sflag:s22], $0x4000  }
0x6a: {  	[sflag:s22] =	ssyncset.done $0x0  }
0x6b: {  	s23 =	simm.s32 $0x800;
	[sflag:s22] =	ssyncadd.s32 $0xFFFFC000  }
0x6c: {  	[tilespmem:s26], [sflag:$0x4] =	stream.indirect.gather [hbm4b:s3+s24], $0x80, s23, s24, $0xb8;
	[tilespmem:$0x18F00] =	vst v63  }
0x6d: {  	_ =	swait.ge [sflag:s28], $0x8000  }
0x6e: {  	s20 =	simm.s32 $0xE00;
	s17 =	simm.s32 $0x10;
	[sflag:s28] =	ssyncset.done $0x0  }
0x6f: {  	s4 =	sadd.s32 $0x0, s12;
	s23 =	simm.s32 $0xE80;
	[sflag:s28] =	ssyncadd.s32 $0xFFFF8000  }
.LBB2_14:
0x70: {  	[hbm4b:s4+s2] =	stream.linear.scatter [tilespmem:s20], [sflag:$0x5], $0x40, $0x38;
	[tilespmem:$0x18F00] =	vst v63  }
0x71: {  	s4 =	smov.u32 s17;
	s20 =	smov.u32 s23;
	p0 =	sne.s32 s17, $0xFF0  }
.Ltmp6:
0x72: {  	s17 =	sadd.s32 $0x10, s17;
	(pc) =	sbr.rel @p0 .LBB2_14-.Ltmp6, $2  }
0x73: {  	_ =	sdelay $0x2  }
0x74: {  	s23 =	sadd.s32 $0x80, s23;
	s4 =	sadd.s32 s4, s12  }
0x75: {  	[hbm4b:s4+s2] =	stream.linear.scatter [tilespmem:s20], [sflag:$0x5], $0x40, $0x38;
	[tilespmem:$0x18F00] =	vst v63  }
0x76: {  	_ =	swait.ge [sflag:s29], $0x4000  }
0x77: {  	[sflag:s29] =	ssyncset.done $0x0  }
0x78: {  	s23 =	simm.s32 $0x900;
	[sflag:s29] =	ssyncadd.s32 $0xFFFFC000  }
0x79: {  	[tilespmem:s31], [sflag:$0x2] =	stream.indirect.gather [hbm4b:s3+s24], $0x80, s23, s24, $0xb8;
	[tilespmem:$0x18F00] =	vst v63  }
0x7a: {  	_ =	swait.ge [sflag:s1], $0x8000  }
0x7b: {  	s20 =	simm.s32 $0x8E00;
	s17 =	simm.s32 $0x10;
	[sflag:s1] =	ssyncset.done $0x0  }
0x7c: {  	s4 =	sadd.s32 $0x0, s13;
	s23 =	simm.s32 $0x8E80;
	[sflag:s1] =	ssyncadd.s32 $0xFFFF8000  }
.LBB2_16:
0x7d: {  	[hbm4b:s4+s2] =	stream.linear.scatter [tilespmem:s20], [sflag:$0x6], $0x40, $0x38;
	[tilespmem:$0x18F00] =	vst v63  }
0x7e: {  	s4 =	smov.u32 s17;
	s20 =	smov.u32 s23;
	p0 =	sne.s32 s17, $0xFF0  }
.Ltmp7:
0x7f: {  	s17 =	sadd.s32 $0x10, s17;
	(pc) =	sbr.rel @p0 .LBB2_16-.Ltmp7, $2  }
0x80: {  	_ =	sdelay $0x2  }
0x81: {  	s23 =	sadd.s32 $0x80, s23;
	s4 =	sadd.s32 s4, s13  }
0x82: {  	[hbm4b:s4+s2] =	stream.linear.scatter [tilespmem:s20], [sflag:$0x6], $0x40, $0x38;
	[tilespmem:$0x18F00] =	vst v63  }
0x83: {  	_ =	swait.ge [sflag:s0], $0x4000  }
0x84: {  	[sflag:s0] =	ssyncset.done $0x0  }
0x85: {  	s23 =	simm.s32 $0xA00;
	[sflag:s0] =	ssyncadd.s32 $0xFFFFC000  }
0x86: {  	[tilespmem:s25], [sflag:$0x3] =	stream.indirect.gather [hbm4b:s3+s24], $0x80, s23, s24, $0xb8;
	[tilespmem:$0x18F00] =	vst v63  }
0x87: {  	_ =	swait.ge [sflag:s30], $0x8000  }
0x88: {  	s20 =	simm.s32 $0x10E40;
	s17 =	simm.s32 $0x10;
	[sflag:s30] =	ssyncset.done $0x0  }
0x89: {  	s4 =	sadd.s32 $0x0, s14;
	s23 =	simm.s32 $0x10EC0;
	[sflag:s30] =	ssyncadd.s32 $0xFFFF8000  }
.LBB2_18:
0x8a: {  	[hbm4b:s4+s2] =	stream.linear.scatter [tilespmem:s20], [sflag:$0x7], $0x40, $0x38;
	[tilespmem:$0x18F00] =	vst v63  }
0x8b: {  	s4 =	smov.u32 s17;
	s20 =	smov.u32 s23;
	p0 =	sne.s32 s17, $0xFF0  }
.Ltmp8:
0x8c: {  	s17 =	sadd.s32 $0x10, s17;
	(pc) =	sbr.rel @p0 .LBB2_18-.Ltmp8, $2  }
0x8d: {  	_ =	sdelay $0x2  }
0x8e: {  	s23 =	sadd.s32 $0x80, s23;
	s4 =	sadd.s32 s4, s14  }
0x8f: {  	[hbm4b:s4+s2] =	stream.linear.scatter [tilespmem:s20], [sflag:$0x7], $0x40, $0x38;
	[tilespmem:$0x18F00] =	vst v63  }
0x90: {  	_ =	swait.ge [sflag:s22], $0x4000  }
0x91: {  	[sflag:s22] =	ssyncset.done $0x0  }
0x92: {  	s23 =	simm.s32 $0xB00;
	[sflag:s22] =	ssyncadd.s32 $0xFFFFC000  }
0x93: {  	[tilespmem:s26], [sflag:$0x4] =	stream.indirect.gather [hbm4b:s3+s24], $0x80, s23, s24, $0xb8;
	[tilespmem:$0x18F00] =	vst v63  }
0x94: {  	_ =	swait.ge [sflag:s28], $0x8000  }
0x95: {  	s20 =	simm.s32 $0xE40;
	s17 =	simm.s32 $0x10;
	[sflag:s28] =	ssyncset.done $0x0  }
0x96: {  	s4 =	sadd.s32 $0x0, s15;
	s23 =	simm.s32 $0xEC0;
	[sflag:s28] =	ssyncadd.s32 $0xFFFF8000  }
.LBB2_20:
0x97: {  	[hbm4b:s4+s2] =	stream.linear.scatter [tilespmem:s20], [sflag:$0x5], $0x40, $0x38;
	[tilespmem:$0x18F00] =	vst v63  }
0x98: {  	s4 =	smov.u32 s17;
	s20 =	smov.u32 s23;
	p0 =	sne.s32 s17, $0xFF0  }
.Ltmp9:
0x99: {  	s17 =	sadd.s32 $0x10, s17;
	(pc) =	sbr.rel @p0 .LBB2_20-.Ltmp9, $2  }
0x9a: {  	_ =	sdelay $0x2  }
0x9b: {  	s23 =	sadd.s32 $0x80, s23;
	s4 =	sadd.s32 s4, s15  }
0x9c: {  	[hbm4b:s4+s2] =	stream.linear.scatter [tilespmem:s20], [sflag:$0x5], $0x40, $0x38;
	[tilespmem:$0x18F00] =	vst v63  }
0x9d: {  	_ =	swait.ge [sflag:s1], $0x8000  }
0x9e: {  	s20 =	simm.s32 $0x8E40;
	s17 =	simm.s32 $0x10;
	[sflag:s1] =	ssyncset.done $0x0  }
0x9f: {  	s4 =	sadd.s32 $0x0, s16;
	s23 =	simm.s32 $0x8EC0;
	[sflag:s1] =	ssyncadd.s32 $0xFFFF8000  }
.LBB2_22:
0xa0: {  	[hbm4b:s4+s2] =	stream.linear.scatter [tilespmem:s20], [sflag:$0x6], $0x40, $0x38;
	[tilespmem:$0x18F00] =	vst v63  }
0xa1: {  	s4 =	smov.u32 s17;
	s20 =	smov.u32 s23;
	p0 =	sne.s32 s17, $0xFF0  }
.Ltmp10:
0xa2: {  	s17 =	sadd.s32 $0x10, s17;
	(pc) =	sbr.rel @p0 .LBB2_22-.Ltmp10, $2  }
0xa3: {  	_ =	sdelay $0x2  }
0xa4: {  	s23 =	sadd.s32 $0x80, s23;
	s4 =	sadd.s32 s4, s16  }
0xa5: {  	[hbm4b:s4+s2] =	stream.linear.scatter [tilespmem:s20], [sflag:$0x6], $0x40, $0x38;
	[tilespmem:$0x18F00] =	vst v63  }
0xa6: {  	_ =	swait.ge [sflag:s30], $0x8000  }
0xa7: {  	s20 =	simm.s32 $0x10E40;
	s17 =	simm.s32 $0x10;
	[sflag:s30] =	ssyncset.done $0x0  }
0xa8: {  	s4 =	sadd.s32 $0x0, s18;
	s23 =	simm.s32 $0x10EC0;
	[sflag:s30] =	ssyncadd.s32 $0xFFFF8000  }
.LBB2_24:
0xa9: {  	[hbm4b:s4+s2] =	stream.linear.scatter [tilespmem:s20], [sflag:$0x7], $0x40, $0x38;
	[tilespmem:$0x18F00] =	vst v63  }
0xaa: {  	s4 =	smov.u32 s17;
	s20 =	smov.u32 s23;
	p0 =	sne.s32 s17, $0xFF0  }
.Ltmp11:
0xab: {  	s17 =	sadd.s32 $0x10, s17;
	(pc) =	sbr.rel @p0 .LBB2_24-.Ltmp11, $2  }
0xac: {  	_ =	sdelay $0x2  }
0xad: {  	s23 =	sadd.s32 $0x80, s23;
	s4 =	sadd.s32 s4, s18  }
0xae: {  	[hbm4b:s4+s2] =	stream.linear.scatter [tilespmem:s20], [sflag:$0x7], $0x40, $0x38;
	[tilespmem:$0x18F00] =	vst v63  }
0xaf: {  	_ =	swait.ge [sflag:s29], $0x4000  }
0xb0: {  	[sflag:s29] =	ssyncset.done $0x0  }
0xb1: {  	[sflag:s29] =	ssyncadd.s32 $0xFFFFC000  }
0xb2: {  	_ =	swait.ge [sflag:s0], $0x4000  }
0xb3: {  	[sflag:s0] =	ssyncset.done $0x0  }
0xb4: {  	[sflag:s0] =	ssyncadd.s32 $0xFFFFC000  }
0xb5: {  	_ =	swait.ge [sflag:s22], $0x4000  }
0xb6: {  	[sflag:s22] =	ssyncset.done $0x0  }
0xb7: {  	s17 =	simm.s32 $0xC00;
	s4 =	rddreg [dreg:$0x3];
	[sflag:s22] =	ssyncadd.s32 $0xFFFFC000  }
0xb8: {  	[tilespmem:s5], [sflag:$0x8] =	stream.indirect.gather [hbm4b:s4+s24], $0x1, s17, s24, $0xb8;
	[tilespmem:$0x18F00] =	vst v63  }
0xb9: {  	_ =	swait.ge [sflag:s21], $0x100  }
0xba: {  	[sflag:s21] =	ssyncset.done $0x0  }
0xbb: {  	s20 =	rddreg [dreg:$0x5];
	[sflag:s21] =	ssyncadd.s32 $0xFFFFFF00  }
0xbc: {  	[hbm4b:s20+s2] =	stream.linear.scatter [tilespmem:s5], [sflag:$0x8], $0x100, $0x38;
	[tilespmem:$0x18F00] =	vst v63  }
0xbd: {  	_ =	swait.ge [sflag:s21], $0x100  }
0xbe: {  	[sflag:s21] =	ssyncset.done $0x0  }
0xbf: {  	s23 =	simm.s32 $0xD00;
	[sflag:s21] =	ssyncadd.s32 $0xFFFFFF00  }
0xc0: {  	[tilespmem:s5], [sflag:$0x8] =	stream.indirect.gather [hbm4b:s4+s24], $0x1, s23, s24, $0xb8;
	[tilespmem:$0x18F00] =	vst v63  }
0xc1: {  	_ =	swait.ge [sflag:s21], $0x100  }
0xc2: {  	[sflag:s21] =	ssyncset.done $0x0  }
0xc3: {  	s20 =	rddreg [dreg:$0x6];
	[sflag:s21] =	ssyncadd.s32 $0xFFFFFF00  }
0xc4: {  	[hbm4b:s20+s2] =	stream.linear.scatter [tilespmem:s5], [sflag:$0x8], $0x100, $0x38;
	[tilespmem:$0x18F00] =	vst v63  }
0xc5: {  	_ =	swait.ge [sflag:s21], $0x100  }
0xc6: {  	s19 =	sadd.s32 $0x1, s19;
	s23 =	rddreg [dreg:$0x7]  }
0xc7: {  	p0 =	sne.s32 s19, s23  }
.Ltmp12:
0xc8: {  	_ = 	snop;
	(pc) =	sbr.rel @p0 .LBB2_1-.Ltmp12, $3  }
0xc9: {  	_ =	sdelay $0x1  }
0xca: {  	[sflag:s21] =	ssyncset.done $0x0  }
0xcb: {  	[sflag:s21] =	ssyncadd.s32 $0xFFFFFF00  }
0xcc: {  	_ =	sfence.sel $0x180000  }
0xcd: {  	[bflag:$0x0] =	sbarrier.arrive $0xFFFF  }
0xce: {  	_ =	strace $0x9000004A  }
0xcf: {  	s0 =	stileid.u32;
	[bflag:$0x2] =	sbarrier.arrive $0xFFFF  }
0xd0: {  	p0 =	sne.s32 s0, $0x0;
	s0 =	rddreg [dreg:$0x2]  }
0xd1: {  	s0 =	sadd.s32 @!p0 $0x100000, s0  }
0xd2: {  	[sflag:s0] =	ssyncadd.tile.s32 @!p0 $0x1;
	_ =	shalt  }
.Lfunc_end2:
_tile_overlayer_lowered:
.L_overlay_start_2:
0xd3: {  	(tag) =	ssettag $0x2  }
0xd4: {  	s0 =	rddreg [dreg:$0x0];
	s2 =	stileid.u32  }
0xd5: {  	s1 =	rddreg [dreg:$0x1];
	p0 =	sne.s32 s2, $0x0  }
0xd6: {  	s3 =	rddreg [dreg:$0x2];
	[bflag:$0x3] =	sbarrier.arrive $0xFFFF;
	s2 =	simm.s32 @!p0 $0x1C08  }
0xd7: {  	[timem:s3], [sflag:s2] =	dma.local @!p0 [hbm:s0], s1  }
0xd8: {  	s0 =	simm.s32 @!p0 $0x8  }
0xd9: {  	_ =	swait.ge @!p0 [sflag:s0], s1  }
0xda: {  	s1 =	ssub.s32 @!p0 $0x0, s1;
	[sflag:s0] =	ssyncset.done @!p0 $0x0  }
0xdb: {  	[sflag:s0] =	ssyncadd.s32 @!p0 s1  }
0xdc: {  	[bflag:$0x3] =	sbarrier.arrive $0xFFFF  }
0xdd: {  	_ =	shalt  }

</sc_bundles>
